<compile_context>
chip_gen: v7x
topology: tpu7x:2x2x1
jax: 0.10.2.dev20260603
libtpu: 0.0.44.dev20260713+nightly
codegen_flags: <defaults>
</compile_context>

<pallas_src>
import jax
import jax.numpy as jnp
from jax import lax
from jax.experimental import pallas as pl
from jax.experimental.pallas import tpu as pltpu
from jax.experimental.pallas import tpu_sc as plsc

N = 10000
E = 160000
D = 256
HALF = 128
G = 64

ROW_BLK = 1000
N_BLKS = N // ROW_BLK

NUM_TILES = 16
EDGE_CHUNK = 80
EDGES_PER_TILE = E // NUM_TILES
CHUNKS_PER_TILE = EDGES_PER_TILE // EDGE_CHUNK
ROWS_PER_TILE = 624
TAIL_ROWS = N - NUM_TILES * ROWS_PER_TILE


def _dense1_body(x_ref, wrel_ref, wroot_ref, b_ref, yl_ref, yr_ref, r_ref):
    x = x_ref[...].astype(jnp.bfloat16)
    y = lax.dot_general(x, wrel_ref[...].astype(jnp.bfloat16),
                        (((1,), (1,)), ((), ())),
                        preferred_element_type=jnp.float32)
    yl_ref[...] = y[:, :HALF]
    yr_ref[...] = y[:, HALF:]
    r_ref[...] = lax.dot_general(
        x, wroot_ref[...].astype(jnp.bfloat16), (((1,), (1,)), ((), ())),
        preferred_element_type=jnp.float32) + b_ref[...]


def _dense1(x, W_rel, W_root, b):
    return pl.pallas_call(
        _dense1_body,
        grid=(N_BLKS,),
        in_specs=[
            pl.BlockSpec((ROW_BLK, D), lambda i: (i, 0)),
            pl.BlockSpec((D, D), lambda i: (0, 0)),
            pl.BlockSpec((D, D), lambda i: (0, 0)),
            pl.BlockSpec((1, D), lambda i: (0, 0)),
        ],
        out_specs=[
            pl.BlockSpec((ROW_BLK, HALF), lambda i: (i, 0)),
            pl.BlockSpec((ROW_BLK, HALF), lambda i: (i, 0)),
            pl.BlockSpec((ROW_BLK, D), lambda i: (i, 0)),
        ],
        out_shape=[
            jax.ShapeDtypeStruct((N, HALF), jnp.float32),
            jax.ShapeDtypeStruct((N, HALF), jnp.float32),
            jax.ShapeDtypeStruct((N, D), jnp.float32),
        ],
    )(x, W_rel, W_root, b)


def _dense2_body(r_ref, al_ref, ar_ref, wrel_ref, wroot_ref, b_ref,
                 yl_ref, yr_ref, r2_ref):
    h = jnp.concatenate([al_ref[...], ar_ref[...]], axis=1) + r_ref[...]
    h = jnp.maximum(h, 0.0).astype(jnp.bfloat16)
    y = lax.dot_general(h, wrel_ref[...].astype(jnp.bfloat16),
                        (((1,), (1,)), ((), ())),
                        preferred_element_type=jnp.float32)
    yl_ref[...] = y[:, :HALF]
    yr_ref[...] = y[:, HALF:]
    r2_ref[...] = lax.dot_general(
        h, wroot_ref[...].astype(jnp.bfloat16), (((1,), (1,)), ((), ())),
        preferred_element_type=jnp.float32) + b_ref[...]


def _dense2(r, al, ar, W_rel, W_root, b):
    return pl.pallas_call(
        _dense2_body,
        grid=(N_BLKS,),
        in_specs=[
            pl.BlockSpec((ROW_BLK, D), lambda i: (i, 0)),
            pl.BlockSpec((ROW_BLK, HALF), lambda i: (i, 0)),
            pl.BlockSpec((ROW_BLK, HALF), lambda i: (i, 0)),
            pl.BlockSpec((D, D), lambda i: (0, 0)),
            pl.BlockSpec((D, D), lambda i: (0, 0)),
            pl.BlockSpec((1, D), lambda i: (0, 0)),
        ],
        out_specs=[
            pl.BlockSpec((ROW_BLK, HALF), lambda i: (i, 0)),
            pl.BlockSpec((ROW_BLK, HALF), lambda i: (i, 0)),
            pl.BlockSpec((ROW_BLK, D), lambda i: (i, 0)),
        ],
        out_shape=[
            jax.ShapeDtypeStruct((N, HALF), jnp.float32),
            jax.ShapeDtypeStruct((N, HALF), jnp.float32),
            jax.ShapeDtypeStruct((N, D), jnp.float32),
        ],
    )(r, al, ar, W_rel, W_root, b)


def _pool_body(r_ref, al_ref, ar_ref, batch_ref, o_ref):
    i = pl.program_id(0)
    h = jnp.concatenate([al_ref[...], ar_ref[...]], axis=1) + r_ref[...]
    h = jnp.maximum(h, 0.0)
    b = batch_ref[0, 0, :]
    mask = (b[:, None] == lax.broadcasted_iota(jnp.int32, (ROW_BLK, G), 1)
            ).astype(jnp.bfloat16)
    contrib = lax.dot_general(mask, h.astype(jnp.bfloat16),
                              (((0,), (0,)), ((), ())),
                              preferred_element_type=jnp.float32)

    @pl.when(i == 0)
    def _():
        o_ref[...] = contrib

    @pl.when(i != 0)
    def _():
        o_ref[...] += contrib


def _pool(r, al, ar, batch3):
    return pl.pallas_call(
        _pool_body,
        grid=(N_BLKS,),
        in_specs=[
            pl.BlockSpec((ROW_BLK, D), lambda i: (i, 0)),
            pl.BlockSpec((ROW_BLK, HALF), lambda i: (i, 0)),
            pl.BlockSpec((ROW_BLK, HALF), lambda i: (i, 0)),
            pl.BlockSpec((1, 1, ROW_BLK), lambda i: (i, 0, 0)),
        ],
        out_specs=pl.BlockSpec((G, D), lambda i: (0, 0)),
        out_shape=jax.ShapeDtypeStruct((G, D), jnp.float32),
    )(r, al, ar, batch3)


SEG_A = 64
SEG_B = CHUNKS_PER_TILE - SEG_A


def _sc_scatter_body(yl_hbm, yr_hbm, src_hbm, dst_hbm, al_hbm, ar_hbm,
                     acc, b0, b1, b2, src2v, dst2v,
                     gs0, gs1, gs2, ss0, ss1, ss2):
    c = lax.axis_index("c")
    t = lax.axis_index("s")
    bufs = (b0, b1, b2)
    gs = (gs0, gs1, gs2)
    ss = (ss0, ss1, ss2)

    pltpu.sync_copy(src_hbm.at[t, pl.ds(0, SEG_A)], src2v)
    pltpu.sync_copy(dst_hbm.at[t, pl.ds(0, SEG_A)], dst2v)

    zero16 = jnp.zeros((16,), jnp.float32)

    def zrow(i, carry):
        for k in range(HALF // 16):
            b0[i, pl.ds(k * 16, 16)] = zero16
            b1[i, pl.ds(k * 16, 16)] = zero16
        return carry

    lax.fori_loop(0, EDGE_CHUNK, zrow, 0)

    row0 = t * ROWS_PER_TILE
    for bi in range(ROWS_PER_TILE // EDGE_CHUNK):
        pltpu.sync_copy(b0 if bi % 2 == 0 else b1,
                        acc.at[pl.ds(row0 + bi * EDGE_CHUNK, EDGE_CHUNK)])
    pltpu.sync_copy(b1.at[pl.ds(0, ROWS_PER_TILE % EDGE_CHUNK)],
                    acc.at[pl.ds(row0 + 560, ROWS_PER_TILE % EDGE_CHUNK)])

    @pl.when(t == NUM_TILES - 1)
    def _():
        pltpu.sync_copy(b0.at[pl.ds(0, TAIL_ROWS)],
                        acc.at[pl.ds(NUM_TILES * ROWS_PER_TILE, TAIL_ROWS)])

    plsc.subcore_barrier()

    def gath(l, b):
        idx = src2v.at[l]

        @pl.when(c == 0)
        def _():
            pltpu.async_copy(yl_hbm.at[idx], bufs[b], gs[b])

        @pl.when(c == 1)
        def _():
            pltpu.async_copy(yr_hbm.at[idx], bufs[b], gs[b])

    def gw(b):
        pltpu.make_async_copy(
            yl_hbm.at[src2v.at[0]], bufs[b], gs[b]).wait()

    def sf(l, b):
        pltpu.async_copy(bufs[b], acc.at[dst2v.at[l]], ss[b], add=True)

    def sw(b):
        pltpu.make_async_copy(bufs[b], acc.at[dst2v.at[0]], ss[b]).wait()

    def step(l, b, refire):
        gw(b)
        sf(l, b)
        if refire:
            bp = (b + 2) % 3
            sw(bp)
            gath(l + 2, bp)

    def run_segment(n, n_groups, tail_refire_steps, tail_steps):
        gath(0, 0)
        gath(1, 1)
        gath(2, 2)
        step(0, 0, False)

        def grp(g, carry):
            l = 3 * g
            step(l + 1, 1, True)
            step(l + 2, 2, True)
            step(l + 3, 0, True)
            return carry

        lax.fori_loop(0, n_groups, grp, 0)
        for l in tail_refire_steps:
            step(l, l % 3, True)
        for l in tail_steps:
            step(l, l % 3, False)
        sw(0)
        sw(1)
        sw(2)

    run_segment(SEG_A, 20, [61], [62, 63])

    pltpu.sync_copy(src_hbm.at[t, pl.ds(SEG_A, SEG_B)],
                    src2v.at[pl.ds(0, SEG_B)])
    pltpu.sync_copy(dst_hbm.at[t, pl.ds(SEG_A, SEG_B)],
                    dst2v.at[pl.ds(0, SEG_B)])

    run_segment(SEG_B, 19, [58], [59, 60])

    plsc.subcore_barrier()

    tail0 = NUM_TILES * ROWS_PER_TILE

    @pl.when(c == 0)
    def _():
        pltpu.sync_copy(acc.at[pl.ds(row0, ROWS_PER_TILE)],
                        al_hbm.at[pl.ds(row0, ROWS_PER_TILE)])

        @pl.when(t == NUM_TILES - 1)
        def _():
            pltpu.sync_copy(acc.at[pl.ds(tail0, TAIL_ROWS)],
                            al_hbm.at[pl.ds(tail0, TAIL_ROWS)])

    @pl.when(c == 1)
    def _():
        pltpu.sync_copy(acc.at[pl.ds(row0, ROWS_PER_TILE)],
                        ar_hbm.at[pl.ds(row0, ROWS_PER_TILE)])

        @pl.when(t == NUM_TILES - 1)
        def _():
            pltpu.sync_copy(acc.at[pl.ds(tail0, TAIL_ROWS)],
                            ar_hbm.at[pl.ds(tail0, TAIL_ROWS)])


_SC_MESH = plsc.VectorSubcoreMesh(core_axis_name="c", subcore_axis_name="s",
                                  num_cores=2, num_subcores=NUM_TILES)

_sc_scatter = pl.kernel(
    _sc_scatter_body,
    out_type=[
        jax.ShapeDtypeStruct((N, HALF), jnp.float32),
        jax.ShapeDtypeStruct((N, HALF), jnp.float32),
    ],
    mesh=_SC_MESH,
    scratch_types=[
        pltpu.VMEM_SHARED((N, HALF), jnp.float32),
        pltpu.VMEM((EDGE_CHUNK, HALF), jnp.float32),
        pltpu.VMEM((EDGE_CHUNK, HALF), jnp.float32),
        pltpu.VMEM((EDGE_CHUNK, HALF), jnp.float32),
        pltpu.VMEM((SEG_A, EDGE_CHUNK), jnp.int32),
        pltpu.VMEM((SEG_A, EDGE_CHUNK), jnp.int32),
        pltpu.SemaphoreType.DMA,
        pltpu.SemaphoreType.DMA,
        pltpu.SemaphoreType.DMA,
        pltpu.SemaphoreType.DMA,
        pltpu.SemaphoreType.DMA,
        pltpu.SemaphoreType.DMA,
    ],
)


def kernel(x, edge_index, batch, W1_rel, b1, W1_root, W2_rel, b2, W2_root):
    src = edge_index[0].astype(jnp.int32).reshape(
        NUM_TILES, CHUNKS_PER_TILE, EDGE_CHUNK)
    dst = edge_index[1].astype(jnp.int32).reshape(
        NUM_TILES, CHUNKS_PER_TILE, EDGE_CHUNK)
    b1r = b1.reshape(1, D)
    b2r = b2.reshape(1, D)
    batch3 = batch.astype(jnp.int32).reshape(N_BLKS, 1, ROW_BLK)

    yl1, yr1, r1 = _dense1(x, W1_rel, W1_root, b1r)
    al1, ar1 = _sc_scatter(yl1, yr1, src, dst)
    yl2, yr2, r2 = _dense2(r1, al1, ar1, W2_rel, W2_root, b2r)
    ql, qr = _sc_scatter(yl2, yr2, src, dst)
    return _pool(r2, ql, qr, batch3)

# --- scband reference (transcript-rebuilt; emitter-appended) ---
"""Pipeline reference for scband-gnns-5403068858789 (READ-ONLY COPY).

The authoritative reference and input builder live on the scoring server;
editing this copy changes nothing except your own understanding.
"""

import jax, jax.numpy as jnp
import numpy as np

N = 10000   # n_nodes
E = 160000  # n_edges
D_IN = 256
D_HID = 256
D_OUT = 256
G = 64      # n_graphs in batch


def setup_inputs(seed: int = 0) -> dict:
    key = jax.random.key(seed)
    ks = jax.random.split(key, 10)
    x = jax.random.normal(ks[0], (N, D_IN), dtype=jnp.float32)
    edge_index = jax.random.randint(ks[1], (2, E), 0, N)
    batch = jnp.sort(jax.random.randint(ks[2], (N,), 0, G))
    # GraphConv layer 1 params: x' = lin_root(x) + lin_rel(sum_j x_j) ; bias lives in lin_rel
    W1_rel = jax.random.normal(ks[3], (D_HID, D_IN), dtype=jnp.float32) * 0.05
    b1 = jax.random.normal(ks[4], (D_HID,), dtype=jnp.float32) * 0.05
    W1_root = jax.random.normal(ks[5], (D_HID, D_IN), dtype=jnp.float32) * 0.05
    # GraphConv layer 2 params
    W2_rel = jax.random.normal(ks[6], (D_OUT, D_HID), dtype=jnp.float32) * 0.05
    b2 = jax.random.normal(ks[7], (D_OUT,), dtype=jnp.float32) * 0.05
    W2_root = jax.random.normal(ks[8], (D_OUT, D_HID), dtype=jnp.float32) * 0.05
    return {
        "x": x,
        "edge_index": edge_index,
        "batch": batch,
        "W1_rel": W1_rel,
        "b1": b1,
        "W1_root": W1_root,
        "W2_rel": W2_rel,
        "b2": b2,
        "W2_root": W2_root,
    }


def _graph_conv(x, edge_index, W_rel, b_rel, W_root):
    # PyG GraphConv with aggr='add':
    #   out_i = W_root @ x_i + W_rel @ (sum_{j in N(i)} x_j) + b_rel
    src = edge_index[0]
    dst = edge_index[1]
    msgs = jnp.take(x, src, axis=0)                     # gather (SparseCore)
    agg = jax.ops.segment_sum(msgs, dst, num_segments=x.shape[0])  # scatter-add
    return agg @ W_rel.T + b_rel + x @ W_root.T


def reference(x, edge_index, batch, W1_rel, b1, W1_root, W2_rel, b2, W2_root):
    h = _graph_conv(x, edge_index, W1_rel, b1, W1_root)
    h = jax.nn.relu(h)
    h = _graph_conv(h, edge_index, W2_rel, b2, W2_root)
    h = jax.nn.relu(h)
    # SumAggregation over graph-assignment vector `batch`
    out = jax.ops.segment_sum(h, batch, num_segments=G)
    return out

if __name__ == "__main__":
    import jax
    _d = setup_inputs()
    print(jax.jit(kernel)(*tuple(_d.values())))

</pallas_src>

<mosaic_0001>
#map = affine_map<(d0, d1) -> (0, 0)>
#map1 = affine_map<(d0, d1) -> (0, 0, 0)>
module attributes {stable_mosaic.version = 14 : i64} {
  func.func @_sc_scatter_body(%arg0: i32, %arg1: i32, %arg2: memref<10000x128xf32, #tpu.memory_space<hbm>>, %arg3: memref<10000x128xf32, #tpu.memory_space<hbm>>, %arg4: memref<16x125x80xi32, #tpu.memory_space<hbm>>, %arg5: memref<16x125x80xi32, #tpu.memory_space<hbm>>, %arg6: memref<10000x128xf32, #tpu.memory_space<hbm>>, %arg7: memref<10000x128xf32, #tpu.memory_space<hbm>>, %arg8: memref<10000x128xf32, #tpu.memory_space<vmem_shared>>, %arg9: memref<80x128xf32, #tpu.memory_space<vmem>>, %arg10: memref<80x128xf32, #tpu.memory_space<vmem>>, %arg11: memref<80x128xf32, #tpu.memory_space<vmem>>, %arg12: memref<64x80xi32, #tpu.memory_space<vmem>>, %arg13: memref<64x80xi32, #tpu.memory_space<vmem>>, %arg14: memref<!tpu.dma_semaphore, #tpu.memory_space<semaphore_mem>>, %arg15: memref<!tpu.dma_semaphore, #tpu.memory_space<semaphore_mem>>, %arg16: memref<!tpu.dma_semaphore, #tpu.memory_space<semaphore_mem>>, %arg17: memref<!tpu.dma_semaphore, #tpu.memory_space<semaphore_mem>>, %arg18: memref<!tpu.dma_semaphore, #tpu.memory_space<semaphore_mem>>, %arg19: memref<!tpu.dma_semaphore, #tpu.memory_space<semaphore_mem>>) attributes {dimension_semantics = [#tpu.dimension_semantics<core_parallel>, #tpu.dimension_semantics<subcore_parallel>], iteration_bounds = array<i64: 2, 16>, scalar_prefetch = 0 : i64, scratch_operands = 12 : i64, tpu.core_type = #tpu.core_type<sc_vector_subcore>, window_params = [{transform_indices = #map}, {transform_indices = #map}, {transform_indices = #map1}, {transform_indices = #map1}, {transform_indices = #map}, {transform_indices = #map}]} {
    "tpu.region"() ({
      %run_scoped3A = tpu.sem_alloc : memref<!tpu.dma_semaphore, #tpu.memory_space<semaphore_mem>>
      %dma_start3A_309 = arith.constant 0 : i32
      %dma_start3A_310 = arith.constant 0 : i32
      %dma_start3A_311 = tpu.memref_slice %arg4[%arg1, %dma_start3A_309, %dma_start3A_310] : memref<16x125x80xi32, #tpu.memory_space<hbm>> -> memref<1x64x80xi32, #tpu.memory_space<hbm>>
      %dma_start3A_312 = tpu.memref_squeeze %dma_start3A_311 : memref<1x64x80xi32, #tpu.memory_space<hbm>> -> memref<64x80xi32, #tpu.memory_space<hbm>>
      %dma_start3A_313 = arith.constant 0 : i32
      %dma_start3A_314 = arith.constant 0 : i32
      %dma_start3A_315 = tpu.memref_slice %arg4[%arg1, %dma_start3A_313, %dma_start3A_314] : memref<16x125x80xi32, #tpu.memory_space<hbm>> -> memref<1x64x80xi32, #tpu.memory_space<hbm>>
      %dma_start3A_316 = tpu.memref_squeeze %dma_start3A_315 : memref<1x64x80xi32, #tpu.memory_space<hbm>> -> memref<64x80xi32, #tpu.memory_space<hbm>>
      tpu.enqueue_dma source(%dma_start3A_316 : memref<64x80xi32, #tpu.memory_space<hbm>>) target(%arg12 : memref<64x80xi32, #tpu.memory_space<vmem>>) target_semaphore(%run_scoped3A : memref<!tpu.dma_semaphore, #tpu.memory_space<semaphore_mem>>)
      %dma_wait3A_317 = arith.constant 0 : i32
      %dma_wait3A_318 = arith.constant 0 : i32
      %dma_wait3A_319 = tpu.memref_slice %arg4[%arg1, %dma_wait3A_317, %dma_wait3A_318] : memref<16x125x80xi32, #tpu.memory_space<hbm>> -> memref<1x64x80xi32, #tpu.memory_space<hbm>>
      %dma_wait3A_320 = tpu.memref_squeeze %dma_wait3A_319 : memref<1x64x80xi32, #tpu.memory_space<hbm>> -> memref<64x80xi32, #tpu.memory_space<hbm>>
      %dma_wait3A_321 = arith.constant 0 : i32
      %dma_wait3A_322 = arith.constant 0 : i32
      %dma_wait3A_323 = tpu.memref_slice %arg4[%arg1, %dma_wait3A_321, %dma_wait3A_322] : memref<16x125x80xi32, #tpu.memory_space<hbm>> -> memref<1x64x80xi32, #tpu.memory_space<hbm>>
      %dma_wait3A_324 = tpu.memref_squeeze %dma_wait3A_323 : memref<1x64x80xi32, #tpu.memory_space<hbm>> -> memref<64x80xi32, #tpu.memory_space<hbm>>
      tpu.wait_dma2 semaphore(%run_scoped3A : memref<!tpu.dma_semaphore, #tpu.memory_space<semaphore_mem>>) src(%dma_wait3A_324 : memref<64x80xi32, #tpu.memory_space<hbm>>) dst(%arg12 : memref<64x80xi32, #tpu.memory_space<vmem>>)
      tpu.yield
    }) : () -> ()
    "tpu.region"() ({
      %run_scoped3A = tpu.sem_alloc : memref<!tpu.dma_semaphore, #tpu.memory_space<semaphore_mem>>
      %dma_start3A_309 = arith.constant 0 : i32
      %dma_start3A_310 = arith.constant 0 : i32
      %dma_start3A_311 = tpu.memref_slice %arg5[%arg1, %dma_start3A_309, %dma_start3A_310] : memref<16x125x80xi32, #tpu.memory_space<hbm>> -> memref<1x64x80xi32, #tpu.memory_space<hbm>>
      %dma_start3A_312 = tpu.memref_squeeze %dma_start3A_311 : memref<1x64x80xi32, #tpu.memory_space<hbm>> -> memref<64x80xi32, #tpu.memory_space<hbm>>
      %dma_start3A_313 = arith.constant 0 : i32
      %dma_start3A_314 = arith.constant 0 : i32
      %dma_start3A_315 = tpu.memref_slice %arg5[%arg1, %dma_start3A_313, %dma_start3A_314] : memref<16x125x80xi32, #tpu.memory_space<hbm>> -> memref<1x64x80xi32, #tpu.memory_space<hbm>>
      %dma_start3A_316 = tpu.memref_squeeze %dma_start3A_315 : memref<1x64x80xi32, #tpu.memory_space<hbm>> -> memref<64x80xi32, #tpu.memory_space<hbm>>
      tpu.enqueue_dma source(%dma_start3A_316 : memref<64x80xi32, #tpu.memory_space<hbm>>) target(%arg13 : memref<64x80xi32, #tpu.memory_space<vmem>>) target_semaphore(%run_scoped3A : memref<!tpu.dma_semaphore, #tpu.memory_space<semaphore_mem>>)
      %dma_wait3A_317 = arith.constant 0 : i32
      %dma_wait3A_318 = arith.constant 0 : i32
      %dma_wait3A_319 = tpu.memref_slice %arg5[%arg1, %dma_wait3A_317, %dma_wait3A_318] : memref<16x125x80xi32, #tpu.memory_space<hbm>> -> memref<1x64x80xi32, #tpu.memory_space<hbm>>
      %dma_wait3A_320 = tpu.memref_squeeze %dma_wait3A_319 : memref<1x64x80xi32, #tpu.memory_space<hbm>> -> memref<64x80xi32, #tpu.memory_space<hbm>>
      %dma_wait3A_321 = arith.constant 0 : i32
      %dma_wait3A_322 = arith.constant 0 : i32
      %dma_wait3A_323 = tpu.memref_slice %arg5[%arg1, %dma_wait3A_321, %dma_wait3A_322] : memref<16x125x80xi32, #tpu.memory_space<hbm>> -> memref<1x64x80xi32, #tpu.memory_space<hbm>>
      %dma_wait3A_324 = tpu.memref_squeeze %dma_wait3A_323 : memref<1x64x80xi32, #tpu.memory_space<hbm>> -> memref<64x80xi32, #tpu.memory_space<hbm>>
      tpu.wait_dma2 semaphore(%run_scoped3A : memref<!tpu.dma_semaphore, #tpu.memory_space<semaphore_mem>>) src(%dma_wait3A_324 : memref<64x80xi32, #tpu.memory_space<hbm>>) dst(%arg13 : memref<64x80xi32, #tpu.memory_space<vmem>>)
      tpu.yield
    }) : () -> ()
    %broadcast_in_dim3A = arith.constant 0.000000e+00 : f32
    %broadcast_in_dim3A_0 = vector.broadcast %broadcast_in_dim3A : f32 to vector<16xf32>
    %scan3A = arith.constant 0 : i32
    %scan3A_1 = arith.constant 0 : i32
    %scan3A_2 = arith.constant 80 : i32
    %scan3A_3 = arith.addi %scan3A_1, %scan3A_2 : i32
    %scan3A_4 = arith.constant 1 : i32
    scf.for %scan3A_309 = %scan3A_1 to %scan3A_3 step %scan3A_4  : i32 {
      %swap3A = arith.index_cast %scan3A_309 : i32 to index
      %swap3A_310 = arith.constant 0 : index
      %swap3A_311 = tpu.vector_load %arg9[%swap3A, %swap3A_310] {strides = array<i32>} : memref<80x128xf32, #tpu.memory_space<vmem>>, vector<1x16xf32>,
      %swap3A_312 = vector.shape_cast %swap3A_311 : vector<1x16xf32> to vector<16xf32>
      %swap3A_313 = vector.shape_cast %broadcast_in_dim3A_0 : vector<16xf32> to vector<1x16xf32>
      tpu.vector_store %arg9[%swap3A, %swap3A_310], %swap3A_313 {strides = array<i32>} : memref<80x128xf32, #tpu.memory_space<vmem>>, vector<1x16xf32>,
      %swap3A_314 = arith.index_cast %scan3A_309 : i32 to index
      %swap3A_315 = arith.constant 0 : index
      %swap3A_316 = tpu.vector_load %arg10[%swap3A_314, %swap3A_315] {strides = array<i32>} : memref<80x128xf32, #tpu.memory_space<vmem>>, vector<1x16xf32>,
      %swap3A_317 = vector.shape_cast %swap3A_316 : vector<1x16xf32> to vector<16xf32>
      %swap3A_318 = vector.shape_cast %broadcast_in_dim3A_0 : vector<16xf32> to vector<1x16xf32>
      tpu.vector_store %arg10[%swap3A_314, %swap3A_315], %swap3A_318 {strides = array<i32>} : memref<80x128xf32, #tpu.memory_space<vmem>>, vector<1x16xf32>,
      %swap3A_319 = arith.index_cast %scan3A_309 : i32 to index
      %swap3A_320 = arith.constant 16 : index
      %swap3A_321 = tpu.vector_load %arg9[%swap3A_319, %swap3A_320] {strides = array<i32>} : memref<80x128xf32, #tpu.memory_space<vmem>>, vector<1x16xf32>,
      %swap3A_322 = vector.shape_cast %swap3A_321 : vector<1x16xf32> to vector<16xf32>
      %swap3A_323 = vector.shape_cast %broadcast_in_dim3A_0 : vector<16xf32> to vector<1x16xf32>
      tpu.vector_store %arg9[%swap3A_319, %swap3A_320], %swap3A_323 {strides = array<i32>} : memref<80x128xf32, #tpu.memory_space<vmem>>, vector<1x16xf32>,
      %swap3A_324 = arith.index_cast %scan3A_309 : i32 to index
      %swap3A_325 = arith.constant 16 : index
      %swap3A_326 = tpu.vector_load %arg10[%swap3A_324, %swap3A_325] {strides = array<i32>} : memref<80x128xf32, #tpu.memory_space<vmem>>, vector<1x16xf32>,
      %swap3A_327 = vector.shape_cast %swap3A_326 : vector<1x16xf32> to vector<16xf32>
      %swap3A_328 = vector.shape_cast %broadcast_in_dim3A_0 : vector<16xf32> to vector<1x16xf32>
      tpu.vector_store %arg10[%swap3A_324, %swap3A_325], %swap3A_328 {strides = array<i32>} : memref<80x128xf32, #tpu.memory_space<vmem>>, vector<1x16xf32>,
      %swap3A_329 = arith.index_cast %scan3A_309 : i32 to index
      %swap3A_330 = arith.constant 32 : index
      %swap3A_331 = tpu.vector_load %arg9[%swap3A_329, %swap3A_330] {strides = array<i32>} : memref<80x128xf32, #tpu.memory_space<vmem>>, vector<1x16xf32>,
      %swap3A_332 = vector.shape_cast %swap3A_331 : vector<1x16xf32> to vector<16xf32>
      %swap3A_333 = vector.shape_cast %broadcast_in_dim3A_0 : vector<16xf32> to vector<1x16xf32>
      tpu.vector_store %arg9[%swap3A_329, %swap3A_330], %swap3A_333 {strides = array<i32>} : memref<80x128xf32, #tpu.memory_space<vmem>>, vector<1x16xf32>,
      %swap3A_334 = arith.index_cast %scan3A_309 : i32 to index
      %swap3A_335 = arith.constant 32 : index
      %swap3A_336 = tpu.vector_load %arg10[%swap3A_334, %swap3A_335] {strides = array<i32>} : memref<80x128xf32, #tpu.memory_space<vmem>>, vector<1x16xf32>,
      %swap3A_337 = vector.shape_cast %swap3A_336 : vector<1x16xf32> to vector<16xf32>
      %swap3A_338 = vector.shape_cast %broadcast_in_dim3A_0 : vector<16xf32> to vector<1x16xf32>
      tpu.vector_store %arg10[%swap3A_334, %swap3A_335], %swap3A_338 {strides = array<i32>} : memref<80x128xf32, #tpu.memory_space<vmem>>, vector<1x16xf32>,
      %swap3A_339 = arith.index_cast %scan3A_309 : i32 to index
      %swap3A_340 = arith.constant 48 : index
      %swap3A_341 = tpu.vector_load %arg9[%swap3A_339, %swap3A_340] {strides = array<i32>} : memref<80x128xf32, #tpu.memory_space<vmem>>, vector<1x16xf32>,
      %swap3A_342 = vector.shape_cast %swap3A_341 : vector<1x16xf32> to vector<16xf32>
      %swap3A_343 = vector.shape_cast %broadcast_in_dim3A_0 : vector<16xf32> to vector<1x16xf32>
      tpu.vector_store %arg9[%swap3A_339, %swap3A_340], %swap3A_343 {strides = array<i32>} : memref<80x128xf32, #tpu.memory_space<vmem>>, vector<1x16xf32>,
      %swap3A_344 = arith.index_cast %scan3A_309 : i32 to index
      %swap3A_345 = arith.constant 48 : index
      %swap3A_346 = tpu.vector_load %arg10[%swap3A_344, %swap3A_345] {strides = array<i32>} : memref<80x128xf32, #tpu.memory_space<vmem>>, vector<1x16xf32>,
      %swap3A_347 = vector.shape_cast %swap3A_346 : vector<1x16xf32> to vector<16xf32>
      %swap3A_348 = vector.shape_cast %broadcast_in_dim3A_0 : vector<16xf32> to vector<1x16xf32>
      tpu.vector_store %arg10[%swap3A_344, %swap3A_345], %swap3A_348 {strides = array<i32>} : memref<80x128xf32, #tpu.memory_space<vmem>>, vector<1x16xf32>,
      %swap3A_349 = arith.index_cast %scan3A_309 : i32 to index
      %swap3A_350 = arith.constant 64 : index
      %swap3A_351 = tpu.vector_load %arg9[%swap3A_349, %swap3A_350] {strides = array<i32>} : memref<80x128xf32, #tpu.memory_space<vmem>>, vector<1x16xf32>,
      %swap3A_352 = vector.shape_cast %swap3A_351 : vector<1x16xf32> to vector<16xf32>
      %swap3A_353 = vector.shape_cast %broadcast_in_dim3A_0 : vector<16xf32> to vector<1x16xf32>
      tpu.vector_store %arg9[%swap3A_349, %swap3A_350], %swap3A_353 {strides = array<i32>} : memref<80x128xf32, #tpu.memory_space<vmem>>, vector<1x16xf32>,
      %swap3A_354 = arith.index_cast %scan3A_309 : i32 to index
      %swap3A_355 = arith.constant 64 : index
      %swap3A_356 = tpu.vector_load %arg10[%swap3A_354, %swap3A_355] {strides = array<i32>} : memref<80x128xf32, #tpu.memory_space<vmem>>, vector<1x16xf32>,
      %swap3A_357 = vector.shape_cast %swap3A_356 : vector<1x16xf32> to vector<16xf32>
      %swap3A_358 = vector.shape_cast %broadcast_in_dim3A_0 : vector<16xf32> to vector<1x16xf32>
      tpu.vector_store %arg10[%swap3A_354, %swap3A_355], %swap3A_358 {strides = array<i32>} : memref<80x128xf32, #tpu.memory_space<vmem>>, vector<1x16xf32>,
      %swap3A_359 = arith.index_cast %scan3A_309 : i32 to index
      %swap3A_360 = arith.constant 80 : index
      %swap3A_361 = tpu.vector_load %arg9[%swap3A_359, %swap3A_360] {strides = array<i32>} : memref<80x128xf32, #tpu.memory_space<vmem>>, vector<1x16xf32>,
      %swap3A_362 = vector.shape_cast %swap3A_361 : vector<1x16xf32> to vector<16xf32>
      %swap3A_363 = vector.shape_cast %broadcast_in_dim3A_0 : vector<16xf32> to vector<1x16xf32>
      tpu.vector_store %arg9[%swap3A_359, %swap3A_360], %swap3A_363 {strides = array<i32>} : memref<80x128xf32, #tpu.memory_space<vmem>>, vector<1x16xf32>,
      %swap3A_364 = arith.index_cast %scan3A_309 : i32 to index
      %swap3A_365 = arith.constant 80 : index
      %swap3A_366 = tpu.vector_load %arg10[%swap3A_364, %swap3A_365] {strides = array<i32>} : memref<80x128xf32, #tpu.memory_space<vmem>>, vector<1x16xf32>,
      %swap3A_367 = vector.shape_cast %swap3A_366 : vector<1x16xf32> to vector<16xf32>
      %swap3A_368 = vector.shape_cast %broadcast_in_dim3A_0 : vector<16xf32> to vector<1x16xf32>
      tpu.vector_store %arg10[%swap3A_364, %swap3A_365], %swap3A_368 {strides = array<i32>} : memref<80x128xf32, #tpu.memory_space<vmem>>, vector<1x16xf32>,
      %swap3A_369 = arith.index_cast %scan3A_309 : i32 to index
      %swap3A_370 = arith.constant 96 : index
      %swap3A_371 = tpu.vector_load %arg9[%swap3A_369, %swap3A_370] {strides = array<i32>} : memref<80x128xf32, #tpu.memory_space<vmem>>, vector<1x16xf32>,
      %swap3A_372 = vector.shape_cast %swap3A_371 : vector<1x16xf32> to vector<16xf32>
      %swap3A_373 = vector.shape_cast %broadcast_in_dim3A_0 : vector<16xf32> to vector<1x16xf32>
      tpu.vector_store %arg9[%swap3A_369, %swap3A_370], %swap3A_373 {strides = array<i32>} : memref<80x128xf32, #tpu.memory_space<vmem>>, vector<1x16xf32>,
      %swap3A_374 = arith.index_cast %scan3A_309 : i32 to index
      %swap3A_375 = arith.constant 96 : index
      %swap3A_376 = tpu.vector_load %arg10[%swap3A_374, %swap3A_375] {strides = array<i32>} : memref<80x128xf32, #tpu.memory_space<vmem>>, vector<1x16xf32>,
      %swap3A_377 = vector.shape_cast %swap3A_376 : vector<1x16xf32> to vector<16xf32>
      %swap3A_378 = vector.shape_cast %broadcast_in_dim3A_0 : vector<16xf32> to vector<1x16xf32>
      tpu.vector_store %arg10[%swap3A_374, %swap3A_375], %swap3A_378 {strides = array<i32>} : memref<80x128xf32, #tpu.memory_space<vmem>>, vector<1x16xf32>,
      %swap3A_379 = arith.index_cast %scan3A_309 : i32 to index
      %swap3A_380 = arith.constant 112 : index
      %swap3A_381 = tpu.vector_load %arg9[%swap3A_379, %swap3A_380] {strides = array<i32>} : memref<80x128xf32, #tpu.memory_space<vmem>>, vector<1x16xf32>,
      %swap3A_382 = vector.shape_cast %swap3A_381 : vector<1x16xf32> to vector<16xf32>
      %swap3A_383 = vector.shape_cast %broadcast_in_dim3A_0 : vector<16xf32> to vector<1x16xf32>
      tpu.vector_store %arg9[%swap3A_379, %swap3A_380], %swap3A_383 {strides = array<i32>} : memref<80x128xf32, #tpu.memory_space<vmem>>, vector<1x16xf32>,
      %swap3A_384 = arith.index_cast %scan3A_309 : i32 to index
      %swap3A_385 = arith.constant 112 : index
      %swap3A_386 = tpu.vector_load %arg10[%swap3A_384, %swap3A_385] {strides = array<i32>} : memref<80x128xf32, #tpu.memory_space<vmem>>, vector<1x16xf32>,
      %swap3A_387 = vector.shape_cast %swap3A_386 : vector<1x16xf32> to vector<16xf32>
      %swap3A_388 = vector.shape_cast %broadcast_in_dim3A_0 : vector<16xf32> to vector<1x16xf32>
      tpu.vector_store %arg10[%swap3A_384, %swap3A_385], %swap3A_388 {strides = array<i32>} : memref<80x128xf32, #tpu.memory_space<vmem>>, vector<1x16xf32>,
    }
    %scan3A_5 = arith.constant 80 : i32
    %mul3A = arith.constant 624 : i32
    %mul3A_6 = arith.muli %arg1, %mul3A : i32
    %add3A = arith.constant 0 : i32
    %add3A_7 = arith.addi %mul3A_6, %add3A : i32
    "tpu.region"() ({
      %run_scoped3A = tpu.sem_alloc : memref<!tpu.dma_semaphore, #tpu.memory_space<semaphore_mem>>
      %dma_start3A_309 = arith.constant 0 : i32
      %dma_start3A_310 = tpu.memref_slice %arg8[%add3A_7, %dma_start3A_309] : memref<10000x128xf32, #tpu.memory_space<vmem_shared>> -> memref<80x128xf32, #tpu.memory_space<vmem_shared>>
      %dma_start3A_311 = arith.constant 0 : i32
      %dma_start3A_312 = tpu.memref_slice %arg8[%add3A_7, %dma_start3A_311] : memref<10000x128xf32, #tpu.memory_space<vmem_shared>> -> memref<80x128xf32, #tpu.memory_space<vmem_shared>>
      tpu.enqueue_dma source(%arg9 : memref<80x128xf32, #tpu.memory_space<vmem>>) target(%dma_start3A_312 : memref<80x128xf32, #tpu.memory_space<vmem_shared>>) target_semaphore(%run_scoped3A : memref<!tpu.dma_semaphore, #tpu.memory_space<semaphore_mem>>)
      %dma_wait3A_313 = arith.constant 0 : i32
      %dma_wait3A_314 = tpu.memref_slice %arg8[%add3A_7, %dma_wait3A_313] : memref<10000x128xf32, #tpu.memory_space<vmem_shared>> -> memref<80x128xf32, #tpu.memory_space<vmem_shared>>
      %dma_wait3A_315 = arith.constant 0 : i32
      %dma_wait3A_316 = tpu.memref_slice %arg8[%add3A_7, %dma_wait3A_315] : memref<10000x128xf32, #tpu.memory_space<vmem_shared>> -> memref<80x128xf32, #tpu.memory_space<vmem_shared>>
      tpu.wait_dma2 semaphore(%run_scoped3A : memref<!tpu.dma_semaphore, #tpu.memory_space<semaphore_mem>>) src(%arg9 : memref<80x128xf32, #tpu.memory_space<vmem>>) dst(%dma_wait3A_316 : memref<80x128xf32, #tpu.memory_space<vmem_shared>>)
      tpu.yield
    }) : () -> ()
    %add3A_8 = arith.constant 80 : i32
    %add3A_9 = arith.addi %mul3A_6, %add3A_8 : i32
    "tpu.region"() ({
      %run_scoped3A = tpu.sem_alloc : memref<!tpu.dma_semaphore, #tpu.memory_space<semaphore_mem>>
      %dma_start3A_309 = arith.constant 0 : i32
      %dma_start3A_310 = tpu.memref_slice %arg8[%add3A_9, %dma_start3A_309] : memref<10000x128xf32, #tpu.memory_space<vmem_shared>> -> memref<80x128xf32, #tpu.memory_space<vmem_shared>>
      %dma_start3A_311 = arith.constant 0 : i32
      %dma_start3A_312 = tpu.memref_slice %arg8[%add3A_9, %dma_start3A_311] : memref<10000x128xf32, #tpu.memory_space<vmem_shared>> -> memref<80x128xf32, #tpu.memory_space<vmem_shared>>
      tpu.enqueue_dma source(%arg10 : memref<80x128xf32, #tpu.memory_space<vmem>>) target(%dma_start3A_312 : memref<80x128xf32, #tpu.memory_space<vmem_shared>>) target_semaphore(%run_scoped3A : memref<!tpu.dma_semaphore, #tpu.memory_space<semaphore_mem>>)
      %dma_wait3A_313 = arith.constant 0 : i32
      %dma_wait3A_314 = tpu.memref_slice %arg8[%add3A_9, %dma_wait3A_313] : memref<10000x128xf32, #tpu.memory_space<vmem_shared>> -> memref<80x128xf32, #tpu.memory_space<vmem_shared>>
      %dma_wait3A_315 = arith.constant 0 : i32
      %dma_wait3A_316 = tpu.memref_slice %arg8[%add3A_9, %dma_wait3A_315] : memref<10000x128xf32, #tpu.memory_space<vmem_shared>> -> memref<80x128xf32, #tpu.memory_space<vmem_shared>>
      tpu.wait_dma2 semaphore(%run_scoped3A : memref<!tpu.dma_semaphore, #tpu.memory_space<semaphore_mem>>) src(%arg10 : memref<80x128xf32, #tpu.memory_space<vmem>>) dst(%dma_wait3A_316 : memref<80x128xf32, #tpu.memory_space<vmem_shared>>)
      tpu.yield
    }) : () -> ()
    %add3A_10 = arith.constant 160 : i32
    %add3A_11 = arith.addi %mul3A_6, %add3A_10 : i32
    "tpu.region"() ({
      %run_scoped3A = tpu.sem_alloc : memref<!tpu.dma_semaphore, #tpu.memory_space<semaphore_mem>>
      %dma_start3A_309 = arith.constant 0 : i32
      %dma_start3A_310 = tpu.memref_slice %arg8[%add3A_11, %dma_start3A_309] : memref<10000x128xf32, #tpu.memory_space<vmem_shared>> -> memref<80x128xf32, #tpu.memory_space<vmem_shared>>
      %dma_start3A_311 = arith.constant 0 : i32
      %dma_start3A_312 = tpu.memref_slice %arg8[%add3A_11, %dma_start3A_311] : memref<10000x128xf32, #tpu.memory_space<vmem_shared>> -> memref<80x128xf32, #tpu.memory_space<vmem_shared>>
      tpu.enqueue_dma source(%arg9 : memref<80x128xf32, #tpu.memory_space<vmem>>) target(%dma_start3A_312 : memref<80x128xf32, #tpu.memory_space<vmem_shared>>) target_semaphore(%run_scoped3A : memref<!tpu.dma_semaphore, #tpu.memory_space<semaphore_mem>>)
      %dma_wait3A_313 = arith.constant 0 : i32
      %dma_wait3A_314 = tpu.memref_slice %arg8[%add3A_11, %dma_wait3A_313] : memref<10000x128xf32, #tpu.memory_space<vmem_shared>> -> memref<80x128xf32, #tpu.memory_space<vmem_shared>>
      %dma_wait3A_315 = arith.constant 0 : i32
      %dma_wait3A_316 = tpu.memref_slice %arg8[%add3A_11, %dma_wait3A_315] : memref<10000x128xf32, #tpu.memory_space<vmem_shared>> -> memref<80x128xf32, #tpu.memory_space<vmem_shared>>
      tpu.wait_dma2 semaphore(%run_scoped3A : memref<!tpu.dma_semaphore, #tpu.memory_space<semaphore_mem>>) src(%arg9 : memref<80x128xf32, #tpu.memory_space<vmem>>) dst(%dma_wait3A_316 : memref<80x128xf32, #tpu.memory_space<vmem_shared>>)
      tpu.yield
    }) : () -> ()
    %add3A_12 = arith.constant 240 : i32
    %add3A_13 = arith.addi %mul3A_6, %add3A_12 : i32
    "tpu.region"() ({
      %run_scoped3A = tpu.sem_alloc : memref<!tpu.dma_semaphore, #tpu.memory_space<semaphore_mem>>
      %dma_start3A_309 = arith.constant 0 : i32
      %dma_start3A_310 = tpu.memref_slice %arg8[%add3A_13, %dma_start3A_309] : memref<10000x128xf32, #tpu.memory_space<vmem_shared>> -> memref<80x128xf32, #tpu.memory_space<vmem_shared>>
      %dma_start3A_311 = arith.constant 0 : i32
      %dma_start3A_312 = tpu.memref_slice %arg8[%add3A_13, %dma_start3A_311] : memref<10000x128xf32, #tpu.memory_space<vmem_shared>> -> memref<80x128xf32, #tpu.memory_space<vmem_shared>>
      tpu.enqueue_dma source(%arg10 : memref<80x128xf32, #tpu.memory_space<vmem>>) target(%dma_start3A_312 : memref<80x128xf32, #tpu.memory_space<vmem_shared>>) target_semaphore(%run_scoped3A : memref<!tpu.dma_semaphore, #tpu.memory_space<semaphore_mem>>)
      %dma_wait3A_313 = arith.constant 0 : i32
      %dma_wait3A_314 = tpu.memref_slice %arg8[%add3A_13, %dma_wait3A_313] : memref<10000x128xf32, #tpu.memory_space<vmem_shared>> -> memref<80x128xf32, #tpu.memory_space<vmem_shared>>
      %dma_wait3A_315 = arith.constant 0 : i32
      %dma_wait3A_316 = tpu.memref_slice %arg8[%add3A_13, %dma_wait3A_315] : memref<10000x128xf32, #tpu.memory_space<vmem_shared>> -> memref<80x128xf32, #tpu.memory_space<vmem_shared>>
      tpu.wait_dma2 semaphore(%run_scoped3A : memref<!tpu.dma_semaphore, #tpu.memory_space<semaphore_mem>>) src(%arg10 : memref<80x128xf32, #tpu.memory_space<vmem>>) dst(%dma_wait3A_316 : memref<80x128xf32, #tpu.memory_space<vmem_shared>>)
      tpu.yield
    }) : () -> ()
    %add3A_14 = arith.constant 320 : i32
    %add3A_15 = arith.addi %mul3A_6, %add3A_14 : i32
    "tpu.region"() ({
      %run_scoped3A = tpu.sem_alloc : memref<!tpu.dma_semaphore, #tpu.memory_space<semaphore_mem>>
      %dma_start3A_309 = arith.constant 0 : i32
      %dma_start3A_310 = tpu.memref_slice %arg8[%add3A_15, %dma_start3A_309] : memref<10000x128xf32, #tpu.memory_space<vmem_shared>> -> memref<80x128xf32, #tpu.memory_space<vmem_shared>>
      %dma_start3A_311 = arith.constant 0 : i32
      %dma_start3A_312 = tpu.memref_slice %arg8[%add3A_15, %dma_start3A_311] : memref<10000x128xf32, #tpu.memory_space<vmem_shared>> -> memref<80x128xf32, #tpu.memory_space<vmem_shared>>
      tpu.enqueue_dma source(%arg9 : memref<80x128xf32, #tpu.memory_space<vmem>>) target(%dma_start3A_312 : memref<80x128xf32, #tpu.memory_space<vmem_shared>>) target_semaphore(%run_scoped3A : memref<!tpu.dma_semaphore, #tpu.memory_space<semaphore_mem>>)
      %dma_wait3A_313 = arith.constant 0 : i32
      %dma_wait3A_314 = tpu.memref_slice %arg8[%add3A_15, %dma_wait3A_313] : memref<10000x128xf32, #tpu.memory_space<vmem_shared>> -> memref<80x128xf32, #tpu.memory_space<vmem_shared>>
      %dma_wait3A_315 = arith.constant 0 : i32
      %dma_wait3A_316 = tpu.memref_slice %arg8[%add3A_15, %dma_wait3A_315] : memref<10000x128xf32, #tpu.memory_space<vmem_shared>> -> memref<80x128xf32, #tpu.memory_space<vmem_shared>>
      tpu.wait_dma2 semaphore(%run_scoped3A : memref<!tpu.dma_semaphore, #tpu.memory_space<semaphore_mem>>) src(%arg9 : memref<80x128xf32, #tpu.memory_space<vmem>>) dst(%dma_wait3A_316 : memref<80x128xf32, #tpu.memory_space<vmem_shared>>)
      tpu.yield
    }) : () -> ()
    %add3A_16 = arith.constant 400 : i32
    %add3A_17 = arith.addi %mul3A_6, %add3A_16 : i32
    "tpu.region"() ({
      %run_scoped3A = tpu.sem_alloc : memref<!tpu.dma_semaphore, #tpu.memory_space<semaphore_mem>>
      %dma_start3A_309 = arith.constant 0 : i32
      %dma_start3A_310 = tpu.memref_slice %arg8[%add3A_17, %dma_start3A_309] : memref<10000x128xf32, #tpu.memory_space<vmem_shared>> -> memref<80x128xf32, #tpu.memory_space<vmem_shared>>
      %dma_start3A_311 = arith.constant 0 : i32
      %dma_start3A_312 = tpu.memref_slice %arg8[%add3A_17, %dma_start3A_311] : memref<10000x128xf32, #tpu.memory_space<vmem_shared>> -> memref<80x128xf32, #tpu.memory_space<vmem_shared>>
      tpu.enqueue_dma source(%arg10 : memref<80x128xf32, #tpu.memory_space<vmem>>) target(%dma_start3A_312 : memref<80x128xf32, #tpu.memory_space<vmem_shared>>) target_semaphore(%run_scoped3A : memref<!tpu.dma_semaphore, #tpu.memory_space<semaphore_mem>>)
      %dma_wait3A_313 = arith.constant 0 : i32
      %dma_wait3A_314 = tpu.memref_slice %arg8[%add3A_17, %dma_wait3A_313] : memref<10000x128xf32, #tpu.memory_space<vmem_shared>> -> memref<80x128xf32, #tpu.memory_space<vmem_shared>>
      %dma_wait3A_315 = arith.constant 0 : i32
      %dma_wait3A_316 = tpu.memref_slice %arg8[%add3A_17, %dma_wait3A_315] : memref<10000x128xf32, #tpu.memory_space<vmem_shared>> -> memref<80x128xf32, #tpu.memory_space<vmem_shared>>
      tpu.wait_dma2 semaphore(%run_scoped3A : memref<!tpu.dma_semaphore, #tpu.memory_space<semaphore_mem>>) src(%arg10 : memref<80x128xf32, #tpu.memory_space<vmem>>) dst(%dma_wait3A_316 : memref<80x128xf32, #tpu.memory_space<vmem_shared>>)
      tpu.yield
    }) : () -> ()
    %add3A_18 = arith.constant 480 : i32
    %add3A_19 = arith.addi %mul3A_6, %add3A_18 : i32
    "tpu.region"() ({
      %run_scoped3A = tpu.sem_alloc : memref<!tpu.dma_semaphore, #tpu.memory_space<semaphore_mem>>
      %dma_start3A_309 = arith.constant 0 : i32
      %dma_start3A_310 = tpu.memref_slice %arg8[%add3A_19, %dma_start3A_309] : memref<10000x128xf32, #tpu.memory_space<vmem_shared>> -> memref<80x128xf32, #tpu.memory_space<vmem_shared>>
      %dma_start3A_311 = arith.constant 0 : i32
      %dma_start3A_312 = tpu.memref_slice %arg8[%add3A_19, %dma_start3A_311] : memref<10000x128xf32, #tpu.memory_space<vmem_shared>> -> memref<80x128xf32, #tpu.memory_space<vmem_shared>>
      tpu.enqueue_dma source(%arg9 : memref<80x128xf32, #tpu.memory_space<vmem>>) target(%dma_start3A_312 : memref<80x128xf32, #tpu.memory_space<vmem_shared>>) target_semaphore(%run_scoped3A : memref<!tpu.dma_semaphore, #tpu.memory_space<semaphore_mem>>)
      %dma_wait3A_313 = arith.constant 0 : i32
      %dma_wait3A_314 = tpu.memref_slice %arg8[%add3A_19, %dma_wait3A_313] : memref<10000x128xf32, #tpu.memory_space<vmem_shared>> -> memref<80x128xf32, #tpu.memory_space<vmem_shared>>
      %dma_wait3A_315 = arith.constant 0 : i32
      %dma_wait3A_316 = tpu.memref_slice %arg8[%add3A_19, %dma_wait3A_315] : memref<10000x128xf32, #tpu.memory_space<vmem_shared>> -> memref<80x128xf32, #tpu.memory_space<vmem_shared>>
      tpu.wait_dma2 semaphore(%run_scoped3A : memref<!tpu.dma_semaphore, #tpu.memory_space<semaphore_mem>>) src(%arg9 : memref<80x128xf32, #tpu.memory_space<vmem>>) dst(%dma_wait3A_316 : memref<80x128xf32, #tpu.memory_space<vmem_shared>>)
      tpu.yield
    }) : () -> ()
    %add3A_20 = arith.constant 560 : i32
    %add3A_21 = arith.addi %mul3A_6, %add3A_20 : i32
    "tpu.region"() ({
      %run_scoped3A = tpu.sem_alloc : memref<!tpu.dma_semaphore, #tpu.memory_space<semaphore_mem>>
      %dma_start3A_309 = arith.constant 0 : i32
      %dma_start3A_310 = arith.constant 0 : i32
      %dma_start3A_311 = tpu.memref_slice %arg10[%dma_start3A_309, %dma_start3A_310] : memref<80x128xf32, #tpu.memory_space<vmem>> -> memref<64x128xf32, #tpu.memory_space<vmem>>
      %dma_start3A_312 = arith.constant 0 : i32
      %dma_start3A_313 = tpu.memref_slice %arg8[%add3A_21, %dma_start3A_312] : memref<10000x128xf32, #tpu.memory_space<vmem_shared>> -> memref<64x128xf32, #tpu.memory_space<vmem_shared>>
      %dma_start3A_314 = arith.constant 0 : i32
      %dma_start3A_315 = tpu.memref_slice %arg8[%add3A_21, %dma_start3A_314] : memref<10000x128xf32, #tpu.memory_space<vmem_shared>> -> memref<64x128xf32, #tpu.memory_space<vmem_shared>>
      %dma_start3A_316 = arith.constant 0 : i32
      %dma_start3A_317 = arith.constant 0 : i32
      %dma_start3A_318 = tpu.memref_slice %arg10[%dma_start3A_316, %dma_start3A_317] : memref<80x128xf32, #tpu.memory_space<vmem>> -> memref<64x128xf32, #tpu.memory_space<vmem>>
      tpu.enqueue_dma source(%dma_start3A_318 : memref<64x128xf32, #tpu.memory_space<vmem>>) target(%dma_start3A_315 : memref<64x128xf32, #tpu.memory_space<vmem_shared>>) target_semaphore(%run_scoped3A : memref<!tpu.dma_semaphore, #tpu.memory_space<semaphore_mem>>)
      %dma_wait3A_319 = arith.constant 0 : i32
      %dma_wait3A_320 = arith.constant 0 : i32
      %dma_wait3A_321 = tpu.memref_slice %arg10[%dma_wait3A_319, %dma_wait3A_320] : memref<80x128xf32, #tpu.memory_space<vmem>> -> memref<64x128xf32, #tpu.memory_space<vmem>>
      %dma_wait3A_322 = arith.constant 0 : i32
      %dma_wait3A_323 = tpu.memref_slice %arg8[%add3A_21, %dma_wait3A_322] : memref<10000x128xf32, #tpu.memory_space<vmem_shared>> -> memref<64x128xf32, #tpu.memory_space<vmem_shared>>
      %dma_wait3A_324 = arith.constant 0 : i32
      %dma_wait3A_325 = tpu.memref_slice %arg8[%add3A_21, %dma_wait3A_324] : memref<10000x128xf32, #tpu.memory_space<vmem_shared>> -> memref<64x128xf32, #tpu.memory_space<vmem_shared>>
      %dma_wait3A_326 = arith.constant 0 : i32
      %dma_wait3A_327 = arith.constant 0 : i32
      %dma_wait3A_328 = tpu.memref_slice %arg10[%dma_wait3A_326, %dma_wait3A_327] : memref<80x128xf32, #tpu.memory_space<vmem>> -> memref<64x128xf32, #tpu.memory_space<vmem>>
      tpu.wait_dma2 semaphore(%run_scoped3A : memref<!tpu.dma_semaphore, #tpu.memory_space<semaphore_mem>>) src(%dma_wait3A_328 : memref<64x128xf32, #tpu.memory_space<vmem>>) dst(%dma_wait3A_325 : memref<64x128xf32, #tpu.memory_space<vmem_shared>>)
      tpu.yield
    }) : () -> ()
    %eq3A = arith.constant 15 : i32
    %eq3A_22 = arith.cmpi eq, %arg1, %eq3A : i32
    %convert_element_type3A = arith.extui %eq3A_22 : i1 to i32
    %cond3A = arith.constant 0 : i32
    %cond3A_23 = arith.cmpi ne, %convert_element_type3A, %cond3A : i32
    scf.if %cond3A_23 {
      "tpu.region"() ({
        %run_scoped3A = tpu.sem_alloc : memref<!tpu.dma_semaphore, #tpu.memory_space<semaphore_mem>>
        %dma_start3A_309 = arith.constant 0 : i32
        %dma_start3A_310 = arith.constant 0 : i32
        %dma_start3A_311 = tpu.memref_slice %arg9[%dma_start3A_309, %dma_start3A_310] : memref<80x128xf32, #tpu.memory_space<vmem>> -> memref<16x128xf32, #tpu.memory_space<vmem>>
        %dma_start3A_312 = arith.constant 9984 : i32
        %dma_start3A_313 = arith.constant 0 : i32
        %dma_start3A_314 = tpu.memref_slice %arg8[%dma_start3A_312, %dma_start3A_313] : memref<10000x128xf32, #tpu.memory_space<vmem_shared>> -> memref<16x128xf32, #tpu.memory_space<vmem_shared>>
        %dma_start3A_315 = arith.constant 9984 : i32
        %dma_start3A_316 = arith.constant 0 : i32
        %dma_start3A_317 = tpu.memref_slice %arg8[%dma_start3A_315, %dma_start3A_316] : memref<10000x128xf32, #tpu.memory_space<vmem_shared>> -> memref<16x128xf32, #tpu.memory_space<vmem_shared>>
        %dma_start3A_318 = arith.constant 0 : i32
        %dma_start3A_319 = arith.constant 0 : i32
        %dma_start3A_320 = tpu.memref_slice %arg9[%dma_start3A_318, %dma_start3A_319] : memref<80x128xf32, #tpu.memory_space<vmem>> -> memref<16x128xf32, #tpu.memory_space<vmem>>
        tpu.enqueue_dma source(%dma_start3A_320 : memref<16x128xf32, #tpu.memory_space<vmem>>) target(%dma_start3A_317 : memref<16x128xf32, #tpu.memory_space<vmem_shared>>) target_semaphore(%run_scoped3A : memref<!tpu.dma_semaphore, #tpu.memory_space<semaphore_mem>>)
        %dma_wait3A_321 = arith.constant 0 : i32
        %dma_wait3A_322 = arith.constant 0 : i32
        %dma_wait3A_323 = tpu.memref_slice %arg9[%dma_wait3A_321, %dma_wait3A_322] : memref<80x128xf32, #tpu.memory_space<vmem>> -> memref<16x128xf32, #tpu.memory_space<vmem>>
        %dma_wait3A_324 = arith.constant 9984 : i32
        %dma_wait3A_325 = arith.constant 0 : i32
        %dma_wait3A_326 = tpu.memref_slice %arg8[%dma_wait3A_324, %dma_wait3A_325] : memref<10000x128xf32, #tpu.memory_space<vmem_shared>> -> memref<16x128xf32, #tpu.memory_space<vmem_shared>>
        %dma_wait3A_327 = arith.constant 9984 : i32
        %dma_wait3A_328 = arith.constant 0 : i32
        %dma_wait3A_329 = tpu.memref_slice %arg8[%dma_wait3A_327, %dma_wait3A_328] : memref<10000x128xf32, #tpu.memory_space<vmem_shared>> -> memref<16x128xf32, #tpu.memory_space<vmem_shared>>
        %dma_wait3A_330 = arith.constant 0 : i32
        %dma_wait3A_331 = arith.constant 0 : i32
        %dma_wait3A_332 = tpu.memref_slice %arg9[%dma_wait3A_330, %dma_wait3A_331] : memref<80x128xf32, #tpu.memory_space<vmem>> -> memref<16x128xf32, #tpu.memory_space<vmem>>
        tpu.wait_dma2 semaphore(%run_scoped3A : memref<!tpu.dma_semaphore, #tpu.memory_space<semaphore_mem>>) src(%dma_wait3A_332 : memref<16x128xf32, #tpu.memory_space<vmem>>) dst(%dma_wait3A_329 : memref<16x128xf32, #tpu.memory_space<vmem_shared>>)
        tpu.yield
      }) : () -> ()
    } else {
    }
    %barrier3A = arith.constant 0 : index
    tpu.barrier barrier_id(%barrier3A)
    %eq3A_24 = arith.constant 0 : i32
    %eq3A_25 = arith.cmpi eq, %arg0, %eq3A_24 : i32
    %convert_element_type3A_26 = arith.extui %eq3A_25 : i1 to i32
    %cond3A_27 = arith.constant 0 : i32
    %cond3A_28 = arith.constant 0 : i32
    %cond3A_29 = arith.cmpi ne, %convert_element_type3A_26, %cond3A_28 : i32
    scf.if %cond3A_29 {
      %dma_start3A_309 = arith.constant 0 : i32
      %dma_start3A_310 = tpu.memref_slice %arg12[%cond3A_27, %dma_start3A_309] : memref<64x80xi32, #tpu.memory_space<vmem>> -> memref<1x80xi32, #tpu.memory_space<vmem>>
      %dma_start3A_311 = tpu.memref_squeeze %dma_start3A_310 : memref<1x80xi32, #tpu.memory_space<vmem>> -> memref<80xi32, #tpu.memory_space<vmem>>
      %dma_start3A_312 = arith.constant 0 : i32
      %dma_start3A_313 = arith.constant 0 : i32
      %dma_start3A_314 = tpu.memref_slice %arg2[%dma_start3A_312, %dma_start3A_313] : memref<10000x128xf32, #tpu.memory_space<hbm>> -> memref<10000x128xf32, #tpu.memory_space<hbm>>
      tpu.enqueue_indirect_dma source(%dma_start3A_314 : memref<10000x128xf32, #tpu.memory_space<hbm>>) target(%arg9 : memref<80x128xf32, #tpu.memory_space<vmem>>) offsets(%dma_start3A_311 : memref<80xi32, #tpu.memory_space<vmem>>) semaphore(%arg14 : memref<!tpu.dma_semaphore, #tpu.memory_space<semaphore_mem>>)
    } else {
    }
    %eq3A_30 = arith.constant 1 : i32
    %eq3A_31 = arith.cmpi eq, %arg0, %eq3A_30 : i32
    %convert_element_type3A_32 = arith.extui %eq3A_31 : i1 to i32
    %cond3A_33 = arith.constant 0 : i32
    %cond3A_34 = arith.constant 0 : i32
    %cond3A_35 = arith.cmpi ne, %convert_element_type3A_32, %cond3A_34 : i32
    scf.if %cond3A_35 {
      %dma_start3A_309 = arith.constant 0 : i32
      %dma_start3A_310 = tpu.memref_slice %arg12[%cond3A_33, %dma_start3A_309] : memref<64x80xi32, #tpu.memory_space<vmem>> -> memref<1x80xi32, #tpu.memory_space<vmem>>
      %dma_start3A_311 = tpu.memref_squeeze %dma_start3A_310 : memref<1x80xi32, #tpu.memory_space<vmem>> -> memref<80xi32, #tpu.memory_space<vmem>>
      %dma_start3A_312 = arith.constant 0 : i32
      %dma_start3A_313 = arith.constant 0 : i32
      %dma_start3A_314 = tpu.memref_slice %arg3[%dma_start3A_312, %dma_start3A_313] : memref<10000x128xf32, #tpu.memory_space<hbm>> -> memref<10000x128xf32, #tpu.memory_space<hbm>>
      tpu.enqueue_indirect_dma source(%dma_start3A_314 : memref<10000x128xf32, #tpu.memory_space<hbm>>) target(%arg9 : memref<80x128xf32, #tpu.memory_space<vmem>>) offsets(%dma_start3A_311 : memref<80xi32, #tpu.memory_space<vmem>>) semaphore(%arg14 : memref<!tpu.dma_semaphore, #tpu.memory_space<semaphore_mem>>)
    } else {
    }
    %eq3A_36 = arith.constant 0 : i32
    %eq3A_37 = arith.cmpi eq, %arg0, %eq3A_36 : i32
    %convert_element_type3A_38 = arith.extui %eq3A_37 : i1 to i32
    %cond3A_39 = arith.constant 1 : i32
    %cond3A_40 = arith.constant 0 : i32
    %cond3A_41 = arith.cmpi ne, %convert_element_type3A_38, %cond3A_40 : i32
    scf.if %cond3A_41 {
      %dma_start3A_309 = arith.constant 0 : i32
      %dma_start3A_310 = tpu.memref_slice %arg12[%cond3A_39, %dma_start3A_309] : memref<64x80xi32, #tpu.memory_space<vmem>> -> memref<1x80xi32, #tpu.memory_space<vmem>>
      %dma_start3A_311 = tpu.memref_squeeze %dma_start3A_310 : memref<1x80xi32, #tpu.memory_space<vmem>> -> memref<80xi32, #tpu.memory_space<vmem>>
      %dma_start3A_312 = arith.constant 0 : i32
      %dma_start3A_313 = arith.constant 0 : i32
      %dma_start3A_314 = tpu.memref_slice %arg2[%dma_start3A_312, %dma_start3A_313] : memref<10000x128xf32, #tpu.memory_space<hbm>> -> memref<10000x128xf32, #tpu.memory_space<hbm>>
      tpu.enqueue_indirect_dma source(%dma_start3A_314 : memref<10000x128xf32, #tpu.memory_space<hbm>>) target(%arg10 : memref<80x128xf32, #tpu.memory_space<vmem>>) offsets(%dma_start3A_311 : memref<80xi32, #tpu.memory_space<vmem>>) semaphore(%arg15 : memref<!tpu.dma_semaphore, #tpu.memory_space<semaphore_mem>>)
    } else {
    }
    %eq3A_42 = arith.constant 1 : i32
    %eq3A_43 = arith.cmpi eq, %arg0, %eq3A_42 : i32
    %convert_element_type3A_44 = arith.extui %eq3A_43 : i1 to i32
    %cond3A_45 = arith.constant 1 : i32
    %cond3A_46 = arith.constant 0 : i32
    %cond3A_47 = arith.cmpi ne, %convert_element_type3A_44, %cond3A_46 : i32
    scf.if %cond3A_47 {
      %dma_start3A_309 = arith.constant 0 : i32
      %dma_start3A_310 = tpu.memref_slice %arg12[%cond3A_45, %dma_start3A_309] : memref<64x80xi32, #tpu.memory_space<vmem>> -> memref<1x80xi32, #tpu.memory_space<vmem>>
      %dma_start3A_311 = tpu.memref_squeeze %dma_start3A_310 : memref<1x80xi32, #tpu.memory_space<vmem>> -> memref<80xi32, #tpu.memory_space<vmem>>
      %dma_start3A_312 = arith.constant 0 : i32
      %dma_start3A_313 = arith.constant 0 : i32
      %dma_start3A_314 = tpu.memref_slice %arg3[%dma_start3A_312, %dma_start3A_313] : memref<10000x128xf32, #tpu.memory_space<hbm>> -> memref<10000x128xf32, #tpu.memory_space<hbm>>
      tpu.enqueue_indirect_dma source(%dma_start3A_314 : memref<10000x128xf32, #tpu.memory_space<hbm>>) target(%arg10 : memref<80x128xf32, #tpu.memory_space<vmem>>) offsets(%dma_start3A_311 : memref<80xi32, #tpu.memory_space<vmem>>) semaphore(%arg15 : memref<!tpu.dma_semaphore, #tpu.memory_space<semaphore_mem>>)
    } else {
    }
    %eq3A_48 = arith.constant 0 : i32
    %eq3A_49 = arith.cmpi eq, %arg0, %eq3A_48 : i32
    %convert_element_type3A_50 = arith.extui %eq3A_49 : i1 to i32
    %cond3A_51 = arith.constant 2 : i32
    %cond3A_52 = arith.constant 0 : i32
    %cond3A_53 = arith.cmpi ne, %convert_element_type3A_50, %cond3A_52 : i32
    scf.if %cond3A_53 {
      %dma_start3A_309 = arith.constant 0 : i32
      %dma_start3A_310 = tpu.memref_slice %arg12[%cond3A_51, %dma_start3A_309] : memref<64x80xi32, #tpu.memory_space<vmem>> -> memref<1x80xi32, #tpu.memory_space<vmem>>
      %dma_start3A_311 = tpu.memref_squeeze %dma_start3A_310 : memref<1x80xi32, #tpu.memory_space<vmem>> -> memref<80xi32, #tpu.memory_space<vmem>>
      %dma_start3A_312 = arith.constant 0 : i32
      %dma_start3A_313 = arith.constant 0 : i32
      %dma_start3A_314 = tpu.memref_slice %arg2[%dma_start3A_312, %dma_start3A_313] : memref<10000x128xf32, #tpu.memory_space<hbm>> -> memref<10000x128xf32, #tpu.memory_space<hbm>>
      tpu.enqueue_indirect_dma source(%dma_start3A_314 : memref<10000x128xf32, #tpu.memory_space<hbm>>) target(%arg11 : memref<80x128xf32, #tpu.memory_space<vmem>>) offsets(%dma_start3A_311 : memref<80xi32, #tpu.memory_space<vmem>>) semaphore(%arg16 : memref<!tpu.dma_semaphore, #tpu.memory_space<semaphore_mem>>)
    } else {
    }
    %eq3A_54 = arith.constant 1 : i32
    %eq3A_55 = arith.cmpi eq, %arg0, %eq3A_54 : i32
    %convert_element_type3A_56 = arith.extui %eq3A_55 : i1 to i32
    %cond3A_57 = arith.constant 2 : i32
    %cond3A_58 = arith.constant 0 : i32
    %cond3A_59 = arith.cmpi ne, %convert_element_type3A_56, %cond3A_58 : i32
    scf.if %cond3A_59 {
      %dma_start3A_309 = arith.constant 0 : i32
      %dma_start3A_310 = tpu.memref_slice %arg12[%cond3A_57, %dma_start3A_309] : memref<64x80xi32, #tpu.memory_space<vmem>> -> memref<1x80xi32, #tpu.memory_space<vmem>>
      %dma_start3A_311 = tpu.memref_squeeze %dma_start3A_310 : memref<1x80xi32, #tpu.memory_space<vmem>> -> memref<80xi32, #tpu.memory_space<vmem>>
      %dma_start3A_312 = arith.constant 0 : i32
      %dma_start3A_313 = arith.constant 0 : i32
      %dma_start3A_314 = tpu.memref_slice %arg3[%dma_start3A_312, %dma_start3A_313] : memref<10000x128xf32, #tpu.memory_space<hbm>> -> memref<10000x128xf32, #tpu.memory_space<hbm>>
      tpu.enqueue_indirect_dma source(%dma_start3A_314 : memref<10000x128xf32, #tpu.memory_space<hbm>>) target(%arg11 : memref<80x128xf32, #tpu.memory_space<vmem>>) offsets(%dma_start3A_311 : memref<80xi32, #tpu.memory_space<vmem>>) semaphore(%arg16 : memref<!tpu.dma_semaphore, #tpu.memory_space<semaphore_mem>>)
    } else {
    }
    %dma_wait3A = arith.constant 0 : i32
    %dma_wait3A_60 = arith.constant 0 : i32
    %dma_wait3A_61 = tpu.memref_slice %arg12[%dma_wait3A, %dma_wait3A_60] : memref<64x80xi32, #tpu.memory_space<vmem>> -> memref<1x80xi32, #tpu.memory_space<vmem>>
    %dma_wait3A_62 = tpu.memref_squeeze %dma_wait3A_61 : memref<1x80xi32, #tpu.memory_space<vmem>> -> memref<80xi32, #tpu.memory_space<vmem>>
    %dma_wait3A_63 = arith.constant 0 : i32
    %dma_wait3A_64 = arith.constant 0 : i32
    %dma_wait3A_65 = tpu.memref_slice %arg2[%dma_wait3A_63, %dma_wait3A_64] : memref<10000x128xf32, #tpu.memory_space<hbm>> -> memref<10000x128xf32, #tpu.memory_space<hbm>>
    tpu.wait_indirect_dma semaphore(%arg14 : memref<!tpu.dma_semaphore, #tpu.memory_space<semaphore_mem>>) src(%dma_wait3A_65 : memref<10000x128xf32, #tpu.memory_space<hbm>>) dst(%arg9 : memref<80x128xf32, #tpu.memory_space<vmem>>)
    %dma_start3A = arith.constant 0 : i32
    %dma_start3A_66 = arith.constant 0 : i32
    %dma_start3A_67 = tpu.memref_slice %arg13[%dma_start3A, %dma_start3A_66] : memref<64x80xi32, #tpu.memory_space<vmem>> -> memref<1x80xi32, #tpu.memory_space<vmem>>
    %dma_start3A_68 = tpu.memref_squeeze %dma_start3A_67 : memref<1x80xi32, #tpu.memory_space<vmem>> -> memref<80xi32, #tpu.memory_space<vmem>>
    %dma_start3A_69 = arith.constant 0 : i32
    %dma_start3A_70 = arith.constant 0 : i32
    %dma_start3A_71 = tpu.memref_slice %arg8[%dma_start3A_69, %dma_start3A_70] : memref<10000x128xf32, #tpu.memory_space<vmem_shared>> -> memref<10000x128xf32, #tpu.memory_space<vmem_shared>>
    tpu.enqueue_indirect_dma source(%arg9 : memref<80x128xf32, #tpu.memory_space<vmem>>) target(%dma_start3A_71 : memref<10000x128xf32, #tpu.memory_space<vmem_shared>>) offsets(%dma_start3A_68 : memref<80xi32, #tpu.memory_space<vmem>>) semaphore(%arg17 : memref<!tpu.dma_semaphore, #tpu.memory_space<semaphore_mem>>) {add = true}
    %scan3A_72 = arith.constant 0 : i32
    %scan3A_73 = arith.constant 0 : i32
    %scan3A_74 = arith.constant 20 : i32
    %scan3A_75 = arith.addi %scan3A_73, %scan3A_74 : i32
    %scan3A_76 = arith.constant 1 : i32
    scf.for %scan3A_309 = %scan3A_73 to %scan3A_75 step %scan3A_76  : i32 {
      %mul3A_310 = arith.constant 3 : i32
      %mul3A_311 = arith.muli %mul3A_310, %scan3A_309 : i32
      %add3A_312 = arith.constant 1 : i32
      %add3A_313 = arith.addi %mul3A_311, %add3A_312 : i32
      %dma_wait3A_314 = arith.constant 0 : i32
      %dma_wait3A_315 = arith.constant 0 : i32
      %dma_wait3A_316 = tpu.memref_slice %arg12[%dma_wait3A_314, %dma_wait3A_315] : memref<64x80xi32, #tpu.memory_space<vmem>> -> memref<1x80xi32, #tpu.memory_space<vmem>>
      %dma_wait3A_317 = tpu.memref_squeeze %dma_wait3A_316 : memref<1x80xi32, #tpu.memory_space<vmem>> -> memref<80xi32, #tpu.memory_space<vmem>>
      %dma_wait3A_318 = arith.constant 0 : i32
      %dma_wait3A_319 = arith.constant 0 : i32
      %dma_wait3A_320 = tpu.memref_slice %arg2[%dma_wait3A_318, %dma_wait3A_319] : memref<10000x128xf32, #tpu.memory_space<hbm>> -> memref<10000x128xf32, #tpu.memory_space<hbm>>
      tpu.wait_indirect_dma semaphore(%arg15 : memref<!tpu.dma_semaphore, #tpu.memory_space<semaphore_mem>>) src(%dma_wait3A_320 : memref<10000x128xf32, #tpu.memory_space<hbm>>) dst(%arg10 : memref<80x128xf32, #tpu.memory_space<vmem>>)
      %dma_start3A_321 = arith.constant 0 : i32
      %dma_start3A_322 = tpu.memref_slice %arg13[%add3A_313, %dma_start3A_321] : memref<64x80xi32, #tpu.memory_space<vmem>> -> memref<1x80xi32, #tpu.memory_space<vmem>>
      %dma_start3A_323 = tpu.memref_squeeze %dma_start3A_322 : memref<1x80xi32, #tpu.memory_space<vmem>> -> memref<80xi32, #tpu.memory_space<vmem>>
      %dma_start3A_324 = arith.constant 0 : i32
      %dma_start3A_325 = arith.constant 0 : i32
      %dma_start3A_326 = tpu.memref_slice %arg8[%dma_start3A_324, %dma_start3A_325] : memref<10000x128xf32, #tpu.memory_space<vmem_shared>> -> memref<10000x128xf32, #tpu.memory_space<vmem_shared>>
      tpu.enqueue_indirect_dma source(%arg10 : memref<80x128xf32, #tpu.memory_space<vmem>>) target(%dma_start3A_326 : memref<10000x128xf32, #tpu.memory_space<vmem_shared>>) offsets(%dma_start3A_323 : memref<80xi32, #tpu.memory_space<vmem>>) semaphore(%arg18 : memref<!tpu.dma_semaphore, #tpu.memory_space<semaphore_mem>>) {add = true}
      %dma_wait3A_327 = arith.constant 0 : i32
      %dma_wait3A_328 = arith.constant 0 : i32
      %dma_wait3A_329 = tpu.memref_slice %arg13[%dma_wait3A_327, %dma_wait3A_328] : memref<64x80xi32, #tpu.memory_space<vmem>> -> memref<1x80xi32, #tpu.memory_space<vmem>>
      %dma_wait3A_330 = tpu.memref_squeeze %dma_wait3A_329 : memref<1x80xi32, #tpu.memory_space<vmem>> -> memref<80xi32, #tpu.memory_space<vmem>>
      %dma_wait3A_331 = arith.constant 0 : i32
      %dma_wait3A_332 = arith.constant 0 : i32
      %dma_wait3A_333 = tpu.memref_slice %arg8[%dma_wait3A_331, %dma_wait3A_332] : memref<10000x128xf32, #tpu.memory_space<vmem_shared>> -> memref<10000x128xf32, #tpu.memory_space<vmem_shared>>
      tpu.wait_indirect_dma semaphore(%arg17 : memref<!tpu.dma_semaphore, #tpu.memory_space<semaphore_mem>>) src(%arg9 : memref<80x128xf32, #tpu.memory_space<vmem>>) dst(%dma_wait3A_333 : memref<10000x128xf32, #tpu.memory_space<vmem_shared>>)
      %add3A_334 = arith.constant 2 : i32
      %add3A_335 = arith.addi %add3A_313, %add3A_334 : i32
      %eq3A_336 = arith.constant 0 : i32
      %eq3A_337 = arith.cmpi eq, %arg0, %eq3A_336 : i32
      %convert_element_type3A_338 = arith.extui %eq3A_337 : i1 to i32
      %cond3A_339 = arith.constant 0 : i32
      %cond3A_340 = arith.cmpi ne, %convert_element_type3A_338, %cond3A_339 : i32
      scf.if %cond3A_340 {
        %dma_start3A_414 = arith.constant 0 : i32
        %dma_start3A_415 = tpu.memref_slice %arg12[%add3A_335, %dma_start3A_414] : memref<64x80xi32, #tpu.memory_space<vmem>> -> memref<1x80xi32, #tpu.memory_space<vmem>>
        %dma_start3A_416 = tpu.memref_squeeze %dma_start3A_415 : memref<1x80xi32, #tpu.memory_space<vmem>> -> memref<80xi32, #tpu.memory_space<vmem>>
        %dma_start3A_417 = arith.constant 0 : i32
        %dma_start3A_418 = arith.constant 0 : i32
        %dma_start3A_419 = tpu.memref_slice %arg2[%dma_start3A_417, %dma_start3A_418] : memref<10000x128xf32, #tpu.memory_space<hbm>> -> memref<10000x128xf32, #tpu.memory_space<hbm>>
        tpu.enqueue_indirect_dma source(%dma_start3A_419 : memref<10000x128xf32, #tpu.memory_space<hbm>>) target(%arg9 : memref<80x128xf32, #tpu.memory_space<vmem>>) offsets(%dma_start3A_416 : memref<80xi32, #tpu.memory_space<vmem>>) semaphore(%arg14 : memref<!tpu.dma_semaphore, #tpu.memory_space<semaphore_mem>>)
      } else {
      }
      %eq3A_341 = arith.constant 1 : i32
      %eq3A_342 = arith.cmpi eq, %arg0, %eq3A_341 : i32
      %convert_element_type3A_343 = arith.extui %eq3A_342 : i1 to i32
      %cond3A_344 = arith.constant 0 : i32
      %cond3A_345 = arith.cmpi ne, %convert_element_type3A_343, %cond3A_344 : i32
      scf.if %cond3A_345 {
        %dma_start3A_414 = arith.constant 0 : i32
        %dma_start3A_415 = tpu.memref_slice %arg12[%add3A_335, %dma_start3A_414] : memref<64x80xi32, #tpu.memory_space<vmem>> -> memref<1x80xi32, #tpu.memory_space<vmem>>
        %dma_start3A_416 = tpu.memref_squeeze %dma_start3A_415 : memref<1x80xi32, #tpu.memory_space<vmem>> -> memref<80xi32, #tpu.memory_space<vmem>>
        %dma_start3A_417 = arith.constant 0 : i32
        %dma_start3A_418 = arith.constant 0 : i32
        %dma_start3A_419 = tpu.memref_slice %arg3[%dma_start3A_417, %dma_start3A_418] : memref<10000x128xf32, #tpu.memory_space<hbm>> -> memref<10000x128xf32, #tpu.memory_space<hbm>>
        tpu.enqueue_indirect_dma source(%dma_start3A_419 : memref<10000x128xf32, #tpu.memory_space<hbm>>) target(%arg9 : memref<80x128xf32, #tpu.memory_space<vmem>>) offsets(%dma_start3A_416 : memref<80xi32, #tpu.memory_space<vmem>>) semaphore(%arg14 : memref<!tpu.dma_semaphore, #tpu.memory_space<semaphore_mem>>)
      } else {
      }
      %add3A_346 = arith.constant 2 : i32
      %add3A_347 = arith.addi %mul3A_311, %add3A_346 : i32
      %dma_wait3A_348 = arith.constant 0 : i32
      %dma_wait3A_349 = arith.constant 0 : i32
      %dma_wait3A_350 = tpu.memref_slice %arg12[%dma_wait3A_348, %dma_wait3A_349] : memref<64x80xi32, #tpu.memory_space<vmem>> -> memref<1x80xi32, #tpu.memory_space<vmem>>
      %dma_wait3A_351 = tpu.memref_squeeze %dma_wait3A_350 : memref<1x80xi32, #tpu.memory_space<vmem>> -> memref<80xi32, #tpu.memory_space<vmem>>
      %dma_wait3A_352 = arith.constant 0 : i32
      %dma_wait3A_353 = arith.constant 0 : i32
      %dma_wait3A_354 = tpu.memref_slice %arg2[%dma_wait3A_352, %dma_wait3A_353] : memref<10000x128xf32, #tpu.memory_space<hbm>> -> memref<10000x128xf32, #tpu.memory_space<hbm>>
      tpu.wait_indirect_dma semaphore(%arg16 : memref<!tpu.dma_semaphore, #tpu.memory_space<semaphore_mem>>) src(%dma_wait3A_354 : memref<10000x128xf32, #tpu.memory_space<hbm>>) dst(%arg11 : memref<80x128xf32, #tpu.memory_space<vmem>>)
      %dma_start3A_355 = arith.constant 0 : i32
      %dma_start3A_356 = tpu.memref_slice %arg13[%add3A_347, %dma_start3A_355] : memref<64x80xi32, #tpu.memory_space<vmem>> -> memref<1x80xi32, #tpu.memory_space<vmem>>
      %dma_start3A_357 = tpu.memref_squeeze %dma_start3A_356 : memref<1x80xi32, #tpu.memory_space<vmem>> -> memref<80xi32, #tpu.memory_space<vmem>>
      %dma_start3A_358 = arith.constant 0 : i32
      %dma_start3A_359 = arith.constant 0 : i32
      %dma_start3A_360 = tpu.memref_slice %arg8[%dma_start3A_358, %dma_start3A_359] : memref<10000x128xf32, #tpu.memory_space<vmem_shared>> -> memref<10000x128xf32, #tpu.memory_space<vmem_shared>>
      tpu.enqueue_indirect_dma source(%arg11 : memref<80x128xf32, #tpu.memory_space<vmem>>) target(%dma_start3A_360 : memref<10000x128xf32, #tpu.memory_space<vmem_shared>>) offsets(%dma_start3A_357 : memref<80xi32, #tpu.memory_space<vmem>>) semaphore(%arg19 : memref<!tpu.dma_semaphore, #tpu.memory_space<semaphore_mem>>) {add = true}
      %dma_wait3A_361 = arith.constant 0 : i32
      %dma_wait3A_362 = arith.constant 0 : i32
      %dma_wait3A_363 = tpu.memref_slice %arg13[%dma_wait3A_361, %dma_wait3A_362] : memref<64x80xi32, #tpu.memory_space<vmem>> -> memref<1x80xi32, #tpu.memory_space<vmem>>
      %dma_wait3A_364 = tpu.memref_squeeze %dma_wait3A_363 : memref<1x80xi32, #tpu.memory_space<vmem>> -> memref<80xi32, #tpu.memory_space<vmem>>
      %dma_wait3A_365 = arith.constant 0 : i32
      %dma_wait3A_366 = arith.constant 0 : i32
      %dma_wait3A_367 = tpu.memref_slice %arg8[%dma_wait3A_365, %dma_wait3A_366] : memref<10000x128xf32, #tpu.memory_space<vmem_shared>> -> memref<10000x128xf32, #tpu.memory_space<vmem_shared>>
      tpu.wait_indirect_dma semaphore(%arg18 : memref<!tpu.dma_semaphore, #tpu.memory_space<semaphore_mem>>) src(%arg10 : memref<80x128xf32, #tpu.memory_space<vmem>>) dst(%dma_wait3A_367 : memref<10000x128xf32, #tpu.memory_space<vmem_shared>>)
      %add3A_368 = arith.constant 2 : i32
      %add3A_369 = arith.addi %add3A_347, %add3A_368 : i32
      %eq3A_370 = arith.constant 0 : i32
      %eq3A_371 = arith.cmpi eq, %arg0, %eq3A_370 : i32
      %convert_element_type3A_372 = arith.extui %eq3A_371 : i1 to i32
      %cond3A_373 = arith.constant 0 : i32
      %cond3A_374 = arith.cmpi ne, %convert_element_type3A_372, %cond3A_373 : i32
      scf.if %cond3A_374 {
        %dma_start3A_414 = arith.constant 0 : i32
        %dma_start3A_415 = tpu.memref_slice %arg12[%add3A_369, %dma_start3A_414] : memref<64x80xi32, #tpu.memory_space<vmem>> -> memref<1x80xi32, #tpu.memory_space<vmem>>
        %dma_start3A_416 = tpu.memref_squeeze %dma_start3A_415 : memref<1x80xi32, #tpu.memory_space<vmem>> -> memref<80xi32, #tpu.memory_space<vmem>>
        %dma_start3A_417 = arith.constant 0 : i32
        %dma_start3A_418 = arith.constant 0 : i32
        %dma_start3A_419 = tpu.memref_slice %arg2[%dma_start3A_417, %dma_start3A_418] : memref<10000x128xf32, #tpu.memory_space<hbm>> -> memref<10000x128xf32, #tpu.memory_space<hbm>>
        tpu.enqueue_indirect_dma source(%dma_start3A_419 : memref<10000x128xf32, #tpu.memory_space<hbm>>) target(%arg10 : memref<80x128xf32, #tpu.memory_space<vmem>>) offsets(%dma_start3A_416 : memref<80xi32, #tpu.memory_space<vmem>>) semaphore(%arg15 : memref<!tpu.dma_semaphore, #tpu.memory_space<semaphore_mem>>)
      } else {
      }
      %eq3A_375 = arith.constant 1 : i32
      %eq3A_376 = arith.cmpi eq, %arg0, %eq3A_375 : i32
      %convert_element_type3A_377 = arith.extui %eq3A_376 : i1 to i32
      %cond3A_378 = arith.constant 0 : i32
      %cond3A_379 = arith.cmpi ne, %convert_element_type3A_377, %cond3A_378 : i32
      scf.if %cond3A_379 {
        %dma_start3A_414 = arith.constant 0 : i32
        %dma_start3A_415 = tpu.memref_slice %arg12[%add3A_369, %dma_start3A_414] : memref<64x80xi32, #tpu.memory_space<vmem>> -> memref<1x80xi32, #tpu.memory_space<vmem>>
        %dma_start3A_416 = tpu.memref_squeeze %dma_start3A_415 : memref<1x80xi32, #tpu.memory_space<vmem>> -> memref<80xi32, #tpu.memory_space<vmem>>
        %dma_start3A_417 = arith.constant 0 : i32
        %dma_start3A_418 = arith.constant 0 : i32
        %dma_start3A_419 = tpu.memref_slice %arg3[%dma_start3A_417, %dma_start3A_418] : memref<10000x128xf32, #tpu.memory_space<hbm>> -> memref<10000x128xf32, #tpu.memory_space<hbm>>
        tpu.enqueue_indirect_dma source(%dma_start3A_419 : memref<10000x128xf32, #tpu.memory_space<hbm>>) target(%arg10 : memref<80x128xf32, #tpu.memory_space<vmem>>) offsets(%dma_start3A_416 : memref<80xi32, #tpu.memory_space<vmem>>) semaphore(%arg15 : memref<!tpu.dma_semaphore, #tpu.memory_space<semaphore_mem>>)
      } else {
      }
      %add3A_380 = arith.constant 3 : i32
      %add3A_381 = arith.addi %mul3A_311, %add3A_380 : i32
      %dma_wait3A_382 = arith.constant 0 : i32
      %dma_wait3A_383 = arith.constant 0 : i32
      %dma_wait3A_384 = tpu.memref_slice %arg12[%dma_wait3A_382, %dma_wait3A_383] : memref<64x80xi32, #tpu.memory_space<vmem>> -> memref<1x80xi32, #tpu.memory_space<vmem>>
      %dma_wait3A_385 = tpu.memref_squeeze %dma_wait3A_384 : memref<1x80xi32, #tpu.memory_space<vmem>> -> memref<80xi32, #tpu.memory_space<vmem>>
      %dma_wait3A_386 = arith.constant 0 : i32
      %dma_wait3A_387 = arith.constant 0 : i32
      %dma_wait3A_388 = tpu.memref_slice %arg2[%dma_wait3A_386, %dma_wait3A_387] : memref<10000x128xf32, #tpu.memory_space<hbm>> -> memref<10000x128xf32, #tpu.memory_space<hbm>>
      tpu.wait_indirect_dma semaphore(%arg14 : memref<!tpu.dma_semaphore, #tpu.memory_space<semaphore_mem>>) src(%dma_wait3A_388 : memref<10000x128xf32, #tpu.memory_space<hbm>>) dst(%arg9 : memref<80x128xf32, #tpu.memory_space<vmem>>)
      %dma_start3A_389 = arith.constant 0 : i32
      %dma_start3A_390 = tpu.memref_slice %arg13[%add3A_381, %dma_start3A_389] : memref<64x80xi32, #tpu.memory_space<vmem>> -> memref<1x80xi32, #tpu.memory_space<vmem>>
      %dma_start3A_391 = tpu.memref_squeeze %dma_start3A_390 : memref<1x80xi32, #tpu.memory_space<vmem>> -> memref<80xi32, #tpu.memory_space<vmem>>
      %dma_start3A_392 = arith.constant 0 : i32
      %dma_start3A_393 = arith.constant 0 : i32
      %dma_start3A_394 = tpu.memref_slice %arg8[%dma_start3A_392, %dma_start3A_393] : memref<10000x128xf32, #tpu.memory_space<vmem_shared>> -> memref<10000x128xf32, #tpu.memory_space<vmem_shared>>
      tpu.enqueue_indirect_dma source(%arg9 : memref<80x128xf32, #tpu.memory_space<vmem>>) target(%dma_start3A_394 : memref<10000x128xf32, #tpu.memory_space<vmem_shared>>) offsets(%dma_start3A_391 : memref<80xi32, #tpu.memory_space<vmem>>) semaphore(%arg17 : memref<!tpu.dma_semaphore, #tpu.memory_space<semaphore_mem>>) {add = true}
      %dma_wait3A_395 = arith.constant 0 : i32
      %dma_wait3A_396 = arith.constant 0 : i32
      %dma_wait3A_397 = tpu.memref_slice %arg13[%dma_wait3A_395, %dma_wait3A_396] : memref<64x80xi32, #tpu.memory_space<vmem>> -> memref<1x80xi32, #tpu.memory_space<vmem>>
      %dma_wait3A_398 = tpu.memref_squeeze %dma_wait3A_397 : memref<1x80xi32, #tpu.memory_space<vmem>> -> memref<80xi32, #tpu.memory_space<vmem>>
      %dma_wait3A_399 = arith.constant 0 : i32
      %dma_wait3A_400 = arith.constant 0 : i32
      %dma_wait3A_401 = tpu.memref_slice %arg8[%dma_wait3A_399, %dma_wait3A_400] : memref<10000x128xf32, #tpu.memory_space<vmem_shared>> -> memref<10000x128xf32, #tpu.memory_space<vmem_shared>>
      tpu.wait_indirect_dma semaphore(%arg19 : memref<!tpu.dma_semaphore, #tpu.memory_space<semaphore_mem>>) src(%arg11 : memref<80x128xf32, #tpu.memory_space<vmem>>) dst(%dma_wait3A_401 : memref<10000x128xf32, #tpu.memory_space<vmem_shared>>)
      %add3A_402 = arith.constant 2 : i32
      %add3A_403 = arith.addi %add3A_381, %add3A_402 : i32
      %eq3A_404 = arith.constant 0 : i32
      %eq3A_405 = arith.cmpi eq, %arg0, %eq3A_404 : i32
      %convert_element_type3A_406 = arith.extui %eq3A_405 : i1 to i32
      %cond3A_407 = arith.constant 0 : i32
      %cond3A_408 = arith.cmpi ne, %convert_element_type3A_406, %cond3A_407 : i32
      scf.if %cond3A_408 {
        %dma_start3A_414 = arith.constant 0 : i32
        %dma_start3A_415 = tpu.memref_slice %arg12[%add3A_403, %dma_start3A_414] : memref<64x80xi32, #tpu.memory_space<vmem>> -> memref<1x80xi32, #tpu.memory_space<vmem>>
        %dma_start3A_416 = tpu.memref_squeeze %dma_start3A_415 : memref<1x80xi32, #tpu.memory_space<vmem>> -> memref<80xi32, #tpu.memory_space<vmem>>
        %dma_start3A_417 = arith.constant 0 : i32
        %dma_start3A_418 = arith.constant 0 : i32
        %dma_start3A_419 = tpu.memref_slice %arg2[%dma_start3A_417, %dma_start3A_418] : memref<10000x128xf32, #tpu.memory_space<hbm>> -> memref<10000x128xf32, #tpu.memory_space<hbm>>
        tpu.enqueue_indirect_dma source(%dma_start3A_419 : memref<10000x128xf32, #tpu.memory_space<hbm>>) target(%arg11 : memref<80x128xf32, #tpu.memory_space<vmem>>) offsets(%dma_start3A_416 : memref<80xi32, #tpu.memory_space<vmem>>) semaphore(%arg16 : memref<!tpu.dma_semaphore, #tpu.memory_space<semaphore_mem>>)
      } else {
      }
      %eq3A_409 = arith.constant 1 : i32
      %eq3A_410 = arith.cmpi eq, %arg0, %eq3A_409 : i32
      %convert_element_type3A_411 = arith.extui %eq3A_410 : i1 to i32
      %cond3A_412 = arith.constant 0 : i32
      %cond3A_413 = arith.cmpi ne, %convert_element_type3A_411, %cond3A_412 : i32
      scf.if %cond3A_413 {
        %dma_start3A_414 = arith.constant 0 : i32
        %dma_start3A_415 = tpu.memref_slice %arg12[%add3A_403, %dma_start3A_414] : memref<64x80xi32, #tpu.memory_space<vmem>> -> memref<1x80xi32, #tpu.memory_space<vmem>>
        %dma_start3A_416 = tpu.memref_squeeze %dma_start3A_415 : memref<1x80xi32, #tpu.memory_space<vmem>> -> memref<80xi32, #tpu.memory_space<vmem>>
        %dma_start3A_417 = arith.constant 0 : i32
        %dma_start3A_418 = arith.constant 0 : i32
        %dma_start3A_419 = tpu.memref_slice %arg3[%dma_start3A_417, %dma_start3A_418] : memref<10000x128xf32, #tpu.memory_space<hbm>> -> memref<10000x128xf32, #tpu.memory_space<hbm>>
        tpu.enqueue_indirect_dma source(%dma_start3A_419 : memref<10000x128xf32, #tpu.memory_space<hbm>>) target(%arg11 : memref<80x128xf32, #tpu.memory_space<vmem>>) offsets(%dma_start3A_416 : memref<80xi32, #tpu.memory_space<vmem>>) semaphore(%arg16 : memref<!tpu.dma_semaphore, #tpu.memory_space<semaphore_mem>>)
      } else {
      }
    }
    %scan3A_77 = arith.constant 20 : i32
    %dma_wait3A_78 = arith.constant 0 : i32
    %dma_wait3A_79 = arith.constant 0 : i32
    %dma_wait3A_80 = tpu.memref_slice %arg12[%dma_wait3A_78, %dma_wait3A_79] : memref<64x80xi32, #tpu.memory_space<vmem>> -> memref<1x80xi32, #tpu.memory_space<vmem>>
    %dma_wait3A_81 = tpu.memref_squeeze %dma_wait3A_80 : memref<1x80xi32, #tpu.memory_space<vmem>> -> memref<80xi32, #tpu.memory_space<vmem>>
    %dma_wait3A_82 = arith.constant 0 : i32
    %dma_wait3A_83 = arith.constant 0 : i32
    %dma_wait3A_84 = tpu.memref_slice %arg2[%dma_wait3A_82, %dma_wait3A_83] : memref<10000x128xf32, #tpu.memory_space<hbm>> -> memref<10000x128xf32, #tpu.memory_space<hbm>>
    tpu.wait_indirect_dma semaphore(%arg15 : memref<!tpu.dma_semaphore, #tpu.memory_space<semaphore_mem>>) src(%dma_wait3A_84 : memref<10000x128xf32, #tpu.memory_space<hbm>>) dst(%arg10 : memref<80x128xf32, #tpu.memory_space<vmem>>)
    %dma_start3A_85 = arith.constant 61 : i32
    %dma_start3A_86 = arith.constant 0 : i32
    %dma_start3A_87 = tpu.memref_slice %arg13[%dma_start3A_85, %dma_start3A_86] : memref<64x80xi32, #tpu.memory_space<vmem>> -> memref<1x80xi32, #tpu.memory_space<vmem>>
    %dma_start3A_88 = tpu.memref_squeeze %dma_start3A_87 : memref<1x80xi32, #tpu.memory_space<vmem>> -> memref<80xi32, #tpu.memory_space<vmem>>
    %dma_start3A_89 = arith.constant 0 : i32
    %dma_start3A_90 = arith.constant 0 : i32
    %dma_start3A_91 = tpu.memref_slice %arg8[%dma_start3A_89, %dma_start3A_90] : memref<10000x128xf32, #tpu.memory_space<vmem_shared>> -> memref<10000x128xf32, #tpu.memory_space<vmem_shared>>
    tpu.enqueue_indirect_dma source(%arg10 : memref<80x128xf32, #tpu.memory_space<vmem>>) target(%dma_start3A_91 : memref<10000x128xf32, #tpu.memory_space<vmem_shared>>) offsets(%dma_start3A_88 : memref<80xi32, #tpu.memory_space<vmem>>) semaphore(%arg18 : memref<!tpu.dma_semaphore, #tpu.memory_space<semaphore_mem>>) {add = true}
    %dma_wait3A_92 = arith.constant 0 : i32
    %dma_wait3A_93 = arith.constant 0 : i32
    %dma_wait3A_94 = tpu.memref_slice %arg13[%dma_wait3A_92, %dma_wait3A_93] : memref<64x80xi32, #tpu.memory_space<vmem>> -> memref<1x80xi32, #tpu.memory_space<vmem>>
    %dma_wait3A_95 = tpu.memref_squeeze %dma_wait3A_94 : memref<1x80xi32, #tpu.memory_space<vmem>> -> memref<80xi32, #tpu.memory_space<vmem>>
    %dma_wait3A_96 = arith.constant 0 : i32
    %dma_wait3A_97 = arith.constant 0 : i32
    %dma_wait3A_98 = tpu.memref_slice %arg8[%dma_wait3A_96, %dma_wait3A_97] : memref<10000x128xf32, #tpu.memory_space<vmem_shared>> -> memref<10000x128xf32, #tpu.memory_space<vmem_shared>>
    tpu.wait_indirect_dma semaphore(%arg17 : memref<!tpu.dma_semaphore, #tpu.memory_space<semaphore_mem>>) src(%arg9 : memref<80x128xf32, #tpu.memory_space<vmem>>) dst(%dma_wait3A_98 : memref<10000x128xf32, #tpu.memory_space<vmem_shared>>)
    %eq3A_99 = arith.constant 0 : i32
    %eq3A_100 = arith.cmpi eq, %arg0, %eq3A_99 : i32
    %convert_element_type3A_101 = arith.extui %eq3A_100 : i1 to i32
    %cond3A_102 = arith.constant 63 : i32
    %cond3A_103 = arith.constant 0 : i32
    %cond3A_104 = arith.cmpi ne, %convert_element_type3A_101, %cond3A_103 : i32
    scf.if %cond3A_104 {
      %dma_start3A_309 = arith.constant 0 : i32
      %dma_start3A_310 = tpu.memref_slice %arg12[%cond3A_102, %dma_start3A_309] : memref<64x80xi32, #tpu.memory_space<vmem>> -> memref<1x80xi32, #tpu.memory_space<vmem>>
      %dma_start3A_311 = tpu.memref_squeeze %dma_start3A_310 : memref<1x80xi32, #tpu.memory_space<vmem>> -> memref<80xi32, #tpu.memory_space<vmem>>
      %dma_start3A_312 = arith.constant 0 : i32
      %dma_start3A_313 = arith.constant 0 : i32
      %dma_start3A_314 = tpu.memref_slice %arg2[%dma_start3A_312, %dma_start3A_313] : memref<10000x128xf32, #tpu.memory_space<hbm>> -> memref<10000x128xf32, #tpu.memory_space<hbm>>
      tpu.enqueue_indirect_dma source(%dma_start3A_314 : memref<10000x128xf32, #tpu.memory_space<hbm>>) target(%arg9 : memref<80x128xf32, #tpu.memory_space<vmem>>) offsets(%dma_start3A_311 : memref<80xi32, #tpu.memory_space<vmem>>) semaphore(%arg14 : memref<!tpu.dma_semaphore, #tpu.memory_space<semaphore_mem>>)
    } else {
    }
    %eq3A_105 = arith.constant 1 : i32
    %eq3A_106 = arith.cmpi eq, %arg0, %eq3A_105 : i32
    %convert_element_type3A_107 = arith.extui %eq3A_106 : i1 to i32
    %cond3A_108 = arith.constant 63 : i32
    %cond3A_109 = arith.constant 0 : i32
    %cond3A_110 = arith.cmpi ne, %convert_element_type3A_107, %cond3A_109 : i32
    scf.if %cond3A_110 {
      %dma_start3A_309 = arith.constant 0 : i32
      %dma_start3A_310 = tpu.memref_slice %arg12[%cond3A_108, %dma_start3A_309] : memref<64x80xi32, #tpu.memory_space<vmem>> -> memref<1x80xi32, #tpu.memory_space<vmem>>
      %dma_start3A_311 = tpu.memref_squeeze %dma_start3A_310 : memref<1x80xi32, #tpu.memory_space<vmem>> -> memref<80xi32, #tpu.memory_space<vmem>>
      %dma_start3A_312 = arith.constant 0 : i32
      %dma_start3A_313 = arith.constant 0 : i32
      %dma_start3A_314 = tpu.memref_slice %arg3[%dma_start3A_312, %dma_start3A_313] : memref<10000x128xf32, #tpu.memory_space<hbm>> -> memref<10000x128xf32, #tpu.memory_space<hbm>>
      tpu.enqueue_indirect_dma source(%dma_start3A_314 : memref<10000x128xf32, #tpu.memory_space<hbm>>) target(%arg9 : memref<80x128xf32, #tpu.memory_space<vmem>>) offsets(%dma_start3A_311 : memref<80xi32, #tpu.memory_space<vmem>>) semaphore(%arg14 : memref<!tpu.dma_semaphore, #tpu.memory_space<semaphore_mem>>)
    } else {
    }
    %dma_wait3A_111 = arith.constant 0 : i32
    %dma_wait3A_112 = arith.constant 0 : i32
    %dma_wait3A_113 = tpu.memref_slice %arg12[%dma_wait3A_111, %dma_wait3A_112] : memref<64x80xi32, #tpu.memory_space<vmem>> -> memref<1x80xi32, #tpu.memory_space<vmem>>
    %dma_wait3A_114 = tpu.memref_squeeze %dma_wait3A_113 : memref<1x80xi32, #tpu.memory_space<vmem>> -> memref<80xi32, #tpu.memory_space<vmem>>
    %dma_wait3A_115 = arith.constant 0 : i32
    %dma_wait3A_116 = arith.constant 0 : i32
    %dma_wait3A_117 = tpu.memref_slice %arg2[%dma_wait3A_115, %dma_wait3A_116] : memref<10000x128xf32, #tpu.memory_space<hbm>> -> memref<10000x128xf32, #tpu.memory_space<hbm>>
    tpu.wait_indirect_dma semaphore(%arg16 : memref<!tpu.dma_semaphore, #tpu.memory_space<semaphore_mem>>) src(%dma_wait3A_117 : memref<10000x128xf32, #tpu.memory_space<hbm>>) dst(%arg11 : memref<80x128xf32, #tpu.memory_space<vmem>>)
    %dma_start3A_118 = arith.constant 62 : i32
    %dma_start3A_119 = arith.constant 0 : i32
    %dma_start3A_120 = tpu.memref_slice %arg13[%dma_start3A_118, %dma_start3A_119] : memref<64x80xi32, #tpu.memory_space<vmem>> -> memref<1x80xi32, #tpu.memory_space<vmem>>
    %dma_start3A_121 = tpu.memref_squeeze %dma_start3A_120 : memref<1x80xi32, #tpu.memory_space<vmem>> -> memref<80xi32, #tpu.memory_space<vmem>>
    %dma_start3A_122 = arith.constant 0 : i32
    %dma_start3A_123 = arith.constant 0 : i32
    %dma_start3A_124 = tpu.memref_slice %arg8[%dma_start3A_122, %dma_start3A_123] : memref<10000x128xf32, #tpu.memory_space<vmem_shared>> -> memref<10000x128xf32, #tpu.memory_space<vmem_shared>>
    tpu.enqueue_indirect_dma source(%arg11 : memref<80x128xf32, #tpu.memory_space<vmem>>) target(%dma_start3A_124 : memref<10000x128xf32, #tpu.memory_space<vmem_shared>>) offsets(%dma_start3A_121 : memref<80xi32, #tpu.memory_space<vmem>>) semaphore(%arg19 : memref<!tpu.dma_semaphore, #tpu.memory_space<semaphore_mem>>) {add = true}
    %dma_wait3A_125 = arith.constant 0 : i32
    %dma_wait3A_126 = arith.constant 0 : i32
    %dma_wait3A_127 = tpu.memref_slice %arg12[%dma_wait3A_125, %dma_wait3A_126] : memref<64x80xi32, #tpu.memory_space<vmem>> -> memref<1x80xi32, #tpu.memory_space<vmem>>
    %dma_wait3A_128 = tpu.memref_squeeze %dma_wait3A_127 : memref<1x80xi32, #tpu.memory_space<vmem>> -> memref<80xi32, #tpu.memory_space<vmem>>
    %dma_wait3A_129 = arith.constant 0 : i32
    %dma_wait3A_130 = arith.constant 0 : i32
    %dma_wait3A_131 = tpu.memref_slice %arg2[%dma_wait3A_129, %dma_wait3A_130] : memref<10000x128xf32, #tpu.memory_space<hbm>> -> memref<10000x128xf32, #tpu.memory_space<hbm>>
    tpu.wait_indirect_dma semaphore(%arg14 : memref<!tpu.dma_semaphore, #tpu.memory_space<semaphore_mem>>) src(%dma_wait3A_131 : memref<10000x128xf32, #tpu.memory_space<hbm>>) dst(%arg9 : memref<80x128xf32, #tpu.memory_space<vmem>>)
    %dma_start3A_132 = arith.constant 63 : i32
    %dma_start3A_133 = arith.constant 0 : i32
    %dma_start3A_134 = tpu.memref_slice %arg13[%dma_start3A_132, %dma_start3A_133] : memref<64x80xi32, #tpu.memory_space<vmem>> -> memref<1x80xi32, #tpu.memory_space<vmem>>
    %dma_start3A_135 = tpu.memref_squeeze %dma_start3A_134 : memref<1x80xi32, #tpu.memory_space<vmem>> -> memref<80xi32, #tpu.memory_space<vmem>>
    %dma_start3A_136 = arith.constant 0 : i32
    %dma_start3A_137 = arith.constant 0 : i32
    %dma_start3A_138 = tpu.memref_slice %arg8[%dma_start3A_136, %dma_start3A_137] : memref<10000x128xf32, #tpu.memory_space<vmem_shared>> -> memref<10000x128xf32, #tpu.memory_space<vmem_shared>>
    tpu.enqueue_indirect_dma source(%arg9 : memref<80x128xf32, #tpu.memory_space<vmem>>) target(%dma_start3A_138 : memref<10000x128xf32, #tpu.memory_space<vmem_shared>>) offsets(%dma_start3A_135 : memref<80xi32, #tpu.memory_space<vmem>>) semaphore(%arg17 : memref<!tpu.dma_semaphore, #tpu.memory_space<semaphore_mem>>) {add = true}
    %dma_wait3A_139 = arith.constant 0 : i32
    %dma_wait3A_140 = arith.constant 0 : i32
    %dma_wait3A_141 = tpu.memref_slice %arg13[%dma_wait3A_139, %dma_wait3A_140] : memref<64x80xi32, #tpu.memory_space<vmem>> -> memref<1x80xi32, #tpu.memory_space<vmem>>
    %dma_wait3A_142 = tpu.memref_squeeze %dma_wait3A_141 : memref<1x80xi32, #tpu.memory_space<vmem>> -> memref<80xi32, #tpu.memory_space<vmem>>
    %dma_wait3A_143 = arith.constant 0 : i32
    %dma_wait3A_144 = arith.constant 0 : i32
    %dma_wait3A_145 = tpu.memref_slice %arg8[%dma_wait3A_143, %dma_wait3A_144] : memref<10000x128xf32, #tpu.memory_space<vmem_shared>> -> memref<10000x128xf32, #tpu.memory_space<vmem_shared>>
    tpu.wait_indirect_dma semaphore(%arg17 : memref<!tpu.dma_semaphore, #tpu.memory_space<semaphore_mem>>) src(%arg9 : memref<80x128xf32, #tpu.memory_space<vmem>>) dst(%dma_wait3A_145 : memref<10000x128xf32, #tpu.memory_space<vmem_shared>>)
    %dma_wait3A_146 = arith.constant 0 : i32
    %dma_wait3A_147 = arith.constant 0 : i32
    %dma_wait3A_148 = tpu.memref_slice %arg13[%dma_wait3A_146, %dma_wait3A_147] : memref<64x80xi32, #tpu.memory_space<vmem>> -> memref<1x80xi32, #tpu.memory_space<vmem>>
    %dma_wait3A_149 = tpu.memref_squeeze %dma_wait3A_148 : memref<1x80xi32, #tpu.memory_space<vmem>> -> memref<80xi32, #tpu.memory_space<vmem>>
    %dma_wait3A_150 = arith.constant 0 : i32
    %dma_wait3A_151 = arith.constant 0 : i32
    %dma_wait3A_152 = tpu.memref_slice %arg8[%dma_wait3A_150, %dma_wait3A_151] : memref<10000x128xf32, #tpu.memory_space<vmem_shared>> -> memref<10000x128xf32, #tpu.memory_space<vmem_shared>>
    tpu.wait_indirect_dma semaphore(%arg18 : memref<!tpu.dma_semaphore, #tpu.memory_space<semaphore_mem>>) src(%arg10 : memref<80x128xf32, #tpu.memory_space<vmem>>) dst(%dma_wait3A_152 : memref<10000x128xf32, #tpu.memory_space<vmem_shared>>)
    %dma_wait3A_153 = arith.constant 0 : i32
    %dma_wait3A_154 = arith.constant 0 : i32
    %dma_wait3A_155 = tpu.memref_slice %arg13[%dma_wait3A_153, %dma_wait3A_154] : memref<64x80xi32, #tpu.memory_space<vmem>> -> memref<1x80xi32, #tpu.memory_space<vmem>>
    %dma_wait3A_156 = tpu.memref_squeeze %dma_wait3A_155 : memref<1x80xi32, #tpu.memory_space<vmem>> -> memref<80xi32, #tpu.memory_space<vmem>>
    %dma_wait3A_157 = arith.constant 0 : i32
    %dma_wait3A_158 = arith.constant 0 : i32
    %dma_wait3A_159 = tpu.memref_slice %arg8[%dma_wait3A_157, %dma_wait3A_158] : memref<10000x128xf32, #tpu.memory_space<vmem_shared>> -> memref<10000x128xf32, #tpu.memory_space<vmem_shared>>
    tpu.wait_indirect_dma semaphore(%arg19 : memref<!tpu.dma_semaphore, #tpu.memory_space<semaphore_mem>>) src(%arg11 : memref<80x128xf32, #tpu.memory_space<vmem>>) dst(%dma_wait3A_159 : memref<10000x128xf32, #tpu.memory_space<vmem_shared>>)
    "tpu.region"() ({
      %run_scoped3A = tpu.sem_alloc : memref<!tpu.dma_semaphore, #tpu.memory_space<semaphore_mem>>
      %dma_start3A_309 = arith.constant 0 : i32
      %dma_start3A_310 = arith.constant 0 : i32
      %dma_start3A_311 = tpu.memref_slice %arg12[%dma_start3A_309, %dma_start3A_310] : memref<64x80xi32, #tpu.memory_space<vmem>> -> memref<61x80xi32, #tpu.memory_space<vmem>>
      %dma_start3A_312 = arith.constant 64 : i32
      %dma_start3A_313 = arith.constant 0 : i32
      %dma_start3A_314 = tpu.memref_slice %arg4[%arg1, %dma_start3A_312, %dma_start3A_313] : memref<16x125x80xi32, #tpu.memory_space<hbm>> -> memref<1x61x80xi32, #tpu.memory_space<hbm>>
      %dma_start3A_315 = tpu.memref_squeeze %dma_start3A_314 : memref<1x61x80xi32, #tpu.memory_space<hbm>> -> memref<61x80xi32, #tpu.memory_space<hbm>>
      %dma_start3A_316 = arith.constant 0 : i32
      %dma_start3A_317 = arith.constant 0 : i32
      %dma_start3A_318 = tpu.memref_slice %arg12[%dma_start3A_316, %dma_start3A_317] : memref<64x80xi32, #tpu.memory_space<vmem>> -> memref<61x80xi32, #tpu.memory_space<vmem>>
      %dma_start3A_319 = arith.constant 64 : i32
      %dma_start3A_320 = arith.constant 0 : i32
      %dma_start3A_321 = tpu.memref_slice %arg4[%arg1, %dma_start3A_319, %dma_start3A_320] : memref<16x125x80xi32, #tpu.memory_space<hbm>> -> memref<1x61x80xi32, #tpu.memory_space<hbm>>
      %dma_start3A_322 = tpu.memref_squeeze %dma_start3A_321 : memref<1x61x80xi32, #tpu.memory_space<hbm>> -> memref<61x80xi32, #tpu.memory_space<hbm>>
      tpu.enqueue_dma source(%dma_start3A_322 : memref<61x80xi32, #tpu.memory_space<hbm>>) target(%dma_start3A_318 : memref<61x80xi32, #tpu.memory_space<vmem>>) target_semaphore(%run_scoped3A : memref<!tpu.dma_semaphore, #tpu.memory_space<semaphore_mem>>)
      %dma_wait3A_323 = arith.constant 0 : i32
      %dma_wait3A_324 = arith.constant 0 : i32
      %dma_wait3A_325 = tpu.memref_slice %arg12[%dma_wait3A_323, %dma_wait3A_324] : memref<64x80xi32, #tpu.memory_space<vmem>> -> memref<61x80xi32, #tpu.memory_space<vmem>>
      %dma_wait3A_326 = arith.constant 64 : i32
      %dma_wait3A_327 = arith.constant 0 : i32
      %dma_wait3A_328 = tpu.memref_slice %arg4[%arg1, %dma_wait3A_326, %dma_wait3A_327] : memref<16x125x80xi32, #tpu.memory_space<hbm>> -> memref<1x61x80xi32, #tpu.memory_space<hbm>>
      %dma_wait3A_329 = tpu.memref_squeeze %dma_wait3A_328 : memref<1x61x80xi32, #tpu.memory_space<hbm>> -> memref<61x80xi32, #tpu.memory_space<hbm>>
      %dma_wait3A_330 = arith.constant 0 : i32
      %dma_wait3A_331 = arith.constant 0 : i32
      %dma_wait3A_332 = tpu.memref_slice %arg12[%dma_wait3A_330, %dma_wait3A_331] : memref<64x80xi32, #tpu.memory_space<vmem>> -> memref<61x80xi32, #tpu.memory_space<vmem>>
      %dma_wait3A_333 = arith.constant 64 : i32
      %dma_wait3A_334 = arith.constant 0 : i32
      %dma_wait3A_335 = tpu.memref_slice %arg4[%arg1, %dma_wait3A_333, %dma_wait3A_334] : memref<16x125x80xi32, #tpu.memory_space<hbm>> -> memref<1x61x80xi32, #tpu.memory_space<hbm>>
      %dma_wait3A_336 = tpu.memref_squeeze %dma_wait3A_335 : memref<1x61x80xi32, #tpu.memory_space<hbm>> -> memref<61x80xi32, #tpu.memory_space<hbm>>
      tpu.wait_dma2 semaphore(%run_scoped3A : memref<!tpu.dma_semaphore, #tpu.memory_space<semaphore_mem>>) src(%dma_wait3A_336 : memref<61x80xi32, #tpu.memory_space<hbm>>) dst(%dma_wait3A_332 : memref<61x80xi32, #tpu.memory_space<vmem>>)
      tpu.yield
    }) : () -> ()
    "tpu.region"() ({
      %run_scoped3A = tpu.sem_alloc : memref<!tpu.dma_semaphore, #tpu.memory_space<semaphore_mem>>
      %dma_start3A_309 = arith.constant 0 : i32
      %dma_start3A_310 = arith.constant 0 : i32
      %dma_start3A_311 = tpu.memref_slice %arg13[%dma_start3A_309, %dma_start3A_310] : memref<64x80xi32, #tpu.memory_space<vmem>> -> memref<61x80xi32, #tpu.memory_space<vmem>>
      %dma_start3A_312 = arith.constant 64 : i32
      %dma_start3A_313 = arith.constant 0 : i32
      %dma_start3A_314 = tpu.memref_slice %arg5[%arg1, %dma_start3A_312, %dma_start3A_313] : memref<16x125x80xi32, #tpu.memory_space<hbm>> -> memref<1x61x80xi32, #tpu.memory_space<hbm>>
      %dma_start3A_315 = tpu.memref_squeeze %dma_start3A_314 : memref<1x61x80xi32, #tpu.memory_space<hbm>> -> memref<61x80xi32, #tpu.memory_space<hbm>>
      %dma_start3A_316 = arith.constant 0 : i32
      %dma_start3A_317 = arith.constant 0 : i32
      %dma_start3A_318 = tpu.memref_slice %arg13[%dma_start3A_316, %dma_start3A_317] : memref<64x80xi32, #tpu.memory_space<vmem>> -> memref<61x80xi32, #tpu.memory_space<vmem>>
      %dma_start3A_319 = arith.constant 64 : i32
      %dma_start3A_320 = arith.constant 0 : i32
      %dma_start3A_321 = tpu.memref_slice %arg5[%arg1, %dma_start3A_319, %dma_start3A_320] : memref<16x125x80xi32, #tpu.memory_space<hbm>> -> memref<1x61x80xi32, #tpu.memory_space<hbm>>
      %dma_start3A_322 = tpu.memref_squeeze %dma_start3A_321 : memref<1x61x80xi32, #tpu.memory_space<hbm>> -> memref<61x80xi32, #tpu.memory_space<hbm>>
      tpu.enqueue_dma source(%dma_start3A_322 : memref<61x80xi32, #tpu.memory_space<hbm>>) target(%dma_start3A_318 : memref<61x80xi32, #tpu.memory_space<vmem>>) target_semaphore(%run_scoped3A : memref<!tpu.dma_semaphore, #tpu.memory_space<semaphore_mem>>)
      %dma_wait3A_323 = arith.constant 0 : i32
      %dma_wait3A_324 = arith.constant 0 : i32
      %dma_wait3A_325 = tpu.memref_slice %arg13[%dma_wait3A_323, %dma_wait3A_324] : memref<64x80xi32, #tpu.memory_space<vmem>> -> memref<61x80xi32, #tpu.memory_space<vmem>>
      %dma_wait3A_326 = arith.constant 64 : i32
      %dma_wait3A_327 = arith.constant 0 : i32
      %dma_wait3A_328 = tpu.memref_slice %arg5[%arg1, %dma_wait3A_326, %dma_wait3A_327] : memref<16x125x80xi32, #tpu.memory_space<hbm>> -> memref<1x61x80xi32, #tpu.memory_space<hbm>>
      %dma_wait3A_329 = tpu.memref_squeeze %dma_wait3A_328 : memref<1x61x80xi32, #tpu.memory_space<hbm>> -> memref<61x80xi32, #tpu.memory_space<hbm>>
      %dma_wait3A_330 = arith.constant 0 : i32
      %dma_wait3A_331 = arith.constant 0 : i32
      %dma_wait3A_332 = tpu.memref_slice %arg13[%dma_wait3A_330, %dma_wait3A_331] : memref<64x80xi32, #tpu.memory_space<vmem>> -> memref<61x80xi32, #tpu.memory_space<vmem>>
      %dma_wait3A_333 = arith.constant 64 : i32
      %dma_wait3A_334 = arith.constant 0 : i32
      %dma_wait3A_335 = tpu.memref_slice %arg5[%arg1, %dma_wait3A_333, %dma_wait3A_334] : memref<16x125x80xi32, #tpu.memory_space<hbm>> -> memref<1x61x80xi32, #tpu.memory_space<hbm>>
      %dma_wait3A_336 = tpu.memref_squeeze %dma_wait3A_335 : memref<1x61x80xi32, #tpu.memory_space<hbm>> -> memref<61x80xi32, #tpu.memory_space<hbm>>
      tpu.wait_dma2 semaphore(%run_scoped3A : memref<!tpu.dma_semaphore, #tpu.memory_space<semaphore_mem>>) src(%dma_wait3A_336 : memref<61x80xi32, #tpu.memory_space<hbm>>) dst(%dma_wait3A_332 : memref<61x80xi32, #tpu.memory_space<vmem>>)
      tpu.yield
    }) : () -> ()
    %eq3A_160 = arith.constant 0 : i32
    %eq3A_161 = arith.cmpi eq, %arg0, %eq3A_160 : i32
    %convert_element_type3A_162 = arith.extui %eq3A_161 : i1 to i32
    %cond3A_163 = arith.constant 0 : i32
    %cond3A_164 = arith.constant 0 : i32
    %cond3A_165 = arith.cmpi ne, %convert_element_type3A_162, %cond3A_164 : i32
    scf.if %cond3A_165 {
      %dma_start3A_309 = arith.constant 0 : i32
      %dma_start3A_310 = tpu.memref_slice %arg12[%cond3A_163, %dma_start3A_309] : memref<64x80xi32, #tpu.memory_space<vmem>> -> memref<1x80xi32, #tpu.memory_space<vmem>>
      %dma_start3A_311 = tpu.memref_squeeze %dma_start3A_310 : memref<1x80xi32, #tpu.memory_space<vmem>> -> memref<80xi32, #tpu.memory_space<vmem>>
      %dma_start3A_312 = arith.constant 0 : i32
      %dma_start3A_313 = arith.constant 0 : i32
      %dma_start3A_314 = tpu.memref_slice %arg2[%dma_start3A_312, %dma_start3A_313] : memref<10000x128xf32, #tpu.memory_space<hbm>> -> memref<10000x128xf32, #tpu.memory_space<hbm>>
      tpu.enqueue_indirect_dma source(%dma_start3A_314 : memref<10000x128xf32, #tpu.memory_space<hbm>>) target(%arg9 : memref<80x128xf32, #tpu.memory_space<vmem>>) offsets(%dma_start3A_311 : memref<80xi32, #tpu.memory_space<vmem>>) semaphore(%arg14 : memref<!tpu.dma_semaphore, #tpu.memory_space<semaphore_mem>>)
    } else {
    }
    %eq3A_166 = arith.constant 1 : i32
    %eq3A_167 = arith.cmpi eq, %arg0, %eq3A_166 : i32
    %convert_element_type3A_168 = arith.extui %eq3A_167 : i1 to i32
    %cond3A_169 = arith.constant 0 : i32
    %cond3A_170 = arith.constant 0 : i32
    %cond3A_171 = arith.cmpi ne, %convert_element_type3A_168, %cond3A_170 : i32
    scf.if %cond3A_171 {
      %dma_start3A_309 = arith.constant 0 : i32
      %dma_start3A_310 = tpu.memref_slice %arg12[%cond3A_169, %dma_start3A_309] : memref<64x80xi32, #tpu.memory_space<vmem>> -> memref<1x80xi32, #tpu.memory_space<vmem>>
      %dma_start3A_311 = tpu.memref_squeeze %dma_start3A_310 : memref<1x80xi32, #tpu.memory_space<vmem>> -> memref<80xi32, #tpu.memory_space<vmem>>
      %dma_start3A_312 = arith.constant 0 : i32
      %dma_start3A_313 = arith.constant 0 : i32
      %dma_start3A_314 = tpu.memref_slice %arg3[%dma_start3A_312, %dma_start3A_313] : memref<10000x128xf32, #tpu.memory_space<hbm>> -> memref<10000x128xf32, #tpu.memory_space<hbm>>
      tpu.enqueue_indirect_dma source(%dma_start3A_314 : memref<10000x128xf32, #tpu.memory_space<hbm>>) target(%arg9 : memref<80x128xf32, #tpu.memory_space<vmem>>) offsets(%dma_start3A_311 : memref<80xi32, #tpu.memory_space<vmem>>) semaphore(%arg14 : memref<!tpu.dma_semaphore, #tpu.memory_space<semaphore_mem>>)
    } else {
    }
    %eq3A_172 = arith.constant 0 : i32
    %eq3A_173 = arith.cmpi eq, %arg0, %eq3A_172 : i32
    %convert_element_type3A_174 = arith.extui %eq3A_173 : i1 to i32
    %cond3A_175 = arith.constant 1 : i32
    %cond3A_176 = arith.constant 0 : i32
    %cond3A_177 = arith.cmpi ne, %convert_element_type3A_174, %cond3A_176 : i32
    scf.if %cond3A_177 {
      %dma_start3A_309 = arith.constant 0 : i32
      %dma_start3A_310 = tpu.memref_slice %arg12[%cond3A_175, %dma_start3A_309] : memref<64x80xi32, #tpu.memory_space<vmem>> -> memref<1x80xi32, #tpu.memory_space<vmem>>
      %dma_start3A_311 = tpu.memref_squeeze %dma_start3A_310 : memref<1x80xi32, #tpu.memory_space<vmem>> -> memref<80xi32, #tpu.memory_space<vmem>>
      %dma_start3A_312 = arith.constant 0 : i32
      %dma_start3A_313 = arith.constant 0 : i32
      %dma_start3A_314 = tpu.memref_slice %arg2[%dma_start3A_312, %dma_start3A_313] : memref<10000x128xf32, #tpu.memory_space<hbm>> -> memref<10000x128xf32, #tpu.memory_space<hbm>>
      tpu.enqueue_indirect_dma source(%dma_start3A_314 : memref<10000x128xf32, #tpu.memory_space<hbm>>) target(%arg10 : memref<80x128xf32, #tpu.memory_space<vmem>>) offsets(%dma_start3A_311 : memref<80xi32, #tpu.memory_space<vmem>>) semaphore(%arg15 : memref<!tpu.dma_semaphore, #tpu.memory_space<semaphore_mem>>)
    } else {
    }
    %eq3A_178 = arith.constant 1 : i32
    %eq3A_179 = arith.cmpi eq, %arg0, %eq3A_178 : i32
    %convert_element_type3A_180 = arith.extui %eq3A_179 : i1 to i32
    %cond3A_181 = arith.constant 1 : i32
    %cond3A_182 = arith.constant 0 : i32
    %cond3A_183 = arith.cmpi ne, %convert_element_type3A_180, %cond3A_182 : i32
    scf.if %cond3A_183 {
      %dma_start3A_309 = arith.constant 0 : i32
      %dma_start3A_310 = tpu.memref_slice %arg12[%cond3A_181, %dma_start3A_309] : memref<64x80xi32, #tpu.memory_space<vmem>> -> memref<1x80xi32, #tpu.memory_space<vmem>>
      %dma_start3A_311 = tpu.memref_squeeze %dma_start3A_310 : memref<1x80xi32, #tpu.memory_space<vmem>> -> memref<80xi32, #tpu.memory_space<vmem>>
      %dma_start3A_312 = arith.constant 0 : i32
      %dma_start3A_313 = arith.constant 0 : i32
      %dma_start3A_314 = tpu.memref_slice %arg3[%dma_start3A_312, %dma_start3A_313] : memref<10000x128xf32, #tpu.memory_space<hbm>> -> memref<10000x128xf32, #tpu.memory_space<hbm>>
      tpu.enqueue_indirect_dma source(%dma_start3A_314 : memref<10000x128xf32, #tpu.memory_space<hbm>>) target(%arg10 : memref<80x128xf32, #tpu.memory_space<vmem>>) offsets(%dma_start3A_311 : memref<80xi32, #tpu.memory_space<vmem>>) semaphore(%arg15 : memref<!tpu.dma_semaphore, #tpu.memory_space<semaphore_mem>>)
    } else {
    }
    %eq3A_184 = arith.constant 0 : i32
    %eq3A_185 = arith.cmpi eq, %arg0, %eq3A_184 : i32
    %convert_element_type3A_186 = arith.extui %eq3A_185 : i1 to i32
    %cond3A_187 = arith.constant 2 : i32
    %cond3A_188 = arith.constant 0 : i32
    %cond3A_189 = arith.cmpi ne, %convert_element_type3A_186, %cond3A_188 : i32
    scf.if %cond3A_189 {
      %dma_start3A_309 = arith.constant 0 : i32
      %dma_start3A_310 = tpu.memref_slice %arg12[%cond3A_187, %dma_start3A_309] : memref<64x80xi32, #tpu.memory_space<vmem>> -> memref<1x80xi32, #tpu.memory_space<vmem>>
      %dma_start3A_311 = tpu.memref_squeeze %dma_start3A_310 : memref<1x80xi32, #tpu.memory_space<vmem>> -> memref<80xi32, #tpu.memory_space<vmem>>
      %dma_start3A_312 = arith.constant 0 : i32
      %dma_start3A_313 = arith.constant 0 : i32
      %dma_start3A_314 = tpu.memref_slice %arg2[%dma_start3A_312, %dma_start3A_313] : memref<10000x128xf32, #tpu.memory_space<hbm>> -> memref<10000x128xf32, #tpu.memory_space<hbm>>
      tpu.enqueue_indirect_dma source(%dma_start3A_314 : memref<10000x128xf32, #tpu.memory_space<hbm>>) target(%arg11 : memref<80x128xf32, #tpu.memory_space<vmem>>) offsets(%dma_start3A_311 : memref<80xi32, #tpu.memory_space<vmem>>) semaphore(%arg16 : memref<!tpu.dma_semaphore, #tpu.memory_space<semaphore_mem>>)
    } else {
    }
    %eq3A_190 = arith.constant 1 : i32
    %eq3A_191 = arith.cmpi eq, %arg0, %eq3A_190 : i32
    %convert_element_type3A_192 = arith.extui %eq3A_191 : i1 to i32
    %cond3A_193 = arith.constant 2 : i32
    %cond3A_194 = arith.constant 0 : i32
    %cond3A_195 = arith.cmpi ne, %convert_element_type3A_192, %cond3A_194 : i32
    scf.if %cond3A_195 {
      %dma_start3A_309 = arith.constant 0 : i32
      %dma_start3A_310 = tpu.memref_slice %arg12[%cond3A_193, %dma_start3A_309] : memref<64x80xi32, #tpu.memory_space<vmem>> -> memref<1x80xi32, #tpu.memory_space<vmem>>
      %dma_start3A_311 = tpu.memref_squeeze %dma_start3A_310 : memref<1x80xi32, #tpu.memory_space<vmem>> -> memref<80xi32, #tpu.memory_space<vmem>>
      %dma_start3A_312 = arith.constant 0 : i32
      %dma_start3A_313 = arith.constant 0 : i32
      %dma_start3A_314 = tpu.memref_slice %arg3[%dma_start3A_312, %dma_start3A_313] : memref<10000x128xf32, #tpu.memory_space<hbm>> -> memref<10000x128xf32, #tpu.memory_space<hbm>>
      tpu.enqueue_indirect_dma source(%dma_start3A_314 : memref<10000x128xf32, #tpu.memory_space<hbm>>) target(%arg11 : memref<80x128xf32, #tpu.memory_space<vmem>>) offsets(%dma_start3A_311 : memref<80xi32, #tpu.memory_space<vmem>>) semaphore(%arg16 : memref<!tpu.dma_semaphore, #tpu.memory_space<semaphore_mem>>)
    } else {
    }
    %dma_wait3A_196 = arith.constant 0 : i32
    %dma_wait3A_197 = arith.constant 0 : i32
    %dma_wait3A_198 = tpu.memref_slice %arg12[%dma_wait3A_196, %dma_wait3A_197] : memref<64x80xi32, #tpu.memory_space<vmem>> -> memref<1x80xi32, #tpu.memory_space<vmem>>
    %dma_wait3A_199 = tpu.memref_squeeze %dma_wait3A_198 : memref<1x80xi32, #tpu.memory_space<vmem>> -> memref<80xi32, #tpu.memory_space<vmem>>
    %dma_wait3A_200 = arith.constant 0 : i32
    %dma_wait3A_201 = arith.constant 0 : i32
    %dma_wait3A_202 = tpu.memref_slice %arg2[%dma_wait3A_200, %dma_wait3A_201] : memref<10000x128xf32, #tpu.memory_space<hbm>> -> memref<10000x128xf32, #tpu.memory_space<hbm>>
    tpu.wait_indirect_dma semaphore(%arg14 : memref<!tpu.dma_semaphore, #tpu.memory_space<semaphore_mem>>) src(%dma_wait3A_202 : memref<10000x128xf32, #tpu.memory_space<hbm>>) dst(%arg9 : memref<80x128xf32, #tpu.memory_space<vmem>>)
    %dma_start3A_203 = arith.constant 0 : i32
    %dma_start3A_204 = arith.constant 0 : i32
    %dma_start3A_205 = tpu.memref_slice %arg13[%dma_start3A_203, %dma_start3A_204] : memref<64x80xi32, #tpu.memory_space<vmem>> -> memref<1x80xi32, #tpu.memory_space<vmem>>
    %dma_start3A_206 = tpu.memref_squeeze %dma_start3A_205 : memref<1x80xi32, #tpu.memory_space<vmem>> -> memref<80xi32, #tpu.memory_space<vmem>>
    %dma_start3A_207 = arith.constant 0 : i32
    %dma_start3A_208 = arith.constant 0 : i32
    %dma_start3A_209 = tpu.memref_slice %arg8[%dma_start3A_207, %dma_start3A_208] : memref<10000x128xf32, #tpu.memory_space<vmem_shared>> -> memref<10000x128xf32, #tpu.memory_space<vmem_shared>>
    tpu.enqueue_indirect_dma source(%arg9 : memref<80x128xf32, #tpu.memory_space<vmem>>) target(%dma_start3A_209 : memref<10000x128xf32, #tpu.memory_space<vmem_shared>>) offsets(%dma_start3A_206 : memref<80xi32, #tpu.memory_space<vmem>>) semaphore(%arg17 : memref<!tpu.dma_semaphore, #tpu.memory_space<semaphore_mem>>) {add = true}
    %scan3A_210 = arith.constant 0 : i32
    %scan3A_211 = arith.constant 0 : i32
    %scan3A_212 = arith.constant 19 : i32
    %scan3A_213 = arith.addi %scan3A_211, %scan3A_212 : i32
    %scan3A_214 = arith.constant 1 : i32
    scf.for %scan3A_309 = %scan3A_211 to %scan3A_213 step %scan3A_214  : i32 {
      %mul3A_310 = arith.constant 3 : i32
      %mul3A_311 = arith.muli %mul3A_310, %scan3A_309 : i32
      %add3A_312 = arith.constant 1 : i32
      %add3A_313 = arith.addi %mul3A_311, %add3A_312 : i32
      %dma_wait3A_314 = arith.constant 0 : i32
      %dma_wait3A_315 = arith.constant 0 : i32
      %dma_wait3A_316 = tpu.memref_slice %arg12[%dma_wait3A_314, %dma_wait3A_315] : memref<64x80xi32, #tpu.memory_space<vmem>> -> memref<1x80xi32, #tpu.memory_space<vmem>>
      %dma_wait3A_317 = tpu.memref_squeeze %dma_wait3A_316 : memref<1x80xi32, #tpu.memory_space<vmem>> -> memref<80xi32, #tpu.memory_space<vmem>>
      %dma_wait3A_318 = arith.constant 0 : i32
      %dma_wait3A_319 = arith.constant 0 : i32
      %dma_wait3A_320 = tpu.memref_slice %arg2[%dma_wait3A_318, %dma_wait3A_319] : memref<10000x128xf32, #tpu.memory_space<hbm>> -> memref<10000x128xf32, #tpu.memory_space<hbm>>
      tpu.wait_indirect_dma semaphore(%arg15 : memref<!tpu.dma_semaphore, #tpu.memory_space<semaphore_mem>>) src(%dma_wait3A_320 : memref<10000x128xf32, #tpu.memory_space<hbm>>) dst(%arg10 : memref<80x128xf32, #tpu.memory_space<vmem>>)
      %dma_start3A_321 = arith.constant 0 : i32
      %dma_start3A_322 = tpu.memref_slice %arg13[%add3A_313, %dma_start3A_321] : memref<64x80xi32, #tpu.memory_space<vmem>> -> memref<1x80xi32, #tpu.memory_space<vmem>>
      %dma_start3A_323 = tpu.memref_squeeze %dma_start3A_322 : memref<1x80xi32, #tpu.memory_space<vmem>> -> memref<80xi32, #tpu.memory_space<vmem>>
      %dma_start3A_324 = arith.constant 0 : i32
      %dma_start3A_325 = arith.constant 0 : i32
      %dma_start3A_326 = tpu.memref_slice %arg8[%dma_start3A_324, %dma_start3A_325] : memref<10000x128xf32, #tpu.memory_space<vmem_shared>> -> memref<10000x128xf32, #tpu.memory_space<vmem_shared>>
      tpu.enqueue_indirect_dma source(%arg10 : memref<80x128xf32, #tpu.memory_space<vmem>>) target(%dma_start3A_326 : memref<10000x128xf32, #tpu.memory_space<vmem_shared>>) offsets(%dma_start3A_323 : memref<80xi32, #tpu.memory_space<vmem>>) semaphore(%arg18 : memref<!tpu.dma_semaphore, #tpu.memory_space<semaphore_mem>>) {add = true}
      %dma_wait3A_327 = arith.constant 0 : i32
      %dma_wait3A_328 = arith.constant 0 : i32
      %dma_wait3A_329 = tpu.memref_slice %arg13[%dma_wait3A_327, %dma_wait3A_328] : memref<64x80xi32, #tpu.memory_space<vmem>> -> memref<1x80xi32, #tpu.memory_space<vmem>>
      %dma_wait3A_330 = tpu.memref_squeeze %dma_wait3A_329 : memref<1x80xi32, #tpu.memory_space<vmem>> -> memref<80xi32, #tpu.memory_space<vmem>>
      %dma_wait3A_331 = arith.constant 0 : i32
      %dma_wait3A_332 = arith.constant 0 : i32
      %dma_wait3A_333 = tpu.memref_slice %arg8[%dma_wait3A_331, %dma_wait3A_332] : memref<10000x128xf32, #tpu.memory_space<vmem_shared>> -> memref<10000x128xf32, #tpu.memory_space<vmem_shared>>
      tpu.wait_indirect_dma semaphore(%arg17 : memref<!tpu.dma_semaphore, #tpu.memory_space<semaphore_mem>>) src(%arg9 : memref<80x128xf32, #tpu.memory_space<vmem>>) dst(%dma_wait3A_333 : memref<10000x128xf32, #tpu.memory_space<vmem_shared>>)
      %add3A_334 = arith.constant 2 : i32
      %add3A_335 = arith.addi %add3A_313, %add3A_334 : i32
      %eq3A_336 = arith.constant 0 : i32
      %eq3A_337 = arith.cmpi eq, %arg0, %eq3A_336 : i32
      %convert_element_type3A_338 = arith.extui %eq3A_337 : i1 to i32
      %cond3A_339 = arith.constant 0 : i32
      %cond3A_340 = arith.cmpi ne, %convert_element_type3A_338, %cond3A_339 : i32
      scf.if %cond3A_340 {
        %dma_start3A_414 = arith.constant 0 : i32
        %dma_start3A_415 = tpu.memref_slice %arg12[%add3A_335, %dma_start3A_414] : memref<64x80xi32, #tpu.memory_space<vmem>> -> memref<1x80xi32, #tpu.memory_space<vmem>>
        %dma_start3A_416 = tpu.memref_squeeze %dma_start3A_415 : memref<1x80xi32, #tpu.memory_space<vmem>> -> memref<80xi32, #tpu.memory_space<vmem>>
        %dma_start3A_417 = arith.constant 0 : i32
        %dma_start3A_418 = arith.constant 0 : i32
        %dma_start3A_419 = tpu.memref_slice %arg2[%dma_start3A_417, %dma_start3A_418] : memref<10000x128xf32, #tpu.memory_space<hbm>> -> memref<10000x128xf32, #tpu.memory_space<hbm>>
        tpu.enqueue_indirect_dma source(%dma_start3A_419 : memref<10000x128xf32, #tpu.memory_space<hbm>>) target(%arg9 : memref<80x128xf32, #tpu.memory_space<vmem>>) offsets(%dma_start3A_416 : memref<80xi32, #tpu.memory_space<vmem>>) semaphore(%arg14 : memref<!tpu.dma_semaphore, #tpu.memory_space<semaphore_mem>>)
      } else {
      }
      %eq3A_341 = arith.constant 1 : i32
      %eq3A_342 = arith.cmpi eq, %arg0, %eq3A_341 : i32
      %convert_element_type3A_343 = arith.extui %eq3A_342 : i1 to i32
      %cond3A_344 = arith.constant 0 : i32
      %cond3A_345 = arith.cmpi ne, %convert_element_type3A_343, %cond3A_344 : i32
      scf.if %cond3A_345 {
        %dma_start3A_414 = arith.constant 0 : i32
        %dma_start3A_415 = tpu.memref_slice %arg12[%add3A_335, %dma_start3A_414] : memref<64x80xi32, #tpu.memory_space<vmem>> -> memref<1x80xi32, #tpu.memory_space<vmem>>
        %dma_start3A_416 = tpu.memref_squeeze %dma_start3A_415 : memref<1x80xi32, #tpu.memory_space<vmem>> -> memref<80xi32, #tpu.memory_space<vmem>>
        %dma_start3A_417 = arith.constant 0 : i32
        %dma_start3A_418 = arith.constant 0 : i32
        %dma_start3A_419 = tpu.memref_slice %arg3[%dma_start3A_417, %dma_start3A_418] : memref<10000x128xf32, #tpu.memory_space<hbm>> -> memref<10000x128xf32, #tpu.memory_space<hbm>>
        tpu.enqueue_indirect_dma source(%dma_start3A_419 : memref<10000x128xf32, #tpu.memory_space<hbm>>) target(%arg9 : memref<80x128xf32, #tpu.memory_space<vmem>>) offsets(%dma_start3A_416 : memref<80xi32, #tpu.memory_space<vmem>>) semaphore(%arg14 : memref<!tpu.dma_semaphore, #tpu.memory_space<semaphore_mem>>)
      } else {
      }
      %add3A_346 = arith.constant 2 : i32
      %add3A_347 = arith.addi %mul3A_311, %add3A_346 : i32
      %dma_wait3A_348 = arith.constant 0 : i32
      %dma_wait3A_349 = arith.constant 0 : i32
      %dma_wait3A_350 = tpu.memref_slice %arg12[%dma_wait3A_348, %dma_wait3A_349] : memref<64x80xi32, #tpu.memory_space<vmem>> -> memref<1x80xi32, #tpu.memory_space<vmem>>
      %dma_wait3A_351 = tpu.memref_squeeze %dma_wait3A_350 : memref<1x80xi32, #tpu.memory_space<vmem>> -> memref<80xi32, #tpu.memory_space<vmem>>
      %dma_wait3A_352 = arith.constant 0 : i32
      %dma_wait3A_353 = arith.constant 0 : i32
      %dma_wait3A_354 = tpu.memref_slice %arg2[%dma_wait3A_352, %dma_wait3A_353] : memref<10000x128xf32, #tpu.memory_space<hbm>> -> memref<10000x128xf32, #tpu.memory_space<hbm>>
      tpu.wait_indirect_dma semaphore(%arg16 : memref<!tpu.dma_semaphore, #tpu.memory_space<semaphore_mem>>) src(%dma_wait3A_354 : memref<10000x128xf32, #tpu.memory_space<hbm>>) dst(%arg11 : memref<80x128xf32, #tpu.memory_space<vmem>>)
      %dma_start3A_355 = arith.constant 0 : i32
      %dma_start3A_356 = tpu.memref_slice %arg13[%add3A_347, %dma_start3A_355] : memref<64x80xi32, #tpu.memory_space<vmem>> -> memref<1x80xi32, #tpu.memory_space<vmem>>
      %dma_start3A_357 = tpu.memref_squeeze %dma_start3A_356 : memref<1x80xi32, #tpu.memory_space<vmem>> -> memref<80xi32, #tpu.memory_space<vmem>>
      %dma_start3A_358 = arith.constant 0 : i32
      %dma_start3A_359 = arith.constant 0 : i32
      %dma_start3A_360 = tpu.memref_slice %arg8[%dma_start3A_358, %dma_start3A_359] : memref<10000x128xf32, #tpu.memory_space<vmem_shared>> -> memref<10000x128xf32, #tpu.memory_space<vmem_shared>>
      tpu.enqueue_indirect_dma source(%arg11 : memref<80x128xf32, #tpu.memory_space<vmem>>) target(%dma_start3A_360 : memref<10000x128xf32, #tpu.memory_space<vmem_shared>>) offsets(%dma_start3A_357 : memref<80xi32, #tpu.memory_space<vmem>>) semaphore(%arg19 : memref<!tpu.dma_semaphore, #tpu.memory_space<semaphore_mem>>) {add = true}
      %dma_wait3A_361 = arith.constant 0 : i32
      %dma_wait3A_362 = arith.constant 0 : i32
      %dma_wait3A_363 = tpu.memref_slice %arg13[%dma_wait3A_361, %dma_wait3A_362] : memref<64x80xi32, #tpu.memory_space<vmem>> -> memref<1x80xi32, #tpu.memory_space<vmem>>
      %dma_wait3A_364 = tpu.memref_squeeze %dma_wait3A_363 : memref<1x80xi32, #tpu.memory_space<vmem>> -> memref<80xi32, #tpu.memory_space<vmem>>
      %dma_wait3A_365 = arith.constant 0 : i32
      %dma_wait3A_366 = arith.constant 0 : i32
      %dma_wait3A_367 = tpu.memref_slice %arg8[%dma_wait3A_365, %dma_wait3A_366] : memref<10000x128xf32, #tpu.memory_space<vmem_shared>> -> memref<10000x128xf32, #tpu.memory_space<vmem_shared>>
      tpu.wait_indirect_dma semaphore(%arg18 : memref<!tpu.dma_semaphore, #tpu.memory_space<semaphore_mem>>) src(%arg10 : memref<80x128xf32, #tpu.memory_space<vmem>>) dst(%dma_wait3A_367 : memref<10000x128xf32, #tpu.memory_space<vmem_shared>>)
      %add3A_368 = arith.constant 2 : i32
      %add3A_369 = arith.addi %add3A_347, %add3A_368 : i32
      %eq3A_370 = arith.constant 0 : i32
      %eq3A_371 = arith.cmpi eq, %arg0, %eq3A_370 : i32
      %convert_element_type3A_372 = arith.extui %eq3A_371 : i1 to i32
      %cond3A_373 = arith.constant 0 : i32
      %cond3A_374 = arith.cmpi ne, %convert_element_type3A_372, %cond3A_373 : i32
      scf.if %cond3A_374 {
        %dma_start3A_414 = arith.constant 0 : i32
        %dma_start3A_415 = tpu.memref_slice %arg12[%add3A_369, %dma_start3A_414] : memref<64x80xi32, #tpu.memory_space<vmem>> -> memref<1x80xi32, #tpu.memory_space<vmem>>
        %dma_start3A_416 = tpu.memref_squeeze %dma_start3A_415 : memref<1x80xi32, #tpu.memory_space<vmem>> -> memref<80xi32, #tpu.memory_space<vmem>>
        %dma_start3A_417 = arith.constant 0 : i32
        %dma_start3A_418 = arith.constant 0 : i32
        %dma_start3A_419 = tpu.memref_slice %arg2[%dma_start3A_417, %dma_start3A_418] : memref<10000x128xf32, #tpu.memory_space<hbm>> -> memref<10000x128xf32, #tpu.memory_space<hbm>>
        tpu.enqueue_indirect_dma source(%dma_start3A_419 : memref<10000x128xf32, #tpu.memory_space<hbm>>) target(%arg10 : memref<80x128xf32, #tpu.memory_space<vmem>>) offsets(%dma_start3A_416 : memref<80xi32, #tpu.memory_space<vmem>>) semaphore(%arg15 : memref<!tpu.dma_semaphore, #tpu.memory_space<semaphore_mem>>)
      } else {
      }
      %eq3A_375 = arith.constant 1 : i32
      %eq3A_376 = arith.cmpi eq, %arg0, %eq3A_375 : i32
      %convert_element_type3A_377 = arith.extui %eq3A_376 : i1 to i32
      %cond3A_378 = arith.constant 0 : i32
      %cond3A_379 = arith.cmpi ne, %convert_element_type3A_377, %cond3A_378 : i32
      scf.if %cond3A_379 {
        %dma_start3A_414 = arith.constant 0 : i32
        %dma_start3A_415 = tpu.memref_slice %arg12[%add3A_369, %dma_start3A_414] : memref<64x80xi32, #tpu.memory_space<vmem>> -> memref<1x80xi32, #tpu.memory_space<vmem>>
        %dma_start3A_416 = tpu.memref_squeeze %dma_start3A_415 : memref<1x80xi32, #tpu.memory_space<vmem>> -> memref<80xi32, #tpu.memory_space<vmem>>
        %dma_start3A_417 = arith.constant 0 : i32
        %dma_start3A_418 = arith.constant 0 : i32
        %dma_start3A_419 = tpu.memref_slice %arg3[%dma_start3A_417, %dma_start3A_418] : memref<10000x128xf32, #tpu.memory_space<hbm>> -> memref<10000x128xf32, #tpu.memory_space<hbm>>
        tpu.enqueue_indirect_dma source(%dma_start3A_419 : memref<10000x128xf32, #tpu.memory_space<hbm>>) target(%arg10 : memref<80x128xf32, #tpu.memory_space<vmem>>) offsets(%dma_start3A_416 : memref<80xi32, #tpu.memory_space<vmem>>) semaphore(%arg15 : memref<!tpu.dma_semaphore, #tpu.memory_space<semaphore_mem>>)
      } else {
      }
      %add3A_380 = arith.constant 3 : i32
      %add3A_381 = arith.addi %mul3A_311, %add3A_380 : i32
      %dma_wait3A_382 = arith.constant 0 : i32
      %dma_wait3A_383 = arith.constant 0 : i32
      %dma_wait3A_384 = tpu.memref_slice %arg12[%dma_wait3A_382, %dma_wait3A_383] : memref<64x80xi32, #tpu.memory_space<vmem>> -> memref<1x80xi32, #tpu.memory_space<vmem>>
      %dma_wait3A_385 = tpu.memref_squeeze %dma_wait3A_384 : memref<1x80xi32, #tpu.memory_space<vmem>> -> memref<80xi32, #tpu.memory_space<vmem>>
      %dma_wait3A_386 = arith.constant 0 : i32
      %dma_wait3A_387 = arith.constant 0 : i32
      %dma_wait3A_388 = tpu.memref_slice %arg2[%dma_wait3A_386, %dma_wait3A_387] : memref<10000x128xf32, #tpu.memory_space<hbm>> -> memref<10000x128xf32, #tpu.memory_space<hbm>>
      tpu.wait_indirect_dma semaphore(%arg14 : memref<!tpu.dma_semaphore, #tpu.memory_space<semaphore_mem>>) src(%dma_wait3A_388 : memref<10000x128xf32, #tpu.memory_space<hbm>>) dst(%arg9 : memref<80x128xf32, #tpu.memory_space<vmem>>)
      %dma_start3A_389 = arith.constant 0 : i32
      %dma_start3A_390 = tpu.memref_slice %arg13[%add3A_381, %dma_start3A_389] : memref<64x80xi32, #tpu.memory_space<vmem>> -> memref<1x80xi32, #tpu.memory_space<vmem>>
      %dma_start3A_391 = tpu.memref_squeeze %dma_start3A_390 : memref<1x80xi32, #tpu.memory_space<vmem>> -> memref<80xi32, #tpu.memory_space<vmem>>
      %dma_start3A_392 = arith.constant 0 : i32
      %dma_start3A_393 = arith.constant 0 : i32
      %dma_start3A_394 = tpu.memref_slice %arg8[%dma_start3A_392, %dma_start3A_393] : memref<10000x128xf32, #tpu.memory_space<vmem_shared>> -> memref<10000x128xf32, #tpu.memory_space<vmem_shared>>
      tpu.enqueue_indirect_dma source(%arg9 : memref<80x128xf32, #tpu.memory_space<vmem>>) target(%dma_start3A_394 : memref<10000x128xf32, #tpu.memory_space<vmem_shared>>) offsets(%dma_start3A_391 : memref<80xi32, #tpu.memory_space<vmem>>) semaphore(%arg17 : memref<!tpu.dma_semaphore, #tpu.memory_space<semaphore_mem>>) {add = true}
      %dma_wait3A_395 = arith.constant 0 : i32
      %dma_wait3A_396 = arith.constant 0 : i32
      %dma_wait3A_397 = tpu.memref_slice %arg13[%dma_wait3A_395, %dma_wait3A_396] : memref<64x80xi32, #tpu.memory_space<vmem>> -> memref<1x80xi32, #tpu.memory_space<vmem>>
      %dma_wait3A_398 = tpu.memref_squeeze %dma_wait3A_397 : memref<1x80xi32, #tpu.memory_space<vmem>> -> memref<80xi32, #tpu.memory_space<vmem>>
      %dma_wait3A_399 = arith.constant 0 : i32
      %dma_wait3A_400 = arith.constant 0 : i32
      %dma_wait3A_401 = tpu.memref_slice %arg8[%dma_wait3A_399, %dma_wait3A_400] : memref<10000x128xf32, #tpu.memory_space<vmem_shared>> -> memref<10000x128xf32, #tpu.memory_space<vmem_shared>>
      tpu.wait_indirect_dma semaphore(%arg19 : memref<!tpu.dma_semaphore, #tpu.memory_space<semaphore_mem>>) src(%arg11 : memref<80x128xf32, #tpu.memory_space<vmem>>) dst(%dma_wait3A_401 : memref<10000x128xf32, #tpu.memory_space<vmem_shared>>)
      %add3A_402 = arith.constant 2 : i32
      %add3A_403 = arith.addi %add3A_381, %add3A_402 : i32
      %eq3A_404 = arith.constant 0 : i32
      %eq3A_405 = arith.cmpi eq, %arg0, %eq3A_404 : i32
      %convert_element_type3A_406 = arith.extui %eq3A_405 : i1 to i32
      %cond3A_407 = arith.constant 0 : i32
      %cond3A_408 = arith.cmpi ne, %convert_element_type3A_406, %cond3A_407 : i32
      scf.if %cond3A_408 {
        %dma_start3A_414 = arith.constant 0 : i32
        %dma_start3A_415 = tpu.memref_slice %arg12[%add3A_403, %dma_start3A_414] : memref<64x80xi32, #tpu.memory_space<vmem>> -> memref<1x80xi32, #tpu.memory_space<vmem>>
        %dma_start3A_416 = tpu.memref_squeeze %dma_start3A_415 : memref<1x80xi32, #tpu.memory_space<vmem>> -> memref<80xi32, #tpu.memory_space<vmem>>
        %dma_start3A_417 = arith.constant 0 : i32
        %dma_start3A_418 = arith.constant 0 : i32
        %dma_start3A_419 = tpu.memref_slice %arg2[%dma_start3A_417, %dma_start3A_418] : memref<10000x128xf32, #tpu.memory_space<hbm>> -> memref<10000x128xf32, #tpu.memory_space<hbm>>
        tpu.enqueue_indirect_dma source(%dma_start3A_419 : memref<10000x128xf32, #tpu.memory_space<hbm>>) target(%arg11 : memref<80x128xf32, #tpu.memory_space<vmem>>) offsets(%dma_start3A_416 : memref<80xi32, #tpu.memory_space<vmem>>) semaphore(%arg16 : memref<!tpu.dma_semaphore, #tpu.memory_space<semaphore_mem>>)
      } else {
      }
      %eq3A_409 = arith.constant 1 : i32
      %eq3A_410 = arith.cmpi eq, %arg0, %eq3A_409 : i32
      %convert_element_type3A_411 = arith.extui %eq3A_410 : i1 to i32
      %cond3A_412 = arith.constant 0 : i32
      %cond3A_413 = arith.cmpi ne, %convert_element_type3A_411, %cond3A_412 : i32
      scf.if %cond3A_413 {
        %dma_start3A_414 = arith.constant 0 : i32
        %dma_start3A_415 = tpu.memref_slice %arg12[%add3A_403, %dma_start3A_414] : memref<64x80xi32, #tpu.memory_space<vmem>> -> memref<1x80xi32, #tpu.memory_space<vmem>>
        %dma_start3A_416 = tpu.memref_squeeze %dma_start3A_415 : memref<1x80xi32, #tpu.memory_space<vmem>> -> memref<80xi32, #tpu.memory_space<vmem>>
        %dma_start3A_417 = arith.constant 0 : i32
        %dma_start3A_418 = arith.constant 0 : i32
        %dma_start3A_419 = tpu.memref_slice %arg3[%dma_start3A_417, %dma_start3A_418] : memref<10000x128xf32, #tpu.memory_space<hbm>> -> memref<10000x128xf32, #tpu.memory_space<hbm>>
        tpu.enqueue_indirect_dma source(%dma_start3A_419 : memref<10000x128xf32, #tpu.memory_space<hbm>>) target(%arg11 : memref<80x128xf32, #tpu.memory_space<vmem>>) offsets(%dma_start3A_416 : memref<80xi32, #tpu.memory_space<vmem>>) semaphore(%arg16 : memref<!tpu.dma_semaphore, #tpu.memory_space<semaphore_mem>>)
      } else {
      }
    }
    %scan3A_215 = arith.constant 19 : i32
    %dma_wait3A_216 = arith.constant 0 : i32
    %dma_wait3A_217 = arith.constant 0 : i32
    %dma_wait3A_218 = tpu.memref_slice %arg12[%dma_wait3A_216, %dma_wait3A_217] : memref<64x80xi32, #tpu.memory_space<vmem>> -> memref<1x80xi32, #tpu.memory_space<vmem>>
    %dma_wait3A_219 = tpu.memref_squeeze %dma_wait3A_218 : memref<1x80xi32, #tpu.memory_space<vmem>> -> memref<80xi32, #tpu.memory_space<vmem>>
    %dma_wait3A_220 = arith.constant 0 : i32
    %dma_wait3A_221 = arith.constant 0 : i32
    %dma_wait3A_222 = tpu.memref_slice %arg2[%dma_wait3A_220, %dma_wait3A_221] : memref<10000x128xf32, #tpu.memory_space<hbm>> -> memref<10000x128xf32, #tpu.memory_space<hbm>>
    tpu.wait_indirect_dma semaphore(%arg15 : memref<!tpu.dma_semaphore, #tpu.memory_space<semaphore_mem>>) src(%dma_wait3A_222 : memref<10000x128xf32, #tpu.memory_space<hbm>>) dst(%arg10 : memref<80x128xf32, #tpu.memory_space<vmem>>)
    %dma_start3A_223 = arith.constant 58 : i32
    %dma_start3A_224 = arith.constant 0 : i32
    %dma_start3A_225 = tpu.memref_slice %arg13[%dma_start3A_223, %dma_start3A_224] : memref<64x80xi32, #tpu.memory_space<vmem>> -> memref<1x80xi32, #tpu.memory_space<vmem>>
    %dma_start3A_226 = tpu.memref_squeeze %dma_start3A_225 : memref<1x80xi32, #tpu.memory_space<vmem>> -> memref<80xi32, #tpu.memory_space<vmem>>
    %dma_start3A_227 = arith.constant 0 : i32
    %dma_start3A_228 = arith.constant 0 : i32
    %dma_start3A_229 = tpu.memref_slice %arg8[%dma_start3A_227, %dma_start3A_228] : memref<10000x128xf32, #tpu.memory_space<vmem_shared>> -> memref<10000x128xf32, #tpu.memory_space<vmem_shared>>
    tpu.enqueue_indirect_dma source(%arg10 : memref<80x128xf32, #tpu.memory_space<vmem>>) target(%dma_start3A_229 : memref<10000x128xf32, #tpu.memory_space<vmem_shared>>) offsets(%dma_start3A_226 : memref<80xi32, #tpu.memory_space<vmem>>) semaphore(%arg18 : memref<!tpu.dma_semaphore, #tpu.memory_space<semaphore_mem>>) {add = true}
    %dma_wait3A_230 = arith.constant 0 : i32
    %dma_wait3A_231 = arith.constant 0 : i32
    %dma_wait3A_232 = tpu.memref_slice %arg13[%dma_wait3A_230, %dma_wait3A_231] : memref<64x80xi32, #tpu.memory_space<vmem>> -> memref<1x80xi32, #tpu.memory_space<vmem>>
    %dma_wait3A_233 = tpu.memref_squeeze %dma_wait3A_232 : memref<1x80xi32, #tpu.memory_space<vmem>> -> memref<80xi32, #tpu.memory_space<vmem>>
    %dma_wait3A_234 = arith.constant 0 : i32
    %dma_wait3A_235 = arith.constant 0 : i32
    %dma_wait3A_236 = tpu.memref_slice %arg8[%dma_wait3A_234, %dma_wait3A_235] : memref<10000x128xf32, #tpu.memory_space<vmem_shared>> -> memref<10000x128xf32, #tpu.memory_space<vmem_shared>>
    tpu.wait_indirect_dma semaphore(%arg17 : memref<!tpu.dma_semaphore, #tpu.memory_space<semaphore_mem>>) src(%arg9 : memref<80x128xf32, #tpu.memory_space<vmem>>) dst(%dma_wait3A_236 : memref<10000x128xf32, #tpu.memory_space<vmem_shared>>)
    %eq3A_237 = arith.constant 0 : i32
    %eq3A_238 = arith.cmpi eq, %arg0, %eq3A_237 : i32
    %convert_element_type3A_239 = arith.extui %eq3A_238 : i1 to i32
    %cond3A_240 = arith.constant 60 : i32
    %cond3A_241 = arith.constant 0 : i32
    %cond3A_242 = arith.cmpi ne, %convert_element_type3A_239, %cond3A_241 : i32
    scf.if %cond3A_242 {
      %dma_start3A_309 = arith.constant 0 : i32
      %dma_start3A_310 = tpu.memref_slice %arg12[%cond3A_240, %dma_start3A_309] : memref<64x80xi32, #tpu.memory_space<vmem>> -> memref<1x80xi32, #tpu.memory_space<vmem>>
      %dma_start3A_311 = tpu.memref_squeeze %dma_start3A_310 : memref<1x80xi32, #tpu.memory_space<vmem>> -> memref<80xi32, #tpu.memory_space<vmem>>
      %dma_start3A_312 = arith.constant 0 : i32
      %dma_start3A_313 = arith.constant 0 : i32
      %dma_start3A_314 = tpu.memref_slice %arg2[%dma_start3A_312, %dma_start3A_313] : memref<10000x128xf32, #tpu.memory_space<hbm>> -> memref<10000x128xf32, #tpu.memory_space<hbm>>
      tpu.enqueue_indirect_dma source(%dma_start3A_314 : memref<10000x128xf32, #tpu.memory_space<hbm>>) target(%arg9 : memref<80x128xf32, #tpu.memory_space<vmem>>) offsets(%dma_start3A_311 : memref<80xi32, #tpu.memory_space<vmem>>) semaphore(%arg14 : memref<!tpu.dma_semaphore, #tpu.memory_space<semaphore_mem>>)
    } else {
    }
    %eq3A_243 = arith.constant 1 : i32
    %eq3A_244 = arith.cmpi eq, %arg0, %eq3A_243 : i32
    %convert_element_type3A_245 = arith.extui %eq3A_244 : i1 to i32
    %cond3A_246 = arith.constant 60 : i32
    %cond3A_247 = arith.constant 0 : i32
    %cond3A_248 = arith.cmpi ne, %convert_element_type3A_245, %cond3A_247 : i32
    scf.if %cond3A_248 {
      %dma_start3A_309 = arith.constant 0 : i32
      %dma_start3A_310 = tpu.memref_slice %arg12[%cond3A_246, %dma_start3A_309] : memref<64x80xi32, #tpu.memory_space<vmem>> -> memref<1x80xi32, #tpu.memory_space<vmem>>
      %dma_start3A_311 = tpu.memref_squeeze %dma_start3A_310 : memref<1x80xi32, #tpu.memory_space<vmem>> -> memref<80xi32, #tpu.memory_space<vmem>>
      %dma_start3A_312 = arith.constant 0 : i32
      %dma_start3A_313 = arith.constant 0 : i32
      %dma_start3A_314 = tpu.memref_slice %arg3[%dma_start3A_312, %dma_start3A_313] : memref<10000x128xf32, #tpu.memory_space<hbm>> -> memref<10000x128xf32, #tpu.memory_space<hbm>>
      tpu.enqueue_indirect_dma source(%dma_start3A_314 : memref<10000x128xf32, #tpu.memory_space<hbm>>) target(%arg9 : memref<80x128xf32, #tpu.memory_space<vmem>>) offsets(%dma_start3A_311 : memref<80xi32, #tpu.memory_space<vmem>>) semaphore(%arg14 : memref<!tpu.dma_semaphore, #tpu.memory_space<semaphore_mem>>)
    } else {
    }
    %dma_wait3A_249 = arith.constant 0 : i32
    %dma_wait3A_250 = arith.constant 0 : i32
    %dma_wait3A_251 = tpu.memref_slice %arg12[%dma_wait3A_249, %dma_wait3A_250] : memref<64x80xi32, #tpu.memory_space<vmem>> -> memref<1x80xi32, #tpu.memory_space<vmem>>
    %dma_wait3A_252 = tpu.memref_squeeze %dma_wait3A_251 : memref<1x80xi32, #tpu.memory_space<vmem>> -> memref<80xi32, #tpu.memory_space<vmem>>
    %dma_wait3A_253 = arith.constant 0 : i32
    %dma_wait3A_254 = arith.constant 0 : i32
    %dma_wait3A_255 = tpu.memref_slice %arg2[%dma_wait3A_253, %dma_wait3A_254] : memref<10000x128xf32, #tpu.memory_space<hbm>> -> memref<10000x128xf32, #tpu.memory_space<hbm>>
    tpu.wait_indirect_dma semaphore(%arg16 : memref<!tpu.dma_semaphore, #tpu.memory_space<semaphore_mem>>) src(%dma_wait3A_255 : memref<10000x128xf32, #tpu.memory_space<hbm>>) dst(%arg11 : memref<80x128xf32, #tpu.memory_space<vmem>>)
    %dma_start3A_256 = arith.constant 59 : i32
    %dma_start3A_257 = arith.constant 0 : i32
    %dma_start3A_258 = tpu.memref_slice %arg13[%dma_start3A_256, %dma_start3A_257] : memref<64x80xi32, #tpu.memory_space<vmem>> -> memref<1x80xi32, #tpu.memory_space<vmem>>
    %dma_start3A_259 = tpu.memref_squeeze %dma_start3A_258 : memref<1x80xi32, #tpu.memory_space<vmem>> -> memref<80xi32, #tpu.memory_space<vmem>>
    %dma_start3A_260 = arith.constant 0 : i32
    %dma_start3A_261 = arith.constant 0 : i32
    %dma_start3A_262 = tpu.memref_slice %arg8[%dma_start3A_260, %dma_start3A_261] : memref<10000x128xf32, #tpu.memory_space<vmem_shared>> -> memref<10000x128xf32, #tpu.memory_space<vmem_shared>>
    tpu.enqueue_indirect_dma source(%arg11 : memref<80x128xf32, #tpu.memory_space<vmem>>) target(%dma_start3A_262 : memref<10000x128xf32, #tpu.memory_space<vmem_shared>>) offsets(%dma_start3A_259 : memref<80xi32, #tpu.memory_space<vmem>>) semaphore(%arg19 : memref<!tpu.dma_semaphore, #tpu.memory_space<semaphore_mem>>) {add = true}
    %dma_wait3A_263 = arith.constant 0 : i32
    %dma_wait3A_264 = arith.constant 0 : i32
    %dma_wait3A_265 = tpu.memref_slice %arg12[%dma_wait3A_263, %dma_wait3A_264] : memref<64x80xi32, #tpu.memory_space<vmem>> -> memref<1x80xi32, #tpu.memory_space<vmem>>
    %dma_wait3A_266 = tpu.memref_squeeze %dma_wait3A_265 : memref<1x80xi32, #tpu.memory_space<vmem>> -> memref<80xi32, #tpu.memory_space<vmem>>
    %dma_wait3A_267 = arith.constant 0 : i32
    %dma_wait3A_268 = arith.constant 0 : i32
    %dma_wait3A_269 = tpu.memref_slice %arg2[%dma_wait3A_267, %dma_wait3A_268] : memref<10000x128xf32, #tpu.memory_space<hbm>> -> memref<10000x128xf32, #tpu.memory_space<hbm>>
    tpu.wait_indirect_dma semaphore(%arg14 : memref<!tpu.dma_semaphore, #tpu.memory_space<semaphore_mem>>) src(%dma_wait3A_269 : memref<10000x128xf32, #tpu.memory_space<hbm>>) dst(%arg9 : memref<80x128xf32, #tpu.memory_space<vmem>>)
    %dma_start3A_270 = arith.constant 60 : i32
    %dma_start3A_271 = arith.constant 0 : i32
    %dma_start3A_272 = tpu.memref_slice %arg13[%dma_start3A_270, %dma_start3A_271] : memref<64x80xi32, #tpu.memory_space<vmem>> -> memref<1x80xi32, #tpu.memory_space<vmem>>
    %dma_start3A_273 = tpu.memref_squeeze %dma_start3A_272 : memref<1x80xi32, #tpu.memory_space<vmem>> -> memref<80xi32, #tpu.memory_space<vmem>>
    %dma_start3A_274 = arith.constant 0 : i32
    %dma_start3A_275 = arith.constant 0 : i32
    %dma_start3A_276 = tpu.memref_slice %arg8[%dma_start3A_274, %dma_start3A_275] : memref<10000x128xf32, #tpu.memory_space<vmem_shared>> -> memref<10000x128xf32, #tpu.memory_space<vmem_shared>>
    tpu.enqueue_indirect_dma source(%arg9 : memref<80x128xf32, #tpu.memory_space<vmem>>) target(%dma_start3A_276 : memref<10000x128xf32, #tpu.memory_space<vmem_shared>>) offsets(%dma_start3A_273 : memref<80xi32, #tpu.memory_space<vmem>>) semaphore(%arg17 : memref<!tpu.dma_semaphore, #tpu.memory_space<semaphore_mem>>) {add = true}
    %dma_wait3A_277 = arith.constant 0 : i32
    %dma_wait3A_278 = arith.constant 0 : i32
    %dma_wait3A_279 = tpu.memref_slice %arg13[%dma_wait3A_277, %dma_wait3A_278] : memref<64x80xi32, #tpu.memory_space<vmem>> -> memref<1x80xi32, #tpu.memory_space<vmem>>
    %dma_wait3A_280 = tpu.memref_squeeze %dma_wait3A_279 : memref<1x80xi32, #tpu.memory_space<vmem>> -> memref<80xi32, #tpu.memory_space<vmem>>
    %dma_wait3A_281 = arith.constant 0 : i32
    %dma_wait3A_282 = arith.constant 0 : i32
    %dma_wait3A_283 = tpu.memref_slice %arg8[%dma_wait3A_281, %dma_wait3A_282] : memref<10000x128xf32, #tpu.memory_space<vmem_shared>> -> memref<10000x128xf32, #tpu.memory_space<vmem_shared>>
    tpu.wait_indirect_dma semaphore(%arg17 : memref<!tpu.dma_semaphore, #tpu.memory_space<semaphore_mem>>) src(%arg9 : memref<80x128xf32, #tpu.memory_space<vmem>>) dst(%dma_wait3A_283 : memref<10000x128xf32, #tpu.memory_space<vmem_shared>>)
    %dma_wait3A_284 = arith.constant 0 : i32
    %dma_wait3A_285 = arith.constant 0 : i32
    %dma_wait3A_286 = tpu.memref_slice %arg13[%dma_wait3A_284, %dma_wait3A_285] : memref<64x80xi32, #tpu.memory_space<vmem>> -> memref<1x80xi32, #tpu.memory_space<vmem>>
    %dma_wait3A_287 = tpu.memref_squeeze %dma_wait3A_286 : memref<1x80xi32, #tpu.memory_space<vmem>> -> memref<80xi32, #tpu.memory_space<vmem>>
    %dma_wait3A_288 = arith.constant 0 : i32
    %dma_wait3A_289 = arith.constant 0 : i32
    %dma_wait3A_290 = tpu.memref_slice %arg8[%dma_wait3A_288, %dma_wait3A_289] : memref<10000x128xf32, #tpu.memory_space<vmem_shared>> -> memref<10000x128xf32, #tpu.memory_space<vmem_shared>>
    tpu.wait_indirect_dma semaphore(%arg18 : memref<!tpu.dma_semaphore, #tpu.memory_space<semaphore_mem>>) src(%arg10 : memref<80x128xf32, #tpu.memory_space<vmem>>) dst(%dma_wait3A_290 : memref<10000x128xf32, #tpu.memory_space<vmem_shared>>)
    %dma_wait3A_291 = arith.constant 0 : i32
    %dma_wait3A_292 = arith.constant 0 : i32
    %dma_wait3A_293 = tpu.memref_slice %arg13[%dma_wait3A_291, %dma_wait3A_292] : memref<64x80xi32, #tpu.memory_space<vmem>> -> memref<1x80xi32, #tpu.memory_space<vmem>>
    %dma_wait3A_294 = tpu.memref_squeeze %dma_wait3A_293 : memref<1x80xi32, #tpu.memory_space<vmem>> -> memref<80xi32, #tpu.memory_space<vmem>>
    %dma_wait3A_295 = arith.constant 0 : i32
    %dma_wait3A_296 = arith.constant 0 : i32
    %dma_wait3A_297 = tpu.memref_slice %arg8[%dma_wait3A_295, %dma_wait3A_296] : memref<10000x128xf32, #tpu.memory_space<vmem_shared>> -> memref<10000x128xf32, #tpu.memory_space<vmem_shared>>
    tpu.wait_indirect_dma semaphore(%arg19 : memref<!tpu.dma_semaphore, #tpu.memory_space<semaphore_mem>>) src(%arg11 : memref<80x128xf32, #tpu.memory_space<vmem>>) dst(%dma_wait3A_297 : memref<10000x128xf32, #tpu.memory_space<vmem_shared>>)
    %barrier3A_298 = arith.constant 0 : index
    tpu.barrier barrier_id(%barrier3A_298)
    %eq3A_299 = arith.constant 0 : i32
    %eq3A_300 = arith.cmpi eq, %arg0, %eq3A_299 : i32
    %convert_element_type3A_301 = arith.extui %eq3A_300 : i1 to i32
    %cond3A_302 = arith.constant 0 : i32
    %cond3A_303 = arith.cmpi ne, %convert_element_type3A_301, %cond3A_302 : i32
    scf.if %cond3A_303 {
      "tpu.region"() ({
        %run_scoped3A = tpu.sem_alloc : memref<!tpu.dma_semaphore, #tpu.memory_space<semaphore_mem>>
        %dma_start3A_314 = arith.constant 0 : i32
        %dma_start3A_315 = tpu.memref_slice %arg6[%mul3A_6, %dma_start3A_314] : memref<10000x128xf32, #tpu.memory_space<hbm>> -> memref<624x128xf32, #tpu.memory_space<hbm>>
        %dma_start3A_316 = arith.constant 0 : i32
        %dma_start3A_317 = tpu.memref_slice %arg8[%mul3A_6, %dma_start3A_316] : memref<10000x128xf32, #tpu.memory_space<vmem_shared>> -> memref<624x128xf32, #tpu.memory_space<vmem_shared>>
        tpu.enqueue_dma source(%dma_start3A_317 : memref<624x128xf32, #tpu.memory_space<vmem_shared>>) target(%dma_start3A_315 : memref<624x128xf32, #tpu.memory_space<hbm>>) target_semaphore(%run_scoped3A : memref<!tpu.dma_semaphore, #tpu.memory_space<semaphore_mem>>)
        %dma_wait3A_318 = arith.constant 0 : i32
        %dma_wait3A_319 = tpu.memref_slice %arg6[%mul3A_6, %dma_wait3A_318] : memref<10000x128xf32, #tpu.memory_space<hbm>> -> memref<624x128xf32, #tpu.memory_space<hbm>>
        %dma_wait3A_320 = arith.constant 0 : i32
        %dma_wait3A_321 = tpu.memref_slice %arg8[%mul3A_6, %dma_wait3A_320] : memref<10000x128xf32, #tpu.memory_space<vmem_shared>> -> memref<624x128xf32, #tpu.memory_space<vmem_shared>>
        tpu.wait_dma2 semaphore(%run_scoped3A : memref<!tpu.dma_semaphore, #tpu.memory_space<semaphore_mem>>) src(%dma_wait3A_321 : memref<624x128xf32, #tpu.memory_space<vmem_shared>>) dst(%dma_wait3A_319 : memref<624x128xf32, #tpu.memory_space<hbm>>)
        tpu.yield
      }) : () -> ()
      %eq3A_309 = arith.constant 15 : i32
      %eq3A_310 = arith.cmpi eq, %arg1, %eq3A_309 : i32
      %convert_element_type3A_311 = arith.extui %eq3A_310 : i1 to i32
      %cond3A_312 = arith.constant 0 : i32
      %cond3A_313 = arith.cmpi ne, %convert_element_type3A_311, %cond3A_312 : i32
      scf.if %cond3A_313 {
        "tpu.region"() ({
          %run_scoped3A = tpu.sem_alloc : memref<!tpu.dma_semaphore, #tpu.memory_space<semaphore_mem>>
          %dma_start3A_314 = arith.constant 9984 : i32
          %dma_start3A_315 = arith.constant 0 : i32
          %dma_start3A_316 = tpu.memref_slice %arg6[%dma_start3A_314, %dma_start3A_315] : memref<10000x128xf32, #tpu.memory_space<hbm>> -> memref<16x128xf32, #tpu.memory_space<hbm>>
          %dma_start3A_317 = arith.constant 9984 : i32
          %dma_start3A_318 = arith.constant 0 : i32
          %dma_start3A_319 = tpu.memref_slice %arg8[%dma_start3A_317, %dma_start3A_318] : memref<10000x128xf32, #tpu.memory_space<vmem_shared>> -> memref<16x128xf32, #tpu.memory_space<vmem_shared>>
          tpu.enqueue_dma source(%dma_start3A_319 : memref<16x128xf32, #tpu.memory_space<vmem_shared>>) target(%dma_start3A_316 : memref<16x128xf32, #tpu.memory_space<hbm>>) target_semaphore(%run_scoped3A : memref<!tpu.dma_semaphore, #tpu.memory_space<semaphore_mem>>)
          %dma_wait3A_320 = arith.constant 9984 : i32
          %dma_wait3A_321 = arith.constant 0 : i32
          %dma_wait3A_322 = tpu.memref_slice %arg6[%dma_wait3A_320, %dma_wait3A_321] : memref<10000x128xf32, #tpu.memory_space<hbm>> -> memref<16x128xf32, #tpu.memory_space<hbm>>
          %dma_wait3A_323 = arith.constant 9984 : i32
          %dma_wait3A_324 = arith.constant 0 : i32
          %dma_wait3A_325 = tpu.memref_slice %arg8[%dma_wait3A_323, %dma_wait3A_324] : memref<10000x128xf32, #tpu.memory_space<vmem_shared>> -> memref<16x128xf32, #tpu.memory_space<vmem_shared>>
          tpu.wait_dma2 semaphore(%run_scoped3A : memref<!tpu.dma_semaphore, #tpu.memory_space<semaphore_mem>>) src(%dma_wait3A_325 : memref<16x128xf32, #tpu.memory_space<vmem_shared>>) dst(%dma_wait3A_322 : memref<16x128xf32, #tpu.memory_space<hbm>>)
          tpu.yield
        }) : () -> ()
      } else {
      }
    } else {
    }
    %eq3A_304 = arith.constant 1 : i32
    %eq3A_305 = arith.cmpi eq, %arg0, %eq3A_304 : i32
    %convert_element_type3A_306 = arith.extui %eq3A_305 : i1 to i32
    %cond3A_307 = arith.constant 0 : i32
    %cond3A_308 = arith.cmpi ne, %convert_element_type3A_306, %cond3A_307 : i32
    scf.if %cond3A_308 {
      "tpu.region"() ({
        %run_scoped3A = tpu.sem_alloc : memref<!tpu.dma_semaphore, #tpu.memory_space<semaphore_mem>>
        %dma_start3A_314 = arith.constant 0 : i32
        %dma_start3A_315 = tpu.memref_slice %arg7[%mul3A_6, %dma_start3A_314] : memref<10000x128xf32, #tpu.memory_space<hbm>> -> memref<624x128xf32, #tpu.memory_space<hbm>>
        %dma_start3A_316 = arith.constant 0 : i32
        %dma_start3A_317 = tpu.memref_slice %arg8[%mul3A_6, %dma_start3A_316] : memref<10000x128xf32, #tpu.memory_space<vmem_shared>> -> memref<624x128xf32, #tpu.memory_space<vmem_shared>>
        tpu.enqueue_dma source(%dma_start3A_317 : memref<624x128xf32, #tpu.memory_space<vmem_shared>>) target(%dma_start3A_315 : memref<624x128xf32, #tpu.memory_space<hbm>>) target_semaphore(%run_scoped3A : memref<!tpu.dma_semaphore, #tpu.memory_space<semaphore_mem>>)
        %dma_wait3A_318 = arith.constant 0 : i32
        %dma_wait3A_319 = tpu.memref_slice %arg7[%mul3A_6, %dma_wait3A_318] : memref<10000x128xf32, #tpu.memory_space<hbm>> -> memref<624x128xf32, #tpu.memory_space<hbm>>
        %dma_wait3A_320 = arith.constant 0 : i32
        %dma_wait3A_321 = tpu.memref_slice %arg8[%mul3A_6, %dma_wait3A_320] : memref<10000x128xf32, #tpu.memory_space<vmem_shared>> -> memref<624x128xf32, #tpu.memory_space<vmem_shared>>
        tpu.wait_dma2 semaphore(%run_scoped3A : memref<!tpu.dma_semaphore, #tpu.memory_space<semaphore_mem>>) src(%dma_wait3A_321 : memref<624x128xf32, #tpu.memory_space<vmem_shared>>) dst(%dma_wait3A_319 : memref<624x128xf32, #tpu.memory_space<hbm>>)
        tpu.yield
      }) : () -> ()
      %eq3A_309 = arith.constant 15 : i32
      %eq3A_310 = arith.cmpi eq, %arg1, %eq3A_309 : i32
      %convert_element_type3A_311 = arith.extui %eq3A_310 : i1 to i32
      %cond3A_312 = arith.constant 0 : i32
      %cond3A_313 = arith.cmpi ne, %convert_element_type3A_311, %cond3A_312 : i32
      scf.if %cond3A_313 {
        "tpu.region"() ({
          %run_scoped3A = tpu.sem_alloc : memref<!tpu.dma_semaphore, #tpu.memory_space<semaphore_mem>>
          %dma_start3A_314 = arith.constant 9984 : i32
          %dma_start3A_315 = arith.constant 0 : i32
          %dma_start3A_316 = tpu.memref_slice %arg7[%dma_start3A_314, %dma_start3A_315] : memref<10000x128xf32, #tpu.memory_space<hbm>> -> memref<16x128xf32, #tpu.memory_space<hbm>>
          %dma_start3A_317 = arith.constant 9984 : i32
          %dma_start3A_318 = arith.constant 0 : i32
          %dma_start3A_319 = tpu.memref_slice %arg8[%dma_start3A_317, %dma_start3A_318] : memref<10000x128xf32, #tpu.memory_space<vmem_shared>> -> memref<16x128xf32, #tpu.memory_space<vmem_shared>>
          tpu.enqueue_dma source(%dma_start3A_319 : memref<16x128xf32, #tpu.memory_space<vmem_shared>>) target(%dma_start3A_316 : memref<16x128xf32, #tpu.memory_space<hbm>>) target_semaphore(%run_scoped3A : memref<!tpu.dma_semaphore, #tpu.memory_space<semaphore_mem>>)
          %dma_wait3A_320 = arith.constant 9984 : i32
          %dma_wait3A_321 = arith.constant 0 : i32
          %dma_wait3A_322 = tpu.memref_slice %arg7[%dma_wait3A_320, %dma_wait3A_321] : memref<10000x128xf32, #tpu.memory_space<hbm>> -> memref<16x128xf32, #tpu.memory_space<hbm>>
          %dma_wait3A_323 = arith.constant 9984 : i32
          %dma_wait3A_324 = arith.constant 0 : i32
          %dma_wait3A_325 = tpu.memref_slice %arg8[%dma_wait3A_323, %dma_wait3A_324] : memref<10000x128xf32, #tpu.memory_space<vmem_shared>> -> memref<16x128xf32, #tpu.memory_space<vmem_shared>>
          tpu.wait_dma2 semaphore(%run_scoped3A : memref<!tpu.dma_semaphore, #tpu.memory_space<semaphore_mem>>) src(%dma_wait3A_325 : memref<16x128xf32, #tpu.memory_space<vmem_shared>>) dst(%dma_wait3A_322 : memref<16x128xf32, #tpu.memory_space<hbm>>)
          tpu.yield
        }) : () -> ()
      } else {
      }
    } else {
    }
    return
  }
}

#map = affine_map<(d0, d1) -> (0, 0)>
#map1 = affine_map<(d0, d1) -> (0, 0, 0)>
module attributes {stable_mosaic.version = 14 : i64} {
  func.func @_sc_scatter_body(%arg0: i32, %arg1: i32, %arg2: memref<10000x128xf32, #tpu.memory_space<hbm>>, %arg3: memref<10000x128xf32, #tpu.memory_space<hbm>>, %arg4: memref<16x125x80xi32, #tpu.memory_space<hbm>>, %arg5: memref<16x125x80xi32, #tpu.memory_space<hbm>>, %arg6: memref<10000x128xf32, #tpu.memory_space<hbm>>, %arg7: memref<10000x128xf32, #tpu.memory_space<hbm>>, %arg8: memref<10000x128xf32, #tpu.memory_space<vmem_shared>>, %arg9: memref<80x128xf32, #tpu.memory_space<vmem>>, %arg10: memref<80x128xf32, #tpu.memory_space<vmem>>, %arg11: memref<80x128xf32, #tpu.memory_space<vmem>>, %arg12: memref<64x80xi32, #tpu.memory_space<vmem>>, %arg13: memref<64x80xi32, #tpu.memory_space<vmem>>, %arg14: memref<!tpu.dma_semaphore, #tpu.memory_space<semaphore_mem>>, %arg15: memref<!tpu.dma_semaphore, #tpu.memory_space<semaphore_mem>>, %arg16: memref<!tpu.dma_semaphore, #tpu.memory_space<semaphore_mem>>, %arg17: memref<!tpu.dma_semaphore, #tpu.memory_space<semaphore_mem>>, %arg18: memref<!tpu.dma_semaphore, #tpu.memory_space<semaphore_mem>>, %arg19: memref<!tpu.dma_semaphore, #tpu.memory_space<semaphore_mem>>) attributes {dimension_semantics = [#tpu.dimension_semantics<core_parallel>, #tpu.dimension_semantics<subcore_parallel>], iteration_bounds = array<i64: 2, 16>, scalar_prefetch = 0 : i64, scratch_operands = 12 : i64, tpu.core_type = #tpu.core_type<sc_vector_subcore>, window_params = [{transform_indices = #map}, {transform_indices = #map}, {transform_indices = #map1}, {transform_indices = #map1}, {transform_indices = #map}, {transform_indices = #map}]} {
    "tpu.region"() ({
      %run_scoped3A = tpu.sem_alloc : memref<!tpu.dma_semaphore, #tpu.memory_space<semaphore_mem>>
      %dma_start3A_309 = arith.constant 0 : i32
      %dma_start3A_310 = arith.constant 0 : i32
      %dma_start3A_311 = tpu.memref_slice %arg4[%arg1, %dma_start3A_309, %dma_start3A_310] : memref<16x125x80xi32, #tpu.memory_space<hbm>> -> memref<1x64x80xi32, #tpu.memory_space<hbm>>
      %dma_start3A_312 = tpu.memref_squeeze %dma_start3A_311 : memref<1x64x80xi32, #tpu.memory_space<hbm>> -> memref<64x80xi32, #tpu.memory_space<hbm>>
      %dma_start3A_313 = arith.constant 0 : i32
      %dma_start3A_314 = arith.constant 0 : i32
      %dma_start3A_315 = tpu.memref_slice %arg4[%arg1, %dma_start3A_313, %dma_start3A_314] : memref<16x125x80xi32, #tpu.memory_space<hbm>> -> memref<1x64x80xi32, #tpu.memory_space<hbm>>
      %dma_start3A_316 = tpu.memref_squeeze %dma_start3A_315 : memref<1x64x80xi32, #tpu.memory_space<hbm>> -> memref<64x80xi32, #tpu.memory_space<hbm>>
      tpu.enqueue_dma source(%dma_start3A_316 : memref<64x80xi32, #tpu.memory_space<hbm>>) target(%arg12 : memref<64x80xi32, #tpu.memory_space<vmem>>) target_semaphore(%run_scoped3A : memref<!tpu.dma_semaphore, #tpu.memory_space<semaphore_mem>>)
      %dma_wait3A_317 = arith.constant 0 : i32
      %dma_wait3A_318 = arith.constant 0 : i32
      %dma_wait3A_319 = tpu.memref_slice %arg4[%arg1, %dma_wait3A_317, %dma_wait3A_318] : memref<16x125x80xi32, #tpu.memory_space<hbm>> -> memref<1x64x80xi32, #tpu.memory_space<hbm>>
      %dma_wait3A_320 = tpu.memref_squeeze %dma_wait3A_319 : memref<1x64x80xi32, #tpu.memory_space<hbm>> -> memref<64x80xi32, #tpu.memory_space<hbm>>
      %dma_wait3A_321 = arith.constant 0 : i32
      %dma_wait3A_322 = arith.constant 0 : i32
      %dma_wait3A_323 = tpu.memref_slice %arg4[%arg1, %dma_wait3A_321, %dma_wait3A_322] : memref<16x125x80xi32, #tpu.memory_space<hbm>> -> memref<1x64x80xi32, #tpu.memory_space<hbm>>
      %dma_wait3A_324 = tpu.memref_squeeze %dma_wait3A_323 : memref<1x64x80xi32, #tpu.memory_space<hbm>> -> memref<64x80xi32, #tpu.memory_space<hbm>>
      tpu.wait_dma2 semaphore(%run_scoped3A : memref<!tpu.dma_semaphore, #tpu.memory_space<semaphore_mem>>) src(%dma_wait3A_324 : memref<64x80xi32, #tpu.memory_space<hbm>>) dst(%arg12 : memref<64x80xi32, #tpu.memory_space<vmem>>)
      tpu.yield
    }) : () -> ()
    "tpu.region"() ({
      %run_scoped3A = tpu.sem_alloc : memref<!tpu.dma_semaphore, #tpu.memory_space<semaphore_mem>>
      %dma_start3A_309 = arith.constant 0 : i32
      %dma_start3A_310 = arith.constant 0 : i32
      %dma_start3A_311 = tpu.memref_slice %arg5[%arg1, %dma_start3A_309, %dma_start3A_310] : memref<16x125x80xi32, #tpu.memory_space<hbm>> -> memref<1x64x80xi32, #tpu.memory_space<hbm>>
      %dma_start3A_312 = tpu.memref_squeeze %dma_start3A_311 : memref<1x64x80xi32, #tpu.memory_space<hbm>> -> memref<64x80xi32, #tpu.memory_space<hbm>>
      %dma_start3A_313 = arith.constant 0 : i32
      %dma_start3A_314 = arith.constant 0 : i32
      %dma_start3A_315 = tpu.memref_slice %arg5[%arg1, %dma_start3A_313, %dma_start3A_314] : memref<16x125x80xi32, #tpu.memory_space<hbm>> -> memref<1x64x80xi32, #tpu.memory_space<hbm>>
      %dma_start3A_316 = tpu.memref_squeeze %dma_start3A_315 : memref<1x64x80xi32, #tpu.memory_space<hbm>> -> memref<64x80xi32, #tpu.memory_space<hbm>>
      tpu.enqueue_dma source(%dma_start3A_316 : memref<64x80xi32, #tpu.memory_space<hbm>>) target(%arg13 : memref<64x80xi32, #tpu.memory_space<vmem>>) target_semaphore(%run_scoped3A : memref<!tpu.dma_semaphore, #tpu.memory_space<semaphore_mem>>)
      %dma_wait3A_317 = arith.constant 0 : i32
      %dma_wait3A_318 = arith.constant 0 : i32
      %dma_wait3A_319 = tpu.memref_slice %arg5[%arg1, %dma_wait3A_317, %dma_wait3A_318] : memref<16x125x80xi32, #tpu.memory_space<hbm>> -> memref<1x64x80xi32, #tpu.memory_space<hbm>>
      %dma_wait3A_320 = tpu.memref_squeeze %dma_wait3A_319 : memref<1x64x80xi32, #tpu.memory_space<hbm>> -> memref<64x80xi32, #tpu.memory_space<hbm>>
      %dma_wait3A_321 = arith.constant 0 : i32
      %dma_wait3A_322 = arith.constant 0 : i32
      %dma_wait3A_323 = tpu.memref_slice %arg5[%arg1, %dma_wait3A_321, %dma_wait3A_322] : memref<16x125x80xi32, #tpu.memory_space<hbm>> -> memref<1x64x80xi32, #tpu.memory_space<hbm>>
      %dma_wait3A_324 = tpu.memref_squeeze %dma_wait3A_323 : memref<1x64x80xi32, #tpu.memory_space<hbm>> -> memref<64x80xi32, #tpu.memory_space<hbm>>
      tpu.wait_dma2 semaphore(%run_scoped3A : memref<!tpu.dma_semaphore, #tpu.memory_space<semaphore_mem>>) src(%dma_wait3A_324 : memref<64x80xi32, #tpu.memory_space<hbm>>) dst(%arg13 : memref<64x80xi32, #tpu.memory_space<vmem>>)
      tpu.yield
    }) : () -> ()
    %broadcast_in_dim3A = arith.constant 0.000000e+00 : f32
    %broadcast_in_dim3A_0 = vector.broadcast %broadcast_in_dim3A : f32 to vector<16xf32>
    %scan3A = arith.constant 0 : i32
    %scan3A_1 = arith.constant 0 : i32
    %scan3A_2 = arith.constant 80 : i32
    %scan3A_3 = arith.addi %scan3A_1, %scan3A_2 : i32
    %scan3A_4 = arith.constant 1 : i32
    scf.for %scan3A_309 = %scan3A_1 to %scan3A_3 step %scan3A_4  : i32 {
      %swap3A = arith.index_cast %scan3A_309 : i32 to index
      %swap3A_310 = arith.constant 0 : index
      %swap3A_311 = tpu.vector_load %arg9[%swap3A, %swap3A_310] {strides = array<i32>} : memref<80x128xf32, #tpu.memory_space<vmem>>, vector<1x16xf32>,
      %swap3A_312 = vector.shape_cast %swap3A_311 : vector<1x16xf32> to vector<16xf32>
      %swap3A_313 = vector.shape_cast %broadcast_in_dim3A_0 : vector<16xf32> to vector<1x16xf32>
      tpu.vector_store %arg9[%swap3A, %swap3A_310], %swap3A_313 {strides = array<i32>} : memref<80x128xf32, #tpu.memory_space<vmem>>, vector<1x16xf32>,
      %swap3A_314 = arith.index_cast %scan3A_309 : i32 to index
      %swap3A_315 = arith.constant 0 : index
      %swap3A_316 = tpu.vector_load %arg10[%swap3A_314, %swap3A_315] {strides = array<i32>} : memref<80x128xf32, #tpu.memory_space<vmem>>, vector<1x16xf32>,
      %swap3A_317 = vector.shape_cast %swap3A_316 : vector<1x16xf32> to vector<16xf32>
      %swap3A_318 = vector.shape_cast %broadcast_in_dim3A_0 : vector<16xf32> to vector<1x16xf32>
      tpu.vector_store %arg10[%swap3A_314, %swap3A_315], %swap3A_318 {strides = array<i32>} : memref<80x128xf32, #tpu.memory_space<vmem>>, vector<1x16xf32>,
      %swap3A_319 = arith.index_cast %scan3A_309 : i32 to index
      %swap3A_320 = arith.constant 16 : index
      %swap3A_321 = tpu.vector_load %arg9[%swap3A_319, %swap3A_320] {strides = array<i32>} : memref<80x128xf32, #tpu.memory_space<vmem>>, vector<1x16xf32>,
      %swap3A_322 = vector.shape_cast %swap3A_321 : vector<1x16xf32> to vector<16xf32>
      %swap3A_323 = vector.shape_cast %broadcast_in_dim3A_0 : vector<16xf32> to vector<1x16xf32>
      tpu.vector_store %arg9[%swap3A_319, %swap3A_320], %swap3A_323 {strides = array<i32>} : memref<80x128xf32, #tpu.memory_space<vmem>>, vector<1x16xf32>,
      %swap3A_324 = arith.index_cast %scan3A_309 : i32 to index
      %swap3A_325 = arith.constant 16 : index
      %swap3A_326 = tpu.vector_load %arg10[%swap3A_324, %swap3A_325] {strides = array<i32>} : memref<80x128xf32, #tpu.memory_space<vmem>>, vector<1x16xf32>,
      %swap3A_327 = vector.shape_cast %swap3A_326 : vector<1x16xf32> to vector<16xf32>
      %swap3A_328 = vector.shape_cast %broadcast_in_dim3A_0 : vector<16xf32> to vector<1x16xf32>
      tpu.vector_store %arg10[%swap3A_324, %swap3A_325], %swap3A_328 {strides = array<i32>} : memref<80x128xf32, #tpu.memory_space<vmem>>, vector<1x16xf32>,
      %swap3A_329 = arith.index_cast %scan3A_309 : i32 to index
      %swap3A_330 = arith.constant 32 : index
      %swap3A_331 = tpu.vector_load %arg9[%swap3A_329, %swap3A_330] {strides = array<i32>} : memref<80x128xf32, #tpu.memory_space<vmem>>, vector<1x16xf32>,
      %swap3A_332 = vector.shape_cast %swap3A_331 : vector<1x16xf32> to vector<16xf32>
      %swap3A_333 = vector.shape_cast %broadcast_in_dim3A_0 : vector<16xf32> to vector<1x16xf32>
      tpu.vector_store %arg9[%swap3A_329, %swap3A_330], %swap3A_333 {strides = array<i32>} : memref<80x128xf32, #tpu.memory_space<vmem>>, vector<1x16xf32>,
      %swap3A_334 = arith.index_cast %scan3A_309 : i32 to index
      %swap3A_335 = arith.constant 32 : index
      %swap3A_336 = tpu.vector_load %arg10[%swap3A_334, %swap3A_335] {strides = array<i32>} : memref<80x128xf32, #tpu.memory_space<vmem>>, vector<1x16xf32>,
      %swap3A_337 = vector.shape_cast %swap3A_336 : vector<1x16xf32> to vector<16xf32>
      %swap3A_338 = vector.shape_cast %broadcast_in_dim3A_0 : vector<16xf32> to vector<1x16xf32>
      tpu.vector_store %arg10[%swap3A_334, %swap3A_335], %swap3A_338 {strides = array<i32>} : memref<80x128xf32, #tpu.memory_space<vmem>>, vector<1x16xf32>,
      %swap3A_339 = arith.index_cast %scan3A_309 : i32 to index
      %swap3A_340 = arith.constant 48 : index
      %swap3A_341 = tpu.vector_load %arg9[%swap3A_339, %swap3A_340] {strides = array<i32>} : memref<80x128xf32, #tpu.memory_space<vmem>>, vector<1x16xf32>,
      %swap3A_342 = vector.shape_cast %swap3A_341 : vector<1x16xf32> to vector<16xf32>
      %swap3A_343 = vector.shape_cast %broadcast_in_dim3A_0 : vector<16xf32> to vector<1x16xf32>
      tpu.vector_store %arg9[%swap3A_339, %swap3A_340], %swap3A_343 {strides = array<i32>} : memref<80x128xf32, #tpu.memory_space<vmem>>, vector<1x16xf32>,
      %swap3A_344 = arith.index_cast %scan3A_309 : i32 to index
      %swap3A_345 = arith.constant 48 : index
      %swap3A_346 = tpu.vector_load %arg10[%swap3A_344, %swap3A_345] {strides = array<i32>} : memref<80x128xf32, #tpu.memory_space<vmem>>, vector<1x16xf32>,
      %swap3A_347 = vector.shape_cast %swap3A_346 : vector<1x16xf32> to vector<16xf32>
      %swap3A_348 = vector.shape_cast %broadcast_in_dim3A_0 : vector<16xf32> to vector<1x16xf32>
      tpu.vector_store %arg10[%swap3A_344, %swap3A_345], %swap3A_348 {strides = array<i32>} : memref<80x128xf32, #tpu.memory_space<vmem>>, vector<1x16xf32>,
      %swap3A_349 = arith.index_cast %scan3A_309 : i32 to index
      %swap3A_350 = arith.constant 64 : index
      %swap3A_351 = tpu.vector_load %arg9[%swap3A_349, %swap3A_350] {strides = array<i32>} : memref<80x128xf32, #tpu.memory_space<vmem>>, vector<1x16xf32>,
      %swap3A_352 = vector.shape_cast %swap3A_351 : vector<1x16xf32> to vector<16xf32>
      %swap3A_353 = vector.shape_cast %broadcast_in_dim3A_0 : vector<16xf32> to vector<1x16xf32>
      tpu.vector_store %arg9[%swap3A_349, %swap3A_350], %swap3A_353 {strides = array<i32>} : memref<80x128xf32, #tpu.memory_space<vmem>>, vector<1x16xf32>,
      %swap3A_354 = arith.index_cast %scan3A_309 : i32 to index
      %swap3A_355 = arith.constant 64 : index
      %swap3A_356 = tpu.vector_load %arg10[%swap3A_354, %swap3A_355] {strides = array<i32>} : memref<80x128xf32, #tpu.memory_space<vmem>>, vector<1x16xf32>,
      %swap3A_357 = vector.shape_cast %swap3A_356 : vector<1x16xf32> to vector<16xf32>
      %swap3A_358 = vector.shape_cast %broadcast_in_dim3A_0 : vector<16xf32> to vector<1x16xf32>
      tpu.vector_store %arg10[%swap3A_354, %swap3A_355], %swap3A_358 {strides = array<i32>} : memref<80x128xf32, #tpu.memory_space<vmem>>, vector<1x16xf32>,
      %swap3A_359 = arith.index_cast %scan3A_309 : i32 to index
      %swap3A_360 = arith.constant 80 : index
      %swap3A_361 = tpu.vector_load %arg9[%swap3A_359, %swap3A_360] {strides = array<i32>} : memref<80x128xf32, #tpu.memory_space<vmem>>, vector<1x16xf32>,
      %swap3A_362 = vector.shape_cast %swap3A_361 : vector<1x16xf32> to vector<16xf32>
      %swap3A_363 = vector.shape_cast %broadcast_in_dim3A_0 : vector<16xf32> to vector<1x16xf32>
      tpu.vector_store %arg9[%swap3A_359, %swap3A_360], %swap3A_363 {strides = array<i32>} : memref<80x128xf32, #tpu.memory_space<vmem>>, vector<1x16xf32>,
      %swap3A_364 = arith.index_cast %scan3A_309 : i32 to index
      %swap3A_365 = arith.constant 80 : index
      %swap3A_366 = tpu.vector_load %arg10[%swap3A_364, %swap3A_365] {strides = array<i32>} : memref<80x128xf32, #tpu.memory_space<vmem>>, vector<1x16xf32>,
      %swap3A_367 = vector.shape_cast %swap3A_366 : vector<1x16xf32> to vector<16xf32>
      %swap3A_368 = vector.shape_cast %broadcast_in_dim3A_0 : vector<16xf32> to vector<1x16xf32>
      tpu.vector_store %arg10[%swap3A_364, %swap3A_365], %swap3A_368 {strides = array<i32>} : memref<80x128xf32, #tpu.memory_space<vmem>>, vector<1x16xf32>,
      %swap3A_369 = arith.index_cast %scan3A_309 : i32 to index
      %swap3A_370 = arith.constant 96 : index
      %swap3A_371 = tpu.vector_load %arg9[%swap3A_369, %swap3A_370] {strides = array<i32>} : memref<80x128xf32, #tpu.memory_space<vmem>>, vector<1x16xf32>,
      %swap3A_372 = vector.shape_cast %swap3A_371 : vector<1x16xf32> to vector<16xf32>
      %swap3A_373 = vector.shape_cast %broadcast_in_dim3A_0 : vector<16xf32> to vector<1x16xf32>
      tpu.vector_store %arg9[%swap3A_369, %swap3A_370], %swap3A_373 {strides = array<i32>} : memref<80x128xf32, #tpu.memory_space<vmem>>, vector<1x16xf32>,
      %swap3A_374 = arith.index_cast %scan3A_309 : i32 to index
      %swap3A_375 = arith.constant 96 : index
      %swap3A_376 = tpu.vector_load %arg10[%swap3A_374, %swap3A_375] {strides = array<i32>} : memref<80x128xf32, #tpu.memory_space<vmem>>, vector<1x16xf32>,
      %swap3A_377 = vector.shape_cast %swap3A_376 : vector<1x16xf32> to vector<16xf32>
      %swap3A_378 = vector.shape_cast %broadcast_in_dim3A_0 : vector<16xf32> to vector<1x16xf32>
      tpu.vector_store %arg10[%swap3A_374, %swap3A_375], %swap3A_378 {strides = array<i32>} : memref<80x128xf32, #tpu.memory_space<vmem>>, vector<1x16xf32>,
      %swap3A_379 = arith.index_cast %scan3A_309 : i32 to index
      %swap3A_380 = arith.constant 112 : index
      %swap3A_381 = tpu.vector_load %arg9[%swap3A_379, %swap3A_380] {strides = array<i32>} : memref<80x128xf32, #tpu.memory_space<vmem>>, vector<1x16xf32>,
      %swap3A_382 = vector.shape_cast %swap3A_381 : vector<1x16xf32> to vector<16xf32>
      %swap3A_383 = vector.shape_cast %broadcast_in_dim3A_0 : vector<16xf32> to vector<1x16xf32>
      tpu.vector_store %arg9[%swap3A_379, %swap3A_380], %swap3A_383 {strides = array<i32>} : memref<80x128xf32, #tpu.memory_space<vmem>>, vector<1x16xf32>,
      %swap3A_384 = arith.index_cast %scan3A_309 : i32 to index
      %swap3A_385 = arith.constant 112 : index
      %swap3A_386 = tpu.vector_load %arg10[%swap3A_384, %swap3A_385] {strides = array<i32>} : memref<80x128xf32, #tpu.memory_space<vmem>>, vector<1x16xf32>,
      %swap3A_387 = vector.shape_cast %swap3A_386 : vector<1x16xf32> to vector<16xf32>
      %swap3A_388 = vector.shape_cast %broadcast_in_dim3A_0 : vector<16xf32> to vector<1x16xf32>
      tpu.vector_store %arg10[%swap3A_384, %swap3A_385], %swap3A_388 {strides = array<i32>} : memref<80x128xf32, #tpu.memory_space<vmem>>, vector<1x16xf32>,
    }
    %scan3A_5 = arith.constant 80 : i32
    %mul3A = arith.constant 624 : i32
    %mul3A_6 = arith.muli %arg1, %mul3A : i32
    %add3A = arith.constant 0 : i32
    %add3A_7 = arith.addi %mul3A_6, %add3A : i32
    "tpu.region"() ({
      %run_scoped3A = tpu.sem_alloc : memref<!tpu.dma_semaphore, #tpu.memory_space<semaphore_mem>>
      %dma_start3A_309 = arith.constant 0 : i32
      %dma_start3A_310 = tpu.memref_slice %arg8[%add3A_7, %dma_start3A_309] : memref<10000x128xf32, #tpu.memory_space<vmem_shared>> -> memref<80x128xf32, #tpu.memory_space<vmem_shared>>
      %dma_start3A_311 = arith.constant 0 : i32
      %dma_start3A_312 = tpu.memref_slice %arg8[%add3A_7, %dma_start3A_311] : memref<10000x128xf32, #tpu.memory_space<vmem_shared>> -> memref<80x128xf32, #tpu.memory_space<vmem_shared>>
      tpu.enqueue_dma source(%arg9 : memref<80x128xf32, #tpu.memory_space<vmem>>) target(%dma_start3A_312 : memref<80x128xf32, #tpu.memory_space<vmem_shared>>) target_semaphore(%run_scoped3A : memref<!tpu.dma_semaphore, #tpu.memory_space<semaphore_mem>>)
      %dma_wait3A_313 = arith.constant 0 : i32
      %dma_wait3A_314 = tpu.memref_slice %arg8[%add3A_7, %dma_wait3A_313] : memref<10000x128xf32, #tpu.memory_space<vmem_shared>> -> memref<80x128xf32, #tpu.memory_space<vmem_shared>>
      %dma_wait3A_315 = arith.constant 0 : i32
      %dma_wait3A_316 = tpu.memref_slice %arg8[%add3A_7, %dma_wait3A_315] : memref<10000x128xf32, #tpu.memory_space<vmem_shared>> -> memref<80x128xf32, #tpu.memory_space<vmem_shared>>
      tpu.wait_dma2 semaphore(%run_scoped3A : memref<!tpu.dma_semaphore, #tpu.memory_space<semaphore_mem>>) src(%arg9 : memref<80x128xf32, #tpu.memory_space<vmem>>) dst(%dma_wait3A_316 : memref<80x128xf32, #tpu.memory_space<vmem_shared>>)
      tpu.yield
    }) : () -> ()
    %add3A_8 = arith.constant 80 : i32
    %add3A_9 = arith.addi %mul3A_6, %add3A_8 : i32
    "tpu.region"() ({
      %run_scoped3A = tpu.sem_alloc : memref<!tpu.dma_semaphore, #tpu.memory_space<semaphore_mem>>
      %dma_start3A_309 = arith.constant 0 : i32
      %dma_start3A_310 = tpu.memref_slice %arg8[%add3A_9, %dma_start3A_309] : memref<10000x128xf32, #tpu.memory_space<vmem_shared>> -> memref<80x128xf32, #tpu.memory_space<vmem_shared>>
      %dma_start3A_311 = arith.constant 0 : i32
      %dma_start3A_312 = tpu.memref_slice %arg8[%add3A_9, %dma_start3A_311] : memref<10000x128xf32, #tpu.memory_space<vmem_shared>> -> memref<80x128xf32, #tpu.memory_space<vmem_shared>>
      tpu.enqueue_dma source(%arg10 : memref<80x128xf32, #tpu.memory_space<vmem>>) target(%dma_start3A_312 : memref<80x128xf32, #tpu.memory_space<vmem_shared>>) target_semaphore(%run_scoped3A : memref<!tpu.dma_semaphore, #tpu.memory_space<semaphore_mem>>)
      %dma_wait3A_313 = arith.constant 0 : i32
      %dma_wait3A_314 = tpu.memref_slice %arg8[%add3A_9, %dma_wait3A_313] : memref<10000x128xf32, #tpu.memory_space<vmem_shared>> -> memref<80x128xf32, #tpu.memory_space<vmem_shared>>
      %dma_wait3A_315 = arith.constant 0 : i32
      %dma_wait3A_316 = tpu.memref_slice %arg8[%add3A_9, %dma_wait3A_315] : memref<10000x128xf32, #tpu.memory_space<vmem_shared>> -> memref<80x128xf32, #tpu.memory_space<vmem_shared>>
      tpu.wait_dma2 semaphore(%run_scoped3A : memref<!tpu.dma_semaphore, #tpu.memory_space<semaphore_mem>>) src(%arg10 : memref<80x128xf32, #tpu.memory_space<vmem>>) dst(%dma_wait3A_316 : memref<80x128xf32, #tpu.memory_space<vmem_shared>>)
      tpu.yield
    }) : () -> ()
    %add3A_10 = arith.constant 160 : i32
    %add3A_11 = arith.addi %mul3A_6, %add3A_10 : i32
    "tpu.region"() ({
      %run_scoped3A = tpu.sem_alloc : memref<!tpu.dma_semaphore, #tpu.memory_space<semaphore_mem>>
      %dma_start3A_309 = arith.constant 0 : i32
      %dma_start3A_310 = tpu.memref_slice %arg8[%add3A_11, %dma_start3A_309] : memref<10000x128xf32, #tpu.memory_space<vmem_shared>> -> memref<80x128xf32, #tpu.memory_space<vmem_shared>>
      %dma_start3A_311 = arith.constant 0 : i32
      %dma_start3A_312 = tpu.memref_slice %arg8[%add3A_11, %dma_start3A_311] : memref<10000x128xf32, #tpu.memory_space<vmem_shared>> -> memref<80x128xf32, #tpu.memory_space<vmem_shared>>
      tpu.enqueue_dma source(%arg9 : memref<80x128xf32, #tpu.memory_space<vmem>>) target(%dma_start3A_312 : memref<80x128xf32, #tpu.memory_space<vmem_shared>>) target_semaphore(%run_scoped3A : memref<!tpu.dma_semaphore, #tpu.memory_space<semaphore_mem>>)
      %dma_wait3A_313 = arith.constant 0 : i32
      %dma_wait3A_314 = tpu.memref_slice %arg8[%add3A_11, %dma_wait3A_313] : memref<10000x128xf32, #tpu.memory_space<vmem_shared>> -> memref<80x128xf32, #tpu.memory_space<vmem_shared>>
      %dma_wait3A_315 = arith.constant 0 : i32
      %dma_wait3A_316 = tpu.memref_slice %arg8[%add3A_11, %dma_wait3A_315] : memref<10000x128xf32, #tpu.memory_space<vmem_shared>> -> memref<80x128xf32, #tpu.memory_space<vmem_shared>>
      tpu.wait_dma2 semaphore(%run_scoped3A : memref<!tpu.dma_semaphore, #tpu.memory_space<semaphore_mem>>) src(%arg9 : memref<80x128xf32, #tpu.memory_space<vmem>>) dst(%dma_wait3A_316 : memref<80x128xf32, #tpu.memory_space<vmem_shared>>)
      tpu.yield
    }) : () -> ()
    %add3A_12 = arith.constant 240 : i32
    %add3A_13 = arith.addi %mul3A_6, %add3A_12 : i32
    "tpu.region"() ({
      %run_scoped3A = tpu.sem_alloc : memref<!tpu.dma_semaphore, #tpu.memory_space<semaphore_mem>>
      %dma_start3A_309 = arith.constant 0 : i32
      %dma_start3A_310 = tpu.memref_slice %arg8[%add3A_13, %dma_start3A_309] : memref<10000x128xf32, #tpu.memory_space<vmem_shared>> -> memref<80x128xf32, #tpu.memory_space<vmem_shared>>
      %dma_start3A_311 = arith.constant 0 : i32
      %dma_start3A_312 = tpu.memref_slice %arg8[%add3A_13, %dma_start3A_311] : memref<10000x128xf32, #tpu.memory_space<vmem_shared>> -> memref<80x128xf32, #tpu.memory_space<vmem_shared>>
      tpu.enqueue_dma source(%arg10 : memref<80x128xf32, #tpu.memory_space<vmem>>) target(%dma_start3A_312 : memref<80x128xf32, #tpu.memory_space<vmem_shared>>) target_semaphore(%run_scoped3A : memref<!tpu.dma_semaphore, #tpu.memory_space<semaphore_mem>>)
      %dma_wait3A_313 = arith.constant 0 : i32
      %dma_wait3A_314 = tpu.memref_slice %arg8[%add3A_13, %dma_wait3A_313] : memref<10000x128xf32, #tpu.memory_space<vmem_shared>> -> memref<80x128xf32, #tpu.memory_space<vmem_shared>>
      %dma_wait3A_315 = arith.constant 0 : i32
      %dma_wait3A_316 = tpu.memref_slice %arg8[%add3A_13, %dma_wait3A_315] : memref<10000x128xf32, #tpu.memory_space<vmem_shared>> -> memref<80x128xf32, #tpu.memory_space<vmem_shared>>
      tpu.wait_dma2 semaphore(%run_scoped3A : memref<!tpu.dma_semaphore, #tpu.memory_space<semaphore_mem>>) src(%arg10 : memref<80x128xf32, #tpu.memory_space<vmem>>) dst(%dma_wait3A_316 : memref<80x128xf32, #tpu.memory_space<vmem_shared>>)
      tpu.yield
    }) : () -> ()
    %add3A_14 = arith.constant 320 : i32
    %add3A_15 = arith.addi %mul3A_6, %add3A_14 : i32
    "tpu.region"() ({
      %run_scoped3A = tpu.sem_alloc : memref<!tpu.dma_semaphore, #tpu.memory_space<semaphore_mem>>
      %dma_start3A_309 = arith.constant 0 : i32
      %dma_start3A_310 = tpu.memref_slice %arg8[%add3A_15, %dma_start3A_309] : memref<10000x128xf32, #tpu.memory_space<vmem_shared>> -> memref<80x128xf32, #tpu.memory_space<vmem_shared>>
      %dma_start3A_311 = arith.constant 0 : i32
      %dma_start3A_312 = tpu.memref_slice %arg8[%add3A_15, %dma_start3A_311] : memref<10000x128xf32, #tpu.memory_space<vmem_shared>> -> memref<80x128xf32, #tpu.memory_space<vmem_shared>>
      tpu.enqueue_dma source(%arg9 : memref<80x128xf32, #tpu.memory_space<vmem>>) target(%dma_start3A_312 : memref<80x128xf32, #tpu.memory_space<vmem_shared>>) target_semaphore(%run_scoped3A : memref<!tpu.dma_semaphore, #tpu.memory_space<semaphore_mem>>)
      %dma_wait3A_313 = arith.constant 0 : i32
      %dma_wait3A_314 = tpu.memref_slice %arg8[%add3A_15, %dma_wait3A_313] : memref<10000x128xf32, #tpu.memory_space<vmem_shared>> -> memref<80x128xf32, #tpu.memory_space<vmem_shared>>
      %dma_wait3A_315 = arith.constant 0 : i32
      %dma_wait3A_316 = tpu.memref_slice %arg8[%add3A_15, %dma_wait3A_315] : memref<10000x128xf32, #tpu.memory_space<vmem_shared>> -> memref<80x128xf32, #tpu.memory_space<vmem_shared>>
      tpu.wait_dma2 semaphore(%run_scoped3A : memref<!tpu.dma_semaphore, #tpu.memory_space<semaphore_mem>>) src(%arg9 : memref<80x128xf32, #tpu.memory_space<vmem>>) dst(%dma_wait3A_316 : memref<80x128xf32, #tpu.memory_space<vmem_shared>>)
      tpu.yield
    }) : () -> ()
    %add3A_16 = arith.constant 400 : i32
    %add3A_17 = arith.addi %mul3A_6, %add3A_16 : i32
    "tpu.region"() ({
      %run_scoped3A = tpu.sem_alloc : memref<!tpu.dma_semaphore, #tpu.memory_space<semaphore_mem>>
      %dma_start3A_309 = arith.constant 0 : i32
      %dma_start3A_310 = tpu.memref_slice %arg8[%add3A_17, %dma_start3A_309] : memref<10000x128xf32, #tpu.memory_space<vmem_shared>> -> memref<80x128xf32, #tpu.memory_space<vmem_shared>>
      %dma_start3A_311 = arith.constant 0 : i32
      %dma_start3A_312 = tpu.memref_slice %arg8[%add3A_17, %dma_start3A_311] : memref<10000x128xf32, #tpu.memory_space<vmem_shared>> -> memref<80x128xf32, #tpu.memory_space<vmem_shared>>
      tpu.enqueue_dma source(%arg10 : memref<80x128xf32, #tpu.memory_space<vmem>>) target(%dma_start3A_312 : memref<80x128xf32, #tpu.memory_space<vmem_shared>>) target_semaphore(%run_scoped3A : memref<!tpu.dma_semaphore, #tpu.memory_space<semaphore_mem>>)
      %dma_wait3A_313 = arith.constant 0 : i32
      %dma_wait3A_314 = tpu.memref_slice %arg8[%add3A_17, %dma_wait3A_313] : memref<10000x128xf32, #tpu.memory_space<vmem_shared>> -> memref<80x128xf32, #tpu.memory_space<vmem_shared>>
      %dma_wait3A_315 = arith.constant 0 : i32
      %dma_wait3A_316 = tpu.memref_slice %arg8[%add3A_17, %dma_wait3A_315] : memref<10000x128xf32, #tpu.memory_space<vmem_shared>> -> memref<80x128xf32, #tpu.memory_space<vmem_shared>>
      tpu.wait_dma2 semaphore(%run_scoped3A : memref<!tpu.dma_semaphore, #tpu.memory_space<semaphore_mem>>) src(%arg10 : memref<80x128xf32, #tpu.memory_space<vmem>>) dst(%dma_wait3A_316 : memref<80x128xf32, #tpu.memory_space<vmem_shared>>)
      tpu.yield
    }) : () -> ()
    %add3A_18 = arith.constant 480 : i32
    %add3A_19 = arith.addi %mul3A_6, %add3A_18 : i32
    "tpu.region"() ({
      %run_scoped3A = tpu.sem_alloc : memref<!tpu.dma_semaphore, #tpu.memory_space<semaphore_mem>>
      %dma_start3A_309 = arith.constant 0 : i32
      %dma_start3A_310 = tpu.memref_slice %arg8[%add3A_19, %dma_start3A_309] : memref<10000x128xf32, #tpu.memory_space<vmem_shared>> -> memref<80x128xf32, #tpu.memory_space<vmem_shared>>
      %dma_start3A_311 = arith.constant 0 : i32
      %dma_start3A_312 = tpu.memref_slice %arg8[%add3A_19, %dma_start3A_311] : memref<10000x128xf32, #tpu.memory_space<vmem_shared>> -> memref<80x128xf32, #tpu.memory_space<vmem_shared>>
      tpu.enqueue_dma source(%arg9 : memref<80x128xf32, #tpu.memory_space<vmem>>) target(%dma_start3A_312 : memref<80x128xf32, #tpu.memory_space<vmem_shared>>) target_semaphore(%run_scoped3A : memref<!tpu.dma_semaphore, #tpu.memory_space<semaphore_mem>>)
      %dma_wait3A_313 = arith.constant 0 : i32
      %dma_wait3A_314 = tpu.memref_slice %arg8[%add3A_19, %dma_wait3A_313] : memref<10000x128xf32, #tpu.memory_space<vmem_shared>> -> memref<80x128xf32, #tpu.memory_space<vmem_shared>>
      %dma_wait3A_315 = arith.constant 0 : i32
      %dma_wait3A_316 = tpu.memref_slice %arg8[%add3A_19, %dma_wait3A_315] : memref<10000x128xf32, #tpu.memory_space<vmem_shared>> -> memref<80x128xf32, #tpu.memory_space<vmem_shared>>
      tpu.wait_dma2 semaphore(%run_scoped3A : memref<!tpu.dma_semaphore, #tpu.memory_space<semaphore_mem>>) src(%arg9 : memref<80x128xf32, #tpu.memory_space<vmem>>) dst(%dma_wait3A_316 : memref<80x128xf32, #tpu.memory_space<vmem_shared>>)
      tpu.yield
    }) : () -> ()
    %add3A_20 = arith.constant 560 : i32
    %add3A_21 = arith.addi %mul3A_6, %add3A_20 : i32
    "tpu.region"() ({
      %run_scoped3A = tpu.sem_alloc : memref<!tpu.dma_semaphore, #tpu.memory_space<semaphore_mem>>
      %dma_start3A_309 = arith.constant 0 : i32
      %dma_start3A_310 = arith.constant 0 : i32
      %dma_start3A_311 = tpu.memref_slice %arg10[%dma_start3A_309, %dma_start3A_310] : memref<80x128xf32, #tpu.memory_space<vmem>> -> memref<64x128xf32, #tpu.memory_space<vmem>>
      %dma_start3A_312 = arith.constant 0 : i32
      %dma_start3A_313 = tpu.memref_slice %arg8[%add3A_21, %dma_start3A_312] : memref<10000x128xf32, #tpu.memory_space<vmem_shared>> -> memref<64x128xf32, #tpu.memory_space<vmem_shared>>
      %dma_start3A_314 = arith.constant 0 : i32
      %dma_start3A_315 = tpu.memref_slice %arg8[%add3A_21, %dma_start3A_314] : memref<10000x128xf32, #tpu.memory_space<vmem_shared>> -> memref<64x128xf32, #tpu.memory_space<vmem_shared>>
      %dma_start3A_316 = arith.constant 0 : i32
      %dma_start3A_317 = arith.constant 0 : i32
      %dma_start3A_318 = tpu.memref_slice %arg10[%dma_start3A_316, %dma_start3A_317] : memref<80x128xf32, #tpu.memory_space<vmem>> -> memref<64x128xf32, #tpu.memory_space<vmem>>
      tpu.enqueue_dma source(%dma_start3A_318 : memref<64x128xf32, #tpu.memory_space<vmem>>) target(%dma_start3A_315 : memref<64x128xf32, #tpu.memory_space<vmem_shared>>) target_semaphore(%run_scoped3A : memref<!tpu.dma_semaphore, #tpu.memory_space<semaphore_mem>>)
      %dma_wait3A_319 = arith.constant 0 : i32
      %dma_wait3A_320 = arith.constant 0 : i32
      %dma_wait3A_321 = tpu.memref_slice %arg10[%dma_wait3A_319, %dma_wait3A_320] : memref<80x128xf32, #tpu.memory_space<vmem>> -> memref<64x128xf32, #tpu.memory_space<vmem>>
      %dma_wait3A_322 = arith.constant 0 : i32
      %dma_wait3A_323 = tpu.memref_slice %arg8[%add3A_21, %dma_wait3A_322] : memref<10000x128xf32, #tpu.memory_space<vmem_shared>> -> memref<64x128xf32, #tpu.memory_space<vmem_shared>>
      %dma_wait3A_324 = arith.constant 0 : i32
      %dma_wait3A_325 = tpu.memref_slice %arg8[%add3A_21, %dma_wait3A_324] : memref<10000x128xf32, #tpu.memory_space<vmem_shared>> -> memref<64x128xf32, #tpu.memory_space<vmem_shared>>
      %dma_wait3A_326 = arith.constant 0 : i32
      %dma_wait3A_327 = arith.constant 0 : i32
      %dma_wait3A_328 = tpu.memref_slice %arg10[%dma_wait3A_326, %dma_wait3A_327] : memref<80x128xf32, #tpu.memory_space<vmem>> -> memref<64x128xf32, #tpu.memory_space<vmem>>
      tpu.wait_dma2 semaphore(%run_scoped3A : memref<!tpu.dma_semaphore, #tpu.memory_space<semaphore_mem>>) src(%dma_wait3A_328 : memref<64x128xf32, #tpu.memory_space<vmem>>) dst(%dma_wait3A_325 : memref<64x128xf32, #tpu.memory_space<vmem_shared>>)
      tpu.yield
    }) : () -> ()
    %eq3A = arith.constant 15 : i32
    %eq3A_22 = arith.cmpi eq, %arg1, %eq3A : i32
    %convert_element_type3A = arith.extui %eq3A_22 : i1 to i32
    %cond3A = arith.constant 0 : i32
    %cond3A_23 = arith.cmpi ne, %convert_element_type3A, %cond3A : i32
    scf.if %cond3A_23 {
      "tpu.region"() ({
        %run_scoped3A = tpu.sem_alloc : memref<!tpu.dma_semaphore, #tpu.memory_space<semaphore_mem>>
        %dma_start3A_309 = arith.constant 0 : i32
        %dma_start3A_310 = arith.constant 0 : i32
        %dma_start3A_311 = tpu.memref_slice %arg9[%dma_start3A_309, %dma_start3A_310] : memref<80x128xf32, #tpu.memory_space<vmem>> -> memref<16x128xf32, #tpu.memory_space<vmem>>
        %dma_start3A_312 = arith.constant 9984 : i32
        %dma_start3A_313 = arith.constant 0 : i32
        %dma_start3A_314 = tpu.memref_slice %arg8[%dma_start3A_312, %dma_start3A_313] : memref<10000x128xf32, #tpu.memory_space<vmem_shared>> -> memref<16x128xf32, #tpu.memory_space<vmem_shared>>
        %dma_start3A_315 = arith.constant 9984 : i32
        %dma_start3A_316 = arith.constant 0 : i32
        %dma_start3A_317 = tpu.memref_slice %arg8[%dma_start3A_315, %dma_start3A_316] : memref<10000x128xf32, #tpu.memory_space<vmem_shared>> -> memref<16x128xf32, #tpu.memory_space<vmem_shared>>
        %dma_start3A_318 = arith.constant 0 : i32
        %dma_start3A_319 = arith.constant 0 : i32
        %dma_start3A_320 = tpu.memref_slice %arg9[%dma_start3A_318, %dma_start3A_319] : memref<80x128xf32, #tpu.memory_space<vmem>> -> memref<16x128xf32, #tpu.memory_space<vmem>>
        tpu.enqueue_dma source(%dma_start3A_320 : memref<16x128xf32, #tpu.memory_space<vmem>>) target(%dma_start3A_317 : memref<16x128xf32, #tpu.memory_space<vmem_shared>>) target_semaphore(%run_scoped3A : memref<!tpu.dma_semaphore, #tpu.memory_space<semaphore_mem>>)
        %dma_wait3A_321 = arith.constant 0 : i32
        %dma_wait3A_322 = arith.constant 0 : i32
        %dma_wait3A_323 = tpu.memref_slice %arg9[%dma_wait3A_321, %dma_wait3A_322] : memref<80x128xf32, #tpu.memory_space<vmem>> -> memref<16x128xf32, #tpu.memory_space<vmem>>
        %dma_wait3A_324 = arith.constant 9984 : i32
        %dma_wait3A_325 = arith.constant 0 : i32
        %dma_wait3A_326 = tpu.memref_slice %arg8[%dma_wait3A_324, %dma_wait3A_325] : memref<10000x128xf32, #tpu.memory_space<vmem_shared>> -> memref<16x128xf32, #tpu.memory_space<vmem_shared>>
        %dma_wait3A_327 = arith.constant 9984 : i32
        %dma_wait3A_328 = arith.constant 0 : i32
        %dma_wait3A_329 = tpu.memref_slice %arg8[%dma_wait3A_327, %dma_wait3A_328] : memref<10000x128xf32, #tpu.memory_space<vmem_shared>> -> memref<16x128xf32, #tpu.memory_space<vmem_shared>>
        %dma_wait3A_330 = arith.constant 0 : i32
        %dma_wait3A_331 = arith.constant 0 : i32
        %dma_wait3A_332 = tpu.memref_slice %arg9[%dma_wait3A_330, %dma_wait3A_331] : memref<80x128xf32, #tpu.memory_space<vmem>> -> memref<16x128xf32, #tpu.memory_space<vmem>>
        tpu.wait_dma2 semaphore(%run_scoped3A : memref<!tpu.dma_semaphore, #tpu.memory_space<semaphore_mem>>) src(%dma_wait3A_332 : memref<16x128xf32, #tpu.memory_space<vmem>>) dst(%dma_wait3A_329 : memref<16x128xf32, #tpu.memory_space<vmem_shared>>)
        tpu.yield
      }) : () -> ()
    } else {
    }
    %barrier3A = arith.constant 0 : index
    tpu.barrier barrier_id(%barrier3A)
    %eq3A_24 = arith.constant 0 : i32
    %eq3A_25 = arith.cmpi eq, %arg0, %eq3A_24 : i32
    %convert_element_type3A_26 = arith.extui %eq3A_25 : i1 to i32
    %cond3A_27 = arith.constant 0 : i32
    %cond3A_28 = arith.constant 0 : i32
    %cond3A_29 = arith.cmpi ne, %convert_element_type3A_26, %cond3A_28 : i32
    scf.if %cond3A_29 {
      %dma_start3A_309 = arith.constant 0 : i32
      %dma_start3A_310 = tpu.memref_slice %arg12[%cond3A_27, %dma_start3A_309] : memref<64x80xi32, #tpu.memory_space<vmem>> -> memref<1x80xi32, #tpu.memory_space<vmem>>
      %dma_start3A_311 = tpu.memref_squeeze %dma_start3A_310 : memref<1x80xi32, #tpu.memory_space<vmem>> -> memref<80xi32, #tpu.memory_space<vmem>>
      %dma_start3A_312 = arith.constant 0 : i32
      %dma_start3A_313 = arith.constant 0 : i32
      %dma_start3A_314 = tpu.memref_slice %arg2[%dma_start3A_312, %dma_start3A_313] : memref<10000x128xf32, #tpu.memory_space<hbm>> -> memref<10000x128xf32, #tpu.memory_space<hbm>>
      tpu.enqueue_indirect_dma source(%dma_start3A_314 : memref<10000x128xf32, #tpu.memory_space<hbm>>) target(%arg9 : memref<80x128xf32, #tpu.memory_space<vmem>>) offsets(%dma_start3A_311 : memref<80xi32, #tpu.memory_space<vmem>>) semaphore(%arg14 : memref<!tpu.dma_semaphore, #tpu.memory_space<semaphore_mem>>)
    } else {
    }
    %eq3A_30 = arith.constant 1 : i32
    %eq3A_31 = arith.cmpi eq, %arg0, %eq3A_30 : i32
    %convert_element_type3A_32 = arith.extui %eq3A_31 : i1 to i32
    %cond3A_33 = arith.constant 0 : i32
    %cond3A_34 = arith.constant 0 : i32
    %cond3A_35 = arith.cmpi ne, %convert_element_type3A_32, %cond3A_34 : i32
    scf.if %cond3A_35 {
      %dma_start3A_309 = arith.constant 0 : i32
      %dma_start3A_310 = tpu.memref_slice %arg12[%cond3A_33, %dma_start3A_309] : memref<64x80xi32, #tpu.memory_space<vmem>> -> memref<1x80xi32, #tpu.memory_space<vmem>>
      %dma_start3A_311 = tpu.memref_squeeze %dma_start3A_310 : memref<1x80xi32, #tpu.memory_space<vmem>> -> memref<80xi32, #tpu.memory_space<vmem>>
      %dma_start3A_312 = arith.constant 0 : i32
      %dma_start3A_313 = arith.constant 0 : i32
      %dma_start3A_314 = tpu.memref_slice %arg3[%dma_start3A_312, %dma_start3A_313] : memref<10000x128xf32, #tpu.memory_space<hbm>> -> memref<10000x128xf32, #tpu.memory_space<hbm>>
      tpu.enqueue_indirect_dma source(%dma_start3A_314 : memref<10000x128xf32, #tpu.memory_space<hbm>>) target(%arg9 : memref<80x128xf32, #tpu.memory_space<vmem>>) offsets(%dma_start3A_311 : memref<80xi32, #tpu.memory_space<vmem>>) semaphore(%arg14 : memref<!tpu.dma_semaphore, #tpu.memory_space<semaphore_mem>>)
    } else {
    }
    %eq3A_36 = arith.constant 0 : i32
    %eq3A_37 = arith.cmpi eq, %arg0, %eq3A_36 : i32
    %convert_element_type3A_38 = arith.extui %eq3A_37 : i1 to i32
    %cond3A_39 = arith.constant 1 : i32
    %cond3A_40 = arith.constant 0 : i32
    %cond3A_41 = arith.cmpi ne, %convert_element_type3A_38, %cond3A_40 : i32
    scf.if %cond3A_41 {
      %dma_start3A_309 = arith.constant 0 : i32
      %dma_start3A_310 = tpu.memref_slice %arg12[%cond3A_39, %dma_start3A_309] : memref<64x80xi32, #tpu.memory_space<vmem>> -> memref<1x80xi32, #tpu.memory_space<vmem>>
      %dma_start3A_311 = tpu.memref_squeeze %dma_start3A_310 : memref<1x80xi32, #tpu.memory_space<vmem>> -> memref<80xi32, #tpu.memory_space<vmem>>
      %dma_start3A_312 = arith.constant 0 : i32
      %dma_start3A_313 = arith.constant 0 : i32
      %dma_start3A_314 = tpu.memref_slice %arg2[%dma_start3A_312, %dma_start3A_313] : memref<10000x128xf32, #tpu.memory_space<hbm>> -> memref<10000x128xf32, #tpu.memory_space<hbm>>
      tpu.enqueue_indirect_dma source(%dma_start3A_314 : memref<10000x128xf32, #tpu.memory_space<hbm>>) target(%arg10 : memref<80x128xf32, #tpu.memory_space<vmem>>) offsets(%dma_start3A_311 : memref<80xi32, #tpu.memory_space<vmem>>) semaphore(%arg15 : memref<!tpu.dma_semaphore, #tpu.memory_space<semaphore_mem>>)
    } else {
    }
    %eq3A_42 = arith.constant 1 : i32
    %eq3A_43 = arith.cmpi eq, %arg0, %eq3A_42 : i32
    %convert_element_type3A_44 = arith.extui %eq3A_43 : i1 to i32
    %cond3A_45 = arith.constant 1 : i32
    %cond3A_46 = arith.constant 0 : i32
    %cond3A_47 = arith.cmpi ne, %convert_element_type3A_44, %cond3A_46 : i32
    scf.if %cond3A_47 {
      %dma_start3A_309 = arith.constant 0 : i32
      %dma_start3A_310 = tpu.memref_slice %arg12[%cond3A_45, %dma_start3A_309] : memref<64x80xi32, #tpu.memory_space<vmem>> -> memref<1x80xi32, #tpu.memory_space<vmem>>
      %dma_start3A_311 = tpu.memref_squeeze %dma_start3A_310 : memref<1x80xi32, #tpu.memory_space<vmem>> -> memref<80xi32, #tpu.memory_space<vmem>>
      %dma_start3A_312 = arith.constant 0 : i32
      %dma_start3A_313 = arith.constant 0 : i32
      %dma_start3A_314 = tpu.memref_slice %arg3[%dma_start3A_312, %dma_start3A_313] : memref<10000x128xf32, #tpu.memory_space<hbm>> -> memref<10000x128xf32, #tpu.memory_space<hbm>>
      tpu.enqueue_indirect_dma source(%dma_start3A_314 : memref<10000x128xf32, #tpu.memory_space<hbm>>) target(%arg10 : memref<80x128xf32, #tpu.memory_space<vmem>>) offsets(%dma_start3A_311 : memref<80xi32, #tpu.memory_space<vmem>>) semaphore(%arg15 : memref<!tpu.dma_semaphore, #tpu.memory_space<semaphore_mem>>)
    } else {
    }
    %eq3A_48 = arith.constant 0 : i32
    %eq3A_49 = arith.cmpi eq, %arg0, %eq3A_48 : i32
    %convert_element_type3A_50 = arith.extui %eq3A_49 : i1 to i32
    %cond3A_51 = arith.constant 2 : i32
    %cond3A_52 = arith.constant 0 : i32
    %cond3A_53 = arith.cmpi ne, %convert_element_type3A_50, %cond3A_52 : i32
    scf.if %cond3A_53 {
      %dma_start3A_309 = arith.constant 0 : i32
      %dma_start3A_310 = tpu.memref_slice %arg12[%cond3A_51, %dma_start3A_309] : memref<64x80xi32, #tpu.memory_space<vmem>> -> memref<1x80xi32, #tpu.memory_space<vmem>>
      %dma_start3A_311 = tpu.memref_squeeze %dma_start3A_310 : memref<1x80xi32, #tpu.memory_space<vmem>> -> memref<80xi32, #tpu.memory_space<vmem>>
      %dma_start3A_312 = arith.constant 0 : i32
      %dma_start3A_313 = arith.constant 0 : i32
      %dma_start3A_314 = tpu.memref_slice %arg2[%dma_start3A_312, %dma_start3A_313] : memref<10000x128xf32, #tpu.memory_space<hbm>> -> memref<10000x128xf32, #tpu.memory_space<hbm>>
      tpu.enqueue_indirect_dma source(%dma_start3A_314 : memref<10000x128xf32, #tpu.memory_space<hbm>>) target(%arg11 : memref<80x128xf32, #tpu.memory_space<vmem>>) offsets(%dma_start3A_311 : memref<80xi32, #tpu.memory_space<vmem>>) semaphore(%arg16 : memref<!tpu.dma_semaphore, #tpu.memory_space<semaphore_mem>>)
    } else {
    }
    %eq3A_54 = arith.constant 1 : i32
    %eq3A_55 = arith.cmpi eq, %arg0, %eq3A_54 : i32
    %convert_element_type3A_56 = arith.extui %eq3A_55 : i1 to i32
    %cond3A_57 = arith.constant 2 : i32
    %cond3A_58 = arith.constant 0 : i32
    %cond3A_59 = arith.cmpi ne, %convert_element_type3A_56, %cond3A_58 : i32
    scf.if %cond3A_59 {
      %dma_start3A_309 = arith.constant 0 : i32
      %dma_start3A_310 = tpu.memref_slice %arg12[%cond3A_57, %dma_start3A_309] : memref<64x80xi32, #tpu.memory_space<vmem>> -> memref<1x80xi32, #tpu.memory_space<vmem>>
      %dma_start3A_311 = tpu.memref_squeeze %dma_start3A_310 : memref<1x80xi32, #tpu.memory_space<vmem>> -> memref<80xi32, #tpu.memory_space<vmem>>
      %dma_start3A_312 = arith.constant 0 : i32
      %dma_start3A_313 = arith.constant 0 : i32
      %dma_start3A_314 = tpu.memref_slice %arg3[%dma_start3A_312, %dma_start3A_313] : memref<10000x128xf32, #tpu.memory_space<hbm>> -> memref<10000x128xf32, #tpu.memory_space<hbm>>
      tpu.enqueue_indirect_dma source(%dma_start3A_314 : memref<10000x128xf32, #tpu.memory_space<hbm>>) target(%arg11 : memref<80x128xf32, #tpu.memory_space<vmem>>) offsets(%dma_start3A_311 : memref<80xi32, #tpu.memory_space<vmem>>) semaphore(%arg16 : memref<!tpu.dma_semaphore, #tpu.memory_space<semaphore_mem>>)
    } else {
    }
    %dma_wait3A = arith.constant 0 : i32
    %dma_wait3A_60 = arith.constant 0 : i32
    %dma_wait3A_61 = tpu.memref_slice %arg12[%dma_wait3A, %dma_wait3A_60] : memref<64x80xi32, #tpu.memory_space<vmem>> -> memref<1x80xi32, #tpu.memory_space<vmem>>
    %dma_wait3A_62 = tpu.memref_squeeze %dma_wait3A_61 : memref<1x80xi32, #tpu.memory_space<vmem>> -> memref<80xi32, #tpu.memory_space<vmem>>
    %dma_wait3A_63 = arith.constant 0 : i32
    %dma_wait3A_64 = arith.constant 0 : i32
    %dma_wait3A_65 = tpu.memref_slice %arg2[%dma_wait3A_63, %dma_wait3A_64] : memref<10000x128xf32, #tpu.memory_space<hbm>> -> memref<10000x128xf32, #tpu.memory_space<hbm>>
    tpu.wait_indirect_dma semaphore(%arg14 : memref<!tpu.dma_semaphore, #tpu.memory_space<semaphore_mem>>) src(%dma_wait3A_65 : memref<10000x128xf32, #tpu.memory_space<hbm>>) dst(%arg9 : memref<80x128xf32, #tpu.memory_space<vmem>>)
    %dma_start3A = arith.constant 0 : i32
    %dma_start3A_66 = arith.constant 0 : i32
    %dma_start3A_67 = tpu.memref_slice %arg13[%dma_start3A, %dma_start3A_66] : memref<64x80xi32, #tpu.memory_space<vmem>> -> memref<1x80xi32, #tpu.memory_space<vmem>>
    %dma_start3A_68 = tpu.memref_squeeze %dma_start3A_67 : memref<1x80xi32, #tpu.memory_space<vmem>> -> memref<80xi32, #tpu.memory_space<vmem>>
    %dma_start3A_69 = arith.constant 0 : i32
    %dma_start3A_70 = arith.constant 0 : i32
    %dma_start3A_71 = tpu.memref_slice %arg8[%dma_start3A_69, %dma_start3A_70] : memref<10000x128xf32, #tpu.memory_space<vmem_shared>> -> memref<10000x128xf32, #tpu.memory_space<vmem_shared>>
    tpu.enqueue_indirect_dma source(%arg9 : memref<80x128xf32, #tpu.memory_space<vmem>>) target(%dma_start3A_71 : memref<10000x128xf32, #tpu.memory_space<vmem_shared>>) offsets(%dma_start3A_68 : memref<80xi32, #tpu.memory_space<vmem>>) semaphore(%arg17 : memref<!tpu.dma_semaphore, #tpu.memory_space<semaphore_mem>>) {add = true}
    %scan3A_72 = arith.constant 0 : i32
    %scan3A_73 = arith.constant 0 : i32
    %scan3A_74 = arith.constant 20 : i32
    %scan3A_75 = arith.addi %scan3A_73, %scan3A_74 : i32
    %scan3A_76 = arith.constant 1 : i32
    scf.for %scan3A_309 = %scan3A_73 to %scan3A_75 step %scan3A_76  : i32 {
      %mul3A_310 = arith.constant 3 : i32
      %mul3A_311 = arith.muli %mul3A_310, %scan3A_309 : i32
      %add3A_312 = arith.constant 1 : i32
      %add3A_313 = arith.addi %mul3A_311, %add3A_312 : i32
      %dma_wait3A_314 = arith.constant 0 : i32
      %dma_wait3A_315 = arith.constant 0 : i32
      %dma_wait3A_316 = tpu.memref_slice %arg12[%dma_wait3A_314, %dma_wait3A_315] : memref<64x80xi32, #tpu.memory_space<vmem>> -> memref<1x80xi32, #tpu.memory_space<vmem>>
      %dma_wait3A_317 = tpu.memref_squeeze %dma_wait3A_316 : memref<1x80xi32, #tpu.memory_space<vmem>> -> memref<80xi32, #tpu.memory_space<vmem>>
      %dma_wait3A_318 = arith.constant 0 : i32
      %dma_wait3A_319 = arith.constant 0 : i32
      %dma_wait3A_320 = tpu.memref_slice %arg2[%dma_wait3A_318, %dma_wait3A_319] : memref<10000x128xf32, #tpu.memory_space<hbm>> -> memref<10000x128xf32, #tpu.memory_space<hbm>>
      tpu.wait_indirect_dma semaphore(%arg15 : memref<!tpu.dma_semaphore, #tpu.memory_space<semaphore_mem>>) src(%dma_wait3A_320 : memref<10000x128xf32, #tpu.memory_space<hbm>>) dst(%arg10 : memref<80x128xf32, #tpu.memory_space<vmem>>)
      %dma_start3A_321 = arith.constant 0 : i32
      %dma_start3A_322 = tpu.memref_slice %arg13[%add3A_313, %dma_start3A_321] : memref<64x80xi32, #tpu.memory_space<vmem>> -> memref<1x80xi32, #tpu.memory_space<vmem>>
      %dma_start3A_323 = tpu.memref_squeeze %dma_start3A_322 : memref<1x80xi32, #tpu.memory_space<vmem>> -> memref<80xi32, #tpu.memory_space<vmem>>
      %dma_start3A_324 = arith.constant 0 : i32
      %dma_start3A_325 = arith.constant 0 : i32
      %dma_start3A_326 = tpu.memref_slice %arg8[%dma_start3A_324, %dma_start3A_325] : memref<10000x128xf32, #tpu.memory_space<vmem_shared>> -> memref<10000x128xf32, #tpu.memory_space<vmem_shared>>
      tpu.enqueue_indirect_dma source(%arg10 : memref<80x128xf32, #tpu.memory_space<vmem>>) target(%dma_start3A_326 : memref<10000x128xf32, #tpu.memory_space<vmem_shared>>) offsets(%dma_start3A_323 : memref<80xi32, #tpu.memory_space<vmem>>) semaphore(%arg18 : memref<!tpu.dma_semaphore, #tpu.memory_space<semaphore_mem>>) {add = true}
      %dma_wait3A_327 = arith.constant 0 : i32
      %dma_wait3A_328 = arith.constant 0 : i32
      %dma_wait3A_329 = tpu.memref_slice %arg13[%dma_wait3A_327, %dma_wait3A_328] : memref<64x80xi32, #tpu.memory_space<vmem>> -> memref<1x80xi32, #tpu.memory_space<vmem>>
      %dma_wait3A_330 = tpu.memref_squeeze %dma_wait3A_329 : memref<1x80xi32, #tpu.memory_space<vmem>> -> memref<80xi32, #tpu.memory_space<vmem>>
      %dma_wait3A_331 = arith.constant 0 : i32
      %dma_wait3A_332 = arith.constant 0 : i32
      %dma_wait3A_333 = tpu.memref_slice %arg8[%dma_wait3A_331, %dma_wait3A_332] : memref<10000x128xf32, #tpu.memory_space<vmem_shared>> -> memref<10000x128xf32, #tpu.memory_space<vmem_shared>>
      tpu.wait_indirect_dma semaphore(%arg17 : memref<!tpu.dma_semaphore, #tpu.memory_space<semaphore_mem>>) src(%arg9 : memref<80x128xf32, #tpu.memory_space<vmem>>) dst(%dma_wait3A_333 : memref<10000x128xf32, #tpu.memory_space<vmem_shared>>)
      %add3A_334 = arith.constant 2 : i32
      %add3A_335 = arith.addi %add3A_313, %add3A_334 : i32
      %eq3A_336 = arith.constant 0 : i32
      %eq3A_337 = arith.cmpi eq, %arg0, %eq3A_336 : i32
      %convert_element_type3A_338 = arith.extui %eq3A_337 : i1 to i32
      %cond3A_339 = arith.constant 0 : i32
      %cond3A_340 = arith.cmpi ne, %convert_element_type3A_338, %cond3A_339 : i32
      scf.if %cond3A_340 {
        %dma_start3A_414 = arith.constant 0 : i32
        %dma_start3A_415 = tpu.memref_slice %arg12[%add3A_335, %dma_start3A_414] : memref<64x80xi32, #tpu.memory_space<vmem>> -> memref<1x80xi32, #tpu.memory_space<vmem>>
        %dma_start3A_416 = tpu.memref_squeeze %dma_start3A_415 : memref<1x80xi32, #tpu.memory_space<vmem>> -> memref<80xi32, #tpu.memory_space<vmem>>
        %dma_start3A_417 = arith.constant 0 : i32
        %dma_start3A_418 = arith.constant 0 : i32
        %dma_start3A_419 = tpu.memref_slice %arg2[%dma_start3A_417, %dma_start3A_418] : memref<10000x128xf32, #tpu.memory_space<hbm>> -> memref<10000x128xf32, #tpu.memory_space<hbm>>
        tpu.enqueue_indirect_dma source(%dma_start3A_419 : memref<10000x128xf32, #tpu.memory_space<hbm>>) target(%arg9 : memref<80x128xf32, #tpu.memory_space<vmem>>) offsets(%dma_start3A_416 : memref<80xi32, #tpu.memory_space<vmem>>) semaphore(%arg14 : memref<!tpu.dma_semaphore, #tpu.memory_space<semaphore_mem>>)
      } else {
      }
      %eq3A_341 = arith.constant 1 : i32
      %eq3A_342 = arith.cmpi eq, %arg0, %eq3A_341 : i32
      %convert_element_type3A_343 = arith.extui %eq3A_342 : i1 to i32
      %cond3A_344 = arith.constant 0 : i32
      %cond3A_345 = arith.cmpi ne, %convert_element_type3A_343, %cond3A_344 : i32
      scf.if %cond3A_345 {
        %dma_start3A_414 = arith.constant 0 : i32
        %dma_start3A_415 = tpu.memref_slice %arg12[%add3A_335, %dma_start3A_414] : memref<64x80xi32, #tpu.memory_space<vmem>> -> memref<1x80xi32, #tpu.memory_space<vmem>>
        %dma_start3A_416 = tpu.memref_squeeze %dma_start3A_415 : memref<1x80xi32, #tpu.memory_space<vmem>> -> memref<80xi32, #tpu.memory_space<vmem>>
        %dma_start3A_417 = arith.constant 0 : i32
        %dma_start3A_418 = arith.constant 0 : i32
        %dma_start3A_419 = tpu.memref_slice %arg3[%dma_start3A_417, %dma_start3A_418] : memref<10000x128xf32, #tpu.memory_space<hbm>> -> memref<10000x128xf32, #tpu.memory_space<hbm>>
        tpu.enqueue_indirect_dma source(%dma_start3A_419 : memref<10000x128xf32, #tpu.memory_space<hbm>>) target(%arg9 : memref<80x128xf32, #tpu.memory_space<vmem>>) offsets(%dma_start3A_416 : memref<80xi32, #tpu.memory_space<vmem>>) semaphore(%arg14 : memref<!tpu.dma_semaphore, #tpu.memory_space<semaphore_mem>>)
      } else {
      }
      %add3A_346 = arith.constant 2 : i32
      %add3A_347 = arith.addi %mul3A_311, %add3A_346 : i32
      %dma_wait3A_348 = arith.constant 0 : i32
      %dma_wait3A_349 = arith.constant 0 : i32
      %dma_wait3A_350 = tpu.memref_slice %arg12[%dma_wait3A_348, %dma_wait3A_349] : memref<64x80xi32, #tpu.memory_space<vmem>> -> memref<1x80xi32, #tpu.memory_space<vmem>>
      %dma_wait3A_351 = tpu.memref_squeeze %dma_wait3A_350 : memref<1x80xi32, #tpu.memory_space<vmem>> -> memref<80xi32, #tpu.memory_space<vmem>>
      %dma_wait3A_352 = arith.constant 0 : i32
      %dma_wait3A_353 = arith.constant 0 : i32
      %dma_wait3A_354 = tpu.memref_slice %arg2[%dma_wait3A_352, %dma_wait3A_353] : memref<10000x128xf32, #tpu.memory_space<hbm>> -> memref<10000x128xf32, #tpu.memory_space<hbm>>
      tpu.wait_indirect_dma semaphore(%arg16 : memref<!tpu.dma_semaphore, #tpu.memory_space<semaphore_mem>>) src(%dma_wait3A_354 : memref<10000x128xf32, #tpu.memory_space<hbm>>) dst(%arg11 : memref<80x128xf32, #tpu.memory_space<vmem>>)
      %dma_start3A_355 = arith.constant 0 : i32
      %dma_start3A_356 = tpu.memref_slice %arg13[%add3A_347, %dma_start3A_355] : memref<64x80xi32, #tpu.memory_space<vmem>> -> memref<1x80xi32, #tpu.memory_space<vmem>>
      %dma_start3A_357 = tpu.memref_squeeze %dma_start3A_356 : memref<1x80xi32, #tpu.memory_space<vmem>> -> memref<80xi32, #tpu.memory_space<vmem>>
      %dma_start3A_358 = arith.constant 0 : i32
      %dma_start3A_359 = arith.constant 0 : i32
      %dma_start3A_360 = tpu.memref_slice %arg8[%dma_start3A_358, %dma_start3A_359] : memref<10000x128xf32, #tpu.memory_space<vmem_shared>> -> memref<10000x128xf32, #tpu.memory_space<vmem_shared>>
      tpu.enqueue_indirect_dma source(%arg11 : memref<80x128xf32, #tpu.memory_space<vmem>>) target(%dma_start3A_360 : memref<10000x128xf32, #tpu.memory_space<vmem_shared>>) offsets(%dma_start3A_357 : memref<80xi32, #tpu.memory_space<vmem>>) semaphore(%arg19 : memref<!tpu.dma_semaphore, #tpu.memory_space<semaphore_mem>>) {add = true}
      %dma_wait3A_361 = arith.constant 0 : i32
      %dma_wait3A_362 = arith.constant 0 : i32
      %dma_wait3A_363 = tpu.memref_slice %arg13[%dma_wait3A_361, %dma_wait3A_362] : memref<64x80xi32, #tpu.memory_space<vmem>> -> memref<1x80xi32, #tpu.memory_space<vmem>>
      %dma_wait3A_364 = tpu.memref_squeeze %dma_wait3A_363 : memref<1x80xi32, #tpu.memory_space<vmem>> -> memref<80xi32, #tpu.memory_space<vmem>>
      %dma_wait3A_365 = arith.constant 0 : i32
      %dma_wait3A_366 = arith.constant 0 : i32
      %dma_wait3A_367 = tpu.memref_slice %arg8[%dma_wait3A_365, %dma_wait3A_366] : memref<10000x128xf32, #tpu.memory_space<vmem_shared>> -> memref<10000x128xf32, #tpu.memory_space<vmem_shared>>
      tpu.wait_indirect_dma semaphore(%arg18 : memref<!tpu.dma_semaphore, #tpu.memory_space<semaphore_mem>>) src(%arg10 : memref<80x128xf32, #tpu.memory_space<vmem>>) dst(%dma_wait3A_367 : memref<10000x128xf32, #tpu.memory_space<vmem_shared>>)
      %add3A_368 = arith.constant 2 : i32
      %add3A_369 = arith.addi %add3A_347, %add3A_368 : i32
      %eq3A_370 = arith.constant 0 : i32
      %eq3A_371 = arith.cmpi eq, %arg0, %eq3A_370 : i32
      %convert_element_type3A_372 = arith.extui %eq3A_371 : i1 to i32
      %cond3A_373 = arith.constant 0 : i32
      %cond3A_374 = arith.cmpi ne, %convert_element_type3A_372, %cond3A_373 : i32
      scf.if %cond3A_374 {
        %dma_start3A_414 = arith.constant 0 : i32
        %dma_start3A_415 = tpu.memref_slice %arg12[%add3A_369, %dma_start3A_414] : memref<64x80xi32, #tpu.memory_space<vmem>> -> memref<1x80xi32, #tpu.memory_space<vmem>>
        %dma_start3A_416 = tpu.memref_squeeze %dma_start3A_415 : memref<1x80xi32, #tpu.memory_space<vmem>> -> memref<80xi32, #tpu.memory_space<vmem>>
        %dma_start3A_417 = arith.constant 0 : i32
        %dma_start3A_418 = arith.constant 0 : i32
        %dma_start3A_419 = tpu.memref_slice %arg2[%dma_start3A_417, %dma_start3A_418] : memref<10000x128xf32, #tpu.memory_space<hbm>> -> memref<10000x128xf32, #tpu.memory_space<hbm>>
        tpu.enqueue_indirect_dma source(%dma_start3A_419 : memref<10000x128xf32, #tpu.memory_space<hbm>>) target(%arg10 : memref<80x128xf32, #tpu.memory_space<vmem>>) offsets(%dma_start3A_416 : memref<80xi32, #tpu.memory_space<vmem>>) semaphore(%arg15 : memref<!tpu.dma_semaphore, #tpu.memory_space<semaphore_mem>>)
      } else {
      }
      %eq3A_375 = arith.constant 1 : i32
      %eq3A_376 = arith.cmpi eq, %arg0, %eq3A_375 : i32
      %convert_element_type3A_377 = arith.extui %eq3A_376 : i1 to i32
      %cond3A_378 = arith.constant 0 : i32
      %cond3A_379 = arith.cmpi ne, %convert_element_type3A_377, %cond3A_378 : i32
      scf.if %cond3A_379 {
        %dma_start3A_414 = arith.constant 0 : i32
        %dma_start3A_415 = tpu.memref_slice %arg12[%add3A_369, %dma_start3A_414] : memref<64x80xi32, #tpu.memory_space<vmem>> -> memref<1x80xi32, #tpu.memory_space<vmem>>
        %dma_start3A_416 = tpu.memref_squeeze %dma_start3A_415 : memref<1x80xi32, #tpu.memory_space<vmem>> -> memref<80xi32, #tpu.memory_space<vmem>>
        %dma_start3A_417 = arith.constant 0 : i32
        %dma_start3A_418 = arith.constant 0 : i32
        %dma_start3A_419 = tpu.memref_slice %arg3[%dma_start3A_417, %dma_start3A_418] : memref<10000x128xf32, #tpu.memory_space<hbm>> -> memref<10000x128xf32, #tpu.memory_space<hbm>>
        tpu.enqueue_indirect_dma source(%dma_start3A_419 : memref<10000x128xf32, #tpu.memory_space<hbm>>) target(%arg10 : memref<80x128xf32, #tpu.memory_space<vmem>>) offsets(%dma_start3A_416 : memref<80xi32, #tpu.memory_space<vmem>>) semaphore(%arg15 : memref<!tpu.dma_semaphore, #tpu.memory_space<semaphore_mem>>)
      } else {
      }
      %add3A_380 = arith.constant 3 : i32
      %add3A_381 = arith.addi %mul3A_311, %add3A_380 : i32
      %dma_wait3A_382 = arith.constant 0 : i32
      %dma_wait3A_383 = arith.constant 0 : i32
      %dma_wait3A_384 = tpu.memref_slice %arg12[%dma_wait3A_382, %dma_wait3A_383] : memref<64x80xi32, #tpu.memory_space<vmem>> -> memref<1x80xi32, #tpu.memory_space<vmem>>
      %dma_wait3A_385 = tpu.memref_squeeze %dma_wait3A_384 : memref<1x80xi32, #tpu.memory_space<vmem>> -> memref<80xi32, #tpu.memory_space<vmem>>
      %dma_wait3A_386 = arith.constant 0 : i32
      %dma_wait3A_387 = arith.constant 0 : i32
      %dma_wait3A_388 = tpu.memref_slice %arg2[%dma_wait3A_386, %dma_wait3A_387] : memref<10000x128xf32, #tpu.memory_space<hbm>> -> memref<10000x128xf32, #tpu.memory_space<hbm>>
      tpu.wait_indirect_dma semaphore(%arg14 : memref<!tpu.dma_semaphore, #tpu.memory_space<semaphore_mem>>) src(%dma_wait3A_388 : memref<10000x128xf32, #tpu.memory_space<hbm>>) dst(%arg9 : memref<80x128xf32, #tpu.memory_space<vmem>>)
      %dma_start3A_389 = arith.constant 0 : i32
      %dma_start3A_390 = tpu.memref_slice %arg13[%add3A_381, %dma_start3A_389] : memref<64x80xi32, #tpu.memory_space<vmem>> -> memref<1x80xi32, #tpu.memory_space<vmem>>
      %dma_start3A_391 = tpu.memref_squeeze %dma_start3A_390 : memref<1x80xi32, #tpu.memory_space<vmem>> -> memref<80xi32, #tpu.memory_space<vmem>>
      %dma_start3A_392 = arith.constant 0 : i32
      %dma_start3A_393 = arith.constant 0 : i32
      %dma_start3A_394 = tpu.memref_slice %arg8[%dma_start3A_392, %dma_start3A_393] : memref<10000x128xf32, #tpu.memory_space<vmem_shared>> -> memref<10000x128xf32, #tpu.memory_space<vmem_shared>>
      tpu.enqueue_indirect_dma source(%arg9 : memref<80x128xf32, #tpu.memory_space<vmem>>) target(%dma_start3A_394 : memref<10000x128xf32, #tpu.memory_space<vmem_shared>>) offsets(%dma_start3A_391 : memref<80xi32, #tpu.memory_space<vmem>>) semaphore(%arg17 : memref<!tpu.dma_semaphore, #tpu.memory_space<semaphore_mem>>) {add = true}
      %dma_wait3A_395 = arith.constant 0 : i32
      %dma_wait3A_396 = arith.constant 0 : i32
      %dma_wait3A_397 = tpu.memref_slice %arg13[%dma_wait3A_395, %dma_wait3A_396] : memref<64x80xi32, #tpu.memory_space<vmem>> -> memref<1x80xi32, #tpu.memory_space<vmem>>
      %dma_wait3A_398 = tpu.memref_squeeze %dma_wait3A_397 : memref<1x80xi32, #tpu.memory_space<vmem>> -> memref<80xi32, #tpu.memory_space<vmem>>
      %dma_wait3A_399 = arith.constant 0 : i32
      %dma_wait3A_400 = arith.constant 0 : i32
      %dma_wait3A_401 = tpu.memref_slice %arg8[%dma_wait3A_399, %dma_wait3A_400] : memref<10000x128xf32, #tpu.memory_space<vmem_shared>> -> memref<10000x128xf32, #tpu.memory_space<vmem_shared>>
      tpu.wait_indirect_dma semaphore(%arg19 : memref<!tpu.dma_semaphore, #tpu.memory_space<semaphore_mem>>) src(%arg11 : memref<80x128xf32, #tpu.memory_space<vmem>>) dst(%dma_wait3A_401 : memref<10000x128xf32, #tpu.memory_space<vmem_shared>>)
      %add3A_402 = arith.constant 2 : i32
      %add3A_403 = arith.addi %add3A_381, %add3A_402 : i32
      %eq3A_404 = arith.constant 0 : i32
      %eq3A_405 = arith.cmpi eq, %arg0, %eq3A_404 : i32
      %convert_element_type3A_406 = arith.extui %eq3A_405 : i1 to i32
      %cond3A_407 = arith.constant 0 : i32
      %cond3A_408 = arith.cmpi ne, %convert_element_type3A_406, %cond3A_407 : i32
      scf.if %cond3A_408 {
        %dma_start3A_414 = arith.constant 0 : i32
        %dma_start3A_415 = tpu.memref_slice %arg12[%add3A_403, %dma_start3A_414] : memref<64x80xi32, #tpu.memory_space<vmem>> -> memref<1x80xi32, #tpu.memory_space<vmem>>
        %dma_start3A_416 = tpu.memref_squeeze %dma_start3A_415 : memref<1x80xi32, #tpu.memory_space<vmem>> -> memref<80xi32, #tpu.memory_space<vmem>>
        %dma_start3A_417 = arith.constant 0 : i32
        %dma_start3A_418 = arith.constant 0 : i32
        %dma_start3A_419 = tpu.memref_slice %arg2[%dma_start3A_417, %dma_start3A_418] : memref<10000x128xf32, #tpu.memory_space<hbm>> -> memref<10000x128xf32, #tpu.memory_space<hbm>>
        tpu.enqueue_indirect_dma source(%dma_start3A_419 : memref<10000x128xf32, #tpu.memory_space<hbm>>) target(%arg11 : memref<80x128xf32, #tpu.memory_space<vmem>>) offsets(%dma_start3A_416 : memref<80xi32, #tpu.memory_space<vmem>>) semaphore(%arg16 : memref<!tpu.dma_semaphore, #tpu.memory_space<semaphore_mem>>)
      } else {
      }
      %eq3A_409 = arith.constant 1 : i32
      %eq3A_410 = arith.cmpi eq, %arg0, %eq3A_409 : i32
      %convert_element_type3A_411 = arith.extui %eq3A_410 : i1 to i32
      %cond3A_412 = arith.constant 0 : i32
      %cond3A_413 = arith.cmpi ne, %convert_element_type3A_411, %cond3A_412 : i32
      scf.if %cond3A_413 {
        %dma_start3A_414 = arith.constant 0 : i32
        %dma_start3A_415 = tpu.memref_slice %arg12[%add3A_403, %dma_start3A_414] : memref<64x80xi32, #tpu.memory_space<vmem>> -> memref<1x80xi32, #tpu.memory_space<vmem>>
        %dma_start3A_416 = tpu.memref_squeeze %dma_start3A_415 : memref<1x80xi32, #tpu.memory_space<vmem>> -> memref<80xi32, #tpu.memory_space<vmem>>
        %dma_start3A_417 = arith.constant 0 : i32
        %dma_start3A_418 = arith.constant 0 : i32
        %dma_start3A_419 = tpu.memref_slice %arg3[%dma_start3A_417, %dma_start3A_418] : memref<10000x128xf32, #tpu.memory_space<hbm>> -> memref<10000x128xf32, #tpu.memory_space<hbm>>
        tpu.enqueue_indirect_dma source(%dma_start3A_419 : memref<10000x128xf32, #tpu.memory_space<hbm>>) target(%arg11 : memref<80x128xf32, #tpu.memory_space<vmem>>) offsets(%dma_start3A_416 : memref<80xi32, #tpu.memory_space<vmem>>) semaphore(%arg16 : memref<!tpu.dma_semaphore, #tpu.memory_space<semaphore_mem>>)
      } else {
      }
    }
    %scan3A_77 = arith.constant 20 : i32
    %dma_wait3A_78 = arith.constant 0 : i32
    %dma_wait3A_79 = arith.constant 0 : i32
    %dma_wait3A_80 = tpu.memref_slice %arg12[%dma_wait3A_78, %dma_wait3A_79] : memref<64x80xi32, #tpu.memory_space<vmem>> -> memref<1x80xi32, #tpu.memory_space<vmem>>
    %dma_wait3A_81 = tpu.memref_squeeze %dma_wait3A_80 : memref<1x80xi32, #tpu.memory_space<vmem>> -> memref<80xi32, #tpu.memory_space<vmem>>
    %dma_wait3A_82 = arith.constant 0 : i32
    %dma_wait3A_83 = arith.constant 0 : i32
    %dma_wait3A_84 = tpu.memref_slice %arg2[%dma_wait3A_82, %dma_wait3A_83] : memref<10000x128xf32, #tpu.memory_space<hbm>> -> memref<10000x128xf32, #tpu.memory_space<hbm>>
    tpu.wait_indirect_dma semaphore(%arg15 : memref<!tpu.dma_semaphore, #tpu.memory_space<semaphore_mem>>) src(%dma_wait3A_84 : memref<10000x128xf32, #tpu.memory_space<hbm>>) dst(%arg10 : memref<80x128xf32, #tpu.memory_space<vmem>>)
    %dma_start3A_85 = arith.constant 61 : i32
    %dma_start3A_86 = arith.constant 0 : i32
    %dma_start3A_87 = tpu.memref_slice %arg13[%dma_start3A_85, %dma_start3A_86] : memref<64x80xi32, #tpu.memory_space<vmem>> -> memref<1x80xi32, #tpu.memory_space<vmem>>
    %dma_start3A_88 = tpu.memref_squeeze %dma_start3A_87 : memref<1x80xi32, #tpu.memory_space<vmem>> -> memref<80xi32, #tpu.memory_space<vmem>>
    %dma_start3A_89 = arith.constant 0 : i32
    %dma_start3A_90 = arith.constant 0 : i32
    %dma_start3A_91 = tpu.memref_slice %arg8[%dma_start3A_89, %dma_start3A_90] : memref<10000x128xf32, #tpu.memory_space<vmem_shared>> -> memref<10000x128xf32, #tpu.memory_space<vmem_shared>>
    tpu.enqueue_indirect_dma source(%arg10 : memref<80x128xf32, #tpu.memory_space<vmem>>) target(%dma_start3A_91 : memref<10000x128xf32, #tpu.memory_space<vmem_shared>>) offsets(%dma_start3A_88 : memref<80xi32, #tpu.memory_space<vmem>>) semaphore(%arg18 : memref<!tpu.dma_semaphore, #tpu.memory_space<semaphore_mem>>) {add = true}
    %dma_wait3A_92 = arith.constant 0 : i32
    %dma_wait3A_93 = arith.constant 0 : i32
    %dma_wait3A_94 = tpu.memref_slice %arg13[%dma_wait3A_92, %dma_wait3A_93] : memref<64x80xi32, #tpu.memory_space<vmem>> -> memref<1x80xi32, #tpu.memory_space<vmem>>
    %dma_wait3A_95 = tpu.memref_squeeze %dma_wait3A_94 : memref<1x80xi32, #tpu.memory_space<vmem>> -> memref<80xi32, #tpu.memory_space<vmem>>
    %dma_wait3A_96 = arith.constant 0 : i32
    %dma_wait3A_97 = arith.constant 0 : i32
    %dma_wait3A_98 = tpu.memref_slice %arg8[%dma_wait3A_96, %dma_wait3A_97] : memref<10000x128xf32, #tpu.memory_space<vmem_shared>> -> memref<10000x128xf32, #tpu.memory_space<vmem_shared>>
    tpu.wait_indirect_dma semaphore(%arg17 : memref<!tpu.dma_semaphore, #tpu.memory_space<semaphore_mem>>) src(%arg9 : memref<80x128xf32, #tpu.memory_space<vmem>>) dst(%dma_wait3A_98 : memref<10000x128xf32, #tpu.memory_space<vmem_shared>>)
    %eq3A_99 = arith.constant 0 : i32
    %eq3A_100 = arith.cmpi eq, %arg0, %eq3A_99 : i32
    %convert_element_type3A_101 = arith.extui %eq3A_100 : i1 to i32
    %cond3A_102 = arith.constant 63 : i32
    %cond3A_103 = arith.constant 0 : i32
    %cond3A_104 = arith.cmpi ne, %convert_element_type3A_101, %cond3A_103 : i32
    scf.if %cond3A_104 {
      %dma_start3A_309 = arith.constant 0 : i32
      %dma_start3A_310 = tpu.memref_slice %arg12[%cond3A_102, %dma_start3A_309] : memref<64x80xi32, #tpu.memory_space<vmem>> -> memref<1x80xi32, #tpu.memory_space<vmem>>
      %dma_start3A_311 = tpu.memref_squeeze %dma_start3A_310 : memref<1x80xi32, #tpu.memory_space<vmem>> -> memref<80xi32, #tpu.memory_space<vmem>>
      %dma_start3A_312 = arith.constant 0 : i32
      %dma_start3A_313 = arith.constant 0 : i32
      %dma_start3A_314 = tpu.memref_slice %arg2[%dma_start3A_312, %dma_start3A_313] : memref<10000x128xf32, #tpu.memory_space<hbm>> -> memref<10000x128xf32, #tpu.memory_space<hbm>>
      tpu.enqueue_indirect_dma source(%dma_start3A_314 : memref<10000x128xf32, #tpu.memory_space<hbm>>) target(%arg9 : memref<80x128xf32, #tpu.memory_space<vmem>>) offsets(%dma_start3A_311 : memref<80xi32, #tpu.memory_space<vmem>>) semaphore(%arg14 : memref<!tpu.dma_semaphore, #tpu.memory_space<semaphore_mem>>)
    } else {
    }
    %eq3A_105 = arith.constant 1 : i32
    %eq3A_106 = arith.cmpi eq, %arg0, %eq3A_105 : i32
    %convert_element_type3A_107 = arith.extui %eq3A_106 : i1 to i32
    %cond3A_108 = arith.constant 63 : i32
    %cond3A_109 = arith.constant 0 : i32
    %cond3A_110 = arith.cmpi ne, %convert_element_type3A_107, %cond3A_109 : i32
    scf.if %cond3A_110 {
      %dma_start3A_309 = arith.constant 0 : i32
      %dma_start3A_310 = tpu.memref_slice %arg12[%cond3A_108, %dma_start3A_309] : memref<64x80xi32, #tpu.memory_space<vmem>> -> memref<1x80xi32, #tpu.memory_space<vmem>>
      %dma_start3A_311 = tpu.memref_squeeze %dma_start3A_310 : memref<1x80xi32, #tpu.memory_space<vmem>> -> memref<80xi32, #tpu.memory_space<vmem>>
      %dma_start3A_312 = arith.constant 0 : i32
      %dma_start3A_313 = arith.constant 0 : i32
      %dma_start3A_314 = tpu.memref_slice %arg3[%dma_start3A_312, %dma_start3A_313] : memref<10000x128xf32, #tpu.memory_space<hbm>> -> memref<10000x128xf32, #tpu.memory_space<hbm>>
      tpu.enqueue_indirect_dma source(%dma_start3A_314 : memref<10000x128xf32, #tpu.memory_space<hbm>>) target(%arg9 : memref<80x128xf32, #tpu.memory_space<vmem>>) offsets(%dma_start3A_311 : memref<80xi32, #tpu.memory_space<vmem>>) semaphore(%arg14 : memref<!tpu.dma_semaphore, #tpu.memory_space<semaphore_mem>>)
    } else {
    }
    %dma_wait3A_111 = arith.constant 0 : i32
    %dma_wait3A_112 = arith.constant 0 : i32
    %dma_wait3A_113 = tpu.memref_slice %arg12[%dma_wait3A_111, %dma_wait3A_112] : memref<64x80xi32, #tpu.memory_space<vmem>> -> memref<1x80xi32, #tpu.memory_space<vmem>>
    %dma_wait3A_114 = tpu.memref_squeeze %dma_wait3A_113 : memref<1x80xi32, #tpu.memory_space<vmem>> -> memref<80xi32, #tpu.memory_space<vmem>>
    %dma_wait3A_115 = arith.constant 0 : i32
    %dma_wait3A_116 = arith.constant 0 : i32
    %dma_wait3A_117 = tpu.memref_slice %arg2[%dma_wait3A_115, %dma_wait3A_116] : memref<10000x128xf32, #tpu.memory_space<hbm>> -> memref<10000x128xf32, #tpu.memory_space<hbm>>
    tpu.wait_indirect_dma semaphore(%arg16 : memref<!tpu.dma_semaphore, #tpu.memory_space<semaphore_mem>>) src(%dma_wait3A_117 : memref<10000x128xf32, #tpu.memory_space<hbm>>) dst(%arg11 : memref<80x128xf32, #tpu.memory_space<vmem>>)
    %dma_start3A_118 = arith.constant 62 : i32
    %dma_start3A_119 = arith.constant 0 : i32
    %dma_start3A_120 = tpu.memref_slice %arg13[%dma_start3A_118, %dma_start3A_119] : memref<64x80xi32, #tpu.memory_space<vmem>> -> memref<1x80xi32, #tpu.memory_space<vmem>>
    %dma_start3A_121 = tpu.memref_squeeze %dma_start3A_120 : memref<1x80xi32, #tpu.memory_space<vmem>> -> memref<80xi32, #tpu.memory_space<vmem>>
    %dma_start3A_122 = arith.constant 0 : i32
    %dma_start3A_123 = arith.constant 0 : i32
    %dma_start3A_124 = tpu.memref_slice %arg8[%dma_start3A_122, %dma_start3A_123] : memref<10000x128xf32, #tpu.memory_space<vmem_shared>> -> memref<10000x128xf32, #tpu.memory_space<vmem_shared>>
    tpu.enqueue_indirect_dma source(%arg11 : memref<80x128xf32, #tpu.memory_space<vmem>>) target(%dma_start3A_124 : memref<10000x128xf32, #tpu.memory_space<vmem_shared>>) offsets(%dma_start3A_121 : memref<80xi32, #tpu.memory_space<vmem>>) semaphore(%arg19 : memref<!tpu.dma_semaphore, #tpu.memory_space<semaphore_mem>>) {add = true}
    %dma_wait3A_125 = arith.constant 0 : i32
    %dma_wait3A_126 = arith.constant 0 : i32
    %dma_wait3A_127 = tpu.memref_slice %arg12[%dma_wait3A_125, %dma_wait3A_126] : memref<64x80xi32, #tpu.memory_space<vmem>> -> memref<1x80xi32, #tpu.memory_space<vmem>>
    %dma_wait3A_128 = tpu.memref_squeeze %dma_wait3A_127 : memref<1x80xi32, #tpu.memory_space<vmem>> -> memref<80xi32, #tpu.memory_space<vmem>>
    %dma_wait3A_129 = arith.constant 0 : i32
    %dma_wait3A_130 = arith.constant 0 : i32
    %dma_wait3A_131 = tpu.memref_slice %arg2[%dma_wait3A_129, %dma_wait3A_130] : memref<10000x128xf32, #tpu.memory_space<hbm>> -> memref<10000x128xf32, #tpu.memory_space<hbm>>
    tpu.wait_indirect_dma semaphore(%arg14 : memref<!tpu.dma_semaphore, #tpu.memory_space<semaphore_mem>>) src(%dma_wait3A_131 : memref<10000x128xf32, #tpu.memory_space<hbm>>) dst(%arg9 : memref<80x128xf32, #tpu.memory_space<vmem>>)
    %dma_start3A_132 = arith.constant 63 : i32
    %dma_start3A_133 = arith.constant 0 : i32
    %dma_start3A_134 = tpu.memref_slice %arg13[%dma_start3A_132, %dma_start3A_133] : memref<64x80xi32, #tpu.memory_space<vmem>> -> memref<1x80xi32, #tpu.memory_space<vmem>>
    %dma_start3A_135 = tpu.memref_squeeze %dma_start3A_134 : memref<1x80xi32, #tpu.memory_space<vmem>> -> memref<80xi32, #tpu.memory_space<vmem>>
    %dma_start3A_136 = arith.constant 0 : i32
    %dma_start3A_137 = arith.constant 0 : i32
    %dma_start3A_138 = tpu.memref_slice %arg8[%dma_start3A_136, %dma_start3A_137] : memref<10000x128xf32, #tpu.memory_space<vmem_shared>> -> memref<10000x128xf32, #tpu.memory_space<vmem_shared>>
    tpu.enqueue_indirect_dma source(%arg9 : memref<80x128xf32, #tpu.memory_space<vmem>>) target(%dma_start3A_138 : memref<10000x128xf32, #tpu.memory_space<vmem_shared>>) offsets(%dma_start3A_135 : memref<80xi32, #tpu.memory_space<vmem>>) semaphore(%arg17 : memref<!tpu.dma_semaphore, #tpu.memory_space<semaphore_mem>>) {add = true}
    %dma_wait3A_139 = arith.constant 0 : i32
    %dma_wait3A_140 = arith.constant 0 : i32
    %dma_wait3A_141 = tpu.memref_slice %arg13[%dma_wait3A_139, %dma_wait3A_140] : memref<64x80xi32, #tpu.memory_space<vmem>> -> memref<1x80xi32, #tpu.memory_space<vmem>>
    %dma_wait3A_142 = tpu.memref_squeeze %dma_wait3A_141 : memref<1x80xi32, #tpu.memory_space<vmem>> -> memref<80xi32, #tpu.memory_space<vmem>>
    %dma_wait3A_143 = arith.constant 0 : i32
    %dma_wait3A_144 = arith.constant 0 : i32
    %dma_wait3A_145 = tpu.memref_slice %arg8[%dma_wait3A_143, %dma_wait3A_144] : memref<10000x128xf32, #tpu.memory_space<vmem_shared>> -> memref<10000x128xf32, #tpu.memory_space<vmem_shared>>
    tpu.wait_indirect_dma semaphore(%arg17 : memref<!tpu.dma_semaphore, #tpu.memory_space<semaphore_mem>>) src(%arg9 : memref<80x128xf32, #tpu.memory_space<vmem>>) dst(%dma_wait3A_145 : memref<10000x128xf32, #tpu.memory_space<vmem_shared>>)
    %dma_wait3A_146 = arith.constant 0 : i32
    %dma_wait3A_147 = arith.constant 0 : i32
    %dma_wait3A_148 = tpu.memref_slice %arg13[%dma_wait3A_146, %dma_wait3A_147] : memref<64x80xi32, #tpu.memory_space<vmem>> -> memref<1x80xi32, #tpu.memory_space<vmem>>
    %dma_wait3A_149 = tpu.memref_squeeze %dma_wait3A_148 : memref<1x80xi32, #tpu.memory_space<vmem>> -> memref<80xi32, #tpu.memory_space<vmem>>
    %dma_wait3A_150 = arith.constant 0 : i32
    %dma_wait3A_151 = arith.constant 0 : i32
    %dma_wait3A_152 = tpu.memref_slice %arg8[%dma_wait3A_150, %dma_wait3A_151] : memref<10000x128xf32, #tpu.memory_space<vmem_shared>> -> memref<10000x128xf32, #tpu.memory_space<vmem_shared>>
    tpu.wait_indirect_dma semaphore(%arg18 : memref<!tpu.dma_semaphore, #tpu.memory_space<semaphore_mem>>) src(%arg10 : memref<80x128xf32, #tpu.memory_space<vmem>>) dst(%dma_wait3A_152 : memref<10000x128xf32, #tpu.memory_space<vmem_shared>>)
    %dma_wait3A_153 = arith.constant 0 : i32
    %dma_wait3A_154 = arith.constant 0 : i32
    %dma_wait3A_155 = tpu.memref_slice %arg13[%dma_wait3A_153, %dma_wait3A_154] : memref<64x80xi32, #tpu.memory_space<vmem>> -> memref<1x80xi32, #tpu.memory_space<vmem>>
    %dma_wait3A_156 = tpu.memref_squeeze %dma_wait3A_155 : memref<1x80xi32, #tpu.memory_space<vmem>> -> memref<80xi32, #tpu.memory_space<vmem>>
    %dma_wait3A_157 = arith.constant 0 : i32
    %dma_wait3A_158 = arith.constant 0 : i32
    %dma_wait3A_159 = tpu.memref_slice %arg8[%dma_wait3A_157, %dma_wait3A_158] : memref<10000x128xf32, #tpu.memory_space<vmem_shared>> -> memref<10000x128xf32, #tpu.memory_space<vmem_shared>>
    tpu.wait_indirect_dma semaphore(%arg19 : memref<!tpu.dma_semaphore, #tpu.memory_space<semaphore_mem>>) src(%arg11 : memref<80x128xf32, #tpu.memory_space<vmem>>) dst(%dma_wait3A_159 : memref<10000x128xf32, #tpu.memory_space<vmem_shared>>)
    "tpu.region"() ({
      %run_scoped3A = tpu.sem_alloc : memref<!tpu.dma_semaphore, #tpu.memory_space<semaphore_mem>>
      %dma_start3A_309 = arith.constant 0 : i32
      %dma_start3A_310 = arith.constant 0 : i32
      %dma_start3A_311 = tpu.memref_slice %arg12[%dma_start3A_309, %dma_start3A_310] : memref<64x80xi32, #tpu.memory_space<vmem>> -> memref<61x80xi32, #tpu.memory_space<vmem>>
      %dma_start3A_312 = arith.constant 64 : i32
      %dma_start3A_313 = arith.constant 0 : i32
      %dma_start3A_314 = tpu.memref_slice %arg4[%arg1, %dma_start3A_312, %dma_start3A_313] : memref<16x125x80xi32, #tpu.memory_space<hbm>> -> memref<1x61x80xi32, #tpu.memory_space<hbm>>
      %dma_start3A_315 = tpu.memref_squeeze %dma_start3A_314 : memref<1x61x80xi32, #tpu.memory_space<hbm>> -> memref<61x80xi32, #tpu.memory_space<hbm>>
      %dma_start3A_316 = arith.constant 0 : i32
      %dma_start3A_317 = arith.constant 0 : i32
      %dma_start3A_318 = tpu.memref_slice %arg12[%dma_start3A_316, %dma_start3A_317] : memref<64x80xi32, #tpu.memory_space<vmem>> -> memref<61x80xi32, #tpu.memory_space<vmem>>
      %dma_start3A_319 = arith.constant 64 : i32
      %dma_start3A_320 = arith.constant 0 : i32
      %dma_start3A_321 = tpu.memref_slice %arg4[%arg1, %dma_start3A_319, %dma_start3A_320] : memref<16x125x80xi32, #tpu.memory_space<hbm>> -> memref<1x61x80xi32, #tpu.memory_space<hbm>>
      %dma_start3A_322 = tpu.memref_squeeze %dma_start3A_321 : memref<1x61x80xi32, #tpu.memory_space<hbm>> -> memref<61x80xi32, #tpu.memory_space<hbm>>
      tpu.enqueue_dma source(%dma_start3A_322 : memref<61x80xi32, #tpu.memory_space<hbm>>) target(%dma_start3A_318 : memref<61x80xi32, #tpu.memory_space<vmem>>) target_semaphore(%run_scoped3A : memref<!tpu.dma_semaphore, #tpu.memory_space<semaphore_mem>>)
      %dma_wait3A_323 = arith.constant 0 : i32
      %dma_wait3A_324 = arith.constant 0 : i32
      %dma_wait3A_325 = tpu.memref_slice %arg12[%dma_wait3A_323, %dma_wait3A_324] : memref<64x80xi32, #tpu.memory_space<vmem>> -> memref<61x80xi32, #tpu.memory_space<vmem>>
      %dma_wait3A_326 = arith.constant 64 : i32
      %dma_wait3A_327 = arith.constant 0 : i32
      %dma_wait3A_328 = tpu.memref_slice %arg4[%arg1, %dma_wait3A_326, %dma_wait3A_327] : memref<16x125x80xi32, #tpu.memory_space<hbm>> -> memref<1x61x80xi32, #tpu.memory_space<hbm>>
      %dma_wait3A_329 = tpu.memref_squeeze %dma_wait3A_328 : memref<1x61x80xi32, #tpu.memory_space<hbm>> -> memref<61x80xi32, #tpu.memory_space<hbm>>
      %dma_wait3A_330 = arith.constant 0 : i32
      %dma_wait3A_331 = arith.constant 0 : i32
      %dma_wait3A_332 = tpu.memref_slice %arg12[%dma_wait3A_330, %dma_wait3A_331] : memref<64x80xi32, #tpu.memory_space<vmem>> -> memref<61x80xi32, #tpu.memory_space<vmem>>
      %dma_wait3A_333 = arith.constant 64 : i32
      %dma_wait3A_334 = arith.constant 0 : i32
      %dma_wait3A_335 = tpu.memref_slice %arg4[%arg1, %dma_wait3A_333, %dma_wait3A_334] : memref<16x125x80xi32, #tpu.memory_space<hbm>> -> memref<1x61x80xi32, #tpu.memory_space<hbm>>
      %dma_wait3A_336 = tpu.memref_squeeze %dma_wait3A_335 : memref<1x61x80xi32, #tpu.memory_space<hbm>> -> memref<61x80xi32, #tpu.memory_space<hbm>>
      tpu.wait_dma2 semaphore(%run_scoped3A : memref<!tpu.dma_semaphore, #tpu.memory_space<semaphore_mem>>) src(%dma_wait3A_336 : memref<61x80xi32, #tpu.memory_space<hbm>>) dst(%dma_wait3A_332 : memref<61x80xi32, #tpu.memory_space<vmem>>)
      tpu.yield
    }) : () -> ()
    "tpu.region"() ({
      %run_scoped3A = tpu.sem_alloc : memref<!tpu.dma_semaphore, #tpu.memory_space<semaphore_mem>>
      %dma_start3A_309 = arith.constant 0 : i32
      %dma_start3A_310 = arith.constant 0 : i32
      %dma_start3A_311 = tpu.memref_slice %arg13[%dma_start3A_309, %dma_start3A_310] : memref<64x80xi32, #tpu.memory_space<vmem>> -> memref<61x80xi32, #tpu.memory_space<vmem>>
      %dma_start3A_312 = arith.constant 64 : i32
      %dma_start3A_313 = arith.constant 0 : i32
      %dma_start3A_314 = tpu.memref_slice %arg5[%arg1, %dma_start3A_312, %dma_start3A_313] : memref<16x125x80xi32, #tpu.memory_space<hbm>> -> memref<1x61x80xi32, #tpu.memory_space<hbm>>
      %dma_start3A_315 = tpu.memref_squeeze %dma_start3A_314 : memref<1x61x80xi32, #tpu.memory_space<hbm>> -> memref<61x80xi32, #tpu.memory_space<hbm>>
      %dma_start3A_316 = arith.constant 0 : i32
      %dma_start3A_317 = arith.constant 0 : i32
      %dma_start3A_318 = tpu.memref_slice %arg13[%dma_start3A_316, %dma_start3A_317] : memref<64x80xi32, #tpu.memory_space<vmem>> -> memref<61x80xi32, #tpu.memory_space<vmem>>
      %dma_start3A_319 = arith.constant 64 : i32
      %dma_start3A_320 = arith.constant 0 : i32
      %dma_start3A_321 = tpu.memref_slice %arg5[%arg1, %dma_start3A_319, %dma_start3A_320] : memref<16x125x80xi32, #tpu.memory_space<hbm>> -> memref<1x61x80xi32, #tpu.memory_space<hbm>>
      %dma_start3A_322 = tpu.memref_squeeze %dma_start3A_321 : memref<1x61x80xi32, #tpu.memory_space<hbm>> -> memref<61x80xi32, #tpu.memory_space<hbm>>
      tpu.enqueue_dma source(%dma_start3A_322 : memref<61x80xi32, #tpu.memory_space<hbm>>) target(%dma_start3A_318 : memref<61x80xi32, #tpu.memory_space<vmem>>) target_semaphore(%run_scoped3A : memref<!tpu.dma_semaphore, #tpu.memory_space<semaphore_mem>>)
      %dma_wait3A_323 = arith.constant 0 : i32
      %dma_wait3A_324 = arith.constant 0 : i32
      %dma_wait3A_325 = tpu.memref_slice %arg13[%dma_wait3A_323, %dma_wait3A_324] : memref<64x80xi32, #tpu.memory_space<vmem>> -> memref<61x80xi32, #tpu.memory_space<vmem>>
      %dma_wait3A_326 = arith.constant 64 : i32
      %dma_wait3A_327 = arith.constant 0 : i32
      %dma_wait3A_328 = tpu.memref_slice %arg5[%arg1, %dma_wait3A_326, %dma_wait3A_327] : memref<16x125x80xi32, #tpu.memory_space<hbm>> -> memref<1x61x80xi32, #tpu.memory_space<hbm>>
      %dma_wait3A_329 = tpu.memref_squeeze %dma_wait3A_328 : memref<1x61x80xi32, #tpu.memory_space<hbm>> -> memref<61x80xi32, #tpu.memory_space<hbm>>
      %dma_wait3A_330 = arith.constant 0 : i32
      %dma_wait3A_331 = arith.constant 0 : i32
      %dma_wait3A_332 = tpu.memref_slice %arg13[%dma_wait3A_330, %dma_wait3A_331] : memref<64x80xi32, #tpu.memory_space<vmem>> -> memref<61x80xi32, #tpu.memory_space<vmem>>
      %dma_wait3A_333 = arith.constant 64 : i32
      %dma_wait3A_334 = arith.constant 0 : i32
      %dma_wait3A_335 = tpu.memref_slice %arg5[%arg1, %dma_wait3A_333, %dma_wait3A_334] : memref<16x125x80xi32, #tpu.memory_space<hbm>> -> memref<1x61x80xi32, #tpu.memory_space<hbm>>
      %dma_wait3A_336 = tpu.memref_squeeze %dma_wait3A_335 : memref<1x61x80xi32, #tpu.memory_space<hbm>> -> memref<61x80xi32, #tpu.memory_space<hbm>>
      tpu.wait_dma2 semaphore(%run_scoped3A : memref<!tpu.dma_semaphore, #tpu.memory_space<semaphore_mem>>) src(%dma_wait3A_336 : memref<61x80xi32, #tpu.memory_space<hbm>>) dst(%dma_wait3A_332 : memref<61x80xi32, #tpu.memory_space<vmem>>)
      tpu.yield
    }) : () -> ()
    %eq3A_160 = arith.constant 0 : i32
    %eq3A_161 = arith.cmpi eq, %arg0, %eq3A_160 : i32
    %convert_element_type3A_162 = arith.extui %eq3A_161 : i1 to i32
    %cond3A_163 = arith.constant 0 : i32
    %cond3A_164 = arith.constant 0 : i32
    %cond3A_165 = arith.cmpi ne, %convert_element_type3A_162, %cond3A_164 : i32
    scf.if %cond3A_165 {
      %dma_start3A_309 = arith.constant 0 : i32
      %dma_start3A_310 = tpu.memref_slice %arg12[%cond3A_163, %dma_start3A_309] : memref<64x80xi32, #tpu.memory_space<vmem>> -> memref<1x80xi32, #tpu.memory_space<vmem>>
      %dma_start3A_311 = tpu.memref_squeeze %dma_start3A_310 : memref<1x80xi32, #tpu.memory_space<vmem>> -> memref<80xi32, #tpu.memory_space<vmem>>
      %dma_start3A_312 = arith.constant 0 : i32
      %dma_start3A_313 = arith.constant 0 : i32
      %dma_start3A_314 = tpu.memref_slice %arg2[%dma_start3A_312, %dma_start3A_313] : memref<10000x128xf32, #tpu.memory_space<hbm>> -> memref<10000x128xf32, #tpu.memory_space<hbm>>
      tpu.enqueue_indirect_dma source(%dma_start3A_314 : memref<10000x128xf32, #tpu.memory_space<hbm>>) target(%arg9 : memref<80x128xf32, #tpu.memory_space<vmem>>) offsets(%dma_start3A_311 : memref<80xi32, #tpu.memory_space<vmem>>) semaphore(%arg14 : memref<!tpu.dma_semaphore, #tpu.memory_space<semaphore_mem>>)
    } else {
    }
    %eq3A_166 = arith.constant 1 : i32
    %eq3A_167 = arith.cmpi eq, %arg0, %eq3A_166 : i32
    %convert_element_type3A_168 = arith.extui %eq3A_167 : i1 to i32
    %cond3A_169 = arith.constant 0 : i32
    %cond3A_170 = arith.constant 0 : i32
    %cond3A_171 = arith.cmpi ne, %convert_element_type3A_168, %cond3A_170 : i32
    scf.if %cond3A_171 {
      %dma_start3A_309 = arith.constant 0 : i32
      %dma_start3A_310 = tpu.memref_slice %arg12[%cond3A_169, %dma_start3A_309] : memref<64x80xi32, #tpu.memory_space<vmem>> -> memref<1x80xi32, #tpu.memory_space<vmem>>
      %dma_start3A_311 = tpu.memref_squeeze %dma_start3A_310 : memref<1x80xi32, #tpu.memory_space<vmem>> -> memref<80xi32, #tpu.memory_space<vmem>>
      %dma_start3A_312 = arith.constant 0 : i32
      %dma_start3A_313 = arith.constant 0 : i32
      %dma_start3A_314 = tpu.memref_slice %arg3[%dma_start3A_312, %dma_start3A_313] : memref<10000x128xf32, #tpu.memory_space<hbm>> -> memref<10000x128xf32, #tpu.memory_space<hbm>>
      tpu.enqueue_indirect_dma source(%dma_start3A_314 : memref<10000x128xf32, #tpu.memory_space<hbm>>) target(%arg9 : memref<80x128xf32, #tpu.memory_space<vmem>>) offsets(%dma_start3A_311 : memref<80xi32, #tpu.memory_space<vmem>>) semaphore(%arg14 : memref<!tpu.dma_semaphore, #tpu.memory_space<semaphore_mem>>)
    } else {
    }
    %eq3A_172 = arith.constant 0 : i32
    %eq3A_173 = arith.cmpi eq, %arg0, %eq3A_172 : i32
    %convert_element_type3A_174 = arith.extui %eq3A_173 : i1 to i32
    %cond3A_175 = arith.constant 1 : i32
    %cond3A_176 = arith.constant 0 : i32
    %cond3A_177 = arith.cmpi ne, %convert_element_type3A_174, %cond3A_176 : i32
    scf.if %cond3A_177 {
      %dma_start3A_309 = arith.constant 0 : i32
      %dma_start3A_310 = tpu.memref_slice %arg12[%cond3A_175, %dma_start3A_309] : memref<64x80xi32, #tpu.memory_space<vmem>> -> memref<1x80xi32, #tpu.memory_space<vmem>>
      %dma_start3A_311 = tpu.memref_squeeze %dma_start3A_310 : memref<1x80xi32, #tpu.memory_space<vmem>> -> memref<80xi32, #tpu.memory_space<vmem>>
      %dma_start3A_312 = arith.constant 0 : i32
      %dma_start3A_313 = arith.constant 0 : i32
      %dma_start3A_314 = tpu.memref_slice %arg2[%dma_start3A_312, %dma_start3A_313] : memref<10000x128xf32, #tpu.memory_space<hbm>> -> memref<10000x128xf32, #tpu.memory_space<hbm>>
      tpu.enqueue_indirect_dma source(%dma_start3A_314 : memref<10000x128xf32, #tpu.memory_space<hbm>>) target(%arg10 : memref<80x128xf32, #tpu.memory_space<vmem>>) offsets(%dma_start3A_311 : memref<80xi32, #tpu.memory_space<vmem>>) semaphore(%arg15 : memref<!tpu.dma_semaphore, #tpu.memory_space<semaphore_mem>>)
    } else {
    }
    %eq3A_178 = arith.constant 1 : i32
    %eq3A_179 = arith.cmpi eq, %arg0, %eq3A_178 : i32
    %convert_element_type3A_180 = arith.extui %eq3A_179 : i1 to i32
    %cond3A_181 = arith.constant 1 : i32
    %cond3A_182 = arith.constant 0 : i32
    %cond3A_183 = arith.cmpi ne, %convert_element_type3A_180, %cond3A_182 : i32
    scf.if %cond3A_183 {
      %dma_start3A_309 = arith.constant 0 : i32
      %dma_start3A_310 = tpu.memref_slice %arg12[%cond3A_181, %dma_start3A_309] : memref<64x80xi32, #tpu.memory_space<vmem>> -> memref<1x80xi32, #tpu.memory_space<vmem>>
      %dma_start3A_311 = tpu.memref_squeeze %dma_start3A_310 : memref<1x80xi32, #tpu.memory_space<vmem>> -> memref<80xi32, #tpu.memory_space<vmem>>
      %dma_start3A_312 = arith.constant 0 : i32
      %dma_start3A_313 = arith.constant 0 : i32
      %dma_start3A_314 = tpu.memref_slice %arg3[%dma_start3A_312, %dma_start3A_313] : memref<10000x128xf32, #tpu.memory_space<hbm>> -> memref<10000x128xf32, #tpu.memory_space<hbm>>
      tpu.enqueue_indirect_dma source(%dma_start3A_314 : memref<10000x128xf32, #tpu.memory_space<hbm>>) target(%arg10 : memref<80x128xf32, #tpu.memory_space<vmem>>) offsets(%dma_start3A_311 : memref<80xi32, #tpu.memory_space<vmem>>) semaphore(%arg15 : memref<!tpu.dma_semaphore, #tpu.memory_space<semaphore_mem>>)
    } else {
    }
    %eq3A_184 = arith.constant 0 : i32
    %eq3A_185 = arith.cmpi eq, %arg0, %eq3A_184 : i32
    %convert_element_type3A_186 = arith.extui %eq3A_185 : i1 to i32
    %cond3A_187 = arith.constant 2 : i32
    %cond3A_188 = arith.constant 0 : i32
    %cond3A_189 = arith.cmpi ne, %convert_element_type3A_186, %cond3A_188 : i32
    scf.if %cond3A_189 {
      %dma_start3A_309 = arith.constant 0 : i32
      %dma_start3A_310 = tpu.memref_slice %arg12[%cond3A_187, %dma_start3A_309] : memref<64x80xi32, #tpu.memory_space<vmem>> -> memref<1x80xi32, #tpu.memory_space<vmem>>
      %dma_start3A_311 = tpu.memref_squeeze %dma_start3A_310 : memref<1x80xi32, #tpu.memory_space<vmem>> -> memref<80xi32, #tpu.memory_space<vmem>>
      %dma_start3A_312 = arith.constant 0 : i32
      %dma_start3A_313 = arith.constant 0 : i32
      %dma_start3A_314 = tpu.memref_slice %arg2[%dma_start3A_312, %dma_start3A_313] : memref<10000x128xf32, #tpu.memory_space<hbm>> -> memref<10000x128xf32, #tpu.memory_space<hbm>>
      tpu.enqueue_indirect_dma source(%dma_start3A_314 : memref<10000x128xf32, #tpu.memory_space<hbm>>) target(%arg11 : memref<80x128xf32, #tpu.memory_space<vmem>>) offsets(%dma_start3A_311 : memref<80xi32, #tpu.memory_space<vmem>>) semaphore(%arg16 : memref<!tpu.dma_semaphore, #tpu.memory_space<semaphore_mem>>)
    } else {
    }
    %eq3A_190 = arith.constant 1 : i32
    %eq3A_191 = arith.cmpi eq, %arg0, %eq3A_190 : i32
    %convert_element_type3A_192 = arith.extui %eq3A_191 : i1 to i32
    %cond3A_193 = arith.constant 2 : i32
    %cond3A_194 = arith.constant 0 : i32
    %cond3A_195 = arith.cmpi ne, %convert_element_type3A_192, %cond3A_194 : i32
    scf.if %cond3A_195 {
      %dma_start3A_309 = arith.constant 0 : i32
      %dma_start3A_310 = tpu.memref_slice %arg12[%cond3A_193, %dma_start3A_309] : memref<64x80xi32, #tpu.memory_space<vmem>> -> memref<1x80xi32, #tpu.memory_space<vmem>>
      %dma_start3A_311 = tpu.memref_squeeze %dma_start3A_310 : memref<1x80xi32, #tpu.memory_space<vmem>> -> memref<80xi32, #tpu.memory_space<vmem>>
      %dma_start3A_312 = arith.constant 0 : i32
      %dma_start3A_313 = arith.constant 0 : i32
      %dma_start3A_314 = tpu.memref_slice %arg3[%dma_start3A_312, %dma_start3A_313] : memref<10000x128xf32, #tpu.memory_space<hbm>> -> memref<10000x128xf32, #tpu.memory_space<hbm>>
      tpu.enqueue_indirect_dma source(%dma_start3A_314 : memref<10000x128xf32, #tpu.memory_space<hbm>>) target(%arg11 : memref<80x128xf32, #tpu.memory_space<vmem>>) offsets(%dma_start3A_311 : memref<80xi32, #tpu.memory_space<vmem>>) semaphore(%arg16 : memref<!tpu.dma_semaphore, #tpu.memory_space<semaphore_mem>>)
    } else {
    }
    %dma_wait3A_196 = arith.constant 0 : i32
    %dma_wait3A_197 = arith.constant 0 : i32
    %dma_wait3A_198 = tpu.memref_slice %arg12[%dma_wait3A_196, %dma_wait3A_197] : memref<64x80xi32, #tpu.memory_space<vmem>> -> memref<1x80xi32, #tpu.memory_space<vmem>>
    %dma_wait3A_199 = tpu.memref_squeeze %dma_wait3A_198 : memref<1x80xi32, #tpu.memory_space<vmem>> -> memref<80xi32, #tpu.memory_space<vmem>>
    %dma_wait3A_200 = arith.constant 0 : i32
    %dma_wait3A_201 = arith.constant 0 : i32
    %dma_wait3A_202 = tpu.memref_slice %arg2[%dma_wait3A_200, %dma_wait3A_201] : memref<10000x128xf32, #tpu.memory_space<hbm>> -> memref<10000x128xf32, #tpu.memory_space<hbm>>
    tpu.wait_indirect_dma semaphore(%arg14 : memref<!tpu.dma_semaphore, #tpu.memory_space<semaphore_mem>>) src(%dma_wait3A_202 : memref<10000x128xf32, #tpu.memory_space<hbm>>) dst(%arg9 : memref<80x128xf32, #tpu.memory_space<vmem>>)
    %dma_start3A_203 = arith.constant 0 : i32
    %dma_start3A_204 = arith.constant 0 : i32
    %dma_start3A_205 = tpu.memref_slice %arg13[%dma_start3A_203, %dma_start3A_204] : memref<64x80xi32, #tpu.memory_space<vmem>> -> memref<1x80xi32, #tpu.memory_space<vmem>>
    %dma_start3A_206 = tpu.memref_squeeze %dma_start3A_205 : memref<1x80xi32, #tpu.memory_space<vmem>> -> memref<80xi32, #tpu.memory_space<vmem>>
    %dma_start3A_207 = arith.constant 0 : i32
    %dma_start3A_208 = arith.constant 0 : i32
    %dma_start3A_209 = tpu.memref_slice %arg8[%dma_start3A_207, %dma_start3A_208] : memref<10000x128xf32, #tpu.memory_space<vmem_shared>> -> memref<10000x128xf32, #tpu.memory_space<vmem_shared>>
    tpu.enqueue_indirect_dma source(%arg9 : memref<80x128xf32, #tpu.memory_space<vmem>>) target(%dma_start3A_209 : memref<10000x128xf32, #tpu.memory_space<vmem_shared>>) offsets(%dma_start3A_206 : memref<80xi32, #tpu.memory_space<vmem>>) semaphore(%arg17 : memref<!tpu.dma_semaphore, #tpu.memory_space<semaphore_mem>>) {add = true}
    %scan3A_210 = arith.constant 0 : i32
    %scan3A_211 = arith.constant 0 : i32
    %scan3A_212 = arith.constant 19 : i32
    %scan3A_213 = arith.addi %scan3A_211, %scan3A_212 : i32
    %scan3A_214 = arith.constant 1 : i32
    scf.for %scan3A_309 = %scan3A_211 to %scan3A_213 step %scan3A_214  : i32 {
      %mul3A_310 = arith.constant 3 : i32
      %mul3A_311 = arith.muli %mul3A_310, %scan3A_309 : i32
      %add3A_312 = arith.constant 1 : i32
      %add3A_313 = arith.addi %mul3A_311, %add3A_312 : i32
      %dma_wait3A_314 = arith.constant 0 : i32
      %dma_wait3A_315 = arith.constant 0 : i32
      %dma_wait3A_316 = tpu.memref_slice %arg12[%dma_wait3A_314, %dma_wait3A_315] : memref<64x80xi32, #tpu.memory_space<vmem>> -> memref<1x80xi32, #tpu.memory_space<vmem>>
      %dma_wait3A_317 = tpu.memref_squeeze %dma_wait3A_316 : memref<1x80xi32, #tpu.memory_space<vmem>> -> memref<80xi32, #tpu.memory_space<vmem>>
      %dma_wait3A_318 = arith.constant 0 : i32
      %dma_wait3A_319 = arith.constant 0 : i32
      %dma_wait3A_320 = tpu.memref_slice %arg2[%dma_wait3A_318, %dma_wait3A_319] : memref<10000x128xf32, #tpu.memory_space<hbm>> -> memref<10000x128xf32, #tpu.memory_space<hbm>>
      tpu.wait_indirect_dma semaphore(%arg15 : memref<!tpu.dma_semaphore, #tpu.memory_space<semaphore_mem>>) src(%dma_wait3A_320 : memref<10000x128xf32, #tpu.memory_space<hbm>>) dst(%arg10 : memref<80x128xf32, #tpu.memory_space<vmem>>)
      %dma_start3A_321 = arith.constant 0 : i32
      %dma_start3A_322 = tpu.memref_slice %arg13[%add3A_313, %dma_start3A_321] : memref<64x80xi32, #tpu.memory_space<vmem>> -> memref<1x80xi32, #tpu.memory_space<vmem>>
      %dma_start3A_323 = tpu.memref_squeeze %dma_start3A_322 : memref<1x80xi32, #tpu.memory_space<vmem>> -> memref<80xi32, #tpu.memory_space<vmem>>
      %dma_start3A_324 = arith.constant 0 : i32
      %dma_start3A_325 = arith.constant 0 : i32
      %dma_start3A_326 = tpu.memref_slice %arg8[%dma_start3A_324, %dma_start3A_325] : memref<10000x128xf32, #tpu.memory_space<vmem_shared>> -> memref<10000x128xf32, #tpu.memory_space<vmem_shared>>
      tpu.enqueue_indirect_dma source(%arg10 : memref<80x128xf32, #tpu.memory_space<vmem>>) target(%dma_start3A_326 : memref<10000x128xf32, #tpu.memory_space<vmem_shared>>) offsets(%dma_start3A_323 : memref<80xi32, #tpu.memory_space<vmem>>) semaphore(%arg18 : memref<!tpu.dma_semaphore, #tpu.memory_space<semaphore_mem>>) {add = true}
      %dma_wait3A_327 = arith.constant 0 : i32
      %dma_wait3A_328 = arith.constant 0 : i32
      %dma_wait3A_329 = tpu.memref_slice %arg13[%dma_wait3A_327, %dma_wait3A_328] : memref<64x80xi32, #tpu.memory_space<vmem>> -> memref<1x80xi32, #tpu.memory_space<vmem>>
      %dma_wait3A_330 = tpu.memref_squeeze %dma_wait3A_329 : memref<1x80xi32, #tpu.memory_space<vmem>> -> memref<80xi32, #tpu.memory_space<vmem>>
      %dma_wait3A_331 = arith.constant 0 : i32
      %dma_wait3A_332 = arith.constant 0 : i32
      %dma_wait3A_333 = tpu.memref_slice %arg8[%dma_wait3A_331, %dma_wait3A_332] : memref<10000x128xf32, #tpu.memory_space<vmem_shared>> -> memref<10000x128xf32, #tpu.memory_space<vmem_shared>>
      tpu.wait_indirect_dma semaphore(%arg17 : memref<!tpu.dma_semaphore, #tpu.memory_space<semaphore_mem>>) src(%arg9 : memref<80x128xf32, #tpu.memory_space<vmem>>) dst(%dma_wait3A_333 : memref<10000x128xf32, #tpu.memory_space<vmem_shared>>)
      %add3A_334 = arith.constant 2 : i32
      %add3A_335 = arith.addi %add3A_313, %add3A_334 : i32
      %eq3A_336 = arith.constant 0 : i32
      %eq3A_337 = arith.cmpi eq, %arg0, %eq3A_336 : i32
      %convert_element_type3A_338 = arith.extui %eq3A_337 : i1 to i32
      %cond3A_339 = arith.constant 0 : i32
      %cond3A_340 = arith.cmpi ne, %convert_element_type3A_338, %cond3A_339 : i32
      scf.if %cond3A_340 {
        %dma_start3A_414 = arith.constant 0 : i32
        %dma_start3A_415 = tpu.memref_slice %arg12[%add3A_335, %dma_start3A_414] : memref<64x80xi32, #tpu.memory_space<vmem>> -> memref<1x80xi32, #tpu.memory_space<vmem>>
        %dma_start3A_416 = tpu.memref_squeeze %dma_start3A_415 : memref<1x80xi32, #tpu.memory_space<vmem>> -> memref<80xi32, #tpu.memory_space<vmem>>
        %dma_start3A_417 = arith.constant 0 : i32
        %dma_start3A_418 = arith.constant 0 : i32
        %dma_start3A_419 = tpu.memref_slice %arg2[%dma_start3A_417, %dma_start3A_418] : memref<10000x128xf32, #tpu.memory_space<hbm>> -> memref<10000x128xf32, #tpu.memory_space<hbm>>
        tpu.enqueue_indirect_dma source(%dma_start3A_419 : memref<10000x128xf32, #tpu.memory_space<hbm>>) target(%arg9 : memref<80x128xf32, #tpu.memory_space<vmem>>) offsets(%dma_start3A_416 : memref<80xi32, #tpu.memory_space<vmem>>) semaphore(%arg14 : memref<!tpu.dma_semaphore, #tpu.memory_space<semaphore_mem>>)
      } else {
      }
      %eq3A_341 = arith.constant 1 : i32
      %eq3A_342 = arith.cmpi eq, %arg0, %eq3A_341 : i32
      %convert_element_type3A_343 = arith.extui %eq3A_342 : i1 to i32
      %cond3A_344 = arith.constant 0 : i32
      %cond3A_345 = arith.cmpi ne, %convert_element_type3A_343, %cond3A_344 : i32
      scf.if %cond3A_345 {
        %dma_start3A_414 = arith.constant 0 : i32
        %dma_start3A_415 = tpu.memref_slice %arg12[%add3A_335, %dma_start3A_414] : memref<64x80xi32, #tpu.memory_space<vmem>> -> memref<1x80xi32, #tpu.memory_space<vmem>>
        %dma_start3A_416 = tpu.memref_squeeze %dma_start3A_415 : memref<1x80xi32, #tpu.memory_space<vmem>> -> memref<80xi32, #tpu.memory_space<vmem>>
        %dma_start3A_417 = arith.constant 0 : i32
        %dma_start3A_418 = arith.constant 0 : i32
        %dma_start3A_419 = tpu.memref_slice %arg3[%dma_start3A_417, %dma_start3A_418] : memref<10000x128xf32, #tpu.memory_space<hbm>> -> memref<10000x128xf32, #tpu.memory_space<hbm>>
        tpu.enqueue_indirect_dma source(%dma_start3A_419 : memref<10000x128xf32, #tpu.memory_space<hbm>>) target(%arg9 : memref<80x128xf32, #tpu.memory_space<vmem>>) offsets(%dma_start3A_416 : memref<80xi32, #tpu.memory_space<vmem>>) semaphore(%arg14 : memref<!tpu.dma_semaphore, #tpu.memory_space<semaphore_mem>>)
      } else {
      }
      %add3A_346 = arith.constant 2 : i32
      %add3A_347 = arith.addi %mul3A_311, %add3A_346 : i32
      %dma_wait3A_348 = arith.constant 0 : i32
      %dma_wait3A_349 = arith.constant 0 : i32
      %dma_wait3A_350 = tpu.memref_slice %arg12[%dma_wait3A_348, %dma_wait3A_349] : memref<64x80xi32, #tpu.memory_space<vmem>> -> memref<1x80xi32, #tpu.memory_space<vmem>>
      %dma_wait3A_351 = tpu.memref_squeeze %dma_wait3A_350 : memref<1x80xi32, #tpu.memory_space<vmem>> -> memref<80xi32, #tpu.memory_space<vmem>>
      %dma_wait3A_352 = arith.constant 0 : i32
      %dma_wait3A_353 = arith.constant 0 : i32
      %dma_wait3A_354 = tpu.memref_slice %arg2[%dma_wait3A_352, %dma_wait3A_353] : memref<10000x128xf32, #tpu.memory_space<hbm>> -> memref<10000x128xf32, #tpu.memory_space<hbm>>
      tpu.wait_indirect_dma semaphore(%arg16 : memref<!tpu.dma_semaphore, #tpu.memory_space<semaphore_mem>>) src(%dma_wait3A_354 : memref<10000x128xf32, #tpu.memory_space<hbm>>) dst(%arg11 : memref<80x128xf32, #tpu.memory_space<vmem>>)
      %dma_start3A_355 = arith.constant 0 : i32
      %dma_start3A_356 = tpu.memref_slice %arg13[%add3A_347, %dma_start3A_355] : memref<64x80xi32, #tpu.memory_space<vmem>> -> memref<1x80xi32, #tpu.memory_space<vmem>>
      %dma_start3A_357 = tpu.memref_squeeze %dma_start3A_356 : memref<1x80xi32, #tpu.memory_space<vmem>> -> memref<80xi32, #tpu.memory_space<vmem>>
      %dma_start3A_358 = arith.constant 0 : i32
      %dma_start3A_359 = arith.constant 0 : i32
      %dma_start3A_360 = tpu.memref_slice %arg8[%dma_start3A_358, %dma_start3A_359] : memref<10000x128xf32, #tpu.memory_space<vmem_shared>> -> memref<10000x128xf32, #tpu.memory_space<vmem_shared>>
      tpu.enqueue_indirect_dma source(%arg11 : memref<80x128xf32, #tpu.memory_space<vmem>>) target(%dma_start3A_360 : memref<10000x128xf32, #tpu.memory_space<vmem_shared>>) offsets(%dma_start3A_357 : memref<80xi32, #tpu.memory_space<vmem>>) semaphore(%arg19 : memref<!tpu.dma_semaphore, #tpu.memory_space<semaphore_mem>>) {add = true}
      %dma_wait3A_361 = arith.constant 0 : i32
      %dma_wait3A_362 = arith.constant 0 : i32
      %dma_wait3A_363 = tpu.memref_slice %arg13[%dma_wait3A_361, %dma_wait3A_362] : memref<64x80xi32, #tpu.memory_space<vmem>> -> memref<1x80xi32, #tpu.memory_space<vmem>>
      %dma_wait3A_364 = tpu.memref_squeeze %dma_wait3A_363 : memref<1x80xi32, #tpu.memory_space<vmem>> -> memref<80xi32, #tpu.memory_space<vmem>>
      %dma_wait3A_365 = arith.constant 0 : i32
      %dma_wait3A_366 = arith.constant 0 : i32
      %dma_wait3A_367 = tpu.memref_slice %arg8[%dma_wait3A_365, %dma_wait3A_366] : memref<10000x128xf32, #tpu.memory_space<vmem_shared>> -> memref<10000x128xf32, #tpu.memory_space<vmem_shared>>
      tpu.wait_indirect_dma semaphore(%arg18 : memref<!tpu.dma_semaphore, #tpu.memory_space<semaphore_mem>>) src(%arg10 : memref<80x128xf32, #tpu.memory_space<vmem>>) dst(%dma_wait3A_367 : memref<10000x128xf32, #tpu.memory_space<vmem_shared>>)
      %add3A_368 = arith.constant 2 : i32
      %add3A_369 = arith.addi %add3A_347, %add3A_368 : i32
      %eq3A_370 = arith.constant 0 : i32
      %eq3A_371 = arith.cmpi eq, %arg0, %eq3A_370 : i32
      %convert_element_type3A_372 = arith.extui %eq3A_371 : i1 to i32
      %cond3A_373 = arith.constant 0 : i32
      %cond3A_374 = arith.cmpi ne, %convert_element_type3A_372, %cond3A_373 : i32
      scf.if %cond3A_374 {
        %dma_start3A_414 = arith.constant 0 : i32
        %dma_start3A_415 = tpu.memref_slice %arg12[%add3A_369, %dma_start3A_414] : memref<64x80xi32, #tpu.memory_space<vmem>> -> memref<1x80xi32, #tpu.memory_space<vmem>>
        %dma_start3A_416 = tpu.memref_squeeze %dma_start3A_415 : memref<1x80xi32, #tpu.memory_space<vmem>> -> memref<80xi32, #tpu.memory_space<vmem>>
        %dma_start3A_417 = arith.constant 0 : i32
        %dma_start3A_418 = arith.constant 0 : i32
        %dma_start3A_419 = tpu.memref_slice %arg2[%dma_start3A_417, %dma_start3A_418] : memref<10000x128xf32, #tpu.memory_space<hbm>> -> memref<10000x128xf32, #tpu.memory_space<hbm>>
        tpu.enqueue_indirect_dma source(%dma_start3A_419 : memref<10000x128xf32, #tpu.memory_space<hbm>>) target(%arg10 : memref<80x128xf32, #tpu.memory_space<vmem>>) offsets(%dma_start3A_416 : memref<80xi32, #tpu.memory_space<vmem>>) semaphore(%arg15 : memref<!tpu.dma_semaphore, #tpu.memory_space<semaphore_mem>>)
      } else {
      }
      %eq3A_375 = arith.constant 1 : i32
      %eq3A_376 = arith.cmpi eq, %arg0, %eq3A_375 : i32
      %convert_element_type3A_377 = arith.extui %eq3A_376 : i1 to i32
      %cond3A_378 = arith.constant 0 : i32
      %cond3A_379 = arith.cmpi ne, %convert_element_type3A_377, %cond3A_378 : i32
      scf.if %cond3A_379 {
        %dma_start3A_414 = arith.constant 0 : i32
        %dma_start3A_415 = tpu.memref_slice %arg12[%add3A_369, %dma_start3A_414] : memref<64x80xi32, #tpu.memory_space<vmem>> -> memref<1x80xi32, #tpu.memory_space<vmem>>
        %dma_start3A_416 = tpu.memref_squeeze %dma_start3A_415 : memref<1x80xi32, #tpu.memory_space<vmem>> -> memref<80xi32, #tpu.memory_space<vmem>>
        %dma_start3A_417 = arith.constant 0 : i32
        %dma_start3A_418 = arith.constant 0 : i32
        %dma_start3A_419 = tpu.memref_slice %arg3[%dma_start3A_417, %dma_start3A_418] : memref<10000x128xf32, #tpu.memory_space<hbm>> -> memref<10000x128xf32, #tpu.memory_space<hbm>>
        tpu.enqueue_indirect_dma source(%dma_start3A_419 : memref<10000x128xf32, #tpu.memory_space<hbm>>) target(%arg10 : memref<80x128xf32, #tpu.memory_space<vmem>>) offsets(%dma_start3A_416 : memref<80xi32, #tpu.memory_space<vmem>>) semaphore(%arg15 : memref<!tpu.dma_semaphore, #tpu.memory_space<semaphore_mem>>)
      } else {
      }
      %add3A_380 = arith.constant 3 : i32
      %add3A_381 = arith.addi %mul3A_311, %add3A_380 : i32
      %dma_wait3A_382 = arith.constant 0 : i32
      %dma_wait3A_383 = arith.constant 0 : i32
      %dma_wait3A_384 = tpu.memref_slice %arg12[%dma_wait3A_382, %dma_wait3A_383] : memref<64x80xi32, #tpu.memory_space<vmem>> -> memref<1x80xi32, #tpu.memory_space<vmem>>
      %dma_wait3A_385 = tpu.memref_squeeze %dma_wait3A_384 : memref<1x80xi32, #tpu.memory_space<vmem>> -> memref<80xi32, #tpu.memory_space<vmem>>
      %dma_wait3A_386 = arith.constant 0 : i32
      %dma_wait3A_387 = arith.constant 0 : i32
      %dma_wait3A_388 = tpu.memref_slice %arg2[%dma_wait3A_386, %dma_wait3A_387] : memref<10000x128xf32, #tpu.memory_space<hbm>> -> memref<10000x128xf32, #tpu.memory_space<hbm>>
      tpu.wait_indirect_dma semaphore(%arg14 : memref<!tpu.dma_semaphore, #tpu.memory_space<semaphore_mem>>) src(%dma_wait3A_388 : memref<10000x128xf32, #tpu.memory_space<hbm>>) dst(%arg9 : memref<80x128xf32, #tpu.memory_space<vmem>>)
      %dma_start3A_389 = arith.constant 0 : i32
      %dma_start3A_390 = tpu.memref_slice %arg13[%add3A_381, %dma_start3A_389] : memref<64x80xi32, #tpu.memory_space<vmem>> -> memref<1x80xi32, #tpu.memory_space<vmem>>
      %dma_start3A_391 = tpu.memref_squeeze %dma_start3A_390 : memref<1x80xi32, #tpu.memory_space<vmem>> -> memref<80xi32, #tpu.memory_space<vmem>>
      %dma_start3A_392 = arith.constant 0 : i32
      %dma_start3A_393 = arith.constant 0 : i32
      %dma_start3A_394 = tpu.memref_slice %arg8[%dma_start3A_392, %dma_start3A_393] : memref<10000x128xf32, #tpu.memory_space<vmem_shared>> -> memref<10000x128xf32, #tpu.memory_space<vmem_shared>>
      tpu.enqueue_indirect_dma source(%arg9 : memref<80x128xf32, #tpu.memory_space<vmem>>) target(%dma_start3A_394 : memref<10000x128xf32, #tpu.memory_space<vmem_shared>>) offsets(%dma_start3A_391 : memref<80xi32, #tpu.memory_space<vmem>>) semaphore(%arg17 : memref<!tpu.dma_semaphore, #tpu.memory_space<semaphore_mem>>) {add = true}
      %dma_wait3A_395 = arith.constant 0 : i32
      %dma_wait3A_396 = arith.constant 0 : i32
      %dma_wait3A_397 = tpu.memref_slice %arg13[%dma_wait3A_395, %dma_wait3A_396] : memref<64x80xi32, #tpu.memory_space<vmem>> -> memref<1x80xi32, #tpu.memory_space<vmem>>
      %dma_wait3A_398 = tpu.memref_squeeze %dma_wait3A_397 : memref<1x80xi32, #tpu.memory_space<vmem>> -> memref<80xi32, #tpu.memory_space<vmem>>
      %dma_wait3A_399 = arith.constant 0 : i32
      %dma_wait3A_400 = arith.constant 0 : i32
      %dma_wait3A_401 = tpu.memref_slice %arg8[%dma_wait3A_399, %dma_wait3A_400] : memref<10000x128xf32, #tpu.memory_space<vmem_shared>> -> memref<10000x128xf32, #tpu.memory_space<vmem_shared>>
      tpu.wait_indirect_dma semaphore(%arg19 : memref<!tpu.dma_semaphore, #tpu.memory_space<semaphore_mem>>) src(%arg11 : memref<80x128xf32, #tpu.memory_space<vmem>>) dst(%dma_wait3A_401 : memref<10000x128xf32, #tpu.memory_space<vmem_shared>>)
      %add3A_402 = arith.constant 2 : i32
      %add3A_403 = arith.addi %add3A_381, %add3A_402 : i32
      %eq3A_404 = arith.constant 0 : i32
      %eq3A_405 = arith.cmpi eq, %arg0, %eq3A_404 : i32
      %convert_element_type3A_406 = arith.extui %eq3A_405 : i1 to i32
      %cond3A_407 = arith.constant 0 : i32
      %cond3A_408 = arith.cmpi ne, %convert_element_type3A_406, %cond3A_407 : i32
      scf.if %cond3A_408 {
        %dma_start3A_414 = arith.constant 0 : i32
        %dma_start3A_415 = tpu.memref_slice %arg12[%add3A_403, %dma_start3A_414] : memref<64x80xi32, #tpu.memory_space<vmem>> -> memref<1x80xi32, #tpu.memory_space<vmem>>
        %dma_start3A_416 = tpu.memref_squeeze %dma_start3A_415 : memref<1x80xi32, #tpu.memory_space<vmem>> -> memref<80xi32, #tpu.memory_space<vmem>>
        %dma_start3A_417 = arith.constant 0 : i32
        %dma_start3A_418 = arith.constant 0 : i32
        %dma_start3A_419 = tpu.memref_slice %arg2[%dma_start3A_417, %dma_start3A_418] : memref<10000x128xf32, #tpu.memory_space<hbm>> -> memref<10000x128xf32, #tpu.memory_space<hbm>>
        tpu.enqueue_indirect_dma source(%dma_start3A_419 : memref<10000x128xf32, #tpu.memory_space<hbm>>) target(%arg11 : memref<80x128xf32, #tpu.memory_space<vmem>>) offsets(%dma_start3A_416 : memref<80xi32, #tpu.memory_space<vmem>>) semaphore(%arg16 : memref<!tpu.dma_semaphore, #tpu.memory_space<semaphore_mem>>)
      } else {
      }
      %eq3A_409 = arith.constant 1 : i32
      %eq3A_410 = arith.cmpi eq, %arg0, %eq3A_409 : i32
      %convert_element_type3A_411 = arith.extui %eq3A_410 : i1 to i32
      %cond3A_412 = arith.constant 0 : i32
      %cond3A_413 = arith.cmpi ne, %convert_element_type3A_411, %cond3A_412 : i32
      scf.if %cond3A_413 {
        %dma_start3A_414 = arith.constant 0 : i32
        %dma_start3A_415 = tpu.memref_slice %arg12[%add3A_403, %dma_start3A_414] : memref<64x80xi32, #tpu.memory_space<vmem>> -> memref<1x80xi32, #tpu.memory_space<vmem>>
        %dma_start3A_416 = tpu.memref_squeeze %dma_start3A_415 : memref<1x80xi32, #tpu.memory_space<vmem>> -> memref<80xi32, #tpu.memory_space<vmem>>
        %dma_start3A_417 = arith.constant 0 : i32
        %dma_start3A_418 = arith.constant 0 : i32
        %dma_start3A_419 = tpu.memref_slice %arg3[%dma_start3A_417, %dma_start3A_418] : memref<10000x128xf32, #tpu.memory_space<hbm>> -> memref<10000x128xf32, #tpu.memory_space<hbm>>
        tpu.enqueue_indirect_dma source(%dma_start3A_419 : memref<10000x128xf32, #tpu.memory_space<hbm>>) target(%arg11 : memref<80x128xf32, #tpu.memory_space<vmem>>) offsets(%dma_start3A_416 : memref<80xi32, #tpu.memory_space<vmem>>) semaphore(%arg16 : memref<!tpu.dma_semaphore, #tpu.memory_space<semaphore_mem>>)
      } else {
      }
    }
    %scan3A_215 = arith.constant 19 : i32
    %dma_wait3A_216 = arith.constant 0 : i32
    %dma_wait3A_217 = arith.constant 0 : i32
    %dma_wait3A_218 = tpu.memref_slice %arg12[%dma_wait3A_216, %dma_wait3A_217] : memref<64x80xi32, #tpu.memory_space<vmem>> -> memref<1x80xi32, #tpu.memory_space<vmem>>
    %dma_wait3A_219 = tpu.memref_squeeze %dma_wait3A_218 : memref<1x80xi32, #tpu.memory_space<vmem>> -> memref<80xi32, #tpu.memory_space<vmem>>
    %dma_wait3A_220 = arith.constant 0 : i32
    %dma_wait3A_221 = arith.constant 0 : i32
    %dma_wait3A_222 = tpu.memref_slice %arg2[%dma_wait3A_220, %dma_wait3A_221] : memref<10000x128xf32, #tpu.memory_space<hbm>> -> memref<10000x128xf32, #tpu.memory_space<hbm>>
    tpu.wait_indirect_dma semaphore(%arg15 : memref<!tpu.dma_semaphore, #tpu.memory_space<semaphore_mem>>) src(%dma_wait3A_222 : memref<10000x128xf32, #tpu.memory_space<hbm>>) dst(%arg10 : memref<80x128xf32, #tpu.memory_space<vmem>>)
    %dma_start3A_223 = arith.constant 58 : i32
    %dma_start3A_224 = arith.constant 0 : i32
    %dma_start3A_225 = tpu.memref_slice %arg13[%dma_start3A_223, %dma_start3A_224] : memref<64x80xi32, #tpu.memory_space<vmem>> -> memref<1x80xi32, #tpu.memory_space<vmem>>
    %dma_start3A_226 = tpu.memref_squeeze %dma_start3A_225 : memref<1x80xi32, #tpu.memory_space<vmem>> -> memref<80xi32, #tpu.memory_space<vmem>>
    %dma_start3A_227 = arith.constant 0 : i32
    %dma_start3A_228 = arith.constant 0 : i32
    %dma_start3A_229 = tpu.memref_slice %arg8[%dma_start3A_227, %dma_start3A_228] : memref<10000x128xf32, #tpu.memory_space<vmem_shared>> -> memref<10000x128xf32, #tpu.memory_space<vmem_shared>>
    tpu.enqueue_indirect_dma source(%arg10 : memref<80x128xf32, #tpu.memory_space<vmem>>) target(%dma_start3A_229 : memref<10000x128xf32, #tpu.memory_space<vmem_shared>>) offsets(%dma_start3A_226 : memref<80xi32, #tpu.memory_space<vmem>>) semaphore(%arg18 : memref<!tpu.dma_semaphore, #tpu.memory_space<semaphore_mem>>) {add = true}
    %dma_wait3A_230 = arith.constant 0 : i32
    %dma_wait3A_231 = arith.constant 0 : i32
    %dma_wait3A_232 = tpu.memref_slice %arg13[%dma_wait3A_230, %dma_wait3A_231] : memref<64x80xi32, #tpu.memory_space<vmem>> -> memref<1x80xi32, #tpu.memory_space<vmem>>
    %dma_wait3A_233 = tpu.memref_squeeze %dma_wait3A_232 : memref<1x80xi32, #tpu.memory_space<vmem>> -> memref<80xi32, #tpu.memory_space<vmem>>
    %dma_wait3A_234 = arith.constant 0 : i32
    %dma_wait3A_235 = arith.constant 0 : i32
    %dma_wait3A_236 = tpu.memref_slice %arg8[%dma_wait3A_234, %dma_wait3A_235] : memref<10000x128xf32, #tpu.memory_space<vmem_shared>> -> memref<10000x128xf32, #tpu.memory_space<vmem_shared>>
    tpu.wait_indirect_dma semaphore(%arg17 : memref<!tpu.dma_semaphore, #tpu.memory_space<semaphore_mem>>) src(%arg9 : memref<80x128xf32, #tpu.memory_space<vmem>>) dst(%dma_wait3A_236 : memref<10000x128xf32, #tpu.memory_space<vmem_shared>>)
    %eq3A_237 = arith.constant 0 : i32
    %eq3A_238 = arith.cmpi eq, %arg0, %eq3A_237 : i32
    %convert_element_type3A_239 = arith.extui %eq3A_238 : i1 to i32
    %cond3A_240 = arith.constant 60 : i32
    %cond3A_241 = arith.constant 0 : i32
    %cond3A_242 = arith.cmpi ne, %convert_element_type3A_239, %cond3A_241 : i32
    scf.if %cond3A_242 {
      %dma_start3A_309 = arith.constant 0 : i32
      %dma_start3A_310 = tpu.memref_slice %arg12[%cond3A_240, %dma_start3A_309] : memref<64x80xi32, #tpu.memory_space<vmem>> -> memref<1x80xi32, #tpu.memory_space<vmem>>
      %dma_start3A_311 = tpu.memref_squeeze %dma_start3A_310 : memref<1x80xi32, #tpu.memory_space<vmem>> -> memref<80xi32, #tpu.memory_space<vmem>>
      %dma_start3A_312 = arith.constant 0 : i32
      %dma_start3A_313 = arith.constant 0 : i32
      %dma_start3A_314 = tpu.memref_slice %arg2[%dma_start3A_312, %dma_start3A_313] : memref<10000x128xf32, #tpu.memory_space<hbm>> -> memref<10000x128xf32, #tpu.memory_space<hbm>>
      tpu.enqueue_indirect_dma source(%dma_start3A_314 : memref<10000x128xf32, #tpu.memory_space<hbm>>) target(%arg9 : memref<80x128xf32, #tpu.memory_space<vmem>>) offsets(%dma_start3A_311 : memref<80xi32, #tpu.memory_space<vmem>>) semaphore(%arg14 : memref<!tpu.dma_semaphore, #tpu.memory_space<semaphore_mem>>)
    } else {
    }
    %eq3A_243 = arith.constant 1 : i32
    %eq3A_244 = arith.cmpi eq, %arg0, %eq3A_243 : i32
    %convert_element_type3A_245 = arith.extui %eq3A_244 : i1 to i32
    %cond3A_246 = arith.constant 60 : i32
    %cond3A_247 = arith.constant 0 : i32
    %cond3A_248 = arith.cmpi ne, %convert_element_type3A_245, %cond3A_247 : i32
    scf.if %cond3A_248 {
      %dma_start3A_309 = arith.constant 0 : i32
      %dma_start3A_310 = tpu.memref_slice %arg12[%cond3A_246, %dma_start3A_309] : memref<64x80xi32, #tpu.memory_space<vmem>> -> memref<1x80xi32, #tpu.memory_space<vmem>>
      %dma_start3A_311 = tpu.memref_squeeze %dma_start3A_310 : memref<1x80xi32, #tpu.memory_space<vmem>> -> memref<80xi32, #tpu.memory_space<vmem>>
      %dma_start3A_312 = arith.constant 0 : i32
      %dma_start3A_313 = arith.constant 0 : i32
      %dma_start3A_314 = tpu.memref_slice %arg3[%dma_start3A_312, %dma_start3A_313] : memref<10000x128xf32, #tpu.memory_space<hbm>> -> memref<10000x128xf32, #tpu.memory_space<hbm>>
      tpu.enqueue_indirect_dma source(%dma_start3A_314 : memref<10000x128xf32, #tpu.memory_space<hbm>>) target(%arg9 : memref<80x128xf32, #tpu.memory_space<vmem>>) offsets(%dma_start3A_311 : memref<80xi32, #tpu.memory_space<vmem>>) semaphore(%arg14 : memref<!tpu.dma_semaphore, #tpu.memory_space<semaphore_mem>>)
    } else {
    }
    %dma_wait3A_249 = arith.constant 0 : i32
    %dma_wait3A_250 = arith.constant 0 : i32
    %dma_wait3A_251 = tpu.memref_slice %arg12[%dma_wait3A_249, %dma_wait3A_250] : memref<64x80xi32, #tpu.memory_space<vmem>> -> memref<1x80xi32, #tpu.memory_space<vmem>>
    %dma_wait3A_252 = tpu.memref_squeeze %dma_wait3A_251 : memref<1x80xi32, #tpu.memory_space<vmem>> -> memref<80xi32, #tpu.memory_space<vmem>>
    %dma_wait3A_253 = arith.constant 0 : i32
    %dma_wait3A_254 = arith.constant 0 : i32
    %dma_wait3A_255 = tpu.memref_slice %arg2[%dma_wait3A_253, %dma_wait3A_254] : memref<10000x128xf32, #tpu.memory_space<hbm>> -> memref<10000x128xf32, #tpu.memory_space<hbm>>
    tpu.wait_indirect_dma semaphore(%arg16 : memref<!tpu.dma_semaphore, #tpu.memory_space<semaphore_mem>>) src(%dma_wait3A_255 : memref<10000x128xf32, #tpu.memory_space<hbm>>) dst(%arg11 : memref<80x128xf32, #tpu.memory_space<vmem>>)
    %dma_start3A_256 = arith.constant 59 : i32
    %dma_start3A_257 = arith.constant 0 : i32
    %dma_start3A_258 = tpu.memref_slice %arg13[%dma_start3A_256, %dma_start3A_257] : memref<64x80xi32, #tpu.memory_space<vmem>> -> memref<1x80xi32, #tpu.memory_space<vmem>>
    %dma_start3A_259 = tpu.memref_squeeze %dma_start3A_258 : memref<1x80xi32, #tpu.memory_space<vmem>> -> memref<80xi32, #tpu.memory_space<vmem>>
    %dma_start3A_260 = arith.constant 0 : i32
    %dma_start3A_261 = arith.constant 0 : i32
    %dma_start3A_262 = tpu.memref_slice %arg8[%dma_start3A_260, %dma_start3A_261] : memref<10000x128xf32, #tpu.memory_space<vmem_shared>> -> memref<10000x128xf32, #tpu.memory_space<vmem_shared>>
    tpu.enqueue_indirect_dma source(%arg11 : memref<80x128xf32, #tpu.memory_space<vmem>>) target(%dma_start3A_262 : memref<10000x128xf32, #tpu.memory_space<vmem_shared>>) offsets(%dma_start3A_259 : memref<80xi32, #tpu.memory_space<vmem>>) semaphore(%arg19 : memref<!tpu.dma_semaphore, #tpu.memory_space<semaphore_mem>>) {add = true}
    %dma_wait3A_263 = arith.constant 0 : i32
    %dma_wait3A_264 = arith.constant 0 : i32
    %dma_wait3A_265 = tpu.memref_slice %arg12[%dma_wait3A_263, %dma_wait3A_264] : memref<64x80xi32, #tpu.memory_space<vmem>> -> memref<1x80xi32, #tpu.memory_space<vmem>>
    %dma_wait3A_266 = tpu.memref_squeeze %dma_wait3A_265 : memref<1x80xi32, #tpu.memory_space<vmem>> -> memref<80xi32, #tpu.memory_space<vmem>>
    %dma_wait3A_267 = arith.constant 0 : i32
    %dma_wait3A_268 = arith.constant 0 : i32
    %dma_wait3A_269 = tpu.memref_slice %arg2[%dma_wait3A_267, %dma_wait3A_268] : memref<10000x128xf32, #tpu.memory_space<hbm>> -> memref<10000x128xf32, #tpu.memory_space<hbm>>
    tpu.wait_indirect_dma semaphore(%arg14 : memref<!tpu.dma_semaphore, #tpu.memory_space<semaphore_mem>>) src(%dma_wait3A_269 : memref<10000x128xf32, #tpu.memory_space<hbm>>) dst(%arg9 : memref<80x128xf32, #tpu.memory_space<vmem>>)
    %dma_start3A_270 = arith.constant 60 : i32
    %dma_start3A_271 = arith.constant 0 : i32
    %dma_start3A_272 = tpu.memref_slice %arg13[%dma_start3A_270, %dma_start3A_271] : memref<64x80xi32, #tpu.memory_space<vmem>> -> memref<1x80xi32, #tpu.memory_space<vmem>>
    %dma_start3A_273 = tpu.memref_squeeze %dma_start3A_272 : memref<1x80xi32, #tpu.memory_space<vmem>> -> memref<80xi32, #tpu.memory_space<vmem>>
    %dma_start3A_274 = arith.constant 0 : i32
    %dma_start3A_275 = arith.constant 0 : i32
    %dma_start3A_276 = tpu.memref_slice %arg8[%dma_start3A_274, %dma_start3A_275] : memref<10000x128xf32, #tpu.memory_space<vmem_shared>> -> memref<10000x128xf32, #tpu.memory_space<vmem_shared>>
    tpu.enqueue_indirect_dma source(%arg9 : memref<80x128xf32, #tpu.memory_space<vmem>>) target(%dma_start3A_276 : memref<10000x128xf32, #tpu.memory_space<vmem_shared>>) offsets(%dma_start3A_273 : memref<80xi32, #tpu.memory_space<vmem>>) semaphore(%arg17 : memref<!tpu.dma_semaphore, #tpu.memory_space<semaphore_mem>>) {add = true}
    %dma_wait3A_277 = arith.constant 0 : i32
    %dma_wait3A_278 = arith.constant 0 : i32
    %dma_wait3A_279 = tpu.memref_slice %arg13[%dma_wait3A_277, %dma_wait3A_278] : memref<64x80xi32, #tpu.memory_space<vmem>> -> memref<1x80xi32, #tpu.memory_space<vmem>>
    %dma_wait3A_280 = tpu.memref_squeeze %dma_wait3A_279 : memref<1x80xi32, #tpu.memory_space<vmem>> -> memref<80xi32, #tpu.memory_space<vmem>>
    %dma_wait3A_281 = arith.constant 0 : i32
    %dma_wait3A_282 = arith.constant 0 : i32
    %dma_wait3A_283 = tpu.memref_slice %arg8[%dma_wait3A_281, %dma_wait3A_282] : memref<10000x128xf32, #tpu.memory_space<vmem_shared>> -> memref<10000x128xf32, #tpu.memory_space<vmem_shared>>
    tpu.wait_indirect_dma semaphore(%arg17 : memref<!tpu.dma_semaphore, #tpu.memory_space<semaphore_mem>>) src(%arg9 : memref<80x128xf32, #tpu.memory_space<vmem>>) dst(%dma_wait3A_283 : memref<10000x128xf32, #tpu.memory_space<vmem_shared>>)
    %dma_wait3A_284 = arith.constant 0 : i32
    %dma_wait3A_285 = arith.constant 0 : i32
    %dma_wait3A_286 = tpu.memref_slice %arg13[%dma_wait3A_284, %dma_wait3A_285] : memref<64x80xi32, #tpu.memory_space<vmem>> -> memref<1x80xi32, #tpu.memory_space<vmem>>
    %dma_wait3A_287 = tpu.memref_squeeze %dma_wait3A_286 : memref<1x80xi32, #tpu.memory_space<vmem>> -> memref<80xi32, #tpu.memory_space<vmem>>
    %dma_wait3A_288 = arith.constant 0 : i32
    %dma_wait3A_289 = arith.constant 0 : i32
    %dma_wait3A_290 = tpu.memref_slice %arg8[%dma_wait3A_288, %dma_wait3A_289] : memref<10000x128xf32, #tpu.memory_space<vmem_shared>> -> memref<10000x128xf32, #tpu.memory_space<vmem_shared>>
    tpu.wait_indirect_dma semaphore(%arg18 : memref<!tpu.dma_semaphore, #tpu.memory_space<semaphore_mem>>) src(%arg10 : memref<80x128xf32, #tpu.memory_space<vmem>>) dst(%dma_wait3A_290 : memref<10000x128xf32, #tpu.memory_space<vmem_shared>>)
    %dma_wait3A_291 = arith.constant 0 : i32
    %dma_wait3A_292 = arith.constant 0 : i32
    %dma_wait3A_293 = tpu.memref_slice %arg13[%dma_wait3A_291, %dma_wait3A_292] : memref<64x80xi32, #tpu.memory_space<vmem>> -> memref<1x80xi32, #tpu.memory_space<vmem>>
    %dma_wait3A_294 = tpu.memref_squeeze %dma_wait3A_293 : memref<1x80xi32, #tpu.memory_space<vmem>> -> memref<80xi32, #tpu.memory_space<vmem>>
    %dma_wait3A_295 = arith.constant 0 : i32
    %dma_wait3A_296 = arith.constant 0 : i32
    %dma_wait3A_297 = tpu.memref_slice %arg8[%dma_wait3A_295, %dma_wait3A_296] : memref<10000x128xf32, #tpu.memory_space<vmem_shared>> -> memref<10000x128xf32, #tpu.memory_space<vmem_shared>>
    tpu.wait_indirect_dma semaphore(%arg19 : memref<!tpu.dma_semaphore, #tpu.memory_space<semaphore_mem>>) src(%arg11 : memref<80x128xf32, #tpu.memory_space<vmem>>) dst(%dma_wait3A_297 : memref<10000x128xf32, #tpu.memory_space<vmem_shared>>)
    %barrier3A_298 = arith.constant 0 : index
    tpu.barrier barrier_id(%barrier3A_298)
    %eq3A_299 = arith.constant 0 : i32
    %eq3A_300 = arith.cmpi eq, %arg0, %eq3A_299 : i32
    %convert_element_type3A_301 = arith.extui %eq3A_300 : i1 to i32
    %cond3A_302 = arith.constant 0 : i32
    %cond3A_303 = arith.cmpi ne, %convert_element_type3A_301, %cond3A_302 : i32
    scf.if %cond3A_303 {
      "tpu.region"() ({
        %run_scoped3A = tpu.sem_alloc : memref<!tpu.dma_semaphore, #tpu.memory_space<semaphore_mem>>
        %dma_start3A_314 = arith.constant 0 : i32
        %dma_start3A_315 = tpu.memref_slice %arg6[%mul3A_6, %dma_start3A_314] : memref<10000x128xf32, #tpu.memory_space<hbm>> -> memref<624x128xf32, #tpu.memory_space<hbm>>
        %dma_start3A_316 = arith.constant 0 : i32
        %dma_start3A_317 = tpu.memref_slice %arg8[%mul3A_6, %dma_start3A_316] : memref<10000x128xf32, #tpu.memory_space<vmem_shared>> -> memref<624x128xf32, #tpu.memory_space<vmem_shared>>
        tpu.enqueue_dma source(%dma_start3A_317 : memref<624x128xf32, #tpu.memory_space<vmem_shared>>) target(%dma_start3A_315 : memref<624x128xf32, #tpu.memory_space<hbm>>) target_semaphore(%run_scoped3A : memref<!tpu.dma_semaphore, #tpu.memory_space<semaphore_mem>>)
        %dma_wait3A_318 = arith.constant 0 : i32
        %dma_wait3A_319 = tpu.memref_slice %arg6[%mul3A_6, %dma_wait3A_318] : memref<10000x128xf32, #tpu.memory_space<hbm>> -> memref<624x128xf32, #tpu.memory_space<hbm>>
        %dma_wait3A_320 = arith.constant 0 : i32
        %dma_wait3A_321 = tpu.memref_slice %arg8[%mul3A_6, %dma_wait3A_320] : memref<10000x128xf32, #tpu.memory_space<vmem_shared>> -> memref<624x128xf32, #tpu.memory_space<vmem_shared>>
        tpu.wait_dma2 semaphore(%run_scoped3A : memref<!tpu.dma_semaphore, #tpu.memory_space<semaphore_mem>>) src(%dma_wait3A_321 : memref<624x128xf32, #tpu.memory_space<vmem_shared>>) dst(%dma_wait3A_319 : memref<624x128xf32, #tpu.memory_space<hbm>>)
        tpu.yield
      }) : () -> ()
      %eq3A_309 = arith.constant 15 : i32
      %eq3A_310 = arith.cmpi eq, %arg1, %eq3A_309 : i32
      %convert_element_type3A_311 = arith.extui %eq3A_310 : i1 to i32
      %cond3A_312 = arith.constant 0 : i32
      %cond3A_313 = arith.cmpi ne, %convert_element_type3A_311, %cond3A_312 : i32
      scf.if %cond3A_313 {
        "tpu.region"() ({
          %run_scoped3A = tpu.sem_alloc : memref<!tpu.dma_semaphore, #tpu.memory_space<semaphore_mem>>
          %dma_start3A_314 = arith.constant 9984 : i32
          %dma_start3A_315 = arith.constant 0 : i32
          %dma_start3A_316 = tpu.memref_slice %arg6[%dma_start3A_314, %dma_start3A_315] : memref<10000x128xf32, #tpu.memory_space<hbm>> -> memref<16x128xf32, #tpu.memory_space<hbm>>
          %dma_start3A_317 = arith.constant 9984 : i32
          %dma_start3A_318 = arith.constant 0 : i32
          %dma_start3A_319 = tpu.memref_slice %arg8[%dma_start3A_317, %dma_start3A_318] : memref<10000x128xf32, #tpu.memory_space<vmem_shared>> -> memref<16x128xf32, #tpu.memory_space<vmem_shared>>
          tpu.enqueue_dma source(%dma_start3A_319 : memref<16x128xf32, #tpu.memory_space<vmem_shared>>) target(%dma_start3A_316 : memref<16x128xf32, #tpu.memory_space<hbm>>) target_semaphore(%run_scoped3A : memref<!tpu.dma_semaphore, #tpu.memory_space<semaphore_mem>>)
          %dma_wait3A_320 = arith.constant 9984 : i32
          %dma_wait3A_321 = arith.constant 0 : i32
          %dma_wait3A_322 = tpu.memref_slice %arg6[%dma_wait3A_320, %dma_wait3A_321] : memref<10000x128xf32, #tpu.memory_space<hbm>> -> memref<16x128xf32, #tpu.memory_space<hbm>>
          %dma_wait3A_323 = arith.constant 9984 : i32
          %dma_wait3A_324 = arith.constant 0 : i32
          %dma_wait3A_325 = tpu.memref_slice %arg8[%dma_wait3A_323, %dma_wait3A_324] : memref<10000x128xf32, #tpu.memory_space<vmem_shared>> -> memref<16x128xf32, #tpu.memory_space<vmem_shared>>
          tpu.wait_dma2 semaphore(%run_scoped3A : memref<!tpu.dma_semaphore, #tpu.memory_space<semaphore_mem>>) src(%dma_wait3A_325 : memref<16x128xf32, #tpu.memory_space<vmem_shared>>) dst(%dma_wait3A_322 : memref<16x128xf32, #tpu.memory_space<hbm>>)
          tpu.yield
        }) : () -> ()
      } else {
      }
    } else {
    }
    %eq3A_304 = arith.constant 1 : i32
    %eq3A_305 = arith.cmpi eq, %arg0, %eq3A_304 : i32
    %convert_element_type3A_306 = arith.extui %eq3A_305 : i1 to i32
    %cond3A_307 = arith.constant 0 : i32
    %cond3A_308 = arith.cmpi ne, %convert_element_type3A_306, %cond3A_307 : i32
    scf.if %cond3A_308 {
      "tpu.region"() ({
        %run_scoped3A = tpu.sem_alloc : memref<!tpu.dma_semaphore, #tpu.memory_space<semaphore_mem>>
        %dma_start3A_314 = arith.constant 0 : i32
        %dma_start3A_315 = tpu.memref_slice %arg7[%mul3A_6, %dma_start3A_314] : memref<10000x128xf32, #tpu.memory_space<hbm>> -> memref<624x128xf32, #tpu.memory_space<hbm>>
        %dma_start3A_316 = arith.constant 0 : i32
        %dma_start3A_317 = tpu.memref_slice %arg8[%mul3A_6, %dma_start3A_316] : memref<10000x128xf32, #tpu.memory_space<vmem_shared>> -> memref<624x128xf32, #tpu.memory_space<vmem_shared>>
        tpu.enqueue_dma source(%dma_start3A_317 : memref<624x128xf32, #tpu.memory_space<vmem_shared>>) target(%dma_start3A_315 : memref<624x128xf32, #tpu.memory_space<hbm>>) target_semaphore(%run_scoped3A : memref<!tpu.dma_semaphore, #tpu.memory_space<semaphore_mem>>)
        %dma_wait3A_318 = arith.constant 0 : i32
        %dma_wait3A_319 = tpu.memref_slice %arg7[%mul3A_6, %dma_wait3A_318] : memref<10000x128xf32, #tpu.memory_space<hbm>> -> memref<624x128xf32, #tpu.memory_space<hbm>>
        %dma_wait3A_320 = arith.constant 0 : i32
        %dma_wait3A_321 = tpu.memref_slice %arg8[%mul3A_6, %dma_wait3A_320] : memref<10000x128xf32, #tpu.memory_space<vmem_shared>> -> memref<624x128xf32, #tpu.memory_space<vmem_shared>>
        tpu.wait_dma2 semaphore(%run_scoped3A : memref<!tpu.dma_semaphore, #tpu.memory_space<semaphore_mem>>) src(%dma_wait3A_321 : memref<624x128xf32, #tpu.memory_space<vmem_shared>>) dst(%dma_wait3A_319 : memref<624x128xf32, #tpu.memory_space<hbm>>)
        tpu.yield
      }) : () -> ()
      %eq3A_309 = arith.constant 15 : i32
      %eq3A_310 = arith.cmpi eq, %arg1, %eq3A_309 : i32
      %convert_element_type3A_311 = arith.extui %eq3A_310 : i1 to i32
      %cond3A_312 = arith.constant 0 : i32
      %cond3A_313 = arith.cmpi ne, %convert_element_type3A_311, %cond3A_312 : i32
      scf.if %cond3A_313 {
        "tpu.region"() ({
          %run_scoped3A = tpu.sem_alloc : memref<!tpu.dma_semaphore, #tpu.memory_space<semaphore_mem>>
          %dma_start3A_314 = arith.constant 9984 : i32
          %dma_start3A_315 = arith.constant 0 : i32
          %dma_start3A_316 = tpu.memref_slice %arg7[%dma_start3A_314, %dma_start3A_315] : memref<10000x128xf32, #tpu.memory_space<hbm>> -> memref<16x128xf32, #tpu.memory_space<hbm>>
          %dma_start3A_317 = arith.constant 9984 : i32
          %dma_start3A_318 = arith.constant 0 : i32
          %dma_start3A_319 = tpu.memref_slice %arg8[%dma_start3A_317, %dma_start3A_318] : memref<10000x128xf32, #tpu.memory_space<vmem_shared>> -> memref<16x128xf32, #tpu.memory_space<vmem_shared>>
          tpu.enqueue_dma source(%dma_start3A_319 : memref<16x128xf32, #tpu.memory_space<vmem_shared>>) target(%dma_start3A_316 : memref<16x128xf32, #tpu.memory_space<hbm>>) target_semaphore(%run_scoped3A : memref<!tpu.dma_semaphore, #tpu.memory_space<semaphore_mem>>)
          %dma_wait3A_320 = arith.constant 9984 : i32
          %dma_wait3A_321 = arith.constant 0 : i32
          %dma_wait3A_322 = tpu.memref_slice %arg7[%dma_wait3A_320, %dma_wait3A_321] : memref<10000x128xf32, #tpu.memory_space<hbm>> -> memref<16x128xf32, #tpu.memory_space<hbm>>
          %dma_wait3A_323 = arith.constant 9984 : i32
          %dma_wait3A_324 = arith.constant 0 : i32
          %dma_wait3A_325 = tpu.memref_slice %arg8[%dma_wait3A_323, %dma_wait3A_324] : memref<10000x128xf32, #tpu.memory_space<vmem_shared>> -> memref<16x128xf32, #tpu.memory_space<vmem_shared>>
          tpu.wait_dma2 semaphore(%run_scoped3A : memref<!tpu.dma_semaphore, #tpu.memory_space<semaphore_mem>>) src(%dma_wait3A_325 : memref<16x128xf32, #tpu.memory_space<vmem_shared>>) dst(%dma_wait3A_322 : memref<16x128xf32, #tpu.memory_space<hbm>>)
          tpu.yield
        }) : () -> ()
      } else {
      }
    } else {
    }
    return
  }
}

module attributes {stable_mosaic.version = 14 : i64} {
  func.func @_dense2_body(%arg0: i32, %arg1: memref<1000x256xf32, #tpu.memory_space<vmem>>, %arg2: memref<1000x128xf32, #tpu.memory_space<vmem>>, %arg3: memref<1000x128xf32, #tpu.memory_space<vmem>>, %arg4: memref<256x256xf32, #tpu.memory_space<vmem>>, %arg5: memref<256x256xf32, #tpu.memory_space<vmem>>, %arg6: memref<1x256xf32, #tpu.memory_space<vmem>>, %arg7: memref<1000x128xf32, #tpu.memory_space<vmem>>, %arg8: memref<1000x128xf32, #tpu.memory_space<vmem>>, %arg9: memref<1000x256xf32, #tpu.memory_space<vmem>>) attributes {dimension_semantics = [#tpu.dimension_semantics<arbitrary>], iteration_bounds = array<i64: 10>, scalar_prefetch = 0 : i64, scratch_operands = 0 : i64, tpu.core_type = #tpu.core_type<tc>, window_params = [{transform_indices = @transform_0, window_bounds = array<i64: 1000, 256>}, {transform_indices = @transform_1, window_bounds = array<i64: 1000, 128>}, {transform_indices = @transform_2, window_bounds = array<i64: 1000, 128>}, {pipeline_mode = #tpu.pipeline_mode<synchronous>, transform_indices = @transform_3, window_bounds = array<i64: 256, 256>}, {pipeline_mode = #tpu.pipeline_mode<synchronous>, transform_indices = @transform_4, window_bounds = array<i64: 256, 256>}, {pipeline_mode = #tpu.pipeline_mode<synchronous>, transform_indices = @transform_5, window_bounds = array<i64: 1, 256>}, {transform_indices = @transform_6, window_bounds = array<i64: 1000, 128>}, {transform_indices = @transform_7, window_bounds = array<i64: 1000, 128>}, {transform_indices = @transform_8, window_bounds = array<i64: 1000, 256>}]} {
    %get3A = arith.constant 0 : index
    %get3A_0 = arith.constant 0 : index
    %get3A_1 = vector.load %arg2[%get3A, %get3A_0] : memref<1000x128xf32, #tpu.memory_space<vmem>>, vector<1000x128xf32>
    %get3A_2 = arith.constant 0 : index
    %get3A_3 = arith.constant 0 : index
    %get3A_4 = vector.load %arg3[%get3A_2, %get3A_3] : memref<1000x128xf32, #tpu.memory_space<vmem>>, vector<1000x128xf32>
    %concatenate3A = tpu.concatenate %get3A_1, %get3A_4 in 1 : vector<1000x128xf32>, vector<1000x128xf32> -> vector<1000x256xf32>
    %get3A_5 = arith.constant 0 : index
    %get3A_6 = arith.constant 0 : index
    %get3A_7 = vector.load %arg1[%get3A_5, %get3A_6] : memref<1000x256xf32, #tpu.memory_space<vmem>>, vector<1000x256xf32>
    %add3A = arith.addf %concatenate3A, %get3A_7 : vector<1000x256xf32>
    %max3A = arith.constant 0.000000e+00 : f32
    %max3A_8 = vector.broadcast %max3A : f32 to vector<1000x256xf32>
    %max3A_9 = arith.maximumf %add3A, %max3A_8 : vector<1000x256xf32>
    %convert_element_type3A = arith.truncf %max3A_9 : vector<1000x256xf32> to vector<1000x256xbf16>
    %get3A_10 = arith.constant 0 : index
    %get3A_11 = arith.constant 0 : index
    %get3A_12 = vector.load %arg4[%get3A_10, %get3A_11] : memref<256x256xf32, #tpu.memory_space<vmem>>, vector<256x256xf32>
    %convert_element_type3A_13 = arith.truncf %get3A_12 : vector<256x256xf32> to vector<256x256xbf16>
    %dot_general3A = arith.constant dense<0.000000e+00> : vector<1000x256xf32>
    %dot_general3A_14 = tpu.matmul %convert_element_type3A, %convert_element_type3A_13, %dot_general3A {dimension_numbers = #tpu.dot_dimension_numbers<[1], [1], [0], [0], [0, 0, 1, 0], [], []>, transpose_lhs_hint = false} : vector<1000x256xbf16>, vector<256x256xbf16>, vector<1000x256xf32> -> vector<1000x256xf32>
    %slice3A = vector.extract_strided_slice %dot_general3A_14 {offsets = [0, 0], sizes = [1000, 128], strides = [1, 1]} : vector<1000x256xf32> to vector<1000x128xf32>
    %swap3A = arith.constant 0 : index
    %swap3A_15 = arith.constant 0 : index
    %swap3A_16 = vector.load %arg7[%swap3A, %swap3A_15] : memref<1000x128xf32, #tpu.memory_space<vmem>>, vector<1000x128xf32>
    tpu.vector_store %arg7[%swap3A, %swap3A_15], %slice3A {strides = array<i32>} : memref<1000x128xf32, #tpu.memory_space<vmem>>, vector<1000x128xf32>,
    %slice3A_17 = vector.extract_strided_slice %dot_general3A_14 {offsets = [0, 128], sizes = [1000, 128], strides = [1, 1]} : vector<1000x256xf32> to vector<1000x128xf32>
    %swap3A_18 = arith.constant 0 : index
    %swap3A_19 = arith.constant 0 : index
    %swap3A_20 = vector.load %arg8[%swap3A_18, %swap3A_19] : memref<1000x128xf32, #tpu.memory_space<vmem>>, vector<1000x128xf32>
    tpu.vector_store %arg8[%swap3A_18, %swap3A_19], %slice3A_17 {strides = array<i32>} : memref<1000x128xf32, #tpu.memory_space<vmem>>, vector<1000x128xf32>,
    %get3A_21 = arith.constant 0 : index
    %get3A_22 = arith.constant 0 : index
    %get3A_23 = vector.load %arg5[%get3A_21, %get3A_22] : memref<256x256xf32, #tpu.memory_space<vmem>>, vector<256x256xf32>
    %convert_element_type3A_24 = arith.truncf %get3A_23 : vector<256x256xf32> to vector<256x256xbf16>
    %dot_general3A_25 = arith.constant dense<0.000000e+00> : vector<1000x256xf32>
    %dot_general3A_26 = tpu.matmul %convert_element_type3A, %convert_element_type3A_24, %dot_general3A_25 {dimension_numbers = #tpu.dot_dimension_numbers<[1], [1], [0], [0], [0, 0, 1, 0], [], []>, transpose_lhs_hint = false} : vector<1000x256xbf16>, vector<256x256xbf16>, vector<1000x256xf32> -> vector<1000x256xf32>
    %get3A_27 = arith.constant 0 : index
    %get3A_28 = arith.constant 0 : index
    %get3A_29 = vector.load %arg6[%get3A_27, %get3A_28] : memref<1x256xf32, #tpu.memory_space<vmem>>, vector<1x256xf32>
    %add3A_30 = vector.broadcast %get3A_29 : vector<1x256xf32> to vector<1000x256xf32>
    %add3A_31 = arith.addf %dot_general3A_26, %add3A_30 : vector<1000x256xf32>
    %swap3A_32 = arith.constant 0 : index
    %swap3A_33 = arith.constant 0 : index
    %swap3A_34 = vector.load %arg9[%swap3A_32, %swap3A_33] : memref<1000x256xf32, #tpu.memory_space<vmem>>, vector<1000x256xf32>
    tpu.vector_store %arg9[%swap3A_32, %swap3A_33], %add3A_31 {strides = array<i32>} : memref<1000x256xf32, #tpu.memory_space<vmem>>, vector<1000x256xf32>,
    return
  }
  func.func @transform_0(%arg0: i32) -> (i32, i32) {
    %c0_i32 = arith.constant 0 : i32
    %c0_i32_0 = arith.constant 0 : i32
    return %arg0, %c0_i32 : i32, i32
  }
  func.func @transform_1(%arg0: i32) -> (i32, i32) {
    %c0_i32 = arith.constant 0 : i32
    %c0_i32_0 = arith.constant 0 : i32
    return %arg0, %c0_i32 : i32, i32
  }
  func.func @transform_2(%arg0: i32) -> (i32, i32) {
    %c0_i32 = arith.constant 0 : i32
    %c0_i32_0 = arith.constant 0 : i32
    return %arg0, %c0_i32 : i32, i32
  }
  func.func @transform_3(%arg0: i32) -> (i32, i32) {
    %c0_i32 = arith.constant 0 : i32
    %c0_i32_0 = arith.constant 0 : i32
    %c0_i32_1 = arith.constant 0 : i32
    return %c0_i32, %c0_i32_0 : i32, i32
  }
  func.func @transform_4(%arg0: i32) -> (i32, i32) {
    %c0_i32 = arith.constant 0 : i32
    %c0_i32_0 = arith.constant 0 : i32
    %c0_i32_1 = arith.constant 0 : i32
    return %c0_i32, %c0_i32_0 : i32, i32
  }
  func.func @transform_5(%arg0: i32) -> (i32, i32) {
    %c0_i32 = arith.constant 0 : i32
    %c0_i32_0 = arith.constant 0 : i32
    %c0_i32_1 = arith.constant 0 : i32
    return %c0_i32, %c0_i32_0 : i32, i32
  }
  func.func @transform_6(%arg0: i32) -> (i32, i32) {
    %c0_i32 = arith.constant 0 : i32
    %c0_i32_0 = arith.constant 0 : i32
    return %arg0, %c0_i32 : i32, i32
  }
  func.func @transform_7(%arg0: i32) -> (i32, i32) {
    %c0_i32 = arith.constant 0 : i32
    %c0_i32_0 = arith.constant 0 : i32
    return %arg0, %c0_i32 : i32, i32
  }
  func.func @transform_8(%arg0: i32) -> (i32, i32) {
    %c0_i32 = arith.constant 0 : i32
    %c0_i32_0 = arith.constant 0 : i32
    return %arg0, %c0_i32 : i32, i32
  }
}

module attributes {stable_mosaic.version = 14 : i64} {
  func.func @_dense1_body(%arg0: i32, %arg1: memref<1000x256xf32, #tpu.memory_space<vmem>>, %arg2: memref<256x256xf32, #tpu.memory_space<vmem>>, %arg3: memref<256x256xf32, #tpu.memory_space<vmem>>, %arg4: memref<1x256xf32, #tpu.memory_space<vmem>>, %arg5: memref<1000x128xf32, #tpu.memory_space<vmem>>, %arg6: memref<1000x128xf32, #tpu.memory_space<vmem>>, %arg7: memref<1000x256xf32, #tpu.memory_space<vmem>>) attributes {dimension_semantics = [#tpu.dimension_semantics<arbitrary>], iteration_bounds = array<i64: 10>, scalar_prefetch = 0 : i64, scratch_operands = 0 : i64, tpu.core_type = #tpu.core_type<tc>, window_params = [{transform_indices = @transform_0, window_bounds = array<i64: 1000, 256>}, {pipeline_mode = #tpu.pipeline_mode<synchronous>, transform_indices = @transform_1, window_bounds = array<i64: 256, 256>}, {pipeline_mode = #tpu.pipeline_mode<synchronous>, transform_indices = @transform_2, window_bounds = array<i64: 256, 256>}, {pipeline_mode = #tpu.pipeline_mode<synchronous>, transform_indices = @transform_3, window_bounds = array<i64: 1, 256>}, {transform_indices = @transform_4, window_bounds = array<i64: 1000, 128>}, {transform_indices = @transform_5, window_bounds = array<i64: 1000, 128>}, {transform_indices = @transform_6, window_bounds = array<i64: 1000, 256>}]} {
    %get3A = arith.constant 0 : index
    %get3A_0 = arith.constant 0 : index
    %get3A_1 = vector.load %arg1[%get3A, %get3A_0] : memref<1000x256xf32, #tpu.memory_space<vmem>>, vector<1000x256xf32>
    %convert_element_type3A = arith.truncf %get3A_1 : vector<1000x256xf32> to vector<1000x256xbf16>
    %get3A_2 = arith.constant 0 : index
    %get3A_3 = arith.constant 0 : index
    %get3A_4 = vector.load %arg2[%get3A_2, %get3A_3] : memref<256x256xf32, #tpu.memory_space<vmem>>, vector<256x256xf32>
    %convert_element_type3A_5 = arith.truncf %get3A_4 : vector<256x256xf32> to vector<256x256xbf16>
    %dot_general3A = arith.constant dense<0.000000e+00> : vector<1000x256xf32>
    %dot_general3A_6 = tpu.matmul %convert_element_type3A, %convert_element_type3A_5, %dot_general3A {dimension_numbers = #tpu.dot_dimension_numbers<[1], [1], [0], [0], [0, 0, 1, 0], [], []>, transpose_lhs_hint = false} : vector<1000x256xbf16>, vector<256x256xbf16>, vector<1000x256xf32> -> vector<1000x256xf32>
    %slice3A = vector.extract_strided_slice %dot_general3A_6 {offsets = [0, 0], sizes = [1000, 128], strides = [1, 1]} : vector<1000x256xf32> to vector<1000x128xf32>
    %swap3A = arith.constant 0 : index
    %swap3A_7 = arith.constant 0 : index
    %swap3A_8 = vector.load %arg5[%swap3A, %swap3A_7] : memref<1000x128xf32, #tpu.memory_space<vmem>>, vector<1000x128xf32>
    tpu.vector_store %arg5[%swap3A, %swap3A_7], %slice3A {strides = array<i32>} : memref<1000x128xf32, #tpu.memory_space<vmem>>, vector<1000x128xf32>,
    %slice3A_9 = vector.extract_strided_slice %dot_general3A_6 {offsets = [0, 128], sizes = [1000, 128], strides = [1, 1]} : vector<1000x256xf32> to vector<1000x128xf32>
    %swap3A_10 = arith.constant 0 : index
    %swap3A_11 = arith.constant 0 : index
    %swap3A_12 = vector.load %arg6[%swap3A_10, %swap3A_11] : memref<1000x128xf32, #tpu.memory_space<vmem>>, vector<1000x128xf32>
    tpu.vector_store %arg6[%swap3A_10, %swap3A_11], %slice3A_9 {strides = array<i32>} : memref<1000x128xf32, #tpu.memory_space<vmem>>, vector<1000x128xf32>,
    %get3A_13 = arith.constant 0 : index
    %get3A_14 = arith.constant 0 : index
    %get3A_15 = vector.load %arg3[%get3A_13, %get3A_14] : memref<256x256xf32, #tpu.memory_space<vmem>>, vector<256x256xf32>
    %convert_element_type3A_16 = arith.truncf %get3A_15 : vector<256x256xf32> to vector<256x256xbf16>
    %dot_general3A_17 = arith.constant dense<0.000000e+00> : vector<1000x256xf32>
    %dot_general3A_18 = tpu.matmul %convert_element_type3A, %convert_element_type3A_16, %dot_general3A_17 {dimension_numbers = #tpu.dot_dimension_numbers<[1], [1], [0], [0], [0, 0, 1, 0], [], []>, transpose_lhs_hint = false} : vector<1000x256xbf16>, vector<256x256xbf16>, vector<1000x256xf32> -> vector<1000x256xf32>
    %get3A_19 = arith.constant 0 : index
    %get3A_20 = arith.constant 0 : index
    %get3A_21 = vector.load %arg4[%get3A_19, %get3A_20] : memref<1x256xf32, #tpu.memory_space<vmem>>, vector<1x256xf32>
    %add3A = vector.broadcast %get3A_21 : vector<1x256xf32> to vector<1000x256xf32>
    %add3A_22 = arith.addf %dot_general3A_18, %add3A : vector<1000x256xf32>
    %swap3A_23 = arith.constant 0 : index
    %swap3A_24 = arith.constant 0 : index
    %swap3A_25 = vector.load %arg7[%swap3A_23, %swap3A_24] : memref<1000x256xf32, #tpu.memory_space<vmem>>, vector<1000x256xf32>
    tpu.vector_store %arg7[%swap3A_23, %swap3A_24], %add3A_22 {strides = array<i32>} : memref<1000x256xf32, #tpu.memory_space<vmem>>, vector<1000x256xf32>,
    return
  }
  func.func @transform_0(%arg0: i32) -> (i32, i32) {
    %c0_i32 = arith.constant 0 : i32
    %c0_i32_0 = arith.constant 0 : i32
    return %arg0, %c0_i32 : i32, i32
  }
  func.func @transform_1(%arg0: i32) -> (i32, i32) {
    %c0_i32 = arith.constant 0 : i32
    %c0_i32_0 = arith.constant 0 : i32
    %c0_i32_1 = arith.constant 0 : i32
    return %c0_i32, %c0_i32_0 : i32, i32
  }
  func.func @transform_2(%arg0: i32) -> (i32, i32) {
    %c0_i32 = arith.constant 0 : i32
    %c0_i32_0 = arith.constant 0 : i32
    %c0_i32_1 = arith.constant 0 : i32
    return %c0_i32, %c0_i32_0 : i32, i32
  }
  func.func @transform_3(%arg0: i32) -> (i32, i32) {
    %c0_i32 = arith.constant 0 : i32
    %c0_i32_0 = arith.constant 0 : i32
    %c0_i32_1 = arith.constant 0 : i32
    return %c0_i32, %c0_i32_0 : i32, i32
  }
  func.func @transform_4(%arg0: i32) -> (i32, i32) {
    %c0_i32 = arith.constant 0 : i32
    %c0_i32_0 = arith.constant 0 : i32
    return %arg0, %c0_i32 : i32, i32
  }
  func.func @transform_5(%arg0: i32) -> (i32, i32) {
    %c0_i32 = arith.constant 0 : i32
    %c0_i32_0 = arith.constant 0 : i32
    return %arg0, %c0_i32 : i32, i32
  }
  func.func @transform_6(%arg0: i32) -> (i32, i32) {
    %c0_i32 = arith.constant 0 : i32
    %c0_i32_0 = arith.constant 0 : i32
    return %arg0, %c0_i32 : i32, i32
  }
}

module attributes {stable_mosaic.version = 14 : i64} {
  func.func @_pool_body(%arg0: i32, %arg1: memref<1000x256xf32, #tpu.memory_space<vmem>>, %arg2: memref<1000x128xf32, #tpu.memory_space<vmem>>, %arg3: memref<1000x128xf32, #tpu.memory_space<vmem>>, %arg4: memref<1x1x1000xi32, #tpu.memory_space<vmem>>, %arg5: memref<64x256xf32, #tpu.memory_space<vmem>>) attributes {dimension_semantics = [#tpu.dimension_semantics<arbitrary>], iteration_bounds = array<i64: 10>, scalar_prefetch = 0 : i64, scratch_operands = 0 : i64, tpu.core_type = #tpu.core_type<tc>, window_params = [{transform_indices = @transform_0, window_bounds = array<i64: 1000, 256>}, {transform_indices = @transform_1, window_bounds = array<i64: 1000, 128>}, {transform_indices = @transform_2, window_bounds = array<i64: 1000, 128>}, {transform_indices = @transform_3, window_bounds = array<i64: 1, 1, 1000>}, {pipeline_mode = #tpu.pipeline_mode<synchronous>, transform_indices = @transform_4, window_bounds = array<i64: 64, 256>}]} {
    %get3A = arith.constant 0 : index
    %get3A_0 = arith.constant 0 : index
    %get3A_1 = vector.load %arg2[%get3A, %get3A_0] : memref<1000x128xf32, #tpu.memory_space<vmem>>, vector<1000x128xf32>
    %get3A_2 = arith.constant 0 : index
    %get3A_3 = arith.constant 0 : index
    %get3A_4 = vector.load %arg3[%get3A_2, %get3A_3] : memref<1000x128xf32, #tpu.memory_space<vmem>>, vector<1000x128xf32>
    %concatenate3A = tpu.concatenate %get3A_1, %get3A_4 in 1 : vector<1000x128xf32>, vector<1000x128xf32> -> vector<1000x256xf32>
    %get3A_5 = arith.constant 0 : index
    %get3A_6 = arith.constant 0 : index
    %get3A_7 = vector.load %arg1[%get3A_5, %get3A_6] : memref<1000x256xf32, #tpu.memory_space<vmem>>, vector<1000x256xf32>
    %add3A = arith.addf %concatenate3A, %get3A_7 : vector<1000x256xf32>
    %max3A = arith.constant 0.000000e+00 : f32
    %max3A_8 = vector.broadcast %max3A : f32 to vector<1000x256xf32>
    %max3A_9 = arith.maximumf %add3A, %max3A_8 : vector<1000x256xf32>
    %get3A_10 = arith.constant 0 : index
    %get3A_11 = arith.constant 0 : index
    %get3A_12 = arith.constant 0 : index
    %get3A_13 = vector.load %arg4[%get3A_10, %get3A_11, %get3A_12] : memref<1x1x1000xi32, #tpu.memory_space<vmem>>, vector<1x1x1000xi32>
    %get3A_14 = vector.shape_cast %get3A_13 : vector<1x1x1000xi32> to vector<1000xi32>
    %broadcast_in_dim3A = vector.shape_cast %get3A_14 : vector<1000xi32> to vector<1000x1xi32>
    %iota3A = tpu.iota {dimensions = array<i32: 1>} : vector<1000x64xi32>
    %eq3A = vector.broadcast %broadcast_in_dim3A : vector<1000x1xi32> to vector<1000x64xi32>
    %eq3A_15 = arith.cmpi eq, %eq3A, %iota3A : vector<1000x64xi32>
    %convert_element_type3A = arith.extui %eq3A_15 : vector<1000x64xi1> to vector<1000x64xi32>
    %convert_element_type3A_16 = arith.sitofp %convert_element_type3A : vector<1000x64xi32> to vector<1000x64xf32>
    %convert_element_type3A_17 = arith.truncf %convert_element_type3A_16 : vector<1000x64xf32> to vector<1000x64xbf16>
    %convert_element_type3A_18 = arith.truncf %max3A_9 : vector<1000x256xf32> to vector<1000x256xbf16>
    %dot_general3A = arith.constant dense<0.000000e+00> : vector<64x256xf32>
    %dot_general3A_19 = tpu.matmul %convert_element_type3A_17, %convert_element_type3A_18, %dot_general3A {dimension_numbers = #tpu.dot_dimension_numbers<[0], [0], [1], [1], [0, 1, 1, 1], [], []>, transpose_lhs_hint = false} : vector<1000x64xbf16>, vector<1000x256xbf16>, vector<64x256xf32> -> vector<64x256xf32>
    %eq3A_20 = arith.constant 0 : i32
    %eq3A_21 = arith.cmpi eq, %arg0, %eq3A_20 : i32
    %convert_element_type3A_22 = arith.extui %eq3A_21 : i1 to i32
    %cond3A = arith.constant 0 : i32
    %cond3A_23 = arith.cmpi ne, %convert_element_type3A_22, %cond3A : i32
    scf.if %cond3A_23 {
      %swap3A = arith.constant 0 : index
      %swap3A_28 = arith.constant 0 : index
      %swap3A_29 = vector.load %arg5[%swap3A, %swap3A_28] : memref<64x256xf32, #tpu.memory_space<vmem>>, vector<64x256xf32>
      tpu.vector_store %arg5[%swap3A, %swap3A_28], %dot_general3A_19 {strides = array<i32>} : memref<64x256xf32, #tpu.memory_space<vmem>>, vector<64x256xf32>,
    } else {
    }
    %ne3A = arith.constant 0 : i32
    %ne3A_24 = arith.cmpi ne, %arg0, %ne3A : i32
    %convert_element_type3A_25 = arith.extui %ne3A_24 : i1 to i32
    %cond3A_26 = arith.constant 0 : i32
    %cond3A_27 = arith.cmpi ne, %convert_element_type3A_25, %cond3A_26 : i32
    scf.if %cond3A_27 {
      %get3A_28 = arith.constant 0 : index
      %get3A_29 = arith.constant 0 : index
      %get3A_30 = vector.load %arg5[%get3A_28, %get3A_29] : memref<64x256xf32, #tpu.memory_space<vmem>>, vector<64x256xf32>
      %add3A_31 = arith.addf %get3A_30, %dot_general3A_19 : vector<64x256xf32>
      %swap3A = arith.constant 0 : index
      %swap3A_32 = arith.constant 0 : index
      %swap3A_33 = vector.load %arg5[%swap3A, %swap3A_32] : memref<64x256xf32, #tpu.memory_space<vmem>>, vector<64x256xf32>
      tpu.vector_store %arg5[%swap3A, %swap3A_32], %add3A_31 {strides = array<i32>} : memref<64x256xf32, #tpu.memory_space<vmem>>, vector<64x256xf32>,
    } else {
    }
    return
  }
  func.func @transform_0(%arg0: i32) -> (i32, i32) {
    %c0_i32 = arith.constant 0 : i32
    %c0_i32_0 = arith.constant 0 : i32
    return %arg0, %c0_i32 : i32, i32
  }
  func.func @transform_1(%arg0: i32) -> (i32, i32) {
    %c0_i32 = arith.constant 0 : i32
    %c0_i32_0 = arith.constant 0 : i32
    return %arg0, %c0_i32 : i32, i32
  }
  func.func @transform_2(%arg0: i32) -> (i32, i32) {
    %c0_i32 = arith.constant 0 : i32
    %c0_i32_0 = arith.constant 0 : i32
    return %arg0, %c0_i32 : i32, i32
  }
  func.func @transform_3(%arg0: i32) -> (i32, i32, i32) {
    %c0_i32 = arith.constant 0 : i32
    %c0_i32_0 = arith.constant 0 : i32
    %c0_i32_1 = arith.constant 0 : i32
    return %arg0, %c0_i32, %c0_i32_0 : i32, i32, i32
  }
  func.func @transform_4(%arg0: i32) -> (i32, i32) {
    %c0_i32 = arith.constant 0 : i32
    %c0_i32_0 = arith.constant 0 : i32
    %c0_i32_1 = arith.constant 0 : i32
    return %c0_i32, %c0_i32_0 : i32, i32
  }
}

</mosaic_0001>

<sc_bundles>
// kernel: kernel.10.cloned.1.call-start
scs
__scs_entry_jumppad:
0x0: {  	(pc) =	sbr.rel $0x88, $3  }
0x1: {  	(tag) =	ssettag $0x0;
	lr =	simm.s32 $0x1  }
0x2: {  	[smem:$0x3F98] =	sst lr;
	_ =	strace $0xD0000000  }
0x3: {  	_ = 	snop  }
0x4: {  	_ = 	snop  }
0x5: {  	_ = 	snop  }
0x6: {  	_ = 	snop  }
0x7: {  	_ = 	snop  }
__scs_overlays_trampoline_lowered:
0x8: {  	[smem:$0x3FA7] =	sst s0  }
0x9: {  	[smem:$0x3FA8] =	sst s1  }
0xa: {  	[smem:$0x3FA9] =	sst s2  }
0xb: {  	[smem:$0x3FAA] =	sst s3  }
0xc: {  	[smem:$0x3FAB] =	sst s4  }
0xd: {  	[smem:$0x3FAC] =	sst s5  }
0xe: {  	[smem:$0x3FAD] =	sst s6  }
0xf: {  	[smem:$0x3FAE] =	sst s7  }
0x10: {  	[smem:$0x3FAF] =	sst s8  }
0x11: {  	[smem:$0x3FB0] =	sst s9;
	s0 =	simm.s32 @!p0 $0x0  }
0x12: {  	s1 =	sld [smem:$0x3F96];
	s0 =	simm.s32 @p0 $0x1  }
0x13: {  	[smem:$0x3FB1] =	sst s0;
	s0 =	simm.s32 @!p1 $0x0  }
0x14: {  	s2 =	sld [smem:$0x3F95];
	s0 =	simm.s32 @p1 $0x1  }
0x15: {  	[smem:$0x3FB2] =	sst s0;
	s0 =	simm.s32 @!p2 $0x0  }
0x16: {  	s3 =	sld [smem:$0x3FDB];
	s0 =	simm.s32 @p2 $0x1  }
0x17: {  	s4 =	simm.s32 $0x1BF5;
	[smem:$0x3FB4] =	sst s0  }
0x18: {  	s0 =	sld [smem:$0x3F97];
	_ =	swait.ge [sflag:s4], $0x0  }
0x19: {  	s7 =	sld [smem:$0x3F98]  }
0x1a: {  	s8 =	sadd.s32 $0xFFFFE003, lr  }
0x1b: {  	s9 =	sadd.s32 $0xFFFFFEF7, lr;
	s5 =	simm.s32 $0xFFFFFFFF;
	p2 =	slt.u32 s8, $0xFFFFF086  }
0x1c: {  	p1 =	slt.u32 s9, $0xF7A;
	s5 =	simm.s32 @!p2 $0x0  }
0x1d: {  	s5 =	simm.s32 @p1 $0x1;
	p0 =	seq.s32 s7, s2  }
0x1e: {  	s7 =	smul.u32 @!p0 $0xF7A, s2;
	p2 =	seq.s32 @!p0 s5, $0x0  }
0x1f: {  	s9 =	smul.u32 $0xF7A, s1;
	s8 =	simm.s32 @!p0 $0x1BF5;
	p2 =	por !p2, p0  }
0x20: {  	[sflag:s8] =	ssyncset.s32 @!p0 $0xFFFFF086;
	s6 =	sadd.s32 @!p0 s3, s7;
	s7 =	simm.s32 @!p0 $0x108  }
0x21: {  	s3 =	sadd.s32 s3, s9;
	s6 =	sadd.s32 @!p0 $0x88, s6;
	s7 =	simm.s32 @p2 $0x1082  }
0x22: {  	[simem:s7], [sflag:s8] =	dma.local @!p0 [hbm:s6], $0xF7A  }
0x23: {  	s9 =	sor.u32 $0xD0000000, s2;
	s6 =	simm.s32 $0x108;
	_ =	swait.ge @!p0 [sflag:s8], $0x0  }
0x24: {  	s3 =	sadd.s32 $0x88, s3;
	s6 =	simm.s32 @!p1 $0x1082;
	[sflag:s4] =	ssyncset.s32 $0xFFFFF086  }
0x25: {  	[simem:s6], [sflag:s4] =	dma.local [hbm:s3], $0xF7A  }
0x26: {  	[smem:$0x3F98] =	sst s1;
	(tag) =	ssettag s2;
	_ =	strace s9  }
0x27: {  	s1 =	sld [smem:$0x3FA8]  }
0x28: {  	s2 =	sld [smem:$0x3FA9]  }
0x29: {  	s4 =	sld [smem:$0x3FAB]  }
0x2a: {  	p0 =	seq.s32 s5, $0x0;
	s5 =	sld [smem:$0x3FAC]  }
0x2b: {  	s6 =	sld [smem:$0x3FAD]  }
0x2c: {  	s7 =	sld [smem:$0x3FAE]  }
0x2d: {  	s3 =	simm.s32 $0x108;
	s8 =	sld [smem:$0x3FAF]  }
0x2e: {  	s3 =	simm.s32 @!p0 $0x1082;
	s9 =	sld [smem:$0x3FB0]  }
0x2f: {  	lr =	sadd.s32 s0, s3;
	s0 =	sld [smem:$0x3FA7]  }
0x30: {  	s3 =	sld [smem:$0x3FAA]  }
0x31: {  	[smem:$0x3FB3] =	sst s10  }
0x32: {  	s10 =	sld [smem:$0x3FB1];
	_ =	sdelay $0x3  }
0x33: {  	p0 =	seq.s32 s10, $0x1;
	s10 =	sld [smem:$0x3FB3];
	_ =	sdelay $0x3  }
0x34: {  	[smem:$0x3FB3] =	sst s10  }
0x35: {  	s10 =	sld [smem:$0x3FB2];
	_ =	sdelay $0x3  }
0x36: {  	p1 =	seq.s32 s10, $0x1;
	s10 =	sld [smem:$0x3FB3];
	_ =	sdelay $0x3  }
0x37: {  	[smem:$0x3FB3] =	sst s10  }
0x38: {  	s10 =	sld [smem:$0x3FB4]  }
0x39: {  	_ = 	snop;
	(pc) =	sbr.ind lr, $3  }
0x3a: {  	_ = 	snop  }
0x3b: {  	_ = 	snop  }
0x3c: {  	p2 =	seq.s32 s10, $0x1;
	s10 =	sld [smem:$0x3FB3]  }
0x3d: {  	_ =	shalt  }
0x3e: {  	_ =	shalt  }
0x3f: {  	_ =	shalt  }
0x40: {  	_ =	shalt  }
0x41: {  	_ =	shalt  }
0x42: {  	_ =	shalt  }
0x43: {  	_ =	shalt  }
0x44: {  	_ =	shalt  }
0x45: {  	_ =	shalt  }
0x46: {  	_ =	shalt  }
0x47: {  	_ =	shalt  }
0x48: {  	_ =	shalt  }
0x49: {  	_ =	shalt  }
0x4a: {  	_ =	shalt  }
0x4b: {  	_ =	shalt  }
0x4c: {  	_ =	shalt  }
0x4d: {  	_ =	shalt  }
0x4e: {  	_ =	shalt  }
0x4f: {  	_ =	shalt  }
0x50: {  	_ =	shalt  }
0x51: {  	_ =	shalt  }
0x52: {  	_ =	shalt  }
0x53: {  	_ =	shalt  }
0x54: {  	_ =	shalt  }
0x55: {  	_ =	shalt  }
0x56: {  	_ =	shalt  }
0x57: {  	_ =	shalt  }
0x58: {  	_ =	shalt  }
0x59: {  	_ =	shalt  }
0x5a: {  	_ =	shalt  }
0x5b: {  	_ =	shalt  }
0x5c: {  	_ =	shalt  }
0x5d: {  	_ =	shalt  }
0x5e: {  	_ =	shalt  }
0x5f: {  	_ =	shalt  }
0x60: {  	_ =	shalt  }
0x61: {  	_ =	shalt  }
0x62: {  	_ =	shalt  }
0x63: {  	_ =	shalt  }
0x64: {  	_ =	shalt  }
0x65: {  	_ =	shalt  }
0x66: {  	_ =	shalt  }
0x67: {  	_ =	shalt  }
0x68: {  	_ =	shalt  }
0x69: {  	_ =	shalt  }
0x6a: {  	_ =	shalt  }
0x6b: {  	_ =	shalt  }
0x6c: {  	_ =	shalt  }
0x6d: {  	_ =	shalt  }
0x6e: {  	_ =	shalt  }
0x6f: {  	_ =	shalt  }
0x70: {  	_ =	shalt  }
0x71: {  	_ =	shalt  }
0x72: {  	_ =	shalt  }
0x73: {  	_ =	shalt  }
0x74: {  	_ =	shalt  }
0x75: {  	_ =	shalt  }
0x76: {  	_ =	shalt  }
0x77: {  	_ =	shalt  }
0x78: {  	_ =	shalt  }
0x79: {  	_ =	shalt  }
0x7a: {  	_ =	shalt  }
0x7b: {  	_ =	shalt  }
0x7c: {  	_ =	shalt  }
0x7d: {  	_ =	shalt  }
0x7e: {  	_ =	shalt  }
0x7f: {  	_ =	shalt  }
0x80: {  	_ =	shalt  }
0x81: {  	_ =	shalt  }
0x82: {  	_ =	shalt  }
0x83: {  	_ =	shalt  }
0x84: {  	_ =	shalt  }
0x85: {  	_ =	shalt  }
0x86: {  	_ =	shalt  }
0x87: {  	_ =	shalt  }
.Lfunc_end0:
.L_simem_size_0:
called_computation.1_lowered:
.L_overlay_start_0:
0x88: {  	s2 =	sld [smem:$0x3FD9]  }
0x89: {  	s3 =	sld [smem:$0x3FFE];
	_ =	sdelay $0x1  }
0x8a: {  	s1 =	srdreg.scid  }
0x8b: {  	s0 =	sand.u32 $0x1, s1  }
0x8c: {  	s16 =	sshll.u32 s0, $0xA;
	s2 =	sadd.s32 s3, s2  }
0x8d: {  	s2 =	sadd.s32 s2, s16  }
0x8e: {  	[smem:$0x3FBF] =	sst s2  }
0x8f: {  	_ = 	snop  }
0x90: {  	(tm) =	ssettm $0x1  }
0x91: {  	s17 =	sld [smem:$0x3FFB];
	_ =	sdelay $0x3  }
0x92: {  	_ =	strace s17  }
0x93: {  	s2 =	sld [smem:$0x3FFC];
	_ =	sdelay $0x3  }
0x94: {  	_ =	strace s2  }
0x95: {  	s2 =	sld [smem:$0x3FFD];
	_ =	sdelay $0x3  }
0x96: {  	_ =	strace s2  }
0x97: {  	_ =	strace $0x8FFFFFFF  }
0x98: {  	s18 =	sld [smem:$0x3FDB];
	_ =	sdelay $0x1  }
0x99: {  	s19 =	simm.s32 $_scs_section_size  }
0x9a: {  	s4 =	simm.s32 $_size__tile_overlayer_lowered;
	s5 =	simm.s32 $_tile_overlayer_lowered  }
0x9b: {  	s22 =	simm.s32 $0x1BFF;
	s21 =	sshll.u32 s5, $0x1;
	s2 =	sadd.s32 s19, s18  }
0x9c: {  	s6 =	simm.s32 $0x0;
	s20 =	sshll.u32 s4, $0x1;
	s4 =	sadd.s32 s21, s2  }
0x9d: {  	[timem:s6], [sflag:s22] =	dma.local [hbm:s4], s20  }
0x9e: {  	_ =	swait.ge [sflag:s22], s20  }
0x9f: {  	s3 =	ssub.s32 $0x0, s20;
	[sflag:s22] =	ssyncset.done $0x0  }
0xa0: {  	[sflag:s22] =	ssyncadd.s32 s3;
	_ =	sdelay $0x1  }
0xa1: {  	s23 =	simm.s32 $0x1B8B  }
0xa2: {  	_ =	swait.ge [sflag:s23], $0x1  }
0xa3: {  	[sflag:s23] =	ssyncset.done $0x0  }
0xa4: {  	s25 =	simm.s32 $0x1B8E;
	s24 =	sld [smem:$0x3FFE];
	[sflag:s23] =	ssyncadd.s32 $0xFFFFFFFF  }
0xa5: {  	s26 =	simm.s32 $execute0_lowered;
	[smem:$0x3FD2] =	sst s25  }
0xa6: {  	s4 =	sshll.u32 s26, $0x1;
	_ =	strace $0x80000049;
	[dreg:$0x1] =	wrdreg $0xFFFFFFFF  }
0xa7: {  	s28 =	simm.s32 $_size_execute0_lowered;
	s2 =	sadd.s32 s2, s4;
	[dreg:$0x0] =	wrdreg $0x0  }
0xa8: {  	s4 =	sshll.u32 s28, $0x1;
	[dreg:$0x2] =	wrdreg s2  }
0xa9: {  	[dreg:$0x3] =	wrdreg s4  }
0xaa: {  	[dreg:$0x4] =	wrdreg $0xC0  }
0xab: {  	_ =	task [dreg:s6], $0x5FFFF  }
0xac: {  	[dreg:$0x1] =	wrdreg $0xFFFFFFFF  }
0xad: {  	[dreg:$0x0] =	wrdreg $0x60  }
0xae: {  	[dreg:$0x2] =	wrdreg s24  }
0xaf: {  	[dreg:$0x3] =	wrdreg $0x0  }
0xb0: {  	[dreg:$0x4] =	wrdreg $0x9  }
0xb1: {  	_ =	task.clear_ibuf [dreg:s6], $0x5FFFF;
	_ =	strace $0x90000049  }
0xb2: {  	s29 =	simm.s32 $0x9;
	_ =	strace $0x8000004B  }
0xb3: {  	_ =	swait.ge [sflag:s29], $0x1  }
0xb4: {  	[sflag:s29] =	ssyncadd.s32 $0xFFFFFFFF  }
0xb5: {  	_ =	strace $0x9000004B  }
0xb6: {  	_ =	sfence  }
0xb7: {  	s30 =	sld [smem:$0x0];
	_ =	sdelay $0x2  }
0xb8: {  	s31 =	sshll.u32 s1, $0xD;
	s1 =	sshrl.u32 s1, $0x2  }
0xb9: {  	s3 =	sand.u32 $0x4000, s31;
	s1 =	sadd.s32 s1, s30  }
0xba: {  	s0 =	sor.u32 s3, s0;
	s1 =	sshll.u32 s1, $0x11  }
0xbb: {  	s0 =	sor.u32 s1, s0  }
0xbc: {  	s0 =	sadd.s32 $0x8F2B, s0  }
0xbd: {  	[sflag:s0] =	ssyncadd.remote.s32 $0x1  }
0xbe: {  	_ =	sfence.sel $0xFFFF  }
0xbf: {  	[dreg:$0x0] =	wrdreg $0xFFFFFFFF;
	(pc) =	sbr.abs _section_cstart, $3  }
0xc0: {  	[dreg:$0x1] =	wrdreg $0xFFFFFFFF  }
0xc1: {  	_ =	task.clear_ibuf [dreg:s6], $0x2FFFF;
	_ =	strace $0x9FFFFFFF  }
0xc2: {  	(tm) =	ssettm $0x7FFFFFFF  }
0xc3: {  	_ =	shalt  }
tec
execute0_lowered:
.L_overlay_start_1:
0x0: {  	(tag) =	ssettag $0x1  }
0x1: {  	s0 =	rddreg [dreg:$0x0]  }
0x2: {  	s1 =	rddreg [dreg:$0x1]  }
0x3: {  	s2 =	simm.s32 $0x0;
	s17 =	srdreg.scid;
	s9 =	stileid.u32  }
0x4: {  	s28 =	simm.s32 $0x16080;
	s29 =	simm.s32 $0x50;
	s30 =	simm.s32 $0x1B100  }
0x5: {  	s31 =	simm.s32 $0x1B180;
	[smem:$0x7FF] =	sst s2;
	s3 =	sadd.s32 $0x3800, s0  }
0x6: {  	s2 =	sand.u32 $0x1, s17;
	s4 =	smul.u32 $0x4E000, s9;
	s5 =	sadd.s32 $0xB800, s0  }
0x7: {  	s10 =	sadd.s32 $0xAFE00, s0;
	s19 =	sadd.s32 $0xD7000, s0;
	s8 =	sshll.u32 s9, $0xB  }
0x8: {  	s16 =	sadd.s32 $0x138000, s1;
	s24 =	smul.u32 $0x2700, s9;
	p1 =	sne.s32 s9, $0xF  }
0x9: {  	p2 =	seq.s32 s9, $0xF;
	_ =	strace $0x8000004A;
	s6 =	ssub.s32 $0x2, s2  }
0xa: {  	s18 =	sadd.s32 s3, s8;
	s20 =	sadd.s32 s5, s8;
	[dreg:$0x4] =	wrdreg s19  }
0xb: {  	s23 =	sor.u32 $0x400, s8;
	p0 =	seq.s32 s2, $0x0;
	[dreg:$0x3] =	wrdreg s10  }
0xc: {  	s7 =	sshrl.u32 s6, $0x1;
	s4 =	sshrl.u32 s4, $0x2;
	[dreg:$0x5] =	wrdreg s18  }
0xd: {  	[dreg:$0x6] =	wrdreg s20;
	s17 =	sadd.s32 s3, s23;
	s3 =	simm.s32 $0x61A00  }
0xe: {  	s18 =	sadd.s32 s5, s23;
	s25 =	sadd.s32 s19, s24;
	s26 =	sadd.s32 s10, s24  }
0xf: {  	s23 =	simm.s32 $0x1B080;
	s24 =	simm.s32 $0x7;
	s19 =	simm.s32 $0x1  }
0x10: {  	s20 =	simm.s32 $0x2;
	s5 =	simm.s32 $0x3;
	s7 =	ssub.s32 s6, s7  }
0x11: {  	s6 =	sadd.s32 s4, s1;
	[dreg:$0x9] =	wrdreg s25;
	s3 =	simm.s32 @!p0 $0x88C00  }
0x12: {  	[dreg:$0xa] =	wrdreg s26;
	p0 =	sne.s32 s2, $0x0;
	s25 =	simm.s32 $0x1D080  }
0x13: {  	s26 =	simm.s32 $0x13880;
	s4 =	simm.s32 $0x4;
	s2 =	simm.s32 $0x5  }
.Ltmp0:
0x14: {  	s21 =	sadd.s32 $0x2800, s6;
	s22 =	sadd.s32 $0x5000, s6;
	(pc) =	sbr.rel .LBB2_1-.Ltmp0, $4  }
0x15: {  	s11 =	sadd.s32 $0x7800, s6;
	s12 =	sadd.s32 $0xA000, s6;
	s13 =	sadd.s32 $0xC800, s6  }
0x16: {  	s14 =	sadd.s32 $0xF000, s6;
	s15 =	sadd.s32 $0x11800, s6;
	[dreg:$0x7] =	wrdreg s21  }
0x17: {  	[dreg:$0x8] =	wrdreg s22;
	s21 =	smax.u32 s7, $0x1;
	s22 =	sadd.s32 s3, s0  }
0x18: {  	v0 =	vimm.f32 $0.0e+00;
	s0 =	simm.s32 $0x18880;
	s3 =	simm.s32 $0x6;
	s7 =	simm.s32 $0x0  }
.LBB2_10:
0x19: {  	s9 =	sadd.s32 $0x27000, s9;
	s10 =	sshrl.u32 s16, $0x3  }
0x1a: {  	[hbm:s9], [sflag:s8] =	dma.local [spmem:s10], $0x100  }
0x1b: {  	_ =	swait.ge [sflag:s24], $0x100  }
0x1c: {  	[sflag:s24] =	ssyncset.done $0x0  }
0x1d: {  	[sflag:s24] =	ssyncadd.s32 $0xFFFFFF00  }
.LBB2_11:
0x1e: {  	s7 =	sadd.s32 $0x1, s7  }
0x1f: {  	p3 =	sne.s32 s7, s21  }
.Ltmp1:
0x20: {  	_ = 	snop;
	(pc) =	sbr.rel @!p3 .LBB2_12-.Ltmp1, $1  }
0x21: {  	_ =	sdelay $0x3  }
.LBB2_1:
0x22: {  	s8 =	simm.s32 $0x0;
	s9 =	rddreg [dreg:$0x5]  }
0x23: {  	[tilespmem:s23], [sflag:$0x7] =	stream.linear.gather [hbm4b:s9+s8], $0x2000, $0x38;
	[tilespmem:$0x1F080] =	vst v63  }
0x24: {  	_ =	swait.ge [sflag:s24], $0x2000  }
0x25: {  	[sflag:s24] =	ssyncset.done $0x0  }
0x26: {  	s10 =	rddreg [dreg:$0x6];
	[sflag:s24] =	ssyncadd.s32 $0xFFFFE000  }
0x27: {  	[tilespmem:s25], [sflag:$0x7] =	stream.linear.gather [hbm4b:s10+s8], $0x2000, $0x38;
	[tilespmem:$0x1F080] =	vst v63  }
0x28: {  	_ =	swait.ge [sflag:s24], $0x2000  }
0x29: {  	[sflag:s24] =	ssyncset.done $0x0  }
0x2a: {  	s9 =	simm.s32 $0x200;
	s8 =	simm.s32 $0x0;
	[sflag:s24] =	ssyncadd.s32 $0xFFFFE000  }
.LBB2_2:
0x2b: {  	p3 =	sne.s32 s9, $0x9E00;
	[tilespmem:s8+$0x160F0] =	vst v0  }
0x2c: {  	[tilespmem:s8+$0x13880] =	vst v0  }
0x2d: {  	[tilespmem:s8+$0x16080] =	vst v0  }
0x2e: {  	[tilespmem:s8+$0x13890] =	vst v0  }
0x2f: {  	[tilespmem:s8+$0x16090] =	vst v0  }
0x30: {  	[tilespmem:s8+$0x138A0] =	vst v0  }
0x31: {  	[tilespmem:s8+$0x160A0] =	vst v0  }
0x32: {  	[tilespmem:s8+$0x138B0] =	vst v0  }
0x33: {  	[tilespmem:s8+$0x160B0] =	vst v0  }
0x34: {  	[tilespmem:s8+$0x138C0] =	vst v0  }
0x35: {  	[tilespmem:s8+$0x160C0] =	vst v0  }
.Ltmp2:
0x36: {  	[tilespmem:s8+$0x138D0] =	vst v0;
	(pc) =	sbr.rel @p3 .LBB2_2-.Ltmp2, $4  }
0x37: {  	[tilespmem:s8+$0x160D0] =	vst v0  }
0x38: {  	[tilespmem:s8+$0x138E0] =	vst v0  }
0x39: {  	[tilespmem:s8+$0x160E0] =	vst v0  }
0x3a: {  	[tilespmem:s8+$0x138F0] =	vst v0;
	s8 =	sshra.s32 s9, $0x2;
	s9 =	sadd.s32 $0x200, s9  }
0x3b: {  	[tilespmem:s8+$0x160F0] =	vst v0  }
0x3c: {  	[tilespmem:s8+$0x13880] =	vst v0  }
0x3d: {  	[tilespmem:s8+$0x16080] =	vst v0  }
0x3e: {  	[tilespmem:s8+$0x13890] =	vst v0  }
0x3f: {  	[tilespmem:s8+$0x16090] =	vst v0  }
0x40: {  	[tilespmem:s8+$0x138A0] =	vst v0  }
0x41: {  	[tilespmem:s8+$0x160A0] =	vst v0  }
0x42: {  	[tilespmem:s8+$0x138B0] =	vst v0  }
0x43: {  	[tilespmem:s8+$0x160B0] =	vst v0  }
0x44: {  	[tilespmem:s8+$0x138C0] =	vst v0  }
0x45: {  	[tilespmem:s8+$0x160C0] =	vst v0  }
0x46: {  	[tilespmem:s8+$0x138D0] =	vst v0  }
0x47: {  	[tilespmem:s8+$0x160D0] =	vst v0  }
0x48: {  	[tilespmem:s8+$0x138E0] =	vst v0  }
0x49: {  	[tilespmem:s8+$0x160E0] =	vst v0  }
0x4a: {  	[tilespmem:s8+$0x138F0] =	vst v0  }
0x4b: {  	[spmem:s6] =	stream.linear.scatter [tilespmem:s26], [sflag:$0x7], $0x2800, $0x38;
	[tilespmem:$0x1F080] =	vst v63  }
0x4c: {  	_ =	swait.ge [sflag:s24], $0x2800  }
0x4d: {  	[sflag:s24] =	ssyncset.done $0x0  }
0x4e: {  	s10 =	rddreg [dreg:$0x7];
	[sflag:s24] =	ssyncadd.s32 $0xFFFFD800  }
0x4f: {  	[spmem:s10] =	stream.linear.scatter [tilespmem:s28], [sflag:$0x7], $0x2800, $0x38;
	[tilespmem:$0x1F080] =	vst v63  }
0x50: {  	_ =	swait.ge [sflag:s24], $0x2800  }
0x51: {  	[sflag:s24] =	ssyncset.done $0x0  }
0x52: {  	s9 =	rddreg [dreg:$0x8];
	[sflag:s24] =	ssyncadd.s32 $0xFFFFD800  }
0x53: {  	[spmem:s9] =	stream.linear.scatter [tilespmem:s26], [sflag:$0x7], $0x2800, $0x38;
	[tilespmem:$0x1F080] =	vst v63  }
0x54: {  	_ =	swait.ge [sflag:s24], $0x2800  }
0x55: {  	[sflag:s24] =	ssyncset.done $0x0  }
0x56: {  	[sflag:s24] =	ssyncadd.s32 $0xFFFFD800  }
0x57: {  	[spmem:s11] =	stream.linear.scatter [tilespmem:s28], [sflag:$0x7], $0x2800, $0x38;
	[tilespmem:$0x1F080] =	vst v63  }
0x58: {  	_ =	swait.ge [sflag:s24], $0x2800  }
0x59: {  	[sflag:s24] =	ssyncset.done $0x0  }
0x5a: {  	[sflag:s24] =	ssyncadd.s32 $0xFFFFD800  }
0x5b: {  	[spmem:s12] =	stream.linear.scatter [tilespmem:s26], [sflag:$0x7], $0x2800, $0x38;
	[tilespmem:$0x1F080] =	vst v63  }
0x5c: {  	_ =	swait.ge [sflag:s24], $0x2800  }
0x5d: {  	[sflag:s24] =	ssyncset.done $0x0  }
0x5e: {  	[sflag:s24] =	ssyncadd.s32 $0xFFFFD800  }
0x5f: {  	[spmem:s13] =	stream.linear.scatter [tilespmem:s28], [sflag:$0x7], $0x2800, $0x38;
	[tilespmem:$0x1F080] =	vst v63  }
0x60: {  	_ =	swait.ge [sflag:s24], $0x2800  }
0x61: {  	[sflag:s24] =	ssyncset.done $0x0  }
0x62: {  	[sflag:s24] =	ssyncadd.s32 $0xFFFFD800  }
0x63: {  	[spmem:s14] =	stream.linear.scatter [tilespmem:s26], [sflag:$0x7], $0x2800, $0x38;
	[tilespmem:$0x1F080] =	vst v63  }
0x64: {  	_ =	swait.ge [sflag:s24], $0x2800  }
0x65: {  	[sflag:s24] =	ssyncset.done $0x0  }
0x66: {  	[sflag:s24] =	ssyncadd.s32 $0xFFFFD800  }
0x67: {  	[spmem:s15] =	stream.linear.scatter [tilespmem:s28], [sflag:$0x7], $0x2000, $0x38;
	[tilespmem:$0x1F080] =	vst v63  }
0x68: {  	_ =	swait.ge [sflag:s24], $0x2000  }
0x69: {  	[sflag:s24] =	ssyncset.done $0x0  }
0x6a: {  	s8 =	simm.s32 @!p1 $0x13880;
	[sflag:s24] =	ssyncadd.s32 $0xFFFFE000  }
0x6b: {  	[spmem:s16] =	stream.linear.scatter @!p1 [tilespmem:s8], [sflag:$0x7], $0x800, $0x38;
	[tilespmem:$0x1F080] =	vst v63  }
0x6c: {  	s8 =	simm.s32 @!p1 $0x7  }
0x6d: {  	_ =	swait.ge @!p1 [sflag:s8], $0x800  }
0x6e: {  	[sflag:s8] =	ssyncset.done @!p1 $0x0  }
0x6f: {  	[sflag:s8] =	ssyncadd.s32 @!p1 $0xFFFFF800  }
0x70: {  	[bflag:$0x0] =	sbarrier.arrive $0xFFFF  }
0x71: {  	[tilespmem:s26], [sflag:$0x1] =	stream.indirect.gather [hbm4b:s22+s29], $0x80, s23, s29, $0xb8;
	[tilespmem:$0x1F080] =	vst v63  }
0x72: {  	_ = 	snop  }
0x73: {  	[tilespmem:s28], [sflag:$0x2] =	stream.indirect.gather [hbm4b:s22+s29], $0x80, s30, s29, $0xb8;
	[tilespmem:$0x1F080] =	vst v63  }
0x74: {  	_ = 	snop  }
0x75: {  	[tilespmem:s0], [sflag:$0x3] =	stream.indirect.gather [hbm4b:s22+s29], $0x80, s31, s29, $0xb8;
	[tilespmem:$0x1F080] =	vst v63  }
0x76: {  	_ =	swait.ge [sflag:s19], $0x2800  }
0x77: {  	[sflag:s19] =	ssyncset.done $0x0  }
0x78: {  	[sflag:s19] =	ssyncadd.s32 $0xFFFFD800  }
0x79: {  	[spmem:s1] =	stream.indirect.scatter.add.f32 [tilespmem:s26], [sflag:$0x4], $0x80, s25, s29, $0xb8;
	[tilespmem:$0x1F080] =	vst v63  }
0x7a: {  	_ =	swait.ge [sflag:s20], $0x2800  }
0x7b: {  	[sflag:s20] =	ssyncset.done $0x0  }
0x7c: {  	s10 =	simm.s32 $0x1D100;
	[sflag:s20] =	ssyncadd.s32 $0xFFFFD800  }
0x7d: {  	[spmem:s1] =	stream.indirect.scatter.add.f32 [tilespmem:s28], [sflag:$0x5], $0x80, s10, s29, $0xb8;
	[tilespmem:$0x1F080] =	vst v63  }
0x7e: {  	_ =	swait.ge [sflag:s4], $0x2800  }
0x7f: {  	[sflag:s4] =	ssyncset.done $0x0  }
0x80: {  	s9 =	simm.s32 $0x1B200;
	[sflag:s4] =	ssyncadd.s32 $0xFFFFD800  }
0x81: {  	[tilespmem:s26], [sflag:$0x1] =	stream.indirect.gather [hbm4b:s22+s29], $0x80, s9, s29, $0xb8;
	[tilespmem:$0x1F080] =	vst v63  }
0x82: {  	_ =	swait.ge [sflag:s5], $0x2800  }
0x83: {  	[sflag:s5] =	ssyncset.done $0x0  }
0x84: {  	s10 =	simm.s32 $0x1D180;
	[sflag:s5] =	ssyncadd.s32 $0xFFFFD800  }
0x85: {  	[spmem:s1] =	stream.indirect.scatter.add.f32 [tilespmem:s0], [sflag:$0x6], $0x80, s10, s29, $0xb8;
	[tilespmem:$0x1F080] =	vst v63  }
0x86: {  	_ =	swait.ge [sflag:s2], $0x2800  }
0x87: {  	[sflag:s2] =	ssyncset.done $0x0  }
0x88: {  	s9 =	simm.s32 $0x1B280;
	[sflag:s2] =	ssyncadd.s32 $0xFFFFD800  }
0x89: {  	[tilespmem:s28], [sflag:$0x2] =	stream.indirect.gather [hbm4b:s22+s29], $0x80, s9, s29, $0xb8;
	[tilespmem:$0x1F080] =	vst v63  }
0x8a: {  	_ =	swait.ge [sflag:s19], $0x2800  }
0x8b: {  	[sflag:s19] =	ssyncset.done $0x0  }
0x8c: {  	s10 =	simm.s32 $0x1D200;
	[sflag:s19] =	ssyncadd.s32 $0xFFFFD800  }
0x8d: {  	[spmem:s1] =	stream.indirect.scatter.add.f32 [tilespmem:s26], [sflag:$0x4], $0x80, s10, s29, $0xb8;
	[tilespmem:$0x1F080] =	vst v63  }
0x8e: {  	_ =	swait.ge [sflag:s3], $0x2800  }
0x8f: {  	[sflag:s3] =	ssyncset.done $0x0  }
0x90: {  	s8 =	simm.s32 $0x600;
	s9 =	simm.s32 $0x1B300;
	[sflag:s3] =	ssyncadd.s32 $0xFFFFD800  }
.LBB2_4:
0x91: {  	[tilespmem:s0], [sflag:$0x3] =	stream.indirect.gather [hbm4b:s22+s29], $0x80, s9, s29, $0xb8;
	[tilespmem:$0x1F080] =	vst v63  }
0x92: {  	s9 =	smov.u32 s8  }
0x93: {  	p3 =	sne.s32 s8, $0x7200;
	s8 =	sadd.s32 $0x600, s8;
	_ =	swait.ge [sflag:s20], $0x2800  }
0x94: {  	s9 =	sshra.s32 s9, $0x2;
	[sflag:s20] =	ssyncset.done $0x0  }
0x95: {  	s10 =	sadd.s32 $0x1D100, s9;
	[sflag:s20] =	ssyncadd.s32 $0xFFFFD800  }
0x96: {  	[spmem:s1] =	stream.indirect.scatter.add.f32 [tilespmem:s28], [sflag:$0x5], $0x80, s10, s29, $0xb8;
	[tilespmem:$0x1F080] =	vst v63  }
0x97: {  	_ =	swait.ge [sflag:s4], $0x2800  }
0x98: {  	[sflag:s4] =	ssyncset.done $0x0  }
0x99: {  	s10 =	sadd.s32 $0x1B200, s9;
	[sflag:s4] =	ssyncadd.s32 $0xFFFFD800  }
0x9a: {  	[tilespmem:s26], [sflag:$0x1] =	stream.indirect.gather [hbm4b:s22+s29], $0x80, s10, s29, $0xb8;
	[tilespmem:$0x1F080] =	vst v63  }
0x9b: {  	_ =	swait.ge [sflag:s5], $0x2800  }
0x9c: {  	[sflag:s5] =	ssyncset.done $0x0  }
0x9d: {  	s10 =	sadd.s32 $0x1D180, s9;
	[sflag:s5] =	ssyncadd.s32 $0xFFFFD800  }
0x9e: {  	[spmem:s1] =	stream.indirect.scatter.add.f32 [tilespmem:s0], [sflag:$0x6], $0x80, s10, s29, $0xb8;
	[tilespmem:$0x1F080] =	vst v63  }
0x9f: {  	_ =	swait.ge [sflag:s2], $0x2800  }
0xa0: {  	[sflag:s2] =	ssyncset.done $0x0  }
0xa1: {  	s10 =	sadd.s32 $0x1B280, s9;
	[sflag:s2] =	ssyncadd.s32 $0xFFFFD800  }
0xa2: {  	[tilespmem:s28], [sflag:$0x2] =	stream.indirect.gather [hbm4b:s22+s29], $0x80, s10, s29, $0xb8;
	[tilespmem:$0x1F080] =	vst v63  }
0xa3: {  	_ =	swait.ge [sflag:s19], $0x2800  }
0xa4: {  	[sflag:s19] =	ssyncset.done $0x0  }
.Ltmp3:
0xa5: {  	s10 =	sadd.s32 $0x1D200, s9;
	[sflag:s19] =	ssyncadd.s32 $0xFFFFD800;
	(pc) =	sbr.rel @p3 .LBB2_4-.Ltmp3, $4  }
0xa6: {  	[spmem:s1] =	stream.indirect.scatter.add.f32 [tilespmem:s26], [sflag:$0x4], $0x80, s10, s29, $0xb8;
	[tilespmem:$0x1F080] =	vst v63  }
0xa7: {  	_ =	swait.ge [sflag:s3], $0x2800  }
0xa8: {  	[sflag:s3] =	ssyncset.done $0x0  }
0xa9: {  	s9 =	sadd.s32 $0x1B300, s9;
	[sflag:s3] =	ssyncadd.s32 $0xFFFFD800  }
0xaa: {  	[tilespmem:s0], [sflag:$0x3] =	stream.indirect.gather [hbm4b:s22+s29], $0x80, s9, s29, $0xb8;
	[tilespmem:$0x1F080] =	vst v63  }
0xab: {  	_ =	swait.ge [sflag:s20], $0x2800  }
0xac: {  	[sflag:s20] =	ssyncset.done $0x0  }
0xad: {  	s8 =	simm.s32 $0x1EF00;
	[sflag:s20] =	ssyncadd.s32 $0xFFFFD800  }
0xae: {  	[spmem:s1] =	stream.indirect.scatter.add.f32 [tilespmem:s28], [sflag:$0x5], $0x80, s8, s29, $0xb8;
	[tilespmem:$0x1F080] =	vst v63  }
0xaf: {  	_ =	swait.ge [sflag:s4], $0x2800  }
0xb0: {  	[sflag:s4] =	ssyncset.done $0x0  }
0xb1: {  	s10 =	simm.s32 $0x1D000;
	[sflag:s4] =	ssyncadd.s32 $0xFFFFD800  }
0xb2: {  	[tilespmem:s26], [sflag:$0x1] =	stream.indirect.gather [hbm4b:s22+s29], $0x80, s10, s29, $0xb8;
	[tilespmem:$0x1F080] =	vst v63  }
0xb3: {  	_ =	swait.ge [sflag:s5], $0x2800  }
0xb4: {  	[sflag:s5] =	ssyncset.done $0x0  }
0xb5: {  	s9 =	simm.s32 $0x1EF80;
	[sflag:s5] =	ssyncadd.s32 $0xFFFFD800  }
0xb6: {  	[spmem:s1] =	stream.indirect.scatter.add.f32 [tilespmem:s0], [sflag:$0x6], $0x80, s9, s29, $0xb8;
	[tilespmem:$0x1F080] =	vst v63  }
0xb7: {  	_ =	swait.ge [sflag:s19], $0x2800  }
0xb8: {  	[sflag:s19] =	ssyncset.done $0x0  }
0xb9: {  	s10 =	simm.s32 $0x1F000;
	[sflag:s19] =	ssyncadd.s32 $0xFFFFD800  }
0xba: {  	[spmem:s1] =	stream.indirect.scatter.add.f32 [tilespmem:s26], [sflag:$0x4], $0x80, s10, s29, $0xb8;
	[tilespmem:$0x1F080] =	vst v63  }
0xbb: {  	_ =	swait.ge [sflag:s4], $0x2800  }
0xbc: {  	[sflag:s4] =	ssyncset.done $0x0  }
0xbd: {  	[sflag:s4] =	ssyncadd.s32 $0xFFFFD800  }
0xbe: {  	_ =	swait.ge [sflag:s2], $0x2800  }
0xbf: {  	[sflag:s2] =	ssyncset.done $0x0  }
0xc0: {  	[sflag:s2] =	ssyncadd.s32 $0xFFFFD800  }
0xc1: {  	_ =	swait.ge [sflag:s3], $0x2800  }
0xc2: {  	[sflag:s3] =	ssyncset.done $0x0  }
0xc3: {  	s9 =	simm.s32 $0x0;
	[sflag:s3] =	ssyncadd.s32 $0xFFFFD800  }
0xc4: {  	[tilespmem:s23], [sflag:$0x7] =	stream.linear.gather [hbm4b:s17+s9], $0x1E80, $0x38;
	[tilespmem:$0x1F080] =	vst v63  }
0xc5: {  	_ =	swait.ge [sflag:s24], $0x1E80  }
0xc6: {  	[sflag:s24] =	ssyncset.done $0x0  }
0xc7: {  	[sflag:s24] =	ssyncadd.s32 $0xFFFFE180  }
0xc8: {  	[tilespmem:s25], [sflag:$0x7] =	stream.linear.gather [hbm4b:s18+s9], $0x1E80, $0x38;
	[tilespmem:$0x1F080] =	vst v63  }
0xc9: {  	_ =	swait.ge [sflag:s24], $0x1E80  }
0xca: {  	[sflag:s24] =	ssyncset.done $0x0  }
0xcb: {  	[sflag:s24] =	ssyncadd.s32 $0xFFFFE180  }
0xcc: {  	[tilespmem:s26], [sflag:$0x1] =	stream.indirect.gather [hbm4b:s22+s29], $0x80, s23, s29, $0xb8;
	[tilespmem:$0x1F080] =	vst v63  }
0xcd: {  	_ = 	snop  }
0xce: {  	[tilespmem:s28], [sflag:$0x2] =	stream.indirect.gather [hbm4b:s22+s29], $0x80, s30, s29, $0xb8;
	[tilespmem:$0x1F080] =	vst v63  }
0xcf: {  	_ = 	snop  }
0xd0: {  	[tilespmem:s0], [sflag:$0x3] =	stream.indirect.gather [hbm4b:s22+s29], $0x80, s31, s29, $0xb8;
	[tilespmem:$0x1F080] =	vst v63  }
0xd1: {  	_ =	swait.ge [sflag:s19], $0x2800  }
0xd2: {  	[sflag:s19] =	ssyncset.done $0x0  }
0xd3: {  	[sflag:s19] =	ssyncadd.s32 $0xFFFFD800  }
0xd4: {  	[spmem:s1] =	stream.indirect.scatter.add.f32 [tilespmem:s26], [sflag:$0x4], $0x80, s25, s29, $0xb8;
	[tilespmem:$0x1F080] =	vst v63  }
0xd5: {  	_ =	swait.ge [sflag:s20], $0x2800  }
0xd6: {  	[sflag:s20] =	ssyncset.done $0x0  }
0xd7: {  	s10 =	simm.s32 $0x1D100;
	[sflag:s20] =	ssyncadd.s32 $0xFFFFD800  }
0xd8: {  	[spmem:s1] =	stream.indirect.scatter.add.f32 [tilespmem:s28], [sflag:$0x5], $0x80, s10, s29, $0xb8;
	[tilespmem:$0x1F080] =	vst v63  }
0xd9: {  	_ =	swait.ge [sflag:s4], $0x2800  }
0xda: {  	[sflag:s4] =	ssyncset.done $0x0  }
0xdb: {  	s9 =	simm.s32 $0x1B200;
	[sflag:s4] =	ssyncadd.s32 $0xFFFFD800  }
0xdc: {  	[tilespmem:s26], [sflag:$0x1] =	stream.indirect.gather [hbm4b:s22+s29], $0x80, s9, s29, $0xb8;
	[tilespmem:$0x1F080] =	vst v63  }
0xdd: {  	_ =	swait.ge [sflag:s5], $0x2800  }
0xde: {  	[sflag:s5] =	ssyncset.done $0x0  }
0xdf: {  	s10 =	simm.s32 $0x1D180;
	[sflag:s5] =	ssyncadd.s32 $0xFFFFD800  }
0xe0: {  	[spmem:s1] =	stream.indirect.scatter.add.f32 [tilespmem:s0], [sflag:$0x6], $0x80, s10, s29, $0xb8;
	[tilespmem:$0x1F080] =	vst v63  }
0xe1: {  	_ =	swait.ge [sflag:s2], $0x2800  }
0xe2: {  	[sflag:s2] =	ssyncset.done $0x0  }
0xe3: {  	s9 =	simm.s32 $0x1B280;
	[sflag:s2] =	ssyncadd.s32 $0xFFFFD800  }
0xe4: {  	[tilespmem:s28], [sflag:$0x2] =	stream.indirect.gather [hbm4b:s22+s29], $0x80, s9, s29, $0xb8;
	[tilespmem:$0x1F080] =	vst v63  }
0xe5: {  	_ =	swait.ge [sflag:s19], $0x2800  }
0xe6: {  	[sflag:s19] =	ssyncset.done $0x0  }
0xe7: {  	s10 =	simm.s32 $0x1D200;
	[sflag:s19] =	ssyncadd.s32 $0xFFFFD800  }
0xe8: {  	[spmem:s1] =	stream.indirect.scatter.add.f32 [tilespmem:s26], [sflag:$0x4], $0x80, s10, s29, $0xb8;
	[tilespmem:$0x1F080] =	vst v63  }
0xe9: {  	_ =	swait.ge [sflag:s3], $0x2800  }
0xea: {  	[sflag:s3] =	ssyncset.done $0x0  }
0xeb: {  	s8 =	simm.s32 $0x600;
	s9 =	simm.s32 $0x1B300;
	[sflag:s3] =	ssyncadd.s32 $0xFFFFD800  }
.LBB2_6:
0xec: {  	[tilespmem:s0], [sflag:$0x3] =	stream.indirect.gather [hbm4b:s22+s29], $0x80, s9, s29, $0xb8;
	[tilespmem:$0x1F080] =	vst v63  }
0xed: {  	s9 =	smov.u32 s8  }
0xee: {  	p3 =	sne.s32 s8, $0x6C00;
	s8 =	sadd.s32 $0x600, s8;
	_ =	swait.ge [sflag:s20], $0x2800  }
0xef: {  	s9 =	sshra.s32 s9, $0x2;
	[sflag:s20] =	ssyncset.done $0x0  }
0xf0: {  	s10 =	sadd.s32 $0x1D100, s9;
	[sflag:s20] =	ssyncadd.s32 $0xFFFFD800  }
0xf1: {  	[spmem:s1] =	stream.indirect.scatter.add.f32 [tilespmem:s28], [sflag:$0x5], $0x80, s10, s29, $0xb8;
	[tilespmem:$0x1F080] =	vst v63  }
0xf2: {  	_ =	swait.ge [sflag:s4], $0x2800  }
0xf3: {  	[sflag:s4] =	ssyncset.done $0x0  }
0xf4: {  	s10 =	sadd.s32 $0x1B200, s9;
	[sflag:s4] =	ssyncadd.s32 $0xFFFFD800  }
0xf5: {  	[tilespmem:s26], [sflag:$0x1] =	stream.indirect.gather [hbm4b:s22+s29], $0x80, s10, s29, $0xb8;
	[tilespmem:$0x1F080] =	vst v63  }
0xf6: {  	_ =	swait.ge [sflag:s5], $0x2800  }
0xf7: {  	[sflag:s5] =	ssyncset.done $0x0  }
0xf8: {  	s10 =	sadd.s32 $0x1D180, s9;
	[sflag:s5] =	ssyncadd.s32 $0xFFFFD800  }
0xf9: {  	[spmem:s1] =	stream.indirect.scatter.add.f32 [tilespmem:s0], [sflag:$0x6], $0x80, s10, s29, $0xb8;
	[tilespmem:$0x1F080] =	vst v63  }
0xfa: {  	_ =	swait.ge [sflag:s2], $0x2800  }
0xfb: {  	[sflag:s2] =	ssyncset.done $0x0  }
0xfc: {  	s10 =	sadd.s32 $0x1B280, s9;
	[sflag:s2] =	ssyncadd.s32 $0xFFFFD800  }
0xfd: {  	[tilespmem:s28], [sflag:$0x2] =	stream.indirect.gather [hbm4b:s22+s29], $0x80, s10, s29, $0xb8;
	[tilespmem:$0x1F080] =	vst v63  }
0xfe: {  	_ =	swait.ge [sflag:s19], $0x2800  }
0xff: {  	[sflag:s19] =	ssyncset.done $0x0  }
.Ltmp4:
0x100: {  	s10 =	sadd.s32 $0x1D200, s9;
	[sflag:s19] =	ssyncadd.s32 $0xFFFFD800;
	(pc) =	sbr.rel @p3 .LBB2_6-.Ltmp4, $4  }
0x101: {  	[spmem:s1] =	stream.indirect.scatter.add.f32 [tilespmem:s26], [sflag:$0x4], $0x80, s10, s29, $0xb8;
	[tilespmem:$0x1F080] =	vst v63  }
0x102: {  	_ =	swait.ge [sflag:s3], $0x2800  }
0x103: {  	[sflag:s3] =	ssyncset.done $0x0  }
0x104: {  	s9 =	sadd.s32 $0x1B300, s9;
	[sflag:s3] =	ssyncadd.s32 $0xFFFFD800  }
0x105: {  	[tilespmem:s0], [sflag:$0x3] =	stream.indirect.gather [hbm4b:s22+s29], $0x80, s9, s29, $0xb8;
	[tilespmem:$0x1F080] =	vst v63  }
0x106: {  	_ =	swait.ge [sflag:s20], $0x2800  }
0x107: {  	[sflag:s20] =	ssyncset.done $0x0  }
0x108: {  	s8 =	simm.s32 $0x1ED80;
	[sflag:s20] =	ssyncadd.s32 $0xFFFFD800  }
0x109: {  	[spmem:s1] =	stream.indirect.scatter.add.f32 [tilespmem:s28], [sflag:$0x5], $0x80, s8, s29, $0xb8;
	[tilespmem:$0x1F080] =	vst v63  }
0x10a: {  	_ =	swait.ge [sflag:s4], $0x2800  }
0x10b: {  	[sflag:s4] =	ssyncset.done $0x0  }
0x10c: {  	s9 =	simm.s32 $0x1CE80;
	[sflag:s4] =	ssyncadd.s32 $0xFFFFD800  }
0x10d: {  	[tilespmem:s26], [sflag:$0x1] =	stream.indirect.gather [hbm4b:s22+s29], $0x80, s9, s29, $0xb8;
	[tilespmem:$0x1F080] =	vst v63  }
0x10e: {  	_ =	swait.ge [sflag:s5], $0x2800  }
0x10f: {  	[sflag:s5] =	ssyncset.done $0x0  }
0x110: {  	s10 =	simm.s32 $0x1EE00;
	[sflag:s5] =	ssyncadd.s32 $0xFFFFD800  }
0x111: {  	[spmem:s1] =	stream.indirect.scatter.add.f32 [tilespmem:s0], [sflag:$0x6], $0x80, s10, s29, $0xb8;
	[tilespmem:$0x1F080] =	vst v63  }
0x112: {  	_ =	swait.ge [sflag:s19], $0x2800  }
0x113: {  	[sflag:s19] =	ssyncset.done $0x0  }
0x114: {  	s9 =	simm.s32 $0x1EE80;
	[sflag:s19] =	ssyncadd.s32 $0xFFFFD800  }
0x115: {  	[spmem:s1] =	stream.indirect.scatter.add.f32 [tilespmem:s26], [sflag:$0x4], $0x80, s9, s29, $0xb8;
	[tilespmem:$0x1F080] =	vst v63  }
0x116: {  	_ =	swait.ge [sflag:s4], $0x2800  }
0x117: {  	[sflag:s4] =	ssyncset.done $0x0  }
0x118: {  	[sflag:s4] =	ssyncadd.s32 $0xFFFFD800  }
0x119: {  	_ =	swait.ge [sflag:s2], $0x2800  }
0x11a: {  	[sflag:s2] =	ssyncset.done $0x0  }
0x11b: {  	[sflag:s2] =	ssyncadd.s32 $0xFFFFD800  }
.Ltmp5:
0x11c: {  	_ =	swait.ge [sflag:s3], $0x2800;
	(pc) =	sbr.rel @p0 .LBB2_9-.Ltmp5, $4  }
0x11d: {  	[sflag:s3] =	ssyncset.done $0x0  }
0x11e: {  	s10 =	stileid.u32;
	[sflag:s3] =	ssyncadd.s32 $0xFFFFD800  }
0x11f: {  	s10 =	sshll.u32 s10, $0x6;
	[bflag:$0x0] =	sbarrier.arrive $0xFFFF  }
0x120: {  	s8 =	sor.u32 $0x1C07, s10;
	s9 =	sshrl.u32 s6, $0x3  }
0x121: {  	s8 =	sor.u32 $0x1C07, s10;
	s10 =	rddreg [dreg:$0xa]  }
0x122: {  	[hbm:s10], [sflag:s8] =	dma.local [spmem:s9], $0x2700  }
.Ltmp6:
0x123: {  	_ = 	snop;
	(pc) =	sbr.rel @p2 .LBB2_10-.Ltmp6, $4  }
.Ltmp7:
0x124: {  	_ = 	snop;
	(pc) =	sbr.rel @!p2 .LBB2_11-.Ltmp7, $4  }
0x125: {  	_ =	swait.ge [sflag:s24], $0x2700  }
0x126: {  	[sflag:s24] =	ssyncset.done $0x0  }
0x127: {  	s9 =	rddreg [dreg:$0x3];
	[sflag:s24] =	ssyncadd.s32 $0xFFFFD900  }
0x128: {  	_ = 	snop  }
.LBB2_9:
0x129: {  	s10 =	rddreg [dreg:$0x9]  }
0x12a: {  	[hbm:s10], [sflag:s8] =	dma.local [spmem:s9], $0x2700  }
.Ltmp8:
0x12b: {  	_ = 	snop;
	(pc) =	sbr.rel @p1 .LBB2_11-.Ltmp8, $4  }
.Ltmp9:
0x12c: {  	_ = 	snop;
	(pc) =	sbr.rel @!p1 .LBB2_10-.Ltmp9, $4  }
0x12d: {  	_ =	swait.ge [sflag:s24], $0x2700  }
0x12e: {  	[sflag:s24] =	ssyncset.done $0x0  }
0x12f: {  	s9 =	rddreg [dreg:$0x4];
	[sflag:s24] =	ssyncadd.s32 $0xFFFFD900  }
0x130: {  	_ = 	snop  }
.LBB2_12:
0x131: {  	_ =	sfence.sel $0x180000  }
0x132: {  	[bflag:$0x0] =	sbarrier.arrive $0xFFFF  }
0x133: {  	_ =	strace $0x9000004A  }
0x134: {  	s0 =	stileid.u32;
	[bflag:$0x2] =	sbarrier.arrive $0xFFFF  }
0x135: {  	p0 =	sne.s32 s0, $0x0;
	s0 =	rddreg [dreg:$0x2]  }
0x136: {  	s0 =	sadd.s32 @!p0 $0x100000, s0  }
0x137: {  	[sflag:s0] =	ssyncadd.tile.s32 @!p0 $0x1;
	_ =	shalt  }
.Lfunc_end2:
_tile_overlayer_lowered:
.L_overlay_start_2:
0x138: {  	(tag) =	ssettag $0x2  }
0x139: {  	s0 =	rddreg [dreg:$0x0];
	s2 =	stileid.u32  }
0x13a: {  	s1 =	rddreg [dreg:$0x1];
	p0 =	sne.s32 s2, $0x0  }
0x13b: {  	s3 =	rddreg [dreg:$0x2];
	[bflag:$0x3] =	sbarrier.arrive $0xFFFF;
	s2 =	simm.s32 @!p0 $0x1C07  }
0x13c: {  	[timem:s3], [sflag:s2] =	dma.local @!p0 [hbm:s0], s1  }
0x13d: {  	s0 =	simm.s32 @!p0 $0x7  }
0x13e: {  	_ =	swait.ge @!p0 [sflag:s0], s1  }
0x13f: {  	s1 =	ssub.s32 @!p0 $0x0, s1;
	[sflag:s0] =	ssyncset.done @!p0 $0x0  }
0x140: {  	[sflag:s0] =	ssyncadd.s32 @!p0 s1  }
0x141: {  	[bflag:$0x3] =	sbarrier.arrive $0xFFFF  }
0x142: {  	_ =	shalt  }

// kernel: kernel.7.cloned.1.call-start
scs
__scs_entry_jumppad:
0x0: {  	(pc) =	sbr.rel $0x88, $3  }
0x1: {  	(tag) =	ssettag $0x0;
	lr =	simm.s32 $0x1  }
0x2: {  	[smem:$0x3F98] =	sst lr;
	_ =	strace $0xD0000000  }
0x3: {  	_ = 	snop  }
0x4: {  	_ = 	snop  }
0x5: {  	_ = 	snop  }
0x6: {  	_ = 	snop  }
0x7: {  	_ = 	snop  }
__scs_overlays_trampoline_lowered:
0x8: {  	[smem:$0x3FA7] =	sst s0  }
0x9: {  	[smem:$0x3FA8] =	sst s1  }
0xa: {  	[smem:$0x3FA9] =	sst s2  }
0xb: {  	[smem:$0x3FAA] =	sst s3  }
0xc: {  	[smem:$0x3FAB] =	sst s4  }
0xd: {  	[smem:$0x3FAC] =	sst s5  }
0xe: {  	[smem:$0x3FAD] =	sst s6  }
0xf: {  	[smem:$0x3FAE] =	sst s7  }
0x10: {  	[smem:$0x3FAF] =	sst s8  }
0x11: {  	[smem:$0x3FB0] =	sst s9;
	s0 =	simm.s32 @!p0 $0x0  }
0x12: {  	s1 =	sld [smem:$0x3F96];
	s0 =	simm.s32 @p0 $0x1  }
0x13: {  	[smem:$0x3FB1] =	sst s0;
	s0 =	simm.s32 @!p1 $0x0  }
0x14: {  	s2 =	sld [smem:$0x3F95];
	s0 =	simm.s32 @p1 $0x1  }
0x15: {  	[smem:$0x3FB2] =	sst s0;
	s0 =	simm.s32 @!p2 $0x0  }
0x16: {  	s3 =	sld [smem:$0x3FDB];
	s0 =	simm.s32 @p2 $0x1  }
0x17: {  	s4 =	simm.s32 $0x1BF5;
	[smem:$0x3FB4] =	sst s0  }
0x18: {  	s0 =	sld [smem:$0x3F97];
	_ =	swait.ge [sflag:s4], $0x0  }
0x19: {  	s7 =	sld [smem:$0x3F98]  }
0x1a: {  	s8 =	sadd.s32 $0xFFFFE003, lr  }
0x1b: {  	s9 =	sadd.s32 $0xFFFFFEF7, lr;
	s5 =	simm.s32 $0xFFFFFFFF;
	p2 =	slt.u32 s8, $0xFFFFF086  }
0x1c: {  	p1 =	slt.u32 s9, $0xF7A;
	s5 =	simm.s32 @!p2 $0x0  }
0x1d: {  	s5 =	simm.s32 @p1 $0x1;
	p0 =	seq.s32 s7, s2  }
0x1e: {  	s7 =	smul.u32 @!p0 $0xF7A, s2;
	p2 =	seq.s32 @!p0 s5, $0x0  }
0x1f: {  	s9 =	smul.u32 $0xF7A, s1;
	s8 =	simm.s32 @!p0 $0x1BF5;
	p2 =	por !p2, p0  }
0x20: {  	[sflag:s8] =	ssyncset.s32 @!p0 $0xFFFFF086;
	s6 =	sadd.s32 @!p0 s3, s7;
	s7 =	simm.s32 @!p0 $0x108  }
0x21: {  	s3 =	sadd.s32 s3, s9;
	s6 =	sadd.s32 @!p0 $0x88, s6;
	s7 =	simm.s32 @p2 $0x1082  }
0x22: {  	[simem:s7], [sflag:s8] =	dma.local @!p0 [hbm:s6], $0xF7A  }
0x23: {  	s9 =	sor.u32 $0xD0000000, s2;
	s6 =	simm.s32 $0x108;
	_ =	swait.ge @!p0 [sflag:s8], $0x0  }
0x24: {  	s3 =	sadd.s32 $0x88, s3;
	s6 =	simm.s32 @!p1 $0x1082;
	[sflag:s4] =	ssyncset.s32 $0xFFFFF086  }
0x25: {  	[simem:s6], [sflag:s4] =	dma.local [hbm:s3], $0xF7A  }
0x26: {  	[smem:$0x3F98] =	sst s1;
	(tag) =	ssettag s2;
	_ =	strace s9  }
0x27: {  	s1 =	sld [smem:$0x3FA8]  }
0x28: {  	s2 =	sld [smem:$0x3FA9]  }
0x29: {  	s4 =	sld [smem:$0x3FAB]  }
0x2a: {  	p0 =	seq.s32 s5, $0x0;
	s5 =	sld [smem:$0x3FAC]  }
0x2b: {  	s6 =	sld [smem:$0x3FAD]  }
0x2c: {  	s7 =	sld [smem:$0x3FAE]  }
0x2d: {  	s3 =	simm.s32 $0x108;
	s8 =	sld [smem:$0x3FAF]  }
0x2e: {  	s3 =	simm.s32 @!p0 $0x1082;
	s9 =	sld [smem:$0x3FB0]  }
0x2f: {  	lr =	sadd.s32 s0, s3;
	s0 =	sld [smem:$0x3FA7]  }
0x30: {  	s3 =	sld [smem:$0x3FAA]  }
0x31: {  	[smem:$0x3FB3] =	sst s10  }
0x32: {  	s10 =	sld [smem:$0x3FB1];
	_ =	sdelay $0x3  }
0x33: {  	p0 =	seq.s32 s10, $0x1;
	s10 =	sld [smem:$0x3FB3];
	_ =	sdelay $0x3  }
0x34: {  	[smem:$0x3FB3] =	sst s10  }
0x35: {  	s10 =	sld [smem:$0x3FB2];
	_ =	sdelay $0x3  }
0x36: {  	p1 =	seq.s32 s10, $0x1;
	s10 =	sld [smem:$0x3FB3];
	_ =	sdelay $0x3  }
0x37: {  	[smem:$0x3FB3] =	sst s10  }
0x38: {  	s10 =	sld [smem:$0x3FB4]  }
0x39: {  	_ = 	snop;
	(pc) =	sbr.ind lr, $3  }
0x3a: {  	_ = 	snop  }
0x3b: {  	_ = 	snop  }
0x3c: {  	p2 =	seq.s32 s10, $0x1;
	s10 =	sld [smem:$0x3FB3]  }
0x3d: {  	_ =	shalt  }
0x3e: {  	_ =	shalt  }
0x3f: {  	_ =	shalt  }
0x40: {  	_ =	shalt  }
0x41: {  	_ =	shalt  }
0x42: {  	_ =	shalt  }
0x43: {  	_ =	shalt  }
0x44: {  	_ =	shalt  }
0x45: {  	_ =	shalt  }
0x46: {  	_ =	shalt  }
0x47: {  	_ =	shalt  }
0x48: {  	_ =	shalt  }
0x49: {  	_ =	shalt  }
0x4a: {  	_ =	shalt  }
0x4b: {  	_ =	shalt  }
0x4c: {  	_ =	shalt  }
0x4d: {  	_ =	shalt  }
0x4e: {  	_ =	shalt  }
0x4f: {  	_ =	shalt  }
0x50: {  	_ =	shalt  }
0x51: {  	_ =	shalt  }
0x52: {  	_ =	shalt  }
0x53: {  	_ =	shalt  }
0x54: {  	_ =	shalt  }
0x55: {  	_ =	shalt  }
0x56: {  	_ =	shalt  }
0x57: {  	_ =	shalt  }
0x58: {  	_ =	shalt  }
0x59: {  	_ =	shalt  }
0x5a: {  	_ =	shalt  }
0x5b: {  	_ =	shalt  }
0x5c: {  	_ =	shalt  }
0x5d: {  	_ =	shalt  }
0x5e: {  	_ =	shalt  }
0x5f: {  	_ =	shalt  }
0x60: {  	_ =	shalt  }
0x61: {  	_ =	shalt  }
0x62: {  	_ =	shalt  }
0x63: {  	_ =	shalt  }
0x64: {  	_ =	shalt  }
0x65: {  	_ =	shalt  }
0x66: {  	_ =	shalt  }
0x67: {  	_ =	shalt  }
0x68: {  	_ =	shalt  }
0x69: {  	_ =	shalt  }
0x6a: {  	_ =	shalt  }
0x6b: {  	_ =	shalt  }
0x6c: {  	_ =	shalt  }
0x6d: {  	_ =	shalt  }
0x6e: {  	_ =	shalt  }
0x6f: {  	_ =	shalt  }
0x70: {  	_ =	shalt  }
0x71: {  	_ =	shalt  }
0x72: {  	_ =	shalt  }
0x73: {  	_ =	shalt  }
0x74: {  	_ =	shalt  }
0x75: {  	_ =	shalt  }
0x76: {  	_ =	shalt  }
0x77: {  	_ =	shalt  }
0x78: {  	_ =	shalt  }
0x79: {  	_ =	shalt  }
0x7a: {  	_ =	shalt  }
0x7b: {  	_ =	shalt  }
0x7c: {  	_ =	shalt  }
0x7d: {  	_ =	shalt  }
0x7e: {  	_ =	shalt  }
0x7f: {  	_ =	shalt  }
0x80: {  	_ =	shalt  }
0x81: {  	_ =	shalt  }
0x82: {  	_ =	shalt  }
0x83: {  	_ =	shalt  }
0x84: {  	_ =	shalt  }
0x85: {  	_ =	shalt  }
0x86: {  	_ =	shalt  }
0x87: {  	_ =	shalt  }
.Lfunc_end0:
.L_simem_size_0:
called_computation_lowered:
.L_overlay_start_0:
0x88: {  	s2 =	sld [smem:$0x3FD9]  }
0x89: {  	s3 =	sld [smem:$0x3FFE];
	_ =	sdelay $0x1  }
0x8a: {  	s1 =	srdreg.scid  }
0x8b: {  	s0 =	sand.u32 $0x1, s1  }
0x8c: {  	s16 =	sshll.u32 s0, $0xA;
	s2 =	sadd.s32 s3, s2  }
0x8d: {  	s2 =	sadd.s32 s2, s16  }
0x8e: {  	[smem:$0x3FBF] =	sst s2  }
0x8f: {  	_ = 	snop  }
0x90: {  	(tm) =	ssettm $0x1  }
0x91: {  	s17 =	sld [smem:$0x3FFB];
	_ =	sdelay $0x3  }
0x92: {  	_ =	strace s17  }
0x93: {  	s2 =	sld [smem:$0x3FFC];
	_ =	sdelay $0x3  }
0x94: {  	_ =	strace s2  }
0x95: {  	s2 =	sld [smem:$0x3FFD];
	_ =	sdelay $0x3  }
0x96: {  	_ =	strace s2  }
0x97: {  	_ =	strace $0x8FFFFFFF  }
0x98: {  	s18 =	sld [smem:$0x3FDB];
	_ =	sdelay $0x1  }
0x99: {  	s19 =	simm.s32 $_scs_section_size  }
0x9a: {  	s4 =	simm.s32 $_size__tile_overlayer_lowered;
	s5 =	simm.s32 $_tile_overlayer_lowered  }
0x9b: {  	s22 =	simm.s32 $0x1BFF;
	s21 =	sshll.u32 s5, $0x1;
	s2 =	sadd.s32 s19, s18  }
0x9c: {  	s6 =	simm.s32 $0x0;
	s20 =	sshll.u32 s4, $0x1;
	s4 =	sadd.s32 s21, s2  }
0x9d: {  	[timem:s6], [sflag:s22] =	dma.local [hbm:s4], s20  }
0x9e: {  	_ =	swait.ge [sflag:s22], s20  }
0x9f: {  	s3 =	ssub.s32 $0x0, s20;
	[sflag:s22] =	ssyncset.done $0x0  }
0xa0: {  	[sflag:s22] =	ssyncadd.s32 s3;
	_ =	sdelay $0x1  }
0xa1: {  	s23 =	simm.s32 $0x1B8B  }
0xa2: {  	_ =	swait.ge [sflag:s23], $0x1  }
0xa3: {  	[sflag:s23] =	ssyncset.done $0x0  }
0xa4: {  	s25 =	simm.s32 $0x1B8E;
	s24 =	sld [smem:$0x3FFE];
	[sflag:s23] =	ssyncadd.s32 $0xFFFFFFFF  }
0xa5: {  	s26 =	simm.s32 $execute0_lowered;
	[smem:$0x3FD2] =	sst s25  }
0xa6: {  	s4 =	sshll.u32 s26, $0x1;
	_ =	strace $0x80000046;
	[dreg:$0x1] =	wrdreg $0xFFFFFFFF  }
0xa7: {  	s28 =	simm.s32 $_size_execute0_lowered;
	s2 =	sadd.s32 s2, s4;
	[dreg:$0x0] =	wrdreg $0x0  }
0xa8: {  	s4 =	sshll.u32 s28, $0x1;
	[dreg:$0x2] =	wrdreg s2  }
0xa9: {  	[dreg:$0x3] =	wrdreg s4  }
0xaa: {  	[dreg:$0x4] =	wrdreg $0xC0  }
0xab: {  	_ =	task [dreg:s6], $0x5FFFF  }
0xac: {  	[dreg:$0x1] =	wrdreg $0xFFFFFFFF  }
0xad: {  	[dreg:$0x0] =	wrdreg $0x60  }
0xae: {  	[dreg:$0x2] =	wrdreg s24  }
0xaf: {  	[dreg:$0x3] =	wrdreg $0x0  }
0xb0: {  	[dreg:$0x4] =	wrdreg $0x9  }
0xb1: {  	_ =	task.clear_ibuf [dreg:s6], $0x5FFFF;
	_ =	strace $0x90000046  }
0xb2: {  	s29 =	simm.s32 $0x9;
	_ =	strace $0x80000048  }
0xb3: {  	_ =	swait.ge [sflag:s29], $0x1  }
0xb4: {  	[sflag:s29] =	ssyncadd.s32 $0xFFFFFFFF  }
0xb5: {  	_ =	strace $0x90000048  }
0xb6: {  	_ =	sfence  }
0xb7: {  	s30 =	sld [smem:$0x0];
	_ =	sdelay $0x2  }
0xb8: {  	s31 =	sshll.u32 s1, $0xD;
	s1 =	sshrl.u32 s1, $0x2  }
0xb9: {  	s3 =	sand.u32 $0x4000, s31;
	s1 =	sadd.s32 s1, s30  }
0xba: {  	s0 =	sor.u32 s3, s0;
	s1 =	sshll.u32 s1, $0x11  }
0xbb: {  	s0 =	sor.u32 s1, s0  }
0xbc: {  	s0 =	sadd.s32 $0x8F2B, s0  }
0xbd: {  	[sflag:s0] =	ssyncadd.remote.s32 $0x1  }
0xbe: {  	_ =	sfence.sel $0xFFFF  }
0xbf: {  	[dreg:$0x0] =	wrdreg $0xFFFFFFFF;
	(pc) =	sbr.abs _section_cstart, $3  }
0xc0: {  	[dreg:$0x1] =	wrdreg $0xFFFFFFFF  }
0xc1: {  	_ =	task.clear_ibuf [dreg:s6], $0x2FFFF;
	_ =	strace $0x9FFFFFFF  }
0xc2: {  	(tm) =	ssettm $0x7FFFFFFF  }
0xc3: {  	_ =	shalt  }
tec
execute0_lowered:
.L_overlay_start_1:
0x0: {  	(tag) =	ssettag $0x1  }
0x1: {  	s0 =	rddreg [dreg:$0x0]  }
0x2: {  	s1 =	rddreg [dreg:$0x1]  }
0x3: {  	s2 =	simm.s32 $0x0;
	s17 =	srdreg.scid;
	s9 =	stileid.u32  }
0x4: {  	s28 =	simm.s32 $0x16080;
	s29 =	simm.s32 $0x50;
	s30 =	simm.s32 $0x1B100  }
0x5: {  	s31 =	simm.s32 $0x1B180;
	[smem:$0x7FF] =	sst s2;
	s3 =	sadd.s32 $0x3800, s0  }
0x6: {  	s2 =	sand.u32 $0x1, s17;
	s4 =	smul.u32 $0x4E000, s9;
	s5 =	sadd.s32 $0xB800, s0  }
0x7: {  	s10 =	sadd.s32 $0xAFE00, s0;
	s19 =	sadd.s32 $0xD7000, s0;
	s8 =	sshll.u32 s9, $0xB  }
0x8: {  	s16 =	sadd.s32 $0x138000, s1;
	s24 =	smul.u32 $0x2700, s9;
	p1 =	sne.s32 s9, $0xF  }
0x9: {  	p2 =	seq.s32 s9, $0xF;
	_ =	strace $0x80000047;
	s6 =	ssub.s32 $0x2, s2  }
0xa: {  	s18 =	sadd.s32 s3, s8;
	s20 =	sadd.s32 s5, s8;
	[dreg:$0x4] =	wrdreg s19  }
0xb: {  	s23 =	sor.u32 $0x400, s8;
	p0 =	seq.s32 s2, $0x0;
	[dreg:$0x3] =	wrdreg s10  }
0xc: {  	s7 =	sshrl.u32 s6, $0x1;
	s4 =	sshrl.u32 s4, $0x2;
	[dreg:$0x5] =	wrdreg s18  }
0xd: {  	[dreg:$0x6] =	wrdreg s20;
	s17 =	sadd.s32 s3, s23;
	s3 =	simm.s32 $0x13800  }
0xe: {  	s18 =	sadd.s32 s5, s23;
	s25 =	sadd.s32 s19, s24;
	s26 =	sadd.s32 s10, s24  }
0xf: {  	s23 =	simm.s32 $0x1B080;
	s24 =	simm.s32 $0x7;
	s19 =	simm.s32 $0x1  }
0x10: {  	s20 =	simm.s32 $0x2;
	s5 =	simm.s32 $0x3;
	s7 =	ssub.s32 s6, s7  }
0x11: {  	s6 =	sadd.s32 s4, s1;
	[dreg:$0x9] =	wrdreg s25;
	s3 =	simm.s32 @!p0 $0x3AA00  }
0x12: {  	[dreg:$0xa] =	wrdreg s26;
	p0 =	sne.s32 s2, $0x0;
	s25 =	simm.s32 $0x1D080  }
0x13: {  	s26 =	simm.s32 $0x13880;
	s4 =	simm.s32 $0x4;
	s2 =	simm.s32 $0x5  }
.Ltmp0:
0x14: {  	s21 =	sadd.s32 $0x2800, s6;
	s22 =	sadd.s32 $0x5000, s6;
	(pc) =	sbr.rel .LBB2_1-.Ltmp0, $4  }
0x15: {  	s11 =	sadd.s32 $0x7800, s6;
	s12 =	sadd.s32 $0xA000, s6;
	s13 =	sadd.s32 $0xC800, s6  }
0x16: {  	s14 =	sadd.s32 $0xF000, s6;
	s15 =	sadd.s32 $0x11800, s6;
	[dreg:$0x7] =	wrdreg s21  }
0x17: {  	[dreg:$0x8] =	wrdreg s22;
	s21 =	smax.u32 s7, $0x1;
	s22 =	sadd.s32 s3, s0  }
0x18: {  	v0 =	vimm.f32 $0.0e+00;
	s0 =	simm.s32 $0x18880;
	s3 =	simm.s32 $0x6;
	s7 =	simm.s32 $0x0  }
.LBB2_10:
0x19: {  	s9 =	sadd.s32 $0x27000, s9;
	s10 =	sshrl.u32 s16, $0x3  }
0x1a: {  	[hbm:s9], [sflag:s8] =	dma.local [spmem:s10], $0x100  }
0x1b: {  	_ =	swait.ge [sflag:s24], $0x100  }
0x1c: {  	[sflag:s24] =	ssyncset.done $0x0  }
0x1d: {  	[sflag:s24] =	ssyncadd.s32 $0xFFFFFF00  }
.LBB2_11:
0x1e: {  	s7 =	sadd.s32 $0x1, s7  }
0x1f: {  	p3 =	sne.s32 s7, s21  }
.Ltmp1:
0x20: {  	_ = 	snop;
	(pc) =	sbr.rel @!p3 .LBB2_12-.Ltmp1, $1  }
0x21: {  	_ =	sdelay $0x3  }
.LBB2_1:
0x22: {  	s8 =	simm.s32 $0x0;
	s9 =	rddreg [dreg:$0x5]  }
0x23: {  	[tilespmem:s23], [sflag:$0x7] =	stream.linear.gather [hbm4b:s9+s8], $0x2000, $0x38;
	[tilespmem:$0x1F080] =	vst v63  }
0x24: {  	_ =	swait.ge [sflag:s24], $0x2000  }
0x25: {  	[sflag:s24] =	ssyncset.done $0x0  }
0x26: {  	s10 =	rddreg [dreg:$0x6];
	[sflag:s24] =	ssyncadd.s32 $0xFFFFE000  }
0x27: {  	[tilespmem:s25], [sflag:$0x7] =	stream.linear.gather [hbm4b:s10+s8], $0x2000, $0x38;
	[tilespmem:$0x1F080] =	vst v63  }
0x28: {  	_ =	swait.ge [sflag:s24], $0x2000  }
0x29: {  	[sflag:s24] =	ssyncset.done $0x0  }
0x2a: {  	s9 =	simm.s32 $0x200;
	s8 =	simm.s32 $0x0;
	[sflag:s24] =	ssyncadd.s32 $0xFFFFE000  }
.LBB2_2:
0x2b: {  	p3 =	sne.s32 s9, $0x9E00;
	[tilespmem:s8+$0x160F0] =	vst v0  }
0x2c: {  	[tilespmem:s8+$0x13880] =	vst v0  }
0x2d: {  	[tilespmem:s8+$0x16080] =	vst v0  }
0x2e: {  	[tilespmem:s8+$0x13890] =	vst v0  }
0x2f: {  	[tilespmem:s8+$0x16090] =	vst v0  }
0x30: {  	[tilespmem:s8+$0x138A0] =	vst v0  }
0x31: {  	[tilespmem:s8+$0x160A0] =	vst v0  }
0x32: {  	[tilespmem:s8+$0x138B0] =	vst v0  }
0x33: {  	[tilespmem:s8+$0x160B0] =	vst v0  }
0x34: {  	[tilespmem:s8+$0x138C0] =	vst v0  }
0x35: {  	[tilespmem:s8+$0x160C0] =	vst v0  }
.Ltmp2:
0x36: {  	[tilespmem:s8+$0x138D0] =	vst v0;
	(pc) =	sbr.rel @p3 .LBB2_2-.Ltmp2, $4  }
0x37: {  	[tilespmem:s8+$0x160D0] =	vst v0  }
0x38: {  	[tilespmem:s8+$0x138E0] =	vst v0  }
0x39: {  	[tilespmem:s8+$0x160E0] =	vst v0  }
0x3a: {  	[tilespmem:s8+$0x138F0] =	vst v0;
	s8 =	sshra.s32 s9, $0x2;
	s9 =	sadd.s32 $0x200, s9  }
0x3b: {  	[tilespmem:s8+$0x160F0] =	vst v0  }
0x3c: {  	[tilespmem:s8+$0x13880] =	vst v0  }
0x3d: {  	[tilespmem:s8+$0x16080] =	vst v0  }
0x3e: {  	[tilespmem:s8+$0x13890] =	vst v0  }
0x3f: {  	[tilespmem:s8+$0x16090] =	vst v0  }
0x40: {  	[tilespmem:s8+$0x138A0] =	vst v0  }
0x41: {  	[tilespmem:s8+$0x160A0] =	vst v0  }
0x42: {  	[tilespmem:s8+$0x138B0] =	vst v0  }
0x43: {  	[tilespmem:s8+$0x160B0] =	vst v0  }
0x44: {  	[tilespmem:s8+$0x138C0] =	vst v0  }
0x45: {  	[tilespmem:s8+$0x160C0] =	vst v0  }
0x46: {  	[tilespmem:s8+$0x138D0] =	vst v0  }
0x47: {  	[tilespmem:s8+$0x160D0] =	vst v0  }
0x48: {  	[tilespmem:s8+$0x138E0] =	vst v0  }
0x49: {  	[tilespmem:s8+$0x160E0] =	vst v0  }
0x4a: {  	[tilespmem:s8+$0x138F0] =	vst v0  }
0x4b: {  	[spmem:s6] =	stream.linear.scatter [tilespmem:s26], [sflag:$0x7], $0x2800, $0x38;
	[tilespmem:$0x1F080] =	vst v63  }
0x4c: {  	_ =	swait.ge [sflag:s24], $0x2800  }
0x4d: {  	[sflag:s24] =	ssyncset.done $0x0  }
0x4e: {  	s10 =	rddreg [dreg:$0x7];
	[sflag:s24] =	ssyncadd.s32 $0xFFFFD800  }
0x4f: {  	[spmem:s10] =	stream.linear.scatter [tilespmem:s28], [sflag:$0x7], $0x2800, $0x38;
	[tilespmem:$0x1F080] =	vst v63  }
0x50: {  	_ =	swait.ge [sflag:s24], $0x2800  }
0x51: {  	[sflag:s24] =	ssyncset.done $0x0  }
0x52: {  	s9 =	rddreg [dreg:$0x8];
	[sflag:s24] =	ssyncadd.s32 $0xFFFFD800  }
0x53: {  	[spmem:s9] =	stream.linear.scatter [tilespmem:s26], [sflag:$0x7], $0x2800, $0x38;
	[tilespmem:$0x1F080] =	vst v63  }
0x54: {  	_ =	swait.ge [sflag:s24], $0x2800  }
0x55: {  	[sflag:s24] =	ssyncset.done $0x0  }
0x56: {  	[sflag:s24] =	ssyncadd.s32 $0xFFFFD800  }
0x57: {  	[spmem:s11] =	stream.linear.scatter [tilespmem:s28], [sflag:$0x7], $0x2800, $0x38;
	[tilespmem:$0x1F080] =	vst v63  }
0x58: {  	_ =	swait.ge [sflag:s24], $0x2800  }
0x59: {  	[sflag:s24] =	ssyncset.done $0x0  }
0x5a: {  	[sflag:s24] =	ssyncadd.s32 $0xFFFFD800  }
0x5b: {  	[spmem:s12] =	stream.linear.scatter [tilespmem:s26], [sflag:$0x7], $0x2800, $0x38;
	[tilespmem:$0x1F080] =	vst v63  }
0x5c: {  	_ =	swait.ge [sflag:s24], $0x2800  }
0x5d: {  	[sflag:s24] =	ssyncset.done $0x0  }
0x5e: {  	[sflag:s24] =	ssyncadd.s32 $0xFFFFD800  }
0x5f: {  	[spmem:s13] =	stream.linear.scatter [tilespmem:s28], [sflag:$0x7], $0x2800, $0x38;
	[tilespmem:$0x1F080] =	vst v63  }
0x60: {  	_ =	swait.ge [sflag:s24], $0x2800  }
0x61: {  	[sflag:s24] =	ssyncset.done $0x0  }
0x62: {  	[sflag:s24] =	ssyncadd.s32 $0xFFFFD800  }
0x63: {  	[spmem:s14] =	stream.linear.scatter [tilespmem:s26], [sflag:$0x7], $0x2800, $0x38;
	[tilespmem:$0x1F080] =	vst v63  }
0x64: {  	_ =	swait.ge [sflag:s24], $0x2800  }
0x65: {  	[sflag:s24] =	ssyncset.done $0x0  }
0x66: {  	[sflag:s24] =	ssyncadd.s32 $0xFFFFD800  }
0x67: {  	[spmem:s15] =	stream.linear.scatter [tilespmem:s28], [sflag:$0x7], $0x2000, $0x38;
	[tilespmem:$0x1F080] =	vst v63  }
0x68: {  	_ =	swait.ge [sflag:s24], $0x2000  }
0x69: {  	[sflag:s24] =	ssyncset.done $0x0  }
0x6a: {  	s8 =	simm.s32 @!p1 $0x13880;
	[sflag:s24] =	ssyncadd.s32 $0xFFFFE000  }
0x6b: {  	[spmem:s16] =	stream.linear.scatter @!p1 [tilespmem:s8], [sflag:$0x7], $0x800, $0x38;
	[tilespmem:$0x1F080] =	vst v63  }
0x6c: {  	s8 =	simm.s32 @!p1 $0x7  }
0x6d: {  	_ =	swait.ge @!p1 [sflag:s8], $0x800  }
0x6e: {  	[sflag:s8] =	ssyncset.done @!p1 $0x0  }
0x6f: {  	[sflag:s8] =	ssyncadd.s32 @!p1 $0xFFFFF800  }
0x70: {  	[bflag:$0x0] =	sbarrier.arrive $0xFFFF  }
0x71: {  	[tilespmem:s26], [sflag:$0x1] =	stream.indirect.gather [hbm4b:s22+s29], $0x80, s23, s29, $0xb8;
	[tilespmem:$0x1F080] =	vst v63  }
0x72: {  	_ = 	snop  }
0x73: {  	[tilespmem:s28], [sflag:$0x2] =	stream.indirect.gather [hbm4b:s22+s29], $0x80, s30, s29, $0xb8;
	[tilespmem:$0x1F080] =	vst v63  }
0x74: {  	_ = 	snop  }
0x75: {  	[tilespmem:s0], [sflag:$0x3] =	stream.indirect.gather [hbm4b:s22+s29], $0x80, s31, s29, $0xb8;
	[tilespmem:$0x1F080] =	vst v63  }
0x76: {  	_ =	swait.ge [sflag:s19], $0x2800  }
0x77: {  	[sflag:s19] =	ssyncset.done $0x0  }
0x78: {  	[sflag:s19] =	ssyncadd.s32 $0xFFFFD800  }
0x79: {  	[spmem:s1] =	stream.indirect.scatter.add.f32 [tilespmem:s26], [sflag:$0x4], $0x80, s25, s29, $0xb8;
	[tilespmem:$0x1F080] =	vst v63  }
0x7a: {  	_ =	swait.ge [sflag:s20], $0x2800  }
0x7b: {  	[sflag:s20] =	ssyncset.done $0x0  }
0x7c: {  	s10 =	simm.s32 $0x1D100;
	[sflag:s20] =	ssyncadd.s32 $0xFFFFD800  }
0x7d: {  	[spmem:s1] =	stream.indirect.scatter.add.f32 [tilespmem:s28], [sflag:$0x5], $0x80, s10, s29, $0xb8;
	[tilespmem:$0x1F080] =	vst v63  }
0x7e: {  	_ =	swait.ge [sflag:s4], $0x2800  }
0x7f: {  	[sflag:s4] =	ssyncset.done $0x0  }
0x80: {  	s9 =	simm.s32 $0x1B200;
	[sflag:s4] =	ssyncadd.s32 $0xFFFFD800  }
0x81: {  	[tilespmem:s26], [sflag:$0x1] =	stream.indirect.gather [hbm4b:s22+s29], $0x80, s9, s29, $0xb8;
	[tilespmem:$0x1F080] =	vst v63  }
0x82: {  	_ =	swait.ge [sflag:s5], $0x2800  }
0x83: {  	[sflag:s5] =	ssyncset.done $0x0  }
0x84: {  	s10 =	simm.s32 $0x1D180;
	[sflag:s5] =	ssyncadd.s32 $0xFFFFD800  }
0x85: {  	[spmem:s1] =	stream.indirect.scatter.add.f32 [tilespmem:s0], [sflag:$0x6], $0x80, s10, s29, $0xb8;
	[tilespmem:$0x1F080] =	vst v63  }
0x86: {  	_ =	swait.ge [sflag:s2], $0x2800  }
0x87: {  	[sflag:s2] =	ssyncset.done $0x0  }
0x88: {  	s9 =	simm.s32 $0x1B280;
	[sflag:s2] =	ssyncadd.s32 $0xFFFFD800  }
0x89: {  	[tilespmem:s28], [sflag:$0x2] =	stream.indirect.gather [hbm4b:s22+s29], $0x80, s9, s29, $0xb8;
	[tilespmem:$0x1F080] =	vst v63  }
0x8a: {  	_ =	swait.ge [sflag:s19], $0x2800  }
0x8b: {  	[sflag:s19] =	ssyncset.done $0x0  }
0x8c: {  	s10 =	simm.s32 $0x1D200;
	[sflag:s19] =	ssyncadd.s32 $0xFFFFD800  }
0x8d: {  	[spmem:s1] =	stream.indirect.scatter.add.f32 [tilespmem:s26], [sflag:$0x4], $0x80, s10, s29, $0xb8;
	[tilespmem:$0x1F080] =	vst v63  }
0x8e: {  	_ =	swait.ge [sflag:s3], $0x2800  }
0x8f: {  	[sflag:s3] =	ssyncset.done $0x0  }
0x90: {  	s8 =	simm.s32 $0x600;
	s9 =	simm.s32 $0x1B300;
	[sflag:s3] =	ssyncadd.s32 $0xFFFFD800  }
.LBB2_4:
0x91: {  	[tilespmem:s0], [sflag:$0x3] =	stream.indirect.gather [hbm4b:s22+s29], $0x80, s9, s29, $0xb8;
	[tilespmem:$0x1F080] =	vst v63  }
0x92: {  	s9 =	smov.u32 s8  }
0x93: {  	p3 =	sne.s32 s8, $0x7200;
	s8 =	sadd.s32 $0x600, s8;
	_ =	swait.ge [sflag:s20], $0x2800  }
0x94: {  	s9 =	sshra.s32 s9, $0x2;
	[sflag:s20] =	ssyncset.done $0x0  }
0x95: {  	s10 =	sadd.s32 $0x1D100, s9;
	[sflag:s20] =	ssyncadd.s32 $0xFFFFD800  }
0x96: {  	[spmem:s1] =	stream.indirect.scatter.add.f32 [tilespmem:s28], [sflag:$0x5], $0x80, s10, s29, $0xb8;
	[tilespmem:$0x1F080] =	vst v63  }
0x97: {  	_ =	swait.ge [sflag:s4], $0x2800  }
0x98: {  	[sflag:s4] =	ssyncset.done $0x0  }
0x99: {  	s10 =	sadd.s32 $0x1B200, s9;
	[sflag:s4] =	ssyncadd.s32 $0xFFFFD800  }
0x9a: {  	[tilespmem:s26], [sflag:$0x1] =	stream.indirect.gather [hbm4b:s22+s29], $0x80, s10, s29, $0xb8;
	[tilespmem:$0x1F080] =	vst v63  }
0x9b: {  	_ =	swait.ge [sflag:s5], $0x2800  }
0x9c: {  	[sflag:s5] =	ssyncset.done $0x0  }
0x9d: {  	s10 =	sadd.s32 $0x1D180, s9;
	[sflag:s5] =	ssyncadd.s32 $0xFFFFD800  }
0x9e: {  	[spmem:s1] =	stream.indirect.scatter.add.f32 [tilespmem:s0], [sflag:$0x6], $0x80, s10, s29, $0xb8;
	[tilespmem:$0x1F080] =	vst v63  }
0x9f: {  	_ =	swait.ge [sflag:s2], $0x2800  }
0xa0: {  	[sflag:s2] =	ssyncset.done $0x0  }
0xa1: {  	s10 =	sadd.s32 $0x1B280, s9;
	[sflag:s2] =	ssyncadd.s32 $0xFFFFD800  }
0xa2: {  	[tilespmem:s28], [sflag:$0x2] =	stream.indirect.gather [hbm4b:s22+s29], $0x80, s10, s29, $0xb8;
	[tilespmem:$0x1F080] =	vst v63  }
0xa3: {  	_ =	swait.ge [sflag:s19], $0x2800  }
0xa4: {  	[sflag:s19] =	ssyncset.done $0x0  }
.Ltmp3:
0xa5: {  	s10 =	sadd.s32 $0x1D200, s9;
	[sflag:s19] =	ssyncadd.s32 $0xFFFFD800;
	(pc) =	sbr.rel @p3 .LBB2_4-.Ltmp3, $4  }
0xa6: {  	[spmem:s1] =	stream.indirect.scatter.add.f32 [tilespmem:s26], [sflag:$0x4], $0x80, s10, s29, $0xb8;
	[tilespmem:$0x1F080] =	vst v63  }
0xa7: {  	_ =	swait.ge [sflag:s3], $0x2800  }
0xa8: {  	[sflag:s3] =	ssyncset.done $0x0  }
0xa9: {  	s9 =	sadd.s32 $0x1B300, s9;
	[sflag:s3] =	ssyncadd.s32 $0xFFFFD800  }
0xaa: {  	[tilespmem:s0], [sflag:$0x3] =	stream.indirect.gather [hbm4b:s22+s29], $0x80, s9, s29, $0xb8;
	[tilespmem:$0x1F080] =	vst v63  }
0xab: {  	_ =	swait.ge [sflag:s20], $0x2800  }
0xac: {  	[sflag:s20] =	ssyncset.done $0x0  }
0xad: {  	s8 =	simm.s32 $0x1EF00;
	[sflag:s20] =	ssyncadd.s32 $0xFFFFD800  }
0xae: {  	[spmem:s1] =	stream.indirect.scatter.add.f32 [tilespmem:s28], [sflag:$0x5], $0x80, s8, s29, $0xb8;
	[tilespmem:$0x1F080] =	vst v63  }
0xaf: {  	_ =	swait.ge [sflag:s4], $0x2800  }
0xb0: {  	[sflag:s4] =	ssyncset.done $0x0  }
0xb1: {  	s10 =	simm.s32 $0x1D000;
	[sflag:s4] =	ssyncadd.s32 $0xFFFFD800  }
0xb2: {  	[tilespmem:s26], [sflag:$0x1] =	stream.indirect.gather [hbm4b:s22+s29], $0x80, s10, s29, $0xb8;
	[tilespmem:$0x1F080] =	vst v63  }
0xb3: {  	_ =	swait.ge [sflag:s5], $0x2800  }
0xb4: {  	[sflag:s5] =	ssyncset.done $0x0  }
0xb5: {  	s9 =	simm.s32 $0x1EF80;
	[sflag:s5] =	ssyncadd.s32 $0xFFFFD800  }
0xb6: {  	[spmem:s1] =	stream.indirect.scatter.add.f32 [tilespmem:s0], [sflag:$0x6], $0x80, s9, s29, $0xb8;
	[tilespmem:$0x1F080] =	vst v63  }
0xb7: {  	_ =	swait.ge [sflag:s19], $0x2800  }
0xb8: {  	[sflag:s19] =	ssyncset.done $0x0  }
0xb9: {  	s10 =	simm.s32 $0x1F000;
	[sflag:s19] =	ssyncadd.s32 $0xFFFFD800  }
0xba: {  	[spmem:s1] =	stream.indirect.scatter.add.f32 [tilespmem:s26], [sflag:$0x4], $0x80, s10, s29, $0xb8;
	[tilespmem:$0x1F080] =	vst v63  }
0xbb: {  	_ =	swait.ge [sflag:s4], $0x2800  }
0xbc: {  	[sflag:s4] =	ssyncset.done $0x0  }
0xbd: {  	[sflag:s4] =	ssyncadd.s32 $0xFFFFD800  }
0xbe: {  	_ =	swait.ge [sflag:s2], $0x2800  }
0xbf: {  	[sflag:s2] =	ssyncset.done $0x0  }
0xc0: {  	[sflag:s2] =	ssyncadd.s32 $0xFFFFD800  }
0xc1: {  	_ =	swait.ge [sflag:s3], $0x2800  }
0xc2: {  	[sflag:s3] =	ssyncset.done $0x0  }
0xc3: {  	s9 =	simm.s32 $0x0;
	[sflag:s3] =	ssyncadd.s32 $0xFFFFD800  }
0xc4: {  	[tilespmem:s23], [sflag:$0x7] =	stream.linear.gather [hbm4b:s17+s9], $0x1E80, $0x38;
	[tilespmem:$0x1F080] =	vst v63  }
0xc5: {  	_ =	swait.ge [sflag:s24], $0x1E80  }
0xc6: {  	[sflag:s24] =	ssyncset.done $0x0  }
0xc7: {  	[sflag:s24] =	ssyncadd.s32 $0xFFFFE180  }
0xc8: {  	[tilespmem:s25], [sflag:$0x7] =	stream.linear.gather [hbm4b:s18+s9], $0x1E80, $0x38;
	[tilespmem:$0x1F080] =	vst v63  }
0xc9: {  	_ =	swait.ge [sflag:s24], $0x1E80  }
0xca: {  	[sflag:s24] =	ssyncset.done $0x0  }
0xcb: {  	[sflag:s24] =	ssyncadd.s32 $0xFFFFE180  }
0xcc: {  	[tilespmem:s26], [sflag:$0x1] =	stream.indirect.gather [hbm4b:s22+s29], $0x80, s23, s29, $0xb8;
	[tilespmem:$0x1F080] =	vst v63  }
0xcd: {  	_ = 	snop  }
0xce: {  	[tilespmem:s28], [sflag:$0x2] =	stream.indirect.gather [hbm4b:s22+s29], $0x80, s30, s29, $0xb8;
	[tilespmem:$0x1F080] =	vst v63  }
0xcf: {  	_ = 	snop  }
0xd0: {  	[tilespmem:s0], [sflag:$0x3] =	stream.indirect.gather [hbm4b:s22+s29], $0x80, s31, s29, $0xb8;
	[tilespmem:$0x1F080] =	vst v63  }
0xd1: {  	_ =	swait.ge [sflag:s19], $0x2800  }
0xd2: {  	[sflag:s19] =	ssyncset.done $0x0  }
0xd3: {  	[sflag:s19] =	ssyncadd.s32 $0xFFFFD800  }
0xd4: {  	[spmem:s1] =	stream.indirect.scatter.add.f32 [tilespmem:s26], [sflag:$0x4], $0x80, s25, s29, $0xb8;
	[tilespmem:$0x1F080] =	vst v63  }
0xd5: {  	_ =	swait.ge [sflag:s20], $0x2800  }
0xd6: {  	[sflag:s20] =	ssyncset.done $0x0  }
0xd7: {  	s10 =	simm.s32 $0x1D100;
	[sflag:s20] =	ssyncadd.s32 $0xFFFFD800  }
0xd8: {  	[spmem:s1] =	stream.indirect.scatter.add.f32 [tilespmem:s28], [sflag:$0x5], $0x80, s10, s29, $0xb8;
	[tilespmem:$0x1F080] =	vst v63  }
0xd9: {  	_ =	swait.ge [sflag:s4], $0x2800  }
0xda: {  	[sflag:s4] =	ssyncset.done $0x0  }
0xdb: {  	s9 =	simm.s32 $0x1B200;
	[sflag:s4] =	ssyncadd.s32 $0xFFFFD800  }
0xdc: {  	[tilespmem:s26], [sflag:$0x1] =	stream.indirect.gather [hbm4b:s22+s29], $0x80, s9, s29, $0xb8;
	[tilespmem:$0x1F080] =	vst v63  }
0xdd: {  	_ =	swait.ge [sflag:s5], $0x2800  }
0xde: {  	[sflag:s5] =	ssyncset.done $0x0  }
0xdf: {  	s10 =	simm.s32 $0x1D180;
	[sflag:s5] =	ssyncadd.s32 $0xFFFFD800  }
0xe0: {  	[spmem:s1] =	stream.indirect.scatter.add.f32 [tilespmem:s0], [sflag:$0x6], $0x80, s10, s29, $0xb8;
	[tilespmem:$0x1F080] =	vst v63  }
0xe1: {  	_ =	swait.ge [sflag:s2], $0x2800  }
0xe2: {  	[sflag:s2] =	ssyncset.done $0x0  }
0xe3: {  	s9 =	simm.s32 $0x1B280;
	[sflag:s2] =	ssyncadd.s32 $0xFFFFD800  }
0xe4: {  	[tilespmem:s28], [sflag:$0x2] =	stream.indirect.gather [hbm4b:s22+s29], $0x80, s9, s29, $0xb8;
	[tilespmem:$0x1F080] =	vst v63  }
0xe5: {  	_ =	swait.ge [sflag:s19], $0x2800  }
0xe6: {  	[sflag:s19] =	ssyncset.done $0x0  }
0xe7: {  	s10 =	simm.s32 $0x1D200;
	[sflag:s19] =	ssyncadd.s32 $0xFFFFD800  }
0xe8: {  	[spmem:s1] =	stream.indirect.scatter.add.f32 [tilespmem:s26], [sflag:$0x4], $0x80, s10, s29, $0xb8;
	[tilespmem:$0x1F080] =	vst v63  }
0xe9: {  	_ =	swait.ge [sflag:s3], $0x2800  }
0xea: {  	[sflag:s3] =	ssyncset.done $0x0  }
0xeb: {  	s8 =	simm.s32 $0x600;
	s9 =	simm.s32 $0x1B300;
	[sflag:s3] =	ssyncadd.s32 $0xFFFFD800  }
.LBB2_6:
0xec: {  	[tilespmem:s0], [sflag:$0x3] =	stream.indirect.gather [hbm4b:s22+s29], $0x80, s9, s29, $0xb8;
	[tilespmem:$0x1F080] =	vst v63  }
0xed: {  	s9 =	smov.u32 s8  }
0xee: {  	p3 =	sne.s32 s8, $0x6C00;
	s8 =	sadd.s32 $0x600, s8;
	_ =	swait.ge [sflag:s20], $0x2800  }
0xef: {  	s9 =	sshra.s32 s9, $0x2;
	[sflag:s20] =	ssyncset.done $0x0  }
0xf0: {  	s10 =	sadd.s32 $0x1D100, s9;
	[sflag:s20] =	ssyncadd.s32 $0xFFFFD800  }
0xf1: {  	[spmem:s1] =	stream.indirect.scatter.add.f32 [tilespmem:s28], [sflag:$0x5], $0x80, s10, s29, $0xb8;
	[tilespmem:$0x1F080] =	vst v63  }
0xf2: {  	_ =	swait.ge [sflag:s4], $0x2800  }
0xf3: {  	[sflag:s4] =	ssyncset.done $0x0  }
0xf4: {  	s10 =	sadd.s32 $0x1B200, s9;
	[sflag:s4] =	ssyncadd.s32 $0xFFFFD800  }
0xf5: {  	[tilespmem:s26], [sflag:$0x1] =	stream.indirect.gather [hbm4b:s22+s29], $0x80, s10, s29, $0xb8;
	[tilespmem:$0x1F080] =	vst v63  }
0xf6: {  	_ =	swait.ge [sflag:s5], $0x2800  }
0xf7: {  	[sflag:s5] =	ssyncset.done $0x0  }
0xf8: {  	s10 =	sadd.s32 $0x1D180, s9;
	[sflag:s5] =	ssyncadd.s32 $0xFFFFD800  }
0xf9: {  	[spmem:s1] =	stream.indirect.scatter.add.f32 [tilespmem:s0], [sflag:$0x6], $0x80, s10, s29, $0xb8;
	[tilespmem:$0x1F080] =	vst v63  }
0xfa: {  	_ =	swait.ge [sflag:s2], $0x2800  }
0xfb: {  	[sflag:s2] =	ssyncset.done $0x0  }
0xfc: {  	s10 =	sadd.s32 $0x1B280, s9;
	[sflag:s2] =	ssyncadd.s32 $0xFFFFD800  }
0xfd: {  	[tilespmem:s28], [sflag:$0x2] =	stream.indirect.gather [hbm4b:s22+s29], $0x80, s10, s29, $0xb8;
	[tilespmem:$0x1F080] =	vst v63  }
0xfe: {  	_ =	swait.ge [sflag:s19], $0x2800  }
0xff: {  	[sflag:s19] =	ssyncset.done $0x0  }
.Ltmp4:
0x100: {  	s10 =	sadd.s32 $0x1D200, s9;
	[sflag:s19] =	ssyncadd.s32 $0xFFFFD800;
	(pc) =	sbr.rel @p3 .LBB2_6-.Ltmp4, $4  }
0x101: {  	[spmem:s1] =	stream.indirect.scatter.add.f32 [tilespmem:s26], [sflag:$0x4], $0x80, s10, s29, $0xb8;
	[tilespmem:$0x1F080] =	vst v63  }
0x102: {  	_ =	swait.ge [sflag:s3], $0x2800  }
0x103: {  	[sflag:s3] =	ssyncset.done $0x0  }
0x104: {  	s9 =	sadd.s32 $0x1B300, s9;
	[sflag:s3] =	ssyncadd.s32 $0xFFFFD800  }
0x105: {  	[tilespmem:s0], [sflag:$0x3] =	stream.indirect.gather [hbm4b:s22+s29], $0x80, s9, s29, $0xb8;
	[tilespmem:$0x1F080] =	vst v63  }
0x106: {  	_ =	swait.ge [sflag:s20], $0x2800  }
0x107: {  	[sflag:s20] =	ssyncset.done $0x0  }
0x108: {  	s8 =	simm.s32 $0x1ED80;
	[sflag:s20] =	ssyncadd.s32 $0xFFFFD800  }
0x109: {  	[spmem:s1] =	stream.indirect.scatter.add.f32 [tilespmem:s28], [sflag:$0x5], $0x80, s8, s29, $0xb8;
	[tilespmem:$0x1F080] =	vst v63  }
0x10a: {  	_ =	swait.ge [sflag:s4], $0x2800  }
0x10b: {  	[sflag:s4] =	ssyncset.done $0x0  }
0x10c: {  	s9 =	simm.s32 $0x1CE80;
	[sflag:s4] =	ssyncadd.s32 $0xFFFFD800  }
0x10d: {  	[tilespmem:s26], [sflag:$0x1] =	stream.indirect.gather [hbm4b:s22+s29], $0x80, s9, s29, $0xb8;
	[tilespmem:$0x1F080] =	vst v63  }
0x10e: {  	_ =	swait.ge [sflag:s5], $0x2800  }
0x10f: {  	[sflag:s5] =	ssyncset.done $0x0  }
0x110: {  	s10 =	simm.s32 $0x1EE00;
	[sflag:s5] =	ssyncadd.s32 $0xFFFFD800  }
0x111: {  	[spmem:s1] =	stream.indirect.scatter.add.f32 [tilespmem:s0], [sflag:$0x6], $0x80, s10, s29, $0xb8;
	[tilespmem:$0x1F080] =	vst v63  }
0x112: {  	_ =	swait.ge [sflag:s19], $0x2800  }
0x113: {  	[sflag:s19] =	ssyncset.done $0x0  }
0x114: {  	s9 =	simm.s32 $0x1EE80;
	[sflag:s19] =	ssyncadd.s32 $0xFFFFD800  }
0x115: {  	[spmem:s1] =	stream.indirect.scatter.add.f32 [tilespmem:s26], [sflag:$0x4], $0x80, s9, s29, $0xb8;
	[tilespmem:$0x1F080] =	vst v63  }
0x116: {  	_ =	swait.ge [sflag:s4], $0x2800  }
0x117: {  	[sflag:s4] =	ssyncset.done $0x0  }
0x118: {  	[sflag:s4] =	ssyncadd.s32 $0xFFFFD800  }
0x119: {  	_ =	swait.ge [sflag:s2], $0x2800  }
0x11a: {  	[sflag:s2] =	ssyncset.done $0x0  }
0x11b: {  	[sflag:s2] =	ssyncadd.s32 $0xFFFFD800  }
.Ltmp5:
0x11c: {  	_ =	swait.ge [sflag:s3], $0x2800;
	(pc) =	sbr.rel @p0 .LBB2_9-.Ltmp5, $4  }
0x11d: {  	[sflag:s3] =	ssyncset.done $0x0  }
0x11e: {  	s10 =	stileid.u32;
	[sflag:s3] =	ssyncadd.s32 $0xFFFFD800  }
0x11f: {  	s10 =	sshll.u32 s10, $0x6;
	[bflag:$0x0] =	sbarrier.arrive $0xFFFF  }
0x120: {  	s8 =	sor.u32 $0x1C07, s10;
	s9 =	sshrl.u32 s6, $0x3  }
0x121: {  	s8 =	sor.u32 $0x1C07, s10;
	s10 =	rddreg [dreg:$0xa]  }
0x122: {  	[hbm:s10], [sflag:s8] =	dma.local [spmem:s9], $0x2700  }
.Ltmp6:
0x123: {  	_ = 	snop;
	(pc) =	sbr.rel @p2 .LBB2_10-.Ltmp6, $4  }
.Ltmp7:
0x124: {  	_ = 	snop;
	(pc) =	sbr.rel @!p2 .LBB2_11-.Ltmp7, $4  }
0x125: {  	_ =	swait.ge [sflag:s24], $0x2700  }
0x126: {  	[sflag:s24] =	ssyncset.done $0x0  }
0x127: {  	s9 =	rddreg [dreg:$0x3];
	[sflag:s24] =	ssyncadd.s32 $0xFFFFD900  }
0x128: {  	_ = 	snop  }
.LBB2_9:
0x129: {  	s10 =	rddreg [dreg:$0x9]  }
0x12a: {  	[hbm:s10], [sflag:s8] =	dma.local [spmem:s9], $0x2700  }
.Ltmp8:
0x12b: {  	_ = 	snop;
	(pc) =	sbr.rel @p1 .LBB2_11-.Ltmp8, $4  }
.Ltmp9:
0x12c: {  	_ = 	snop;
	(pc) =	sbr.rel @!p1 .LBB2_10-.Ltmp9, $4  }
0x12d: {  	_ =	swait.ge [sflag:s24], $0x2700  }
0x12e: {  	[sflag:s24] =	ssyncset.done $0x0  }
0x12f: {  	s9 =	rddreg [dreg:$0x4];
	[sflag:s24] =	ssyncadd.s32 $0xFFFFD900  }
0x130: {  	_ = 	snop  }
.LBB2_12:
0x131: {  	_ =	sfence.sel $0x180000  }
0x132: {  	[bflag:$0x0] =	sbarrier.arrive $0xFFFF  }
0x133: {  	_ =	strace $0x90000047  }
0x134: {  	s0 =	stileid.u32;
	[bflag:$0x2] =	sbarrier.arrive $0xFFFF  }
0x135: {  	p0 =	sne.s32 s0, $0x0;
	s0 =	rddreg [dreg:$0x2]  }
0x136: {  	s0 =	sadd.s32 @!p0 $0x100000, s0  }
0x137: {  	[sflag:s0] =	ssyncadd.tile.s32 @!p0 $0x1;
	_ =	shalt  }
.Lfunc_end2:
_tile_overlayer_lowered:
.L_overlay_start_2:
0x138: {  	(tag) =	ssettag $0x2  }
0x139: {  	s0 =	rddreg [dreg:$0x0];
	s2 =	stileid.u32  }
0x13a: {  	s1 =	rddreg [dreg:$0x1];
	p0 =	sne.s32 s2, $0x0  }
0x13b: {  	s3 =	rddreg [dreg:$0x2];
	[bflag:$0x3] =	sbarrier.arrive $0xFFFF;
	s2 =	simm.s32 @!p0 $0x1C07  }
0x13c: {  	[timem:s3], [sflag:s2] =	dma.local @!p0 [hbm:s0], s1  }
0x13d: {  	s0 =	simm.s32 @!p0 $0x7  }
0x13e: {  	_ =	swait.ge @!p0 [sflag:s0], s1  }
0x13f: {  	s1 =	ssub.s32 @!p0 $0x0, s1;
	[sflag:s0] =	ssyncset.done @!p0 $0x0  }
0x140: {  	[sflag:s0] =	ssyncadd.s32 @!p0 s1  }
0x141: {  	[bflag:$0x3] =	sbarrier.arrive $0xFFFF  }
0x142: {  	_ =	shalt  }

</sc_bundles>
